<compile_context>
chip_gen: v7x
topology: tpu7x:2x2x1
jax: 0.10.2.dev20260603
libtpu: 0.0.44.dev20260713+nightly
codegen_flags: <defaults>
</compile_context>

<pallas_src>
import functools

import jax
import jax.numpy as jnp
from jax import lax
from jax.experimental import pallas as pl
from jax.experimental.pallas import tpu as pltpu
from jax.experimental.pallas import tpu_sc as plsc

_N = 100000
_E = 3200000
_IN = 16
_HALF = 8

_TILES = 16
_KB = 8
_CE = _KB * 128
_EROWS = _E // 128
_ROWS = 25088
_PROWS = _ROWS - _EROWS
_ROWS_PER_TILE = _ROWS // _TILES
_CHUNKS = _ROWS_PER_TILE // _KB
_NPAD = 100096
_TSLICE = _NPAD // _TILES
_FSLICE = _N // _TILES

_MESH = plsc.VectorSubcoreMesh(core_axis_name="c", subcore_axis_name="s")
_PARAMS = pltpu.CompilerParams(use_tc_tiling_on_sc=False)


def _load_idx(esrc, edst, epad, srcv, dstv, isem, r0):
    @pl.when(r0 < _EROWS)
    def _():
        c1 = pltpu.async_copy(esrc.at[pl.ds(r0 * 128, _CE)], srcv, isem)
        c2 = pltpu.async_copy(edst.at[pl.ds(r0 * 128, _CE)], dstv, isem)
        c1.wait()
        c2.wait()

    @pl.when(r0 >= _EROWS)
    def _():
        c1 = pltpu.async_copy(epad.at[0, pl.ds((r0 - _EROWS) * 128, _CE)],
                              srcv, isem)
        c2 = pltpu.async_copy(epad.at[1, pl.ds((r0 - _EROWS) * 128, _CE)],
                              dstv, isem)
        c1.wait()
        c2.wait()


def _zero_slice(zeros_h, accum, s):
    pltpu.sync_copy(zeros_h.at[pl.ds(s * _TSLICE, _TSLICE)],
                    accum.at[pl.ds(s * _TSLICE, _TSLICE)])


def _writeout(accum, out, c, s):
    pltpu.sync_copy(accum.at[pl.ds(s * _TSLICE, _TSLICE)],
                    out.at[c, pl.ds(s * _TSLICE, _TSLICE)])


def _agg_body(feat_a, esrc, edst, epad, zeros_h,
              z1o, z2o, z4o, fa_tbl,
              accum, srcv0, srcv1, dstv0, dstv1, rows0, rows1, fbuf,
              isem, gsem0, gsem1, ssem0, ssem1):
    c = lax.axis_index("c")
    s = lax.axis_index("s")
    rbase = s * _ROWS_PER_TILE
    srcv, dstv = [srcv0, srcv1], [dstv0, dstv1]
    rows, gsem, ssem = [rows0, rows1], [gsem0, gsem1], [ssem0, ssem1]

    for h in range(2):
        r = s * _FSLICE + h * (_FSLICE // 2)
        pltpu.sync_copy(
            feat_a.at[pl.ds(r, _FSLICE // 2), pl.ds(c * _HALF, _HALF)], fbuf)
        pltpu.sync_copy(fbuf, fa_tbl.at[c, pl.ds(r, _FSLICE // 2)])

    @pl.when(s == 0)
    def _():
        pltpu.sync_copy(zeros_h.at[pl.ds(_N, _NPAD - _N)],
                        fa_tbl.at[c, pl.ds(_N, _NPAD - _N)])

    def agg_pass(tbl):
        def issue_g(k, b):
            _load_idx(esrc, edst, epad, srcv[b], dstv[b], isem,
                      rbase + k * _KB)
            pltpu.async_copy(tbl.at[srcv[b]], rows[b], gsem[b])

        def wait_g(b):
            pltpu.make_async_copy(tbl.at[srcv[b]], rows[b], gsem[b]).wait()

        def issue_s(b):
            pltpu.async_copy(rows[b], accum.at[dstv[b]], ssem[b], add=True)

        def drain_s(b):
            pltpu.make_async_copy(rows[b], accum.at[dstv[b]],
                                  ssem[b]).wait()

        def section(k, b, do_prev, do_drain):
            if do_prev:
                wait_g(1 - b)
                issue_s(1 - b)
            if do_drain:
                drain_s(b)
            issue_g(k, b)

        section(0, 0, False, False)
        section(1, 1, True, False)

        def body(i, carry):
            section(2 + 2 * i, 0, True, True)
            section(3 + 2 * i, 1, True, True)
            return carry
        lax.fori_loop(0, (_CHUNKS - 2) // 2, body, 0)

        wait_g(1)
        issue_s(1)
        drain_s(0)
        drain_s(1)

    _zero_slice(zeros_h, accum, s)
    plsc.subcore_barrier()
    agg_pass(fa_tbl.at[c])
    plsc.subcore_barrier()
    _writeout(accum, z1o, c, s)
    _zero_slice(zeros_h, accum, s)
    plsc.subcore_barrier()
    agg_pass(z1o.at[c])
    plsc.subcore_barrier()
    _writeout(accum, z2o, c, s)
    _zero_slice(zeros_h, accum, s)
    plsc.subcore_barrier()
    agg_pass(z2o.at[c])
    plsc.subcore_barrier()
    _writeout(accum, z4o, c, s)
    _zero_slice(zeros_h, accum, s)
    plsc.subcore_barrier()
    agg_pass(z4o.at[c])
    plsc.subcore_barrier()
    _writeout(accum, z4o, c, s)


def _pmpd_body(feat_b, esrc, edst, epad, zeros_h, pmo,
               accum, srcv0, srcv1, dstv0, dstv1, rows0, rows1,
               isem, gsem0, gsem1, ssem0, ssem1):
    c = lax.axis_index("c")
    s = lax.axis_index("s")
    rbase = s * _ROWS_PER_TILE
    srcv, dstv = [srcv0, srcv1], [dstv0, dstv1]
    rows, gsem, ssem = [rows0, rows1], [gsem0, gsem1], [ssem0, ssem1]

    _zero_slice(zeros_h, accum, s)
    plsc.subcore_barrier()

    def fb_copy(k, b):
        return pltpu.make_async_copy(
            feat_b.at[pl.ds((rbase + k * _KB) * 128, _CE),
                      pl.ds(c * _HALF, _HALF)],
            rows[b], gsem[b])

    def issue_g(k, b):
        _load_idx(esrc, edst, epad, srcv[b], dstv[b], isem, rbase + k * _KB)

        @pl.when(rbase + k * _KB < _EROWS)
        def _():
            fb_copy(k, b).start()

    def wait_g(k, b):
        @pl.when(rbase + k * _KB < _EROWS)
        def _():
            fb_copy(k, b).wait()

    def issue_s(b):
        pltpu.async_copy(rows[b], accum.at[srcv[b]], ssem[b], add=True)
        pltpu.async_copy(rows[b], accum.at[dstv[b]], ssem[b], add=True)

    def drain_s(b):
        pltpu.make_async_copy(rows[b], accum.at[srcv[b]], ssem[b]).wait()
        pltpu.make_async_copy(rows[b], accum.at[dstv[b]], ssem[b]).wait()

    def section(k, b, do_prev, do_drain):
        if do_prev:
            wait_g(k - 1, 1 - b)
            issue_s(1 - b)
        if do_drain:
            drain_s(b)
        issue_g(k, b)

    section(0, 0, False, False)
    section(1, 1, True, False)

    def body(i, carry):
        section(2 + 2 * i, 0, True, True)
        section(3 + 2 * i, 1, True, True)
        return carry
    lax.fori_loop(0, (_CHUNKS - 2) // 2, body, 0)

    wait_g(_CHUNKS - 1, 1)
    issue_s(1)
    drain_s(0)
    drain_s(1)

    plsc.subcore_barrier()
    _writeout(accum, pmo, c, s)


_agg_call = functools.partial(
    pl.kernel,
    out_type=[jax.ShapeDtypeStruct((2, _NPAD, _HALF), jnp.float32)] * 4,
    mesh=_MESH,
    scratch_types=[
        pltpu.VMEM_SHARED((_NPAD, _HALF), jnp.float32),
        pltpu.VMEM((_CE,), jnp.int32),
        pltpu.VMEM((_CE,), jnp.int32),
        pltpu.VMEM((_CE,), jnp.int32),
        pltpu.VMEM((_CE,), jnp.int32),
        pltpu.VMEM((_CE, _HALF), jnp.float32),
        pltpu.VMEM((_CE, _HALF), jnp.float32),
        pltpu.VMEM((_FSLICE // 2, _HALF), jnp.float32),
        pltpu.SemaphoreType.DMA,
        pltpu.SemaphoreType.DMA,
        pltpu.SemaphoreType.DMA,
        pltpu.SemaphoreType.DMA,
        pltpu.SemaphoreType.DMA,
    ],
    compiler_params=_PARAMS,
)(_agg_body)

_pmpd_call = functools.partial(
    pl.kernel,
    out_type=jax.ShapeDtypeStruct((2, _NPAD, _HALF), jnp.float32),
    mesh=_MESH,
    scratch_types=[
        pltpu.VMEM_SHARED((_NPAD, _HALF), jnp.float32),
        pltpu.VMEM((_CE,), jnp.int32),
        pltpu.VMEM((_CE,), jnp.int32),
        pltpu.VMEM((_CE,), jnp.int32),
        pltpu.VMEM((_CE,), jnp.int32),
        pltpu.VMEM((_CE, _HALF), jnp.float32),
        pltpu.VMEM((_CE, _HALF), jnp.float32),
        pltpu.SemaphoreType.DMA,
        pltpu.SemaphoreType.DMA,
        pltpu.SemaphoreType.DMA,
        pltpu.SemaphoreType.DMA,
        pltpu.SemaphoreType.DMA,
    ],
    compiler_params=_PARAMS,
)(_pmpd_body)


_BN = 2000
_GRID = _N // _BN


def _fuse_body(fa, dg, z1, z2, z4, pm, wp, wd, wr, bsum, res, sums):
    x = fa[...]
    w = wr[...]
    acc = jnp.dot(x, wp[...], preferred_element_type=jnp.float32)
    acc += jnp.dot(dg[...] * x, wd[...], preferred_element_type=jnp.float32)
    acc += jnp.dot(z1[0], w[0], preferred_element_type=jnp.float32)
    acc += jnp.dot(z1[1], w[1], preferred_element_type=jnp.float32)
    acc += jnp.dot(z2[0], w[2], preferred_element_type=jnp.float32)
    acc += jnp.dot(z2[1], w[3], preferred_element_type=jnp.float32)
    acc += jnp.dot(z4[0], w[4], preferred_element_type=jnp.float32)
    acc += jnp.dot(z4[1], w[5], preferred_element_type=jnp.float32)
    acc += jnp.dot(pm[0], w[6], preferred_element_type=jnp.float32)
    acc += jnp.dot(pm[1], w[7], preferred_element_type=jnp.float32)
    acc += bsum[...]
    col = lax.broadcasted_iota(jnp.int32, acc.shape, 1)
    acc = jnp.where((col >= _IN // 2) & (acc < 0.0), 0.0, acc)
    res[...] = acc
    sums[...] = jnp.stack([jnp.sum(acc, axis=0),
                           jnp.sum(acc * acc, axis=0)])[None]


def _bn_body(res, scale, shift, out):
    out[...] = res[...] * scale[...] + shift[...]


def kernel(feat_a, feat_b, deg, edge_index, Wp, bp, Wd, bd, Wr0, br0,
           Wr1, br1, Wr2, br2, Wf, bf, gamma, beta):
    f32 = jnp.float32
    esrc = edge_index[0]
    edst = edge_index[1]
    epad = jnp.full((2, _PROWS * 128), _N, jnp.int32)
    zeros_h = jnp.zeros((_NPAD, _HALF), f32)

    z1h, z2h, z4h, _ = _agg_call(feat_a, esrc, edst, epad, zeros_h)
    pmh = _pmpd_call(feat_b, esrc, edst, epad, zeros_h)

    wr = jnp.stack([Wr0[:_HALF], Wr0[_HALF:], Wr1[:_HALF], Wr1[_HALF:],
                    Wr2[:_HALF], Wr2[_HALF:], Wf[:_HALF], Wf[_HALF:]])
    bsum = (bp + bd + br0 + br1 + br2 + bf).reshape(1, _IN)

    row_spec = pl.BlockSpec((_BN, _IN), lambda i: (i, 0))
    half_spec = pl.BlockSpec((2, _BN, _HALF), lambda i: (0, i, 0))
    deg_spec = pl.BlockSpec((_BN, 1), lambda i: (i, 0))
    w_spec = pl.BlockSpec((_IN, _IN), lambda i: (0, 0))
    wr_spec = pl.BlockSpec((8, _HALF, _IN), lambda i: (0, 0, 0))
    v_spec = pl.BlockSpec((1, _IN), lambda i: (0, 0))

    res, sums = pl.pallas_call(
        _fuse_body,
        grid=(_GRID,),
        in_specs=[row_spec, deg_spec, half_spec, half_spec, half_spec,
                  half_spec, w_spec, w_spec, wr_spec, v_spec],
        out_specs=[row_spec, pl.BlockSpec((1, 2, _IN), lambda i: (i, 0, 0))],
        out_shape=[jax.ShapeDtypeStruct((_N, _IN), f32),
                   jax.ShapeDtypeStruct((_GRID, 2, _IN), f32)],
    )(feat_a, deg, z1h, z2h, z4h, pmh, Wp, Wd, wr, bsum)

    st = jnp.sum(sums, axis=0)
    mean = st[0] / _N
    var = st[1] / _N - mean * mean
    rstd = lax.rsqrt(var + 1e-5)
    scale = (gamma * rstd).reshape(1, _IN)
    shift = (beta - mean * gamma * rstd).reshape(1, _IN)

    out = pl.pallas_call(
        _bn_body,
        grid=(_GRID,),
        in_specs=[row_spec, v_spec, v_spec],
        out_specs=row_spec,
        out_shape=jax.ShapeDtypeStruct((_N, _IN), f32),
    )(res, scale, shift)
    return out

# --- scband reference (transcript-rebuilt; emitter-appended) ---
"""Pipeline reference for scband-lgnncore-19662360281674 (READ-ONLY COPY).

The authoritative reference and input builder live on the scoring server;
editing this copy changes nothing except your own understanding.
"""

import jax, jax.numpy as jnp
import numpy as np

N = 100000
E = 3200000
IN = 16
OUT = 16
RADIUS = 3


def setup_inputs(seed: int = 0) -> dict:
    key = jax.random.key(seed)
    ks = jax.random.split(key, 24)
    inp = {}
    inp["feat_a"] = jax.random.normal(ks[0], (N, IN), dtype=jnp.float32)
    inp["feat_b"] = jax.random.normal(ks[1], (E, IN), dtype=jnp.float32)
    inp["deg"] = jax.random.uniform(ks[2], (N, 1), dtype=jnp.float32)
    inp["edge_index"] = jax.random.randint(ks[3], (2, E), 0, N, dtype=jnp.int32)
    s = 1.0 / np.sqrt(IN)
    inp["Wp"] = jax.random.uniform(ks[4], (IN, OUT), jnp.float32, -s, s)
    inp["bp"] = jax.random.uniform(ks[5], (OUT,), jnp.float32, -s, s)
    inp["Wd"] = jax.random.uniform(ks[6], (IN, OUT), jnp.float32, -s, s)
    inp["bd"] = jax.random.uniform(ks[7], (OUT,), jnp.float32, -s, s)
    inp["Wr0"] = jax.random.uniform(ks[8], (IN, OUT), jnp.float32, -s, s)
    inp["br0"] = jax.random.uniform(ks[9], (OUT,), jnp.float32, -s, s)
    inp["Wr1"] = jax.random.uniform(ks[10], (IN, OUT), jnp.float32, -s, s)
    inp["br1"] = jax.random.uniform(ks[11], (OUT,), jnp.float32, -s, s)
    inp["Wr2"] = jax.random.uniform(ks[12], (IN, OUT), jnp.float32, -s, s)
    inp["br2"] = jax.random.uniform(ks[13], (OUT,), jnp.float32, -s, s)
    inp["Wf"] = jax.random.uniform(ks[14], (IN, OUT), jnp.float32, -s, s)
    inp["bf"] = jax.random.uniform(ks[15], (OUT,), jnp.float32, -s, s)
    inp["gamma"] = jnp.ones((OUT,), dtype=jnp.float32)
    inp["beta"] = jnp.zeros((OUT,), dtype=jnp.float32)
    return inp


def reference(feat_a, feat_b, deg, edge_index, Wp, bp, Wd, bd, Wr0, br0, Wr1, br1, Wr2, br2, Wf, bf, gamma, beta):
    src = edge_index[0]
    dst = edge_index[1]

    def agg(z):
        # copy_src + sum reduce == scatter-add of src features into dst nodes
        return jax.ops.segment_sum(z[src], dst, num_segments=N)

    # aggregate_radius
    z = agg(feat_a)
    z_list = [z]
    for i in range(RADIUS - 1):
        for _ in range(2 ** i):
            z = agg(z)
        z_list.append(z)

    prev_proj = feat_a @ Wp + bp
    deg_proj = (deg * feat_a) @ Wd + bd
    radius_ws = [(Wr0, br0), (Wr1, br1), (Wr2, br2)]
    radius_proj = z_list[0] @ radius_ws[0][0] + radius_ws[0][1]
    for i in range(1, RADIUS):
        radius_proj = radius_proj + z_list[i] @ radius_ws[i][0] + radius_ws[i][1]

    # pm_pd @ feat_b: incidence (Pm + Pd) matmul == scatter-add of line-graph
    # features to both endpoints of each edge
    pmpd_y = jax.ops.segment_sum(feat_b, src, num_segments=N) + jax.ops.segment_sum(feat_b, dst, num_segments=N)
    fuse = pmpd_y @ Wf + bf

    result = prev_proj + deg_proj + radius_proj + fuse
    n = OUT // 2
    result = jnp.concatenate([result[:, :n], jax.nn.relu(result[:, n:])], axis=1)

    # BatchNorm1d (training-mode batch statistics)
    mean = jnp.mean(result, axis=0)
    var = jnp.var(result, axis=0)
    result = (result - mean) / jnp.sqrt(var + 1e-5) * gamma + beta
    return result

if __name__ == "__main__":
    import jax
    _d = setup_inputs()
    print(jax.jit(kernel)(*tuple(_d.values())))

</pallas_src>

<mosaic_0001>
#map = affine_map<(d0, d1) -> (0, 0)>
#map1 = affine_map<(d0, d1) -> (0)>
#map2 = affine_map<(d0, d1) -> (0, 0, 0)>
module attributes {stable_mosaic.version = 14 : i64} {
  func.func @_agg_body(%arg0: i32, %arg1: i32, %arg2: memref<100000x16xf32, #tpu.memory_space<hbm>>, %arg3: memref<3200000xi32, #tpu.memory_space<hbm>>, %arg4: memref<3200000xi32, #tpu.memory_space<hbm>>, %arg5: memref<2x11264xi32, #tpu.memory_space<hbm>>, %arg6: memref<100096x8xf32, #tpu.memory_space<hbm>>, %arg7: memref<2x100096x8xf32, #tpu.memory_space<hbm>>, %arg8: memref<2x100096x8xf32, #tpu.memory_space<hbm>>, %arg9: memref<2x100096x8xf32, #tpu.memory_space<hbm>>, %arg10: memref<2x100096x8xf32, #tpu.memory_space<hbm>>, %arg11: memref<100096x8xf32, #tpu.memory_space<vmem_shared>>, %arg12: memref<1024xi32, #tpu.memory_space<vmem>>, %arg13: memref<1024xi32, #tpu.memory_space<vmem>>, %arg14: memref<1024xi32, #tpu.memory_space<vmem>>, %arg15: memref<1024xi32, #tpu.memory_space<vmem>>, %arg16: memref<1024x8xf32, #tpu.memory_space<vmem>>, %arg17: memref<1024x8xf32, #tpu.memory_space<vmem>>, %arg18: memref<3125x8xf32, #tpu.memory_space<vmem>>, %arg19: memref<!tpu.dma_semaphore, #tpu.memory_space<semaphore_mem>>, %arg20: memref<!tpu.dma_semaphore, #tpu.memory_space<semaphore_mem>>, %arg21: memref<!tpu.dma_semaphore, #tpu.memory_space<semaphore_mem>>, %arg22: memref<!tpu.dma_semaphore, #tpu.memory_space<semaphore_mem>>, %arg23: memref<!tpu.dma_semaphore, #tpu.memory_space<semaphore_mem>>) attributes {dimension_semantics = [#tpu.dimension_semantics<core_parallel>, #tpu.dimension_semantics<subcore_parallel>], iteration_bounds = array<i64: 2, 16>, scalar_prefetch = 0 : i64, scratch_operands = 13 : i64, tpu.core_type = #tpu.core_type<sc_vector_subcore>, window_params = [{transform_indices = #map}, {transform_indices = #map1}, {transform_indices = #map1}, {transform_indices = #map}, {transform_indices = #map}, {transform_indices = #map2}, {transform_indices = #map2}, {transform_indices = #map2}, {transform_indices = #map2}]} {
    %mul3A = arith.constant 1568 : i32
    %mul3A_0 = arith.muli %arg1, %mul3A : i32
    %mul3A_1 = arith.constant 6250 : i32
    %mul3A_2 = arith.muli %arg1, %mul3A_1 : i32
    %add3A = arith.constant 0 : i32
    %add3A_3 = arith.addi %mul3A_2, %add3A : i32
    %mul3A_4 = arith.constant 8 : i32
    %mul3A_5 = arith.muli %arg0, %mul3A_4 : i32
    "tpu.region"() ({
      %run_scoped3A = tpu.sem_alloc : memref<!tpu.dma_semaphore, #tpu.memory_space<semaphore_mem>>
      %dma_start3A_328 = tpu.memref_slice %arg2[%add3A_3, %mul3A_5] : memref<100000x16xf32, #tpu.memory_space<hbm>> -> memref<3125x8xf32, #tpu.memory_space<hbm>>
      %dma_start3A_329 = tpu.memref_slice %arg2[%add3A_3, %mul3A_5] : memref<100000x16xf32, #tpu.memory_space<hbm>> -> memref<3125x8xf32, #tpu.memory_space<hbm>>
      tpu.enqueue_dma source(%dma_start3A_329 : memref<3125x8xf32, #tpu.memory_space<hbm>>) target(%arg18 : memref<3125x8xf32, #tpu.memory_space<vmem>>) target_semaphore(%run_scoped3A : memref<!tpu.dma_semaphore, #tpu.memory_space<semaphore_mem>>)
      %dma_wait3A_330 = tpu.memref_slice %arg2[%add3A_3, %mul3A_5] : memref<100000x16xf32, #tpu.memory_space<hbm>> -> memref<3125x8xf32, #tpu.memory_space<hbm>>
      %dma_wait3A_331 = tpu.memref_slice %arg2[%add3A_3, %mul3A_5] : memref<100000x16xf32, #tpu.memory_space<hbm>> -> memref<3125x8xf32, #tpu.memory_space<hbm>>
      tpu.wait_dma2 semaphore(%run_scoped3A : memref<!tpu.dma_semaphore, #tpu.memory_space<semaphore_mem>>) src(%dma_wait3A_331 : memref<3125x8xf32, #tpu.memory_space<hbm>>) dst(%arg18 : memref<3125x8xf32, #tpu.memory_space<vmem>>)
      tpu.yield
    }) : () -> ()
    "tpu.region"() ({
      %run_scoped3A = tpu.sem_alloc : memref<!tpu.dma_semaphore, #tpu.memory_space<semaphore_mem>>
      %dma_start3A_328 = arith.constant 0 : i32
      %dma_start3A_329 = tpu.memref_slice %arg10[%arg0, %add3A_3, %dma_start3A_328] : memref<2x100096x8xf32, #tpu.memory_space<hbm>> -> memref<1x3125x8xf32, #tpu.memory_space<hbm>>
      %dma_start3A_330 = tpu.memref_squeeze %dma_start3A_329 : memref<1x3125x8xf32, #tpu.memory_space<hbm>> -> memref<3125x8xf32, #tpu.memory_space<hbm>>
      %dma_start3A_331 = arith.constant 0 : i32
      %dma_start3A_332 = tpu.memref_slice %arg10[%arg0, %add3A_3, %dma_start3A_331] : memref<2x100096x8xf32, #tpu.memory_space<hbm>> -> memref<1x3125x8xf32, #tpu.memory_space<hbm>>
      %dma_start3A_333 = tpu.memref_squeeze %dma_start3A_332 : memref<1x3125x8xf32, #tpu.memory_space<hbm>> -> memref<3125x8xf32, #tpu.memory_space<hbm>>
      tpu.enqueue_dma source(%arg18 : memref<3125x8xf32, #tpu.memory_space<vmem>>) target(%dma_start3A_333 : memref<3125x8xf32, #tpu.memory_space<hbm>>) target_semaphore(%run_scoped3A : memref<!tpu.dma_semaphore, #tpu.memory_space<semaphore_mem>>)
      %dma_wait3A_334 = arith.constant 0 : i32
      %dma_wait3A_335 = tpu.memref_slice %arg10[%arg0, %add3A_3, %dma_wait3A_334] : memref<2x100096x8xf32, #tpu.memory_space<hbm>> -> memref<1x3125x8xf32, #tpu.memory_space<hbm>>
      %dma_wait3A_336 = tpu.memref_squeeze %dma_wait3A_335 : memref<1x3125x8xf32, #tpu.memory_space<hbm>> -> memref<3125x8xf32, #tpu.memory_space<hbm>>
      %dma_wait3A_337 = arith.constant 0 : i32
      %dma_wait3A_338 = tpu.memref_slice %arg10[%arg0, %add3A_3, %dma_wait3A_337] : memref<2x100096x8xf32, #tpu.memory_space<hbm>> -> memref<1x3125x8xf32, #tpu.memory_space<hbm>>
      %dma_wait3A_339 = tpu.memref_squeeze %dma_wait3A_338 : memref<1x3125x8xf32, #tpu.memory_space<hbm>> -> memref<3125x8xf32, #tpu.memory_space<hbm>>
      tpu.wait_dma2 semaphore(%run_scoped3A : memref<!tpu.dma_semaphore, #tpu.memory_space<semaphore_mem>>) src(%arg18 : memref<3125x8xf32, #tpu.memory_space<vmem>>) dst(%dma_wait3A_339 : memref<3125x8xf32, #tpu.memory_space<hbm>>)
      tpu.yield
    }) : () -> ()
    %mul3A_6 = arith.constant 6250 : i32
    %mul3A_7 = arith.muli %arg1, %mul3A_6 : i32
    %add3A_8 = arith.constant 3125 : i32
    %add3A_9 = arith.addi %mul3A_7, %add3A_8 : i32
    %mul3A_10 = arith.constant 8 : i32
    %mul3A_11 = arith.muli %arg0, %mul3A_10 : i32
    "tpu.region"() ({
      %run_scoped3A = tpu.sem_alloc : memref<!tpu.dma_semaphore, #tpu.memory_space<semaphore_mem>>
      %dma_start3A_328 = tpu.memref_slice %arg2[%add3A_9, %mul3A_11] : memref<100000x16xf32, #tpu.memory_space<hbm>> -> memref<3125x8xf32, #tpu.memory_space<hbm>>
      %dma_start3A_329 = tpu.memref_slice %arg2[%add3A_9, %mul3A_11] : memref<100000x16xf32, #tpu.memory_space<hbm>> -> memref<3125x8xf32, #tpu.memory_space<hbm>>
      tpu.enqueue_dma source(%dma_start3A_329 : memref<3125x8xf32, #tpu.memory_space<hbm>>) target(%arg18 : memref<3125x8xf32, #tpu.memory_space<vmem>>) target_semaphore(%run_scoped3A : memref<!tpu.dma_semaphore, #tpu.memory_space<semaphore_mem>>)
      %dma_wait3A_330 = tpu.memref_slice %arg2[%add3A_9, %mul3A_11] : memref<100000x16xf32, #tpu.memory_space<hbm>> -> memref<3125x8xf32, #tpu.memory_space<hbm>>
      %dma_wait3A_331 = tpu.memref_slice %arg2[%add3A_9, %mul3A_11] : memref<100000x16xf32, #tpu.memory_space<hbm>> -> memref<3125x8xf32, #tpu.memory_space<hbm>>
      tpu.wait_dma2 semaphore(%run_scoped3A : memref<!tpu.dma_semaphore, #tpu.memory_space<semaphore_mem>>) src(%dma_wait3A_331 : memref<3125x8xf32, #tpu.memory_space<hbm>>) dst(%arg18 : memref<3125x8xf32, #tpu.memory_space<vmem>>)
      tpu.yield
    }) : () -> ()
    "tpu.region"() ({
      %run_scoped3A = tpu.sem_alloc : memref<!tpu.dma_semaphore, #tpu.memory_space<semaphore_mem>>
      %dma_start3A_328 = arith.constant 0 : i32
      %dma_start3A_329 = tpu.memref_slice %arg10[%arg0, %add3A_9, %dma_start3A_328] : memref<2x100096x8xf32, #tpu.memory_space<hbm>> -> memref<1x3125x8xf32, #tpu.memory_space<hbm>>
      %dma_start3A_330 = tpu.memref_squeeze %dma_start3A_329 : memref<1x3125x8xf32, #tpu.memory_space<hbm>> -> memref<3125x8xf32, #tpu.memory_space<hbm>>
      %dma_start3A_331 = arith.constant 0 : i32
      %dma_start3A_332 = tpu.memref_slice %arg10[%arg0, %add3A_9, %dma_start3A_331] : memref<2x100096x8xf32, #tpu.memory_space<hbm>> -> memref<1x3125x8xf32, #tpu.memory_space<hbm>>
      %dma_start3A_333 = tpu.memref_squeeze %dma_start3A_332 : memref<1x3125x8xf32, #tpu.memory_space<hbm>> -> memref<3125x8xf32, #tpu.memory_space<hbm>>
      tpu.enqueue_dma source(%arg18 : memref<3125x8xf32, #tpu.memory_space<vmem>>) target(%dma_start3A_333 : memref<3125x8xf32, #tpu.memory_space<hbm>>) target_semaphore(%run_scoped3A : memref<!tpu.dma_semaphore, #tpu.memory_space<semaphore_mem>>)
      %dma_wait3A_334 = arith.constant 0 : i32
      %dma_wait3A_335 = tpu.memref_slice %arg10[%arg0, %add3A_9, %dma_wait3A_334] : memref<2x100096x8xf32, #tpu.memory_space<hbm>> -> memref<1x3125x8xf32, #tpu.memory_space<hbm>>
      %dma_wait3A_336 = tpu.memref_squeeze %dma_wait3A_335 : memref<1x3125x8xf32, #tpu.memory_space<hbm>> -> memref<3125x8xf32, #tpu.memory_space<hbm>>
      %dma_wait3A_337 = arith.constant 0 : i32
      %dma_wait3A_338 = tpu.memref_slice %arg10[%arg0, %add3A_9, %dma_wait3A_337] : memref<2x100096x8xf32, #tpu.memory_space<hbm>> -> memref<1x3125x8xf32, #tpu.memory_space<hbm>>
      %dma_wait3A_339 = tpu.memref_squeeze %dma_wait3A_338 : memref<1x3125x8xf32, #tpu.memory_space<hbm>> -> memref<3125x8xf32, #tpu.memory_space<hbm>>
      tpu.wait_dma2 semaphore(%run_scoped3A : memref<!tpu.dma_semaphore, #tpu.memory_space<semaphore_mem>>) src(%arg18 : memref<3125x8xf32, #tpu.memory_space<vmem>>) dst(%dma_wait3A_339 : memref<3125x8xf32, #tpu.memory_space<hbm>>)
      tpu.yield
    }) : () -> ()
    %eq3A = arith.constant 0 : i32
    %eq3A_12 = arith.cmpi eq, %arg1, %eq3A : i32
    %convert_element_type3A = arith.extui %eq3A_12 : i1 to i32
    %cond3A = arith.constant 0 : i32
    %cond3A_13 = arith.cmpi ne, %convert_element_type3A, %cond3A : i32
    scf.if %cond3A_13 {
      "tpu.region"() ({
        %run_scoped3A = tpu.sem_alloc : memref<!tpu.dma_semaphore, #tpu.memory_space<semaphore_mem>>
        %dma_start3A_328 = arith.constant 100000 : i32
        %dma_start3A_329 = arith.constant 0 : i32
        %dma_start3A_330 = tpu.memref_slice %arg10[%arg0, %dma_start3A_328, %dma_start3A_329] : memref<2x100096x8xf32, #tpu.memory_space<hbm>> -> memref<1x96x8xf32, #tpu.memory_space<hbm>>
        %dma_start3A_331 = tpu.memref_squeeze %dma_start3A_330 : memref<1x96x8xf32, #tpu.memory_space<hbm>> -> memref<96x8xf32, #tpu.memory_space<hbm>>
        %dma_start3A_332 = arith.constant 100000 : i32
        %dma_start3A_333 = arith.constant 0 : i32
        %dma_start3A_334 = tpu.memref_slice %arg6[%dma_start3A_332, %dma_start3A_333] : memref<100096x8xf32, #tpu.memory_space<hbm>> -> memref<96x8xf32, #tpu.memory_space<hbm>>
        tpu.enqueue_dma source(%dma_start3A_334 : memref<96x8xf32, #tpu.memory_space<hbm>>) target(%dma_start3A_331 : memref<96x8xf32, #tpu.memory_space<hbm>>) target_semaphore(%run_scoped3A : memref<!tpu.dma_semaphore, #tpu.memory_space<semaphore_mem>>)
        %dma_wait3A_335 = arith.constant 100000 : i32
        %dma_wait3A_336 = arith.constant 0 : i32
        %dma_wait3A_337 = tpu.memref_slice %arg10[%arg0, %dma_wait3A_335, %dma_wait3A_336] : memref<2x100096x8xf32, #tpu.memory_space<hbm>> -> memref<1x96x8xf32, #tpu.memory_space<hbm>>
        %dma_wait3A_338 = tpu.memref_squeeze %dma_wait3A_337 : memref<1x96x8xf32, #tpu.memory_space<hbm>> -> memref<96x8xf32, #tpu.memory_space<hbm>>
        %dma_wait3A_339 = arith.constant 100000 : i32
        %dma_wait3A_340 = arith.constant 0 : i32
        %dma_wait3A_341 = tpu.memref_slice %arg6[%dma_wait3A_339, %dma_wait3A_340] : memref<100096x8xf32, #tpu.memory_space<hbm>> -> memref<96x8xf32, #tpu.memory_space<hbm>>
        tpu.wait_dma2 semaphore(%run_scoped3A : memref<!tpu.dma_semaphore, #tpu.memory_space<semaphore_mem>>) src(%dma_wait3A_341 : memref<96x8xf32, #tpu.memory_space<hbm>>) dst(%dma_wait3A_338 : memref<96x8xf32, #tpu.memory_space<hbm>>)
        tpu.yield
      }) : () -> ()
    } else {
    }
    %mul3A_14 = arith.constant 6256 : i32
    %mul3A_15 = arith.muli %arg1, %mul3A_14 : i32
    %mul3A_16 = arith.constant 6256 : i32
    %mul3A_17 = arith.muli %arg1, %mul3A_16 : i32
    "tpu.region"() ({
      %run_scoped3A = tpu.sem_alloc : memref<!tpu.dma_semaphore, #tpu.memory_space<semaphore_mem>>
      %dma_start3A_328 = arith.constant 0 : i32
      %dma_start3A_329 = tpu.memref_slice %arg11[%mul3A_17, %dma_start3A_328] : memref<100096x8xf32, #tpu.memory_space<vmem_shared>> -> memref<6256x8xf32, #tpu.memory_space<vmem_shared>>
      %dma_start3A_330 = arith.constant 0 : i32
      %dma_start3A_331 = tpu.memref_slice %arg6[%mul3A_15, %dma_start3A_330] : memref<100096x8xf32, #tpu.memory_space<hbm>> -> memref<6256x8xf32, #tpu.memory_space<hbm>>
      tpu.enqueue_dma source(%dma_start3A_331 : memref<6256x8xf32, #tpu.memory_space<hbm>>) target(%dma_start3A_329 : memref<6256x8xf32, #tpu.memory_space<vmem_shared>>) target_semaphore(%run_scoped3A : memref<!tpu.dma_semaphore, #tpu.memory_space<semaphore_mem>>)
      %dma_wait3A_332 = arith.constant 0 : i32
      %dma_wait3A_333 = tpu.memref_slice %arg11[%mul3A_17, %dma_wait3A_332] : memref<100096x8xf32, #tpu.memory_space<vmem_shared>> -> memref<6256x8xf32, #tpu.memory_space<vmem_shared>>
      %dma_wait3A_334 = arith.constant 0 : i32
      %dma_wait3A_335 = tpu.memref_slice %arg6[%mul3A_15, %dma_wait3A_334] : memref<100096x8xf32, #tpu.memory_space<hbm>> -> memref<6256x8xf32, #tpu.memory_space<hbm>>
      tpu.wait_dma2 semaphore(%run_scoped3A : memref<!tpu.dma_semaphore, #tpu.memory_space<semaphore_mem>>) src(%dma_wait3A_335 : memref<6256x8xf32, #tpu.memory_space<hbm>>) dst(%dma_wait3A_333 : memref<6256x8xf32, #tpu.memory_space<vmem_shared>>)
      tpu.yield
    }) : () -> ()
    %barrier3A = arith.constant 0 : index
    tpu.barrier barrier_id(%barrier3A)
    %add3A_18 = arith.constant 0 : i32
    %add3A_19 = arith.addi %mul3A_0, %add3A_18 : i32
    %lt3A = arith.constant 25000 : i32
    %lt3A_20 = arith.cmpi slt, %add3A_19, %lt3A : i32
    %convert_element_type3A_21 = arith.extui %lt3A_20 : i1 to i32
    %cond3A_22 = arith.constant 0 : i32
    %cond3A_23 = arith.cmpi ne, %convert_element_type3A_21, %cond3A_22 : i32
    scf.if %cond3A_23 {
      %mul3A_328 = arith.constant 128 : i32
      %mul3A_329 = arith.muli %add3A_19, %mul3A_328 : i32
      %dma_start3A_330 = tpu.memref_slice %arg3[%mul3A_329] : memref<3200000xi32, #tpu.memory_space<hbm>> -> memref<1024xi32, #tpu.memory_space<hbm>>
      %dma_start3A_331 = tpu.memref_slice %arg3[%mul3A_329] : memref<3200000xi32, #tpu.memory_space<hbm>> -> memref<1024xi32, #tpu.memory_space<hbm>>
      tpu.enqueue_dma source(%dma_start3A_331 : memref<1024xi32, #tpu.memory_space<hbm>>) target(%arg12 : memref<1024xi32, #tpu.memory_space<vmem>>) target_semaphore(%arg19 : memref<!tpu.dma_semaphore, #tpu.memory_space<semaphore_mem>>)
      %mul3A_332 = arith.constant 128 : i32
      %mul3A_333 = arith.muli %add3A_19, %mul3A_332 : i32
      %dma_start3A_334 = tpu.memref_slice %arg4[%mul3A_333] : memref<3200000xi32, #tpu.memory_space<hbm>> -> memref<1024xi32, #tpu.memory_space<hbm>>
      %dma_start3A_335 = tpu.memref_slice %arg4[%mul3A_333] : memref<3200000xi32, #tpu.memory_space<hbm>> -> memref<1024xi32, #tpu.memory_space<hbm>>
      tpu.enqueue_dma source(%dma_start3A_335 : memref<1024xi32, #tpu.memory_space<hbm>>) target(%arg14 : memref<1024xi32, #tpu.memory_space<vmem>>) target_semaphore(%arg19 : memref<!tpu.dma_semaphore, #tpu.memory_space<semaphore_mem>>)
      %dma_wait3A_336 = tpu.memref_slice %arg3[%mul3A_329] : memref<3200000xi32, #tpu.memory_space<hbm>> -> memref<1024xi32, #tpu.memory_space<hbm>>
      %dma_wait3A_337 = tpu.memref_slice %arg3[%mul3A_329] : memref<3200000xi32, #tpu.memory_space<hbm>> -> memref<1024xi32, #tpu.memory_space<hbm>>
      tpu.wait_dma2 semaphore(%arg19 : memref<!tpu.dma_semaphore, #tpu.memory_space<semaphore_mem>>) src(%dma_wait3A_337 : memref<1024xi32, #tpu.memory_space<hbm>>) dst(%arg12 : memref<1024xi32, #tpu.memory_space<vmem>>)
      %dma_wait3A_338 = tpu.memref_slice %arg4[%mul3A_333] : memref<3200000xi32, #tpu.memory_space<hbm>> -> memref<1024xi32, #tpu.memory_space<hbm>>
      %dma_wait3A_339 = tpu.memref_slice %arg4[%mul3A_333] : memref<3200000xi32, #tpu.memory_space<hbm>> -> memref<1024xi32, #tpu.memory_space<hbm>>
      tpu.wait_dma2 semaphore(%arg19 : memref<!tpu.dma_semaphore, #tpu.memory_space<semaphore_mem>>) src(%dma_wait3A_339 : memref<1024xi32, #tpu.memory_space<hbm>>) dst(%arg14 : memref<1024xi32, #tpu.memory_space<vmem>>)
    } else {
    }
    %ge3A = arith.constant 25000 : i32
    %ge3A_24 = arith.cmpi sge, %add3A_19, %ge3A : i32
    %convert_element_type3A_25 = arith.extui %ge3A_24 : i1 to i32
    %cond3A_26 = arith.constant 0 : i32
    %cond3A_27 = arith.cmpi ne, %convert_element_type3A_25, %cond3A_26 : i32
    scf.if %cond3A_27 {
      %sub3A = arith.constant 25000 : i32
      %sub3A_328 = arith.subi %add3A_19, %sub3A : i32
      %mul3A_329 = arith.constant 128 : i32
      %mul3A_330 = arith.muli %sub3A_328, %mul3A_329 : i32
      %dma_start3A_331 = arith.constant 0 : i32
      %dma_start3A_332 = tpu.memref_slice %arg5[%dma_start3A_331, %mul3A_330] : memref<2x11264xi32, #tpu.memory_space<hbm>> -> memref<1x1024xi32, #tpu.memory_space<hbm>>
      %dma_start3A_333 = tpu.memref_squeeze %dma_start3A_332 : memref<1x1024xi32, #tpu.memory_space<hbm>> -> memref<1024xi32, #tpu.memory_space<hbm>>
      %dma_start3A_334 = tpu.memref_slice %arg5[%dma_start3A_331, %mul3A_330] : memref<2x11264xi32, #tpu.memory_space<hbm>> -> memref<1x1024xi32, #tpu.memory_space<hbm>>
      %dma_start3A_335 = tpu.memref_squeeze %dma_start3A_334 : memref<1x1024xi32, #tpu.memory_space<hbm>> -> memref<1024xi32, #tpu.memory_space<hbm>>
      tpu.enqueue_dma source(%dma_start3A_335 : memref<1024xi32, #tpu.memory_space<hbm>>) target(%arg12 : memref<1024xi32, #tpu.memory_space<vmem>>) target_semaphore(%arg19 : memref<!tpu.dma_semaphore, #tpu.memory_space<semaphore_mem>>)
      %sub3A_336 = arith.constant 25000 : i32
      %sub3A_337 = arith.subi %add3A_19, %sub3A_336 : i32
      %mul3A_338 = arith.constant 128 : i32
      %mul3A_339 = arith.muli %sub3A_337, %mul3A_338 : i32
      %dma_start3A_340 = arith.constant 1 : i32
      %dma_start3A_341 = tpu.memref_slice %arg5[%dma_start3A_340, %mul3A_339] : memref<2x11264xi32, #tpu.memory_space<hbm>> -> memref<1x1024xi32, #tpu.memory_space<hbm>>
      %dma_start3A_342 = tpu.memref_squeeze %dma_start3A_341 : memref<1x1024xi32, #tpu.memory_space<hbm>> -> memref<1024xi32, #tpu.memory_space<hbm>>
      %dma_start3A_343 = tpu.memref_slice %arg5[%dma_start3A_340, %mul3A_339] : memref<2x11264xi32, #tpu.memory_space<hbm>> -> memref<1x1024xi32, #tpu.memory_space<hbm>>
      %dma_start3A_344 = tpu.memref_squeeze %dma_start3A_343 : memref<1x1024xi32, #tpu.memory_space<hbm>> -> memref<1024xi32, #tpu.memory_space<hbm>>
      tpu.enqueue_dma source(%dma_start3A_344 : memref<1024xi32, #tpu.memory_space<hbm>>) target(%arg14 : memref<1024xi32, #tpu.memory_space<vmem>>) target_semaphore(%arg19 : memref<!tpu.dma_semaphore, #tpu.memory_space<semaphore_mem>>)
      %dma_wait3A_345 = arith.constant 0 : i32
      %dma_wait3A_346 = tpu.memref_slice %arg5[%dma_wait3A_345, %mul3A_330] : memref<2x11264xi32, #tpu.memory_space<hbm>> -> memref<1x1024xi32, #tpu.memory_space<hbm>>
      %dma_wait3A_347 = tpu.memref_squeeze %dma_wait3A_346 : memref<1x1024xi32, #tpu.memory_space<hbm>> -> memref<1024xi32, #tpu.memory_space<hbm>>
      %dma_wait3A_348 = tpu.memref_slice %arg5[%dma_wait3A_345, %mul3A_330] : memref<2x11264xi32, #tpu.memory_space<hbm>> -> memref<1x1024xi32, #tpu.memory_space<hbm>>
      %dma_wait3A_349 = tpu.memref_squeeze %dma_wait3A_348 : memref<1x1024xi32, #tpu.memory_space<hbm>> -> memref<1024xi32, #tpu.memory_space<hbm>>
      tpu.wait_dma2 semaphore(%arg19 : memref<!tpu.dma_semaphore, #tpu.memory_space<semaphore_mem>>) src(%dma_wait3A_349 : memref<1024xi32, #tpu.memory_space<hbm>>) dst(%arg12 : memref<1024xi32, #tpu.memory_space<vmem>>)
      %dma_wait3A_350 = arith.constant 1 : i32
      %dma_wait3A_351 = tpu.memref_slice %arg5[%dma_wait3A_350, %mul3A_339] : memref<2x11264xi32, #tpu.memory_space<hbm>> -> memref<1x1024xi32, #tpu.memory_space<hbm>>
      %dma_wait3A_352 = tpu.memref_squeeze %dma_wait3A_351 : memref<1x1024xi32, #tpu.memory_space<hbm>> -> memref<1024xi32, #tpu.memory_space<hbm>>
      %dma_wait3A_353 = tpu.memref_slice %arg5[%dma_wait3A_350, %mul3A_339] : memref<2x11264xi32, #tpu.memory_space<hbm>> -> memref<1x1024xi32, #tpu.memory_space<hbm>>
      %dma_wait3A_354 = tpu.memref_squeeze %dma_wait3A_353 : memref<1x1024xi32, #tpu.memory_space<hbm>> -> memref<1024xi32, #tpu.memory_space<hbm>>
      tpu.wait_dma2 semaphore(%arg19 : memref<!tpu.dma_semaphore, #tpu.memory_space<semaphore_mem>>) src(%dma_wait3A_354 : memref<1024xi32, #tpu.memory_space<hbm>>) dst(%arg14 : memref<1024xi32, #tpu.memory_space<vmem>>)
    } else {
    }
    %dma_start3A = arith.constant 0 : i32
    %dma_start3A_28 = arith.constant 0 : i32
    %dma_start3A_29 = tpu.memref_slice %arg10[%arg0, %dma_start3A, %dma_start3A_28] : memref<2x100096x8xf32, #tpu.memory_space<hbm>> -> memref<1x100096x8xf32, #tpu.memory_space<hbm>>
    %dma_start3A_30 = tpu.memref_squeeze %dma_start3A_29 : memref<1x100096x8xf32, #tpu.memory_space<hbm>> -> memref<100096x8xf32, #tpu.memory_space<hbm>>
    %dma_start3A_31 = arith.constant 0 : i32
    %dma_start3A_32 = arith.constant 0 : i32
    %dma_start3A_33 = tpu.memref_slice %dma_start3A_30[%dma_start3A_31, %dma_start3A_32] : memref<100096x8xf32, #tpu.memory_space<hbm>> -> memref<100096x8xf32, #tpu.memory_space<hbm>>
    tpu.enqueue_indirect_dma source(%dma_start3A_33 : memref<100096x8xf32, #tpu.memory_space<hbm>>) target(%arg16 : memref<1024x8xf32, #tpu.memory_space<vmem>>) offsets(%arg12 : memref<1024xi32, #tpu.memory_space<vmem>>) semaphore(%arg20 : memref<!tpu.dma_semaphore, #tpu.memory_space<semaphore_mem>>)
    %dma_wait3A = arith.constant 0 : i32
    %dma_wait3A_34 = arith.constant 0 : i32
    %dma_wait3A_35 = tpu.memref_slice %arg10[%arg0, %dma_wait3A, %dma_wait3A_34] : memref<2x100096x8xf32, #tpu.memory_space<hbm>> -> memref<1x100096x8xf32, #tpu.memory_space<hbm>>
    %dma_wait3A_36 = tpu.memref_squeeze %dma_wait3A_35 : memref<1x100096x8xf32, #tpu.memory_space<hbm>> -> memref<100096x8xf32, #tpu.memory_space<hbm>>
    %dma_wait3A_37 = arith.constant 0 : i32
    %dma_wait3A_38 = arith.constant 0 : i32
    %dma_wait3A_39 = tpu.memref_slice %dma_wait3A_36[%dma_wait3A_37, %dma_wait3A_38] : memref<100096x8xf32, #tpu.memory_space<hbm>> -> memref<100096x8xf32, #tpu.memory_space<hbm>>
    tpu.wait_indirect_dma semaphore(%arg20 : memref<!tpu.dma_semaphore, #tpu.memory_space<semaphore_mem>>) src(%dma_wait3A_39 : memref<100096x8xf32, #tpu.memory_space<hbm>>) dst(%arg16 : memref<1024x8xf32, #tpu.memory_space<vmem>>)
    %dma_start3A_40 = arith.constant 0 : i32
    %dma_start3A_41 = arith.constant 0 : i32
    %dma_start3A_42 = tpu.memref_slice %arg11[%dma_start3A_40, %dma_start3A_41] : memref<100096x8xf32, #tpu.memory_space<vmem_shared>> -> memref<100096x8xf32, #tpu.memory_space<vmem_shared>>
    tpu.enqueue_indirect_dma source(%arg16 : memref<1024x8xf32, #tpu.memory_space<vmem>>) target(%dma_start3A_42 : memref<100096x8xf32, #tpu.memory_space<vmem_shared>>) offsets(%arg14 : memref<1024xi32, #tpu.memory_space<vmem>>) semaphore(%arg22 : memref<!tpu.dma_semaphore, #tpu.memory_space<semaphore_mem>>) {add = true}
    %add3A_43 = arith.constant 8 : i32
    %add3A_44 = arith.addi %mul3A_0, %add3A_43 : i32
    %lt3A_45 = arith.constant 25000 : i32
    %lt3A_46 = arith.cmpi slt, %add3A_44, %lt3A_45 : i32
    %convert_element_type3A_47 = arith.extui %lt3A_46 : i1 to i32
    %cond3A_48 = arith.constant 0 : i32
    %cond3A_49 = arith.cmpi ne, %convert_element_type3A_47, %cond3A_48 : i32
    scf.if %cond3A_49 {
      %mul3A_328 = arith.constant 128 : i32
      %mul3A_329 = arith.muli %add3A_44, %mul3A_328 : i32
      %dma_start3A_330 = tpu.memref_slice %arg3[%mul3A_329] : memref<3200000xi32, #tpu.memory_space<hbm>> -> memref<1024xi32, #tpu.memory_space<hbm>>
      %dma_start3A_331 = tpu.memref_slice %arg3[%mul3A_329] : memref<3200000xi32, #tpu.memory_space<hbm>> -> memref<1024xi32, #tpu.memory_space<hbm>>
      tpu.enqueue_dma source(%dma_start3A_331 : memref<1024xi32, #tpu.memory_space<hbm>>) target(%arg13 : memref<1024xi32, #tpu.memory_space<vmem>>) target_semaphore(%arg19 : memref<!tpu.dma_semaphore, #tpu.memory_space<semaphore_mem>>)
      %mul3A_332 = arith.constant 128 : i32
      %mul3A_333 = arith.muli %add3A_44, %mul3A_332 : i32
      %dma_start3A_334 = tpu.memref_slice %arg4[%mul3A_333] : memref<3200000xi32, #tpu.memory_space<hbm>> -> memref<1024xi32, #tpu.memory_space<hbm>>
      %dma_start3A_335 = tpu.memref_slice %arg4[%mul3A_333] : memref<3200000xi32, #tpu.memory_space<hbm>> -> memref<1024xi32, #tpu.memory_space<hbm>>
      tpu.enqueue_dma source(%dma_start3A_335 : memref<1024xi32, #tpu.memory_space<hbm>>) target(%arg15 : memref<1024xi32, #tpu.memory_space<vmem>>) target_semaphore(%arg19 : memref<!tpu.dma_semaphore, #tpu.memory_space<semaphore_mem>>)
      %dma_wait3A_336 = tpu.memref_slice %arg3[%mul3A_329] : memref<3200000xi32, #tpu.memory_space<hbm>> -> memref<1024xi32, #tpu.memory_space<hbm>>
      %dma_wait3A_337 = tpu.memref_slice %arg3[%mul3A_329] : memref<3200000xi32, #tpu.memory_space<hbm>> -> memref<1024xi32, #tpu.memory_space<hbm>>
      tpu.wait_dma2 semaphore(%arg19 : memref<!tpu.dma_semaphore, #tpu.memory_space<semaphore_mem>>) src(%dma_wait3A_337 : memref<1024xi32, #tpu.memory_space<hbm>>) dst(%arg13 : memref<1024xi32, #tpu.memory_space<vmem>>)
      %dma_wait3A_338 = tpu.memref_slice %arg4[%mul3A_333] : memref<3200000xi32, #tpu.memory_space<hbm>> -> memref<1024xi32, #tpu.memory_space<hbm>>
      %dma_wait3A_339 = tpu.memref_slice %arg4[%mul3A_333] : memref<3200000xi32, #tpu.memory_space<hbm>> -> memref<1024xi32, #tpu.memory_space<hbm>>
      tpu.wait_dma2 semaphore(%arg19 : memref<!tpu.dma_semaphore, #tpu.memory_space<semaphore_mem>>) src(%dma_wait3A_339 : memref<1024xi32, #tpu.memory_space<hbm>>) dst(%arg15 : memref<1024xi32, #tpu.memory_space<vmem>>)
    } else {
    }
    %ge3A_50 = arith.constant 25000 : i32
    %ge3A_51 = arith.cmpi sge, %add3A_44, %ge3A_50 : i32
    %convert_element_type3A_52 = arith.extui %ge3A_51 : i1 to i32
    %cond3A_53 = arith.constant 0 : i32
    %cond3A_54 = arith.cmpi ne, %convert_element_type3A_52, %cond3A_53 : i32
    scf.if %cond3A_54 {
      %sub3A = arith.constant 25000 : i32
      %sub3A_328 = arith.subi %add3A_44, %sub3A : i32
      %mul3A_329 = arith.constant 128 : i32
      %mul3A_330 = arith.muli %sub3A_328, %mul3A_329 : i32
      %dma_start3A_331 = arith.constant 0 : i32
      %dma_start3A_332 = tpu.memref_slice %arg5[%dma_start3A_331, %mul3A_330] : memref<2x11264xi32, #tpu.memory_space<hbm>> -> memref<1x1024xi32, #tpu.memory_space<hbm>>
      %dma_start3A_333 = tpu.memref_squeeze %dma_start3A_332 : memref<1x1024xi32, #tpu.memory_space<hbm>> -> memref<1024xi32, #tpu.memory_space<hbm>>
      %dma_start3A_334 = tpu.memref_slice %arg5[%dma_start3A_331, %mul3A_330] : memref<2x11264xi32, #tpu.memory_space<hbm>> -> memref<1x1024xi32, #tpu.memory_space<hbm>>
      %dma_start3A_335 = tpu.memref_squeeze %dma_start3A_334 : memref<1x1024xi32, #tpu.memory_space<hbm>> -> memref<1024xi32, #tpu.memory_space<hbm>>
      tpu.enqueue_dma source(%dma_start3A_335 : memref<1024xi32, #tpu.memory_space<hbm>>) target(%arg13 : memref<1024xi32, #tpu.memory_space<vmem>>) target_semaphore(%arg19 : memref<!tpu.dma_semaphore, #tpu.memory_space<semaphore_mem>>)
      %sub3A_336 = arith.constant 25000 : i32
      %sub3A_337 = arith.subi %add3A_44, %sub3A_336 : i32
      %mul3A_338 = arith.constant 128 : i32
      %mul3A_339 = arith.muli %sub3A_337, %mul3A_338 : i32
      %dma_start3A_340 = arith.constant 1 : i32
      %dma_start3A_341 = tpu.memref_slice %arg5[%dma_start3A_340, %mul3A_339] : memref<2x11264xi32, #tpu.memory_space<hbm>> -> memref<1x1024xi32, #tpu.memory_space<hbm>>
      %dma_start3A_342 = tpu.memref_squeeze %dma_start3A_341 : memref<1x1024xi32, #tpu.memory_space<hbm>> -> memref<1024xi32, #tpu.memory_space<hbm>>
      %dma_start3A_343 = tpu.memref_slice %arg5[%dma_start3A_340, %mul3A_339] : memref<2x11264xi32, #tpu.memory_space<hbm>> -> memref<1x1024xi32, #tpu.memory_space<hbm>>
      %dma_start3A_344 = tpu.memref_squeeze %dma_start3A_343 : memref<1x1024xi32, #tpu.memory_space<hbm>> -> memref<1024xi32, #tpu.memory_space<hbm>>
      tpu.enqueue_dma source(%dma_start3A_344 : memref<1024xi32, #tpu.memory_space<hbm>>) target(%arg15 : memref<1024xi32, #tpu.memory_space<vmem>>) target_semaphore(%arg19 : memref<!tpu.dma_semaphore, #tpu.memory_space<semaphore_mem>>)
      %dma_wait3A_345 = arith.constant 0 : i32
      %dma_wait3A_346 = tpu.memref_slice %arg5[%dma_wait3A_345, %mul3A_330] : memref<2x11264xi32, #tpu.memory_space<hbm>> -> memref<1x1024xi32, #tpu.memory_space<hbm>>
      %dma_wait3A_347 = tpu.memref_squeeze %dma_wait3A_346 : memref<1x1024xi32, #tpu.memory_space<hbm>> -> memref<1024xi32, #tpu.memory_space<hbm>>
      %dma_wait3A_348 = tpu.memref_slice %arg5[%dma_wait3A_345, %mul3A_330] : memref<2x11264xi32, #tpu.memory_space<hbm>> -> memref<1x1024xi32, #tpu.memory_space<hbm>>
      %dma_wait3A_349 = tpu.memref_squeeze %dma_wait3A_348 : memref<1x1024xi32, #tpu.memory_space<hbm>> -> memref<1024xi32, #tpu.memory_space<hbm>>
      tpu.wait_dma2 semaphore(%arg19 : memref<!tpu.dma_semaphore, #tpu.memory_space<semaphore_mem>>) src(%dma_wait3A_349 : memref<1024xi32, #tpu.memory_space<hbm>>) dst(%arg13 : memref<1024xi32, #tpu.memory_space<vmem>>)
      %dma_wait3A_350 = arith.constant 1 : i32
      %dma_wait3A_351 = tpu.memref_slice %arg5[%dma_wait3A_350, %mul3A_339] : memref<2x11264xi32, #tpu.memory_space<hbm>> -> memref<1x1024xi32, #tpu.memory_space<hbm>>
      %dma_wait3A_352 = tpu.memref_squeeze %dma_wait3A_351 : memref<1x1024xi32, #tpu.memory_space<hbm>> -> memref<1024xi32, #tpu.memory_space<hbm>>
      %dma_wait3A_353 = tpu.memref_slice %arg5[%dma_wait3A_350, %mul3A_339] : memref<2x11264xi32, #tpu.memory_space<hbm>> -> memref<1x1024xi32, #tpu.memory_space<hbm>>
      %dma_wait3A_354 = tpu.memref_squeeze %dma_wait3A_353 : memref<1x1024xi32, #tpu.memory_space<hbm>> -> memref<1024xi32, #tpu.memory_space<hbm>>
      tpu.wait_dma2 semaphore(%arg19 : memref<!tpu.dma_semaphore, #tpu.memory_space<semaphore_mem>>) src(%dma_wait3A_354 : memref<1024xi32, #tpu.memory_space<hbm>>) dst(%arg15 : memref<1024xi32, #tpu.memory_space<vmem>>)
    } else {
    }
    %dma_start3A_55 = arith.constant 0 : i32
    %dma_start3A_56 = arith.constant 0 : i32
    %dma_start3A_57 = tpu.memref_slice %arg10[%arg0, %dma_start3A_55, %dma_start3A_56] : memref<2x100096x8xf32, #tpu.memory_space<hbm>> -> memref<1x100096x8xf32, #tpu.memory_space<hbm>>
    %dma_start3A_58 = tpu.memref_squeeze %dma_start3A_57 : memref<1x100096x8xf32, #tpu.memory_space<hbm>> -> memref<100096x8xf32, #tpu.memory_space<hbm>>
    %dma_start3A_59 = arith.constant 0 : i32
    %dma_start3A_60 = arith.constant 0 : i32
    %dma_start3A_61 = tpu.memref_slice %dma_start3A_58[%dma_start3A_59, %dma_start3A_60] : memref<100096x8xf32, #tpu.memory_space<hbm>> -> memref<100096x8xf32, #tpu.memory_space<hbm>>
    tpu.enqueue_indirect_dma source(%dma_start3A_61 : memref<100096x8xf32, #tpu.memory_space<hbm>>) target(%arg17 : memref<1024x8xf32, #tpu.memory_space<vmem>>) offsets(%arg13 : memref<1024xi32, #tpu.memory_space<vmem>>) semaphore(%arg21 : memref<!tpu.dma_semaphore, #tpu.memory_space<semaphore_mem>>)
    %scan3A = arith.constant 0 : i32
    %scan3A_62 = arith.constant 0 : i32
    %scan3A_63 = arith.constant 97 : i32
    %scan3A_64 = arith.addi %scan3A_62, %scan3A_63 : i32
    %scan3A_65 = arith.constant 1 : i32
    scf.for %scan3A_328 = %scan3A_62 to %scan3A_64 step %scan3A_65  : i32 {
      %mul3A_329 = arith.constant 2 : i32
      %mul3A_330 = arith.muli %mul3A_329, %scan3A_328 : i32
      %add3A_331 = arith.constant 2 : i32
      %add3A_332 = arith.addi %add3A_331, %mul3A_330 : i32
      %dma_wait3A_333 = arith.constant 0 : i32
      %dma_wait3A_334 = arith.constant 0 : i32
      %dma_wait3A_335 = tpu.memref_slice %arg10[%arg0, %dma_wait3A_333, %dma_wait3A_334] : memref<2x100096x8xf32, #tpu.memory_space<hbm>> -> memref<1x100096x8xf32, #tpu.memory_space<hbm>>
      %dma_wait3A_336 = tpu.memref_squeeze %dma_wait3A_335 : memref<1x100096x8xf32, #tpu.memory_space<hbm>> -> memref<100096x8xf32, #tpu.memory_space<hbm>>
      %dma_wait3A_337 = arith.constant 0 : i32
      %dma_wait3A_338 = arith.constant 0 : i32
      %dma_wait3A_339 = tpu.memref_slice %dma_wait3A_336[%dma_wait3A_337, %dma_wait3A_338] : memref<100096x8xf32, #tpu.memory_space<hbm>> -> memref<100096x8xf32, #tpu.memory_space<hbm>>
      tpu.wait_indirect_dma semaphore(%arg21 : memref<!tpu.dma_semaphore, #tpu.memory_space<semaphore_mem>>) src(%dma_wait3A_339 : memref<100096x8xf32, #tpu.memory_space<hbm>>) dst(%arg17 : memref<1024x8xf32, #tpu.memory_space<vmem>>)
      %dma_start3A_340 = arith.constant 0 : i32
      %dma_start3A_341 = arith.constant 0 : i32
      %dma_start3A_342 = tpu.memref_slice %arg11[%dma_start3A_340, %dma_start3A_341] : memref<100096x8xf32, #tpu.memory_space<vmem_shared>> -> memref<100096x8xf32, #tpu.memory_space<vmem_shared>>
      tpu.enqueue_indirect_dma source(%arg17 : memref<1024x8xf32, #tpu.memory_space<vmem>>) target(%dma_start3A_342 : memref<100096x8xf32, #tpu.memory_space<vmem_shared>>) offsets(%arg15 : memref<1024xi32, #tpu.memory_space<vmem>>) semaphore(%arg23 : memref<!tpu.dma_semaphore, #tpu.memory_space<semaphore_mem>>) {add = true}
      %dma_wait3A_343 = arith.constant 0 : i32
      %dma_wait3A_344 = arith.constant 0 : i32
      %dma_wait3A_345 = tpu.memref_slice %arg11[%dma_wait3A_343, %dma_wait3A_344] : memref<100096x8xf32, #tpu.memory_space<vmem_shared>> -> memref<100096x8xf32, #tpu.memory_space<vmem_shared>>
      tpu.wait_indirect_dma semaphore(%arg22 : memref<!tpu.dma_semaphore, #tpu.memory_space<semaphore_mem>>) src(%arg16 : memref<1024x8xf32, #tpu.memory_space<vmem>>) dst(%dma_wait3A_345 : memref<100096x8xf32, #tpu.memory_space<vmem_shared>>)
      %mul3A_346 = arith.constant 8 : i32
      %mul3A_347 = arith.muli %add3A_332, %mul3A_346 : i32
      %add3A_348 = arith.addi %mul3A_0, %mul3A_347 : i32
      %lt3A_349 = arith.constant 25000 : i32
      %lt3A_350 = arith.cmpi slt, %add3A_348, %lt3A_349 : i32
      %convert_element_type3A_351 = arith.extui %lt3A_350 : i1 to i32
      %cond3A_352 = arith.constant 0 : i32
      %cond3A_353 = arith.cmpi ne, %convert_element_type3A_351, %cond3A_352 : i32
      scf.if %cond3A_353 {
        %mul3A_403 = arith.constant 128 : i32
        %mul3A_404 = arith.muli %add3A_348, %mul3A_403 : i32
        %dma_start3A_405 = tpu.memref_slice %arg3[%mul3A_404] : memref<3200000xi32, #tpu.memory_space<hbm>> -> memref<1024xi32, #tpu.memory_space<hbm>>
        %dma_start3A_406 = tpu.memref_slice %arg3[%mul3A_404] : memref<3200000xi32, #tpu.memory_space<hbm>> -> memref<1024xi32, #tpu.memory_space<hbm>>
        tpu.enqueue_dma source(%dma_start3A_406 : memref<1024xi32, #tpu.memory_space<hbm>>) target(%arg12 : memref<1024xi32, #tpu.memory_space<vmem>>) target_semaphore(%arg19 : memref<!tpu.dma_semaphore, #tpu.memory_space<semaphore_mem>>)
        %mul3A_407 = arith.constant 128 : i32
        %mul3A_408 = arith.muli %add3A_348, %mul3A_407 : i32
        %dma_start3A_409 = tpu.memref_slice %arg4[%mul3A_408] : memref<3200000xi32, #tpu.memory_space<hbm>> -> memref<1024xi32, #tpu.memory_space<hbm>>
        %dma_start3A_410 = tpu.memref_slice %arg4[%mul3A_408] : memref<3200000xi32, #tpu.memory_space<hbm>> -> memref<1024xi32, #tpu.memory_space<hbm>>
        tpu.enqueue_dma source(%dma_start3A_410 : memref<1024xi32, #tpu.memory_space<hbm>>) target(%arg14 : memref<1024xi32, #tpu.memory_space<vmem>>) target_semaphore(%arg19 : memref<!tpu.dma_semaphore, #tpu.memory_space<semaphore_mem>>)
        %dma_wait3A_411 = tpu.memref_slice %arg3[%mul3A_404] : memref<3200000xi32, #tpu.memory_space<hbm>> -> memref<1024xi32, #tpu.memory_space<hbm>>
        %dma_wait3A_412 = tpu.memref_slice %arg3[%mul3A_404] : memref<3200000xi32, #tpu.memory_space<hbm>> -> memref<1024xi32, #tpu.memory_space<hbm>>
        tpu.wait_dma2 semaphore(%arg19 : memref<!tpu.dma_semaphore, #tpu.memory_space<semaphore_mem>>) src(%dma_wait3A_412 : memref<1024xi32, #tpu.memory_space<hbm>>) dst(%arg12 : memref<1024xi32, #tpu.memory_space<vmem>>)
        %dma_wait3A_413 = tpu.memref_slice %arg4[%mul3A_408] : memref<3200000xi32, #tpu.memory_space<hbm>> -> memref<1024xi32, #tpu.memory_space<hbm>>
        %dma_wait3A_414 = tpu.memref_slice %arg4[%mul3A_408] : memref<3200000xi32, #tpu.memory_space<hbm>> -> memref<1024xi32, #tpu.memory_space<hbm>>
        tpu.wait_dma2 semaphore(%arg19 : memref<!tpu.dma_semaphore, #tpu.memory_space<semaphore_mem>>) src(%dma_wait3A_414 : memref<1024xi32, #tpu.memory_space<hbm>>) dst(%arg14 : memref<1024xi32, #tpu.memory_space<vmem>>)
      } else {
      }
      %ge3A_354 = arith.constant 25000 : i32
      %ge3A_355 = arith.cmpi sge, %add3A_348, %ge3A_354 : i32
      %convert_element_type3A_356 = arith.extui %ge3A_355 : i1 to i32
      %cond3A_357 = arith.constant 0 : i32
      %cond3A_358 = arith.cmpi ne, %convert_element_type3A_356, %cond3A_357 : i32
      scf.if %cond3A_358 {
        %sub3A = arith.constant 25000 : i32
        %sub3A_403 = arith.subi %add3A_348, %sub3A : i32
        %mul3A_404 = arith.constant 128 : i32
        %mul3A_405 = arith.muli %sub3A_403, %mul3A_404 : i32
        %dma_start3A_406 = arith.constant 0 : i32
        %dma_start3A_407 = tpu.memref_slice %arg5[%dma_start3A_406, %mul3A_405] : memref<2x11264xi32, #tpu.memory_space<hbm>> -> memref<1x1024xi32, #tpu.memory_space<hbm>>
        %dma_start3A_408 = tpu.memref_squeeze %dma_start3A_407 : memref<1x1024xi32, #tpu.memory_space<hbm>> -> memref<1024xi32, #tpu.memory_space<hbm>>
        %dma_start3A_409 = tpu.memref_slice %arg5[%dma_start3A_406, %mul3A_405] : memref<2x11264xi32, #tpu.memory_space<hbm>> -> memref<1x1024xi32, #tpu.memory_space<hbm>>
        %dma_start3A_410 = tpu.memref_squeeze %dma_start3A_409 : memref<1x1024xi32, #tpu.memory_space<hbm>> -> memref<1024xi32, #tpu.memory_space<hbm>>
        tpu.enqueue_dma source(%dma_start3A_410 : memref<1024xi32, #tpu.memory_space<hbm>>) target(%arg12 : memref<1024xi32, #tpu.memory_space<vmem>>) target_semaphore(%arg19 : memref<!tpu.dma_semaphore, #tpu.memory_space<semaphore_mem>>)
        %sub3A_411 = arith.constant 25000 : i32
        %sub3A_412 = arith.subi %add3A_348, %sub3A_411 : i32
        %mul3A_413 = arith.constant 128 : i32
        %mul3A_414 = arith.muli %sub3A_412, %mul3A_413 : i32
        %dma_start3A_415 = arith.constant 1 : i32
        %dma_start3A_416 = tpu.memref_slice %arg5[%dma_start3A_415, %mul3A_414] : memref<2x11264xi32, #tpu.memory_space<hbm>> -> memref<1x1024xi32, #tpu.memory_space<hbm>>
        %dma_start3A_417 = tpu.memref_squeeze %dma_start3A_416 : memref<1x1024xi32, #tpu.memory_space<hbm>> -> memref<1024xi32, #tpu.memory_space<hbm>>
        %dma_start3A_418 = tpu.memref_slice %arg5[%dma_start3A_415, %mul3A_414] : memref<2x11264xi32, #tpu.memory_space<hbm>> -> memref<1x1024xi32, #tpu.memory_space<hbm>>
        %dma_start3A_419 = tpu.memref_squeeze %dma_start3A_418 : memref<1x1024xi32, #tpu.memory_space<hbm>> -> memref<1024xi32, #tpu.memory_space<hbm>>
        tpu.enqueue_dma source(%dma_start3A_419 : memref<1024xi32, #tpu.memory_space<hbm>>) target(%arg14 : memref<1024xi32, #tpu.memory_space<vmem>>) target_semaphore(%arg19 : memref<!tpu.dma_semaphore, #tpu.memory_space<semaphore_mem>>)
        %dma_wait3A_420 = arith.constant 0 : i32
        %dma_wait3A_421 = tpu.memref_slice %arg5[%dma_wait3A_420, %mul3A_405] : memref<2x11264xi32, #tpu.memory_space<hbm>> -> memref<1x1024xi32, #tpu.memory_space<hbm>>
        %dma_wait3A_422 = tpu.memref_squeeze %dma_wait3A_421 : memref<1x1024xi32, #tpu.memory_space<hbm>> -> memref<1024xi32, #tpu.memory_space<hbm>>
        %dma_wait3A_423 = tpu.memref_slice %arg5[%dma_wait3A_420, %mul3A_405] : memref<2x11264xi32, #tpu.memory_space<hbm>> -> memref<1x1024xi32, #tpu.memory_space<hbm>>
        %dma_wait3A_424 = tpu.memref_squeeze %dma_wait3A_423 : memref<1x1024xi32, #tpu.memory_space<hbm>> -> memref<1024xi32, #tpu.memory_space<hbm>>
        tpu.wait_dma2 semaphore(%arg19 : memref<!tpu.dma_semaphore, #tpu.memory_space<semaphore_mem>>) src(%dma_wait3A_424 : memref<1024xi32, #tpu.memory_space<hbm>>) dst(%arg12 : memref<1024xi32, #tpu.memory_space<vmem>>)
        %dma_wait3A_425 = arith.constant 1 : i32
        %dma_wait3A_426 = tpu.memref_slice %arg5[%dma_wait3A_425, %mul3A_414] : memref<2x11264xi32, #tpu.memory_space<hbm>> -> memref<1x1024xi32, #tpu.memory_space<hbm>>
        %dma_wait3A_427 = tpu.memref_squeeze %dma_wait3A_426 : memref<1x1024xi32, #tpu.memory_space<hbm>> -> memref<1024xi32, #tpu.memory_space<hbm>>
        %dma_wait3A_428 = tpu.memref_slice %arg5[%dma_wait3A_425, %mul3A_414] : memref<2x11264xi32, #tpu.memory_space<hbm>> -> memref<1x1024xi32, #tpu.memory_space<hbm>>
        %dma_wait3A_429 = tpu.memref_squeeze %dma_wait3A_428 : memref<1x1024xi32, #tpu.memory_space<hbm>> -> memref<1024xi32, #tpu.memory_space<hbm>>
        tpu.wait_dma2 semaphore(%arg19 : memref<!tpu.dma_semaphore, #tpu.memory_space<semaphore_mem>>) src(%dma_wait3A_429 : memref<1024xi32, #tpu.memory_space<hbm>>) dst(%arg14 : memref<1024xi32, #tpu.memory_space<vmem>>)
      } else {
      }
      %dma_start3A_359 = arith.constant 0 : i32
      %dma_start3A_360 = arith.constant 0 : i32
      %dma_start3A_361 = tpu.memref_slice %arg10[%arg0, %dma_start3A_359, %dma_start3A_360] : memref<2x100096x8xf32, #tpu.memory_space<hbm>> -> memref<1x100096x8xf32, #tpu.memory_space<hbm>>
      %dma_start3A_362 = tpu.memref_squeeze %dma_start3A_361 : memref<1x100096x8xf32, #tpu.memory_space<hbm>> -> memref<100096x8xf32, #tpu.memory_space<hbm>>
      %dma_start3A_363 = arith.constant 0 : i32
      %dma_start3A_364 = arith.constant 0 : i32
      %dma_start3A_365 = tpu.memref_slice %dma_start3A_362[%dma_start3A_363, %dma_start3A_364] : memref<100096x8xf32, #tpu.memory_space<hbm>> -> memref<100096x8xf32, #tpu.memory_space<hbm>>
      tpu.enqueue_indirect_dma source(%dma_start3A_365 : memref<100096x8xf32, #tpu.memory_space<hbm>>) target(%arg16 : memref<1024x8xf32, #tpu.memory_space<vmem>>) offsets(%arg12 : memref<1024xi32, #tpu.memory_space<vmem>>) semaphore(%arg20 : memref<!tpu.dma_semaphore, #tpu.memory_space<semaphore_mem>>)
      %mul3A_366 = arith.constant 2 : i32
      %mul3A_367 = arith.muli %mul3A_366, %scan3A_328 : i32
      %add3A_368 = arith.constant 3 : i32
      %add3A_369 = arith.addi %add3A_368, %mul3A_367 : i32
      %dma_wait3A_370 = arith.constant 0 : i32
      %dma_wait3A_371 = arith.constant 0 : i32
      %dma_wait3A_372 = tpu.memref_slice %arg10[%arg0, %dma_wait3A_370, %dma_wait3A_371] : memref<2x100096x8xf32, #tpu.memory_space<hbm>> -> memref<1x100096x8xf32, #tpu.memory_space<hbm>>
      %dma_wait3A_373 = tpu.memref_squeeze %dma_wait3A_372 : memref<1x100096x8xf32, #tpu.memory_space<hbm>> -> memref<100096x8xf32, #tpu.memory_space<hbm>>
      %dma_wait3A_374 = arith.constant 0 : i32
      %dma_wait3A_375 = arith.constant 0 : i32
      %dma_wait3A_376 = tpu.memref_slice %dma_wait3A_373[%dma_wait3A_374, %dma_wait3A_375] : memref<100096x8xf32, #tpu.memory_space<hbm>> -> memref<100096x8xf32, #tpu.memory_space<hbm>>
      tpu.wait_indirect_dma semaphore(%arg20 : memref<!tpu.dma_semaphore, #tpu.memory_space<semaphore_mem>>) src(%dma_wait3A_376 : memref<100096x8xf32, #tpu.memory_space<hbm>>) dst(%arg16 : memref<1024x8xf32, #tpu.memory_space<vmem>>)
      %dma_start3A_377 = arith.constant 0 : i32
      %dma_start3A_378 = arith.constant 0 : i32
      %dma_start3A_379 = tpu.memref_slice %arg11[%dma_start3A_377, %dma_start3A_378] : memref<100096x8xf32, #tpu.memory_space<vmem_shared>> -> memref<100096x8xf32, #tpu.memory_space<vmem_shared>>
      tpu.enqueue_indirect_dma source(%arg16 : memref<1024x8xf32, #tpu.memory_space<vmem>>) target(%dma_start3A_379 : memref<100096x8xf32, #tpu.memory_space<vmem_shared>>) offsets(%arg14 : memref<1024xi32, #tpu.memory_space<vmem>>) semaphore(%arg22 : memref<!tpu.dma_semaphore, #tpu.memory_space<semaphore_mem>>) {add = true}
      %dma_wait3A_380 = arith.constant 0 : i32
      %dma_wait3A_381 = arith.constant 0 : i32
      %dma_wait3A_382 = tpu.memref_slice %arg11[%dma_wait3A_380, %dma_wait3A_381] : memref<100096x8xf32, #tpu.memory_space<vmem_shared>> -> memref<100096x8xf32, #tpu.memory_space<vmem_shared>>
      tpu.wait_indirect_dma semaphore(%arg23 : memref<!tpu.dma_semaphore, #tpu.memory_space<semaphore_mem>>) src(%arg17 : memref<1024x8xf32, #tpu.memory_space<vmem>>) dst(%dma_wait3A_382 : memref<100096x8xf32, #tpu.memory_space<vmem_shared>>)
      %mul3A_383 = arith.constant 8 : i32
      %mul3A_384 = arith.muli %add3A_369, %mul3A_383 : i32
      %add3A_385 = arith.addi %mul3A_0, %mul3A_384 : i32
      %lt3A_386 = arith.constant 25000 : i32
      %lt3A_387 = arith.cmpi slt, %add3A_385, %lt3A_386 : i32
      %convert_element_type3A_388 = arith.extui %lt3A_387 : i1 to i32
      %cond3A_389 = arith.constant 0 : i32
      %cond3A_390 = arith.cmpi ne, %convert_element_type3A_388, %cond3A_389 : i32
      scf.if %cond3A_390 {
        %mul3A_403 = arith.constant 128 : i32
        %mul3A_404 = arith.muli %add3A_385, %mul3A_403 : i32
        %dma_start3A_405 = tpu.memref_slice %arg3[%mul3A_404] : memref<3200000xi32, #tpu.memory_space<hbm>> -> memref<1024xi32, #tpu.memory_space<hbm>>
        %dma_start3A_406 = tpu.memref_slice %arg3[%mul3A_404] : memref<3200000xi32, #tpu.memory_space<hbm>> -> memref<1024xi32, #tpu.memory_space<hbm>>
        tpu.enqueue_dma source(%dma_start3A_406 : memref<1024xi32, #tpu.memory_space<hbm>>) target(%arg13 : memref<1024xi32, #tpu.memory_space<vmem>>) target_semaphore(%arg19 : memref<!tpu.dma_semaphore, #tpu.memory_space<semaphore_mem>>)
        %mul3A_407 = arith.constant 128 : i32
        %mul3A_408 = arith.muli %add3A_385, %mul3A_407 : i32
        %dma_start3A_409 = tpu.memref_slice %arg4[%mul3A_408] : memref<3200000xi32, #tpu.memory_space<hbm>> -> memref<1024xi32, #tpu.memory_space<hbm>>
        %dma_start3A_410 = tpu.memref_slice %arg4[%mul3A_408] : memref<3200000xi32, #tpu.memory_space<hbm>> -> memref<1024xi32, #tpu.memory_space<hbm>>
        tpu.enqueue_dma source(%dma_start3A_410 : memref<1024xi32, #tpu.memory_space<hbm>>) target(%arg15 : memref<1024xi32, #tpu.memory_space<vmem>>) target_semaphore(%arg19 : memref<!tpu.dma_semaphore, #tpu.memory_space<semaphore_mem>>)
        %dma_wait3A_411 = tpu.memref_slice %arg3[%mul3A_404] : memref<3200000xi32, #tpu.memory_space<hbm>> -> memref<1024xi32, #tpu.memory_space<hbm>>
        %dma_wait3A_412 = tpu.memref_slice %arg3[%mul3A_404] : memref<3200000xi32, #tpu.memory_space<hbm>> -> memref<1024xi32, #tpu.memory_space<hbm>>
        tpu.wait_dma2 semaphore(%arg19 : memref<!tpu.dma_semaphore, #tpu.memory_space<semaphore_mem>>) src(%dma_wait3A_412 : memref<1024xi32, #tpu.memory_space<hbm>>) dst(%arg13 : memref<1024xi32, #tpu.memory_space<vmem>>)
        %dma_wait3A_413 = tpu.memref_slice %arg4[%mul3A_408] : memref<3200000xi32, #tpu.memory_space<hbm>> -> memref<1024xi32, #tpu.memory_space<hbm>>
        %dma_wait3A_414 = tpu.memref_slice %arg4[%mul3A_408] : memref<3200000xi32, #tpu.memory_space<hbm>> -> memref<1024xi32, #tpu.memory_space<hbm>>
        tpu.wait_dma2 semaphore(%arg19 : memref<!tpu.dma_semaphore, #tpu.memory_space<semaphore_mem>>) src(%dma_wait3A_414 : memref<1024xi32, #tpu.memory_space<hbm>>) dst(%arg15 : memref<1024xi32, #tpu.memory_space<vmem>>)
      } else {
      }
      %ge3A_391 = arith.constant 25000 : i32
      %ge3A_392 = arith.cmpi sge, %add3A_385, %ge3A_391 : i32
      %convert_element_type3A_393 = arith.extui %ge3A_392 : i1 to i32
      %cond3A_394 = arith.constant 0 : i32
      %cond3A_395 = arith.cmpi ne, %convert_element_type3A_393, %cond3A_394 : i32
      scf.if %cond3A_395 {
        %sub3A = arith.constant 25000 : i32
        %sub3A_403 = arith.subi %add3A_385, %sub3A : i32
        %mul3A_404 = arith.constant 128 : i32
        %mul3A_405 = arith.muli %sub3A_403, %mul3A_404 : i32
        %dma_start3A_406 = arith.constant 0 : i32
        %dma_start3A_407 = tpu.memref_slice %arg5[%dma_start3A_406, %mul3A_405] : memref<2x11264xi32, #tpu.memory_space<hbm>> -> memref<1x1024xi32, #tpu.memory_space<hbm>>
        %dma_start3A_408 = tpu.memref_squeeze %dma_start3A_407 : memref<1x1024xi32, #tpu.memory_space<hbm>> -> memref<1024xi32, #tpu.memory_space<hbm>>
        %dma_start3A_409 = tpu.memref_slice %arg5[%dma_start3A_406, %mul3A_405] : memref<2x11264xi32, #tpu.memory_space<hbm>> -> memref<1x1024xi32, #tpu.memory_space<hbm>>
        %dma_start3A_410 = tpu.memref_squeeze %dma_start3A_409 : memref<1x1024xi32, #tpu.memory_space<hbm>> -> memref<1024xi32, #tpu.memory_space<hbm>>
        tpu.enqueue_dma source(%dma_start3A_410 : memref<1024xi32, #tpu.memory_space<hbm>>) target(%arg13 : memref<1024xi32, #tpu.memory_space<vmem>>) target_semaphore(%arg19 : memref<!tpu.dma_semaphore, #tpu.memory_space<semaphore_mem>>)
        %sub3A_411 = arith.constant 25000 : i32
        %sub3A_412 = arith.subi %add3A_385, %sub3A_411 : i32
        %mul3A_413 = arith.constant 128 : i32
        %mul3A_414 = arith.muli %sub3A_412, %mul3A_413 : i32
        %dma_start3A_415 = arith.constant 1 : i32
        %dma_start3A_416 = tpu.memref_slice %arg5[%dma_start3A_415, %mul3A_414] : memref<2x11264xi32, #tpu.memory_space<hbm>> -> memref<1x1024xi32, #tpu.memory_space<hbm>>
        %dma_start3A_417 = tpu.memref_squeeze %dma_start3A_416 : memref<1x1024xi32, #tpu.memory_space<hbm>> -> memref<1024xi32, #tpu.memory_space<hbm>>
        %dma_start3A_418 = tpu.memref_slice %arg5[%dma_start3A_415, %mul3A_414] : memref<2x11264xi32, #tpu.memory_space<hbm>> -> memref<1x1024xi32, #tpu.memory_space<hbm>>
        %dma_start3A_419 = tpu.memref_squeeze %dma_start3A_418 : memref<1x1024xi32, #tpu.memory_space<hbm>> -> memref<1024xi32, #tpu.memory_space<hbm>>
        tpu.enqueue_dma source(%dma_start3A_419 : memref<1024xi32, #tpu.memory_space<hbm>>) target(%arg15 : memref<1024xi32, #tpu.memory_space<vmem>>) target_semaphore(%arg19 : memref<!tpu.dma_semaphore, #tpu.memory_space<semaphore_mem>>)
        %dma_wait3A_420 = arith.constant 0 : i32
        %dma_wait3A_421 = tpu.memref_slice %arg5[%dma_wait3A_420, %mul3A_405] : memref<2x11264xi32, #tpu.memory_space<hbm>> -> memref<1x1024xi32, #tpu.memory_space<hbm>>
        %dma_wait3A_422 = tpu.memref_squeeze %dma_wait3A_421 : memref<1x1024xi32, #tpu.memory_space<hbm>> -> memref<1024xi32, #tpu.memory_space<hbm>>
        %dma_wait3A_423 = tpu.memref_slice %arg5[%dma_wait3A_420, %mul3A_405] : memref<2x11264xi32, #tpu.memory_space<hbm>> -> memref<1x1024xi32, #tpu.memory_space<hbm>>
        %dma_wait3A_424 = tpu.memref_squeeze %dma_wait3A_423 : memref<1x1024xi32, #tpu.memory_space<hbm>> -> memref<1024xi32, #tpu.memory_space<hbm>>
        tpu.wait_dma2 semaphore(%arg19 : memref<!tpu.dma_semaphore, #tpu.memory_space<semaphore_mem>>) src(%dma_wait3A_424 : memref<1024xi32, #tpu.memory_space<hbm>>) dst(%arg13 : memref<1024xi32, #tpu.memory_space<vmem>>)
        %dma_wait3A_425 = arith.constant 1 : i32
        %dma_wait3A_426 = tpu.memref_slice %arg5[%dma_wait3A_425, %mul3A_414] : memref<2x11264xi32, #tpu.memory_space<hbm>> -> memref<1x1024xi32, #tpu.memory_space<hbm>>
        %dma_wait3A_427 = tpu.memref_squeeze %dma_wait3A_426 : memref<1x1024xi32, #tpu.memory_space<hbm>> -> memref<1024xi32, #tpu.memory_space<hbm>>
        %dma_wait3A_428 = tpu.memref_slice %arg5[%dma_wait3A_425, %mul3A_414] : memref<2x11264xi32, #tpu.memory_space<hbm>> -> memref<1x1024xi32, #tpu.memory_space<hbm>>
        %dma_wait3A_429 = tpu.memref_squeeze %dma_wait3A_428 : memref<1x1024xi32, #tpu.memory_space<hbm>> -> memref<1024xi32, #tpu.memory_space<hbm>>
        tpu.wait_dma2 semaphore(%arg19 : memref<!tpu.dma_semaphore, #tpu.memory_space<semaphore_mem>>) src(%dma_wait3A_429 : memref<1024xi32, #tpu.memory_space<hbm>>) dst(%arg15 : memref<1024xi32, #tpu.memory_space<vmem>>)
      } else {
      }
      %dma_start3A_396 = arith.constant 0 : i32
      %dma_start3A_397 = arith.constant 0 : i32
      %dma_start3A_398 = tpu.memref_slice %arg10[%arg0, %dma_start3A_396, %dma_start3A_397] : memref<2x100096x8xf32, #tpu.memory_space<hbm>> -> memref<1x100096x8xf32, #tpu.memory_space<hbm>>
      %dma_start3A_399 = tpu.memref_squeeze %dma_start3A_398 : memref<1x100096x8xf32, #tpu.memory_space<hbm>> -> memref<100096x8xf32, #tpu.memory_space<hbm>>
      %dma_start3A_400 = arith.constant 0 : i32
      %dma_start3A_401 = arith.constant 0 : i32
      %dma_start3A_402 = tpu.memref_slice %dma_start3A_399[%dma_start3A_400, %dma_start3A_401] : memref<100096x8xf32, #tpu.memory_space<hbm>> -> memref<100096x8xf32, #tpu.memory_space<hbm>>
      tpu.enqueue_indirect_dma source(%dma_start3A_402 : memref<100096x8xf32, #tpu.memory_space<hbm>>) target(%arg17 : memref<1024x8xf32, #tpu.memory_space<vmem>>) offsets(%arg13 : memref<1024xi32, #tpu.memory_space<vmem>>) semaphore(%arg21 : memref<!tpu.dma_semaphore, #tpu.memory_space<semaphore_mem>>)
    }
    %scan3A_66 = arith.constant 97 : i32
    %dma_wait3A_67 = arith.constant 0 : i32
    %dma_wait3A_68 = arith.constant 0 : i32
    %dma_wait3A_69 = tpu.memref_slice %arg10[%arg0, %dma_wait3A_67, %dma_wait3A_68] : memref<2x100096x8xf32, #tpu.memory_space<hbm>> -> memref<1x100096x8xf32, #tpu.memory_space<hbm>>
    %dma_wait3A_70 = tpu.memref_squeeze %dma_wait3A_69 : memref<1x100096x8xf32, #tpu.memory_space<hbm>> -> memref<100096x8xf32, #tpu.memory_space<hbm>>
    %dma_wait3A_71 = arith.constant 0 : i32
    %dma_wait3A_72 = arith.constant 0 : i32
    %dma_wait3A_73 = tpu.memref_slice %dma_wait3A_70[%dma_wait3A_71, %dma_wait3A_72] : memref<100096x8xf32, #tpu.memory_space<hbm>> -> memref<100096x8xf32, #tpu.memory_space<hbm>>
    tpu.wait_indirect_dma semaphore(%arg21 : memref<!tpu.dma_semaphore, #tpu.memory_space<semaphore_mem>>) src(%dma_wait3A_73 : memref<100096x8xf32, #tpu.memory_space<hbm>>) dst(%arg17 : memref<1024x8xf32, #tpu.memory_space<vmem>>)
    %dma_start3A_74 = arith.constant 0 : i32
    %dma_start3A_75 = arith.constant 0 : i32
    %dma_start3A_76 = tpu.memref_slice %arg11[%dma_start3A_74, %dma_start3A_75] : memref<100096x8xf32, #tpu.memory_space<vmem_shared>> -> memref<100096x8xf32, #tpu.memory_space<vmem_shared>>
    tpu.enqueue_indirect_dma source(%arg17 : memref<1024x8xf32, #tpu.memory_space<vmem>>) target(%dma_start3A_76 : memref<100096x8xf32, #tpu.memory_space<vmem_shared>>) offsets(%arg15 : memref<1024xi32, #tpu.memory_space<vmem>>) semaphore(%arg23 : memref<!tpu.dma_semaphore, #tpu.memory_space<semaphore_mem>>) {add = true}
    %dma_wait3A_77 = arith.constant 0 : i32
    %dma_wait3A_78 = arith.constant 0 : i32
    %dma_wait3A_79 = tpu.memref_slice %arg11[%dma_wait3A_77, %dma_wait3A_78] : memref<100096x8xf32, #tpu.memory_space<vmem_shared>> -> memref<100096x8xf32, #tpu.memory_space<vmem_shared>>
    tpu.wait_indirect_dma semaphore(%arg22 : memref<!tpu.dma_semaphore, #tpu.memory_space<semaphore_mem>>) src(%arg16 : memref<1024x8xf32, #tpu.memory_space<vmem>>) dst(%dma_wait3A_79 : memref<100096x8xf32, #tpu.memory_space<vmem_shared>>)
    %dma_wait3A_80 = arith.constant 0 : i32
    %dma_wait3A_81 = arith.constant 0 : i32
    %dma_wait3A_82 = tpu.memref_slice %arg11[%dma_wait3A_80, %dma_wait3A_81] : memref<100096x8xf32, #tpu.memory_space<vmem_shared>> -> memref<100096x8xf32, #tpu.memory_space<vmem_shared>>
    tpu.wait_indirect_dma semaphore(%arg23 : memref<!tpu.dma_semaphore, #tpu.memory_space<semaphore_mem>>) src(%arg17 : memref<1024x8xf32, #tpu.memory_space<vmem>>) dst(%dma_wait3A_82 : memref<100096x8xf32, #tpu.memory_space<vmem_shared>>)
    %barrier3A_83 = arith.constant 0 : index
    tpu.barrier barrier_id(%barrier3A_83)
    %mul3A_84 = arith.constant 6256 : i32
    %mul3A_85 = arith.muli %arg1, %mul3A_84 : i32
    %mul3A_86 = arith.constant 6256 : i32
    %mul3A_87 = arith.muli %arg1, %mul3A_86 : i32
    "tpu.region"() ({
      %run_scoped3A = tpu.sem_alloc : memref<!tpu.dma_semaphore, #tpu.memory_space<semaphore_mem>>
      %dma_start3A_328 = arith.constant 0 : i32
      %dma_start3A_329 = tpu.memref_slice %arg7[%arg0, %mul3A_87, %dma_start3A_328] : memref<2x100096x8xf32, #tpu.memory_space<hbm>> -> memref<1x6256x8xf32, #tpu.memory_space<hbm>>
      %dma_start3A_330 = tpu.memref_squeeze %dma_start3A_329 : memref<1x6256x8xf32, #tpu.memory_space<hbm>> -> memref<6256x8xf32, #tpu.memory_space<hbm>>
      %dma_start3A_331 = arith.constant 0 : i32
      %dma_start3A_332 = tpu.memref_slice %arg11[%mul3A_85, %dma_start3A_331] : memref<100096x8xf32, #tpu.memory_space<vmem_shared>> -> memref<6256x8xf32, #tpu.memory_space<vmem_shared>>
      tpu.enqueue_dma source(%dma_start3A_332 : memref<6256x8xf32, #tpu.memory_space<vmem_shared>>) target(%dma_start3A_330 : memref<6256x8xf32, #tpu.memory_space<hbm>>) target_semaphore(%run_scoped3A : memref<!tpu.dma_semaphore, #tpu.memory_space<semaphore_mem>>)
      %dma_wait3A_333 = arith.constant 0 : i32
      %dma_wait3A_334 = tpu.memref_slice %arg7[%arg0, %mul3A_87, %dma_wait3A_333] : memref<2x100096x8xf32, #tpu.memory_space<hbm>> -> memref<1x6256x8xf32, #tpu.memory_space<hbm>>
      %dma_wait3A_335 = tpu.memref_squeeze %dma_wait3A_334 : memref<1x6256x8xf32, #tpu.memory_space<hbm>> -> memref<6256x8xf32, #tpu.memory_space<hbm>>
      %dma_wait3A_336 = arith.constant 0 : i32
      %dma_wait3A_337 = tpu.memref_slice %arg11[%mul3A_85, %dma_wait3A_336] : memref<100096x8xf32, #tpu.memory_space<vmem_shared>> -> memref<6256x8xf32, #tpu.memory_space<vmem_shared>>
      tpu.wait_dma2 semaphore(%run_scoped3A : memref<!tpu.dma_semaphore, #tpu.memory_space<semaphore_mem>>) src(%dma_wait3A_337 : memref<6256x8xf32, #tpu.memory_space<vmem_shared>>) dst(%dma_wait3A_335 : memref<6256x8xf32, #tpu.memory_space<hbm>>)
      tpu.yield
    }) : () -> ()
    %mul3A_88 = arith.constant 6256 : i32
    %mul3A_89 = arith.muli %arg1, %mul3A_88 : i32
    %mul3A_90 = arith.constant 6256 : i32
    %mul3A_91 = arith.muli %arg1, %mul3A_90 : i32
    "tpu.region"() ({
      %run_scoped3A = tpu.sem_alloc : memref<!tpu.dma_semaphore, #tpu.memory_space<semaphore_mem>>
      %dma_start3A_328 = arith.constant 0 : i32
      %dma_start3A_329 = tpu.memref_slice %arg11[%mul3A_91, %dma_start3A_328] : memref<100096x8xf32, #tpu.memory_space<vmem_shared>> -> memref<6256x8xf32, #tpu.memory_space<vmem_shared>>
      %dma_start3A_330 = arith.constant 0 : i32
      %dma_start3A_331 = tpu.memref_slice %arg6[%mul3A_89, %dma_start3A_330] : memref<100096x8xf32, #tpu.memory_space<hbm>> -> memref<6256x8xf32, #tpu.memory_space<hbm>>
      tpu.enqueue_dma source(%dma_start3A_331 : memref<6256x8xf32, #tpu.memory_space<hbm>>) target(%dma_start3A_329 : memref<6256x8xf32, #tpu.memory_space<vmem_shared>>) target_semaphore(%run_scoped3A : memref<!tpu.dma_semaphore, #tpu.memory_space<semaphore_mem>>)
      %dma_wait3A_332 = arith.constant 0 : i32
      %dma_wait3A_333 = tpu.memref_slice %arg11[%mul3A_91, %dma_wait3A_332] : memref<100096x8xf32, #tpu.memory_space<vmem_shared>> -> memref<6256x8xf32, #tpu.memory_space<vmem_shared>>
      %dma_wait3A_334 = arith.constant 0 : i32
      %dma_wait3A_335 = tpu.memref_slice %arg6[%mul3A_89, %dma_wait3A_334] : memref<100096x8xf32, #tpu.memory_space<hbm>> -> memref<6256x8xf32, #tpu.memory_space<hbm>>
      tpu.wait_dma2 semaphore(%run_scoped3A : memref<!tpu.dma_semaphore, #tpu.memory_space<semaphore_mem>>) src(%dma_wait3A_335 : memref<6256x8xf32, #tpu.memory_space<hbm>>) dst(%dma_wait3A_333 : memref<6256x8xf32, #tpu.memory_space<vmem_shared>>)
      tpu.yield
    }) : () -> ()
    %barrier3A_92 = arith.constant 0 : index
    tpu.barrier barrier_id(%barrier3A_92)
    %add3A_93 = arith.constant 0 : i32
    %add3A_94 = arith.addi %mul3A_0, %add3A_93 : i32
    %lt3A_95 = arith.constant 25000 : i32
    %lt3A_96 = arith.cmpi slt, %add3A_94, %lt3A_95 : i32
    %convert_element_type3A_97 = arith.extui %lt3A_96 : i1 to i32
    %cond3A_98 = arith.constant 0 : i32
    %cond3A_99 = arith.cmpi ne, %convert_element_type3A_97, %cond3A_98 : i32
    scf.if %cond3A_99 {
      %mul3A_328 = arith.constant 128 : i32
      %mul3A_329 = arith.muli %add3A_94, %mul3A_328 : i32
      %dma_start3A_330 = tpu.memref_slice %arg3[%mul3A_329] : memref<3200000xi32, #tpu.memory_space<hbm>> -> memref<1024xi32, #tpu.memory_space<hbm>>
      %dma_start3A_331 = tpu.memref_slice %arg3[%mul3A_329] : memref<3200000xi32, #tpu.memory_space<hbm>> -> memref<1024xi32, #tpu.memory_space<hbm>>
      tpu.enqueue_dma source(%dma_start3A_331 : memref<1024xi32, #tpu.memory_space<hbm>>) target(%arg12 : memref<1024xi32, #tpu.memory_space<vmem>>) target_semaphore(%arg19 : memref<!tpu.dma_semaphore, #tpu.memory_space<semaphore_mem>>)
      %mul3A_332 = arith.constant 128 : i32
      %mul3A_333 = arith.muli %add3A_94, %mul3A_332 : i32
      %dma_start3A_334 = tpu.memref_slice %arg4[%mul3A_333] : memref<3200000xi32, #tpu.memory_space<hbm>> -> memref<1024xi32, #tpu.memory_space<hbm>>
      %dma_start3A_335 = tpu.memref_slice %arg4[%mul3A_333] : memref<3200000xi32, #tpu.memory_space<hbm>> -> memref<1024xi32, #tpu.memory_space<hbm>>
      tpu.enqueue_dma source(%dma_start3A_335 : memref<1024xi32, #tpu.memory_space<hbm>>) target(%arg14 : memref<1024xi32, #tpu.memory_space<vmem>>) target_semaphore(%arg19 : memref<!tpu.dma_semaphore, #tpu.memory_space<semaphore_mem>>)
      %dma_wait3A_336 = tpu.memref_slice %arg3[%mul3A_329] : memref<3200000xi32, #tpu.memory_space<hbm>> -> memref<1024xi32, #tpu.memory_space<hbm>>
      %dma_wait3A_337 = tpu.memref_slice %arg3[%mul3A_329] : memref<3200000xi32, #tpu.memory_space<hbm>> -> memref<1024xi32, #tpu.memory_space<hbm>>
      tpu.wait_dma2 semaphore(%arg19 : memref<!tpu.dma_semaphore, #tpu.memory_space<semaphore_mem>>) src(%dma_wait3A_337 : memref<1024xi32, #tpu.memory_space<hbm>>) dst(%arg12 : memref<1024xi32, #tpu.memory_space<vmem>>)
      %dma_wait3A_338 = tpu.memref_slice %arg4[%mul3A_333] : memref<3200000xi32, #tpu.memory_space<hbm>> -> memref<1024xi32, #tpu.memory_space<hbm>>
      %dma_wait3A_339 = tpu.memref_slice %arg4[%mul3A_333] : memref<3200000xi32, #tpu.memory_space<hbm>> -> memref<1024xi32, #tpu.memory_space<hbm>>
      tpu.wait_dma2 semaphore(%arg19 : memref<!tpu.dma_semaphore, #tpu.memory_space<semaphore_mem>>) src(%dma_wait3A_339 : memref<1024xi32, #tpu.memory_space<hbm>>) dst(%arg14 : memref<1024xi32, #tpu.memory_space<vmem>>)
    } else {
    }
    %ge3A_100 = arith.constant 25000 : i32
    %ge3A_101 = arith.cmpi sge, %add3A_94, %ge3A_100 : i32
    %convert_element_type3A_102 = arith.extui %ge3A_101 : i1 to i32
    %cond3A_103 = arith.constant 0 : i32
    %cond3A_104 = arith.cmpi ne, %convert_element_type3A_102, %cond3A_103 : i32
    scf.if %cond3A_104 {
      %sub3A = arith.constant 25000 : i32
      %sub3A_328 = arith.subi %add3A_94, %sub3A : i32
      %mul3A_329 = arith.constant 128 : i32
      %mul3A_330 = arith.muli %sub3A_328, %mul3A_329 : i32
      %dma_start3A_331 = arith.constant 0 : i32
      %dma_start3A_332 = tpu.memref_slice %arg5[%dma_start3A_331, %mul3A_330] : memref<2x11264xi32, #tpu.memory_space<hbm>> -> memref<1x1024xi32, #tpu.memory_space<hbm>>
      %dma_start3A_333 = tpu.memref_squeeze %dma_start3A_332 : memref<1x1024xi32, #tpu.memory_space<hbm>> -> memref<1024xi32, #tpu.memory_space<hbm>>
      %dma_start3A_334 = tpu.memref_slice %arg5[%dma_start3A_331, %mul3A_330] : memref<2x11264xi32, #tpu.memory_space<hbm>> -> memref<1x1024xi32, #tpu.memory_space<hbm>>
      %dma_start3A_335 = tpu.memref_squeeze %dma_start3A_334 : memref<1x1024xi32, #tpu.memory_space<hbm>> -> memref<1024xi32, #tpu.memory_space<hbm>>
      tpu.enqueue_dma source(%dma_start3A_335 : memref<1024xi32, #tpu.memory_space<hbm>>) target(%arg12 : memref<1024xi32, #tpu.memory_space<vmem>>) target_semaphore(%arg19 : memref<!tpu.dma_semaphore, #tpu.memory_space<semaphore_mem>>)
      %sub3A_336 = arith.constant 25000 : i32
      %sub3A_337 = arith.subi %add3A_94, %sub3A_336 : i32
      %mul3A_338 = arith.constant 128 : i32
      %mul3A_339 = arith.muli %sub3A_337, %mul3A_338 : i32
      %dma_start3A_340 = arith.constant 1 : i32
      %dma_start3A_341 = tpu.memref_slice %arg5[%dma_start3A_340, %mul3A_339] : memref<2x11264xi32, #tpu.memory_space<hbm>> -> memref<1x1024xi32, #tpu.memory_space<hbm>>
      %dma_start3A_342 = tpu.memref_squeeze %dma_start3A_341 : memref<1x1024xi32, #tpu.memory_space<hbm>> -> memref<1024xi32, #tpu.memory_space<hbm>>
      %dma_start3A_343 = tpu.memref_slice %arg5[%dma_start3A_340, %mul3A_339] : memref<2x11264xi32, #tpu.memory_space<hbm>> -> memref<1x1024xi32, #tpu.memory_space<hbm>>
      %dma_start3A_344 = tpu.memref_squeeze %dma_start3A_343 : memref<1x1024xi32, #tpu.memory_space<hbm>> -> memref<1024xi32, #tpu.memory_space<hbm>>
      tpu.enqueue_dma source(%dma_start3A_344 : memref<1024xi32, #tpu.memory_space<hbm>>) target(%arg14 : memref<1024xi32, #tpu.memory_space<vmem>>) target_semaphore(%arg19 : memref<!tpu.dma_semaphore, #tpu.memory_space<semaphore_mem>>)
      %dma_wait3A_345 = arith.constant 0 : i32
      %dma_wait3A_346 = tpu.memref_slice %arg5[%dma_wait3A_345, %mul3A_330] : memref<2x11264xi32, #tpu.memory_space<hbm>> -> memref<1x1024xi32, #tpu.memory_space<hbm>>
      %dma_wait3A_347 = tpu.memref_squeeze %dma_wait3A_346 : memref<1x1024xi32, #tpu.memory_space<hbm>> -> memref<1024xi32, #tpu.memory_space<hbm>>
      %dma_wait3A_348 = tpu.memref_slice %arg5[%dma_wait3A_345, %mul3A_330] : memref<2x11264xi32, #tpu.memory_space<hbm>> -> memref<1x1024xi32, #tpu.memory_space<hbm>>
      %dma_wait3A_349 = tpu.memref_squeeze %dma_wait3A_348 : memref<1x1024xi32, #tpu.memory_space<hbm>> -> memref<1024xi32, #tpu.memory_space<hbm>>
      tpu.wait_dma2 semaphore(%arg19 : memref<!tpu.dma_semaphore, #tpu.memory_space<semaphore_mem>>) src(%dma_wait3A_349 : memref<1024xi32, #tpu.memory_space<hbm>>) dst(%arg12 : memref<1024xi32, #tpu.memory_space<vmem>>)
      %dma_wait3A_350 = arith.constant 1 : i32
      %dma_wait3A_351 = tpu.memref_slice %arg5[%dma_wait3A_350, %mul3A_339] : memref<2x11264xi32, #tpu.memory_space<hbm>> -> memref<1x1024xi32, #tpu.memory_space<hbm>>
      %dma_wait3A_352 = tpu.memref_squeeze %dma_wait3A_351 : memref<1x1024xi32, #tpu.memory_space<hbm>> -> memref<1024xi32, #tpu.memory_space<hbm>>
      %dma_wait3A_353 = tpu.memref_slice %arg5[%dma_wait3A_350, %mul3A_339] : memref<2x11264xi32, #tpu.memory_space<hbm>> -> memref<1x1024xi32, #tpu.memory_space<hbm>>
      %dma_wait3A_354 = tpu.memref_squeeze %dma_wait3A_353 : memref<1x1024xi32, #tpu.memory_space<hbm>> -> memref<1024xi32, #tpu.memory_space<hbm>>
      tpu.wait_dma2 semaphore(%arg19 : memref<!tpu.dma_semaphore, #tpu.memory_space<semaphore_mem>>) src(%dma_wait3A_354 : memref<1024xi32, #tpu.memory_space<hbm>>) dst(%arg14 : memref<1024xi32, #tpu.memory_space<vmem>>)
    } else {
    }
    %dma_start3A_105 = arith.constant 0 : i32
    %dma_start3A_106 = arith.constant 0 : i32
    %dma_start3A_107 = tpu.memref_slice %arg7[%arg0, %dma_start3A_105, %dma_start3A_106] : memref<2x100096x8xf32, #tpu.memory_space<hbm>> -> memref<1x100096x8xf32, #tpu.memory_space<hbm>>
    %dma_start3A_108 = tpu.memref_squeeze %dma_start3A_107 : memref<1x100096x8xf32, #tpu.memory_space<hbm>> -> memref<100096x8xf32, #tpu.memory_space<hbm>>
    %dma_start3A_109 = arith.constant 0 : i32
    %dma_start3A_110 = arith.constant 0 : i32
    %dma_start3A_111 = tpu.memref_slice %dma_start3A_108[%dma_start3A_109, %dma_start3A_110] : memref<100096x8xf32, #tpu.memory_space<hbm>> -> memref<100096x8xf32, #tpu.memory_space<hbm>>
    tpu.enqueue_indirect_dma source(%dma_start3A_111 : memref<100096x8xf32, #tpu.memory_space<hbm>>) target(%arg16 : memref<1024x8xf32, #tpu.memory_space<vmem>>) offsets(%arg12 : memref<1024xi32, #tpu.memory_space<vmem>>) semaphore(%arg20 : memref<!tpu.dma_semaphore, #tpu.memory_space<semaphore_mem>>)
    %dma_wait3A_112 = arith.constant 0 : i32
    %dma_wait3A_113 = arith.constant 0 : i32
    %dma_wait3A_114 = tpu.memref_slice %arg7[%arg0, %dma_wait3A_112, %dma_wait3A_113] : memref<2x100096x8xf32, #tpu.memory_space<hbm>> -> memref<1x100096x8xf32, #tpu.memory_space<hbm>>
    %dma_wait3A_115 = tpu.memref_squeeze %dma_wait3A_114 : memref<1x100096x8xf32, #tpu.memory_space<hbm>> -> memref<100096x8xf32, #tpu.memory_space<hbm>>
    %dma_wait3A_116 = arith.constant 0 : i32
    %dma_wait3A_117 = arith.constant 0 : i32
    %dma_wait3A_118 = tpu.memref_slice %dma_wait3A_115[%dma_wait3A_116, %dma_wait3A_117] : memref<100096x8xf32, #tpu.memory_space<hbm>> -> memref<100096x8xf32, #tpu.memory_space<hbm>>
    tpu.wait_indirect_dma semaphore(%arg20 : memref<!tpu.dma_semaphore, #tpu.memory_space<semaphore_mem>>) src(%dma_wait3A_118 : memref<100096x8xf32, #tpu.memory_space<hbm>>) dst(%arg16 : memref<1024x8xf32, #tpu.memory_space<vmem>>)
    %dma_start3A_119 = arith.constant 0 : i32
    %dma_start3A_120 = arith.constant 0 : i32
    %dma_start3A_121 = tpu.memref_slice %arg11[%dma_start3A_119, %dma_start3A_120] : memref<100096x8xf32, #tpu.memory_space<vmem_shared>> -> memref<100096x8xf32, #tpu.memory_space<vmem_shared>>
    tpu.enqueue_indirect_dma source(%arg16 : memref<1024x8xf32, #tpu.memory_space<vmem>>) target(%dma_start3A_121 : memref<100096x8xf32, #tpu.memory_space<vmem_shared>>) offsets(%arg14 : memref<1024xi32, #tpu.memory_space<vmem>>) semaphore(%arg22 : memref<!tpu.dma_semaphore, #tpu.memory_space<semaphore_mem>>) {add = true}
    %add3A_122 = arith.constant 8 : i32
    %add3A_123 = arith.addi %mul3A_0, %add3A_122 : i32
    %lt3A_124 = arith.constant 25000 : i32
    %lt3A_125 = arith.cmpi slt, %add3A_123, %lt3A_124 : i32
    %convert_element_type3A_126 = arith.extui %lt3A_125 : i1 to i32
    %cond3A_127 = arith.constant 0 : i32
    %cond3A_128 = arith.cmpi ne, %convert_element_type3A_126, %cond3A_127 : i32
    scf.if %cond3A_128 {
      %mul3A_328 = arith.constant 128 : i32
      %mul3A_329 = arith.muli %add3A_123, %mul3A_328 : i32
      %dma_start3A_330 = tpu.memref_slice %arg3[%mul3A_329] : memref<3200000xi32, #tpu.memory_space<hbm>> -> memref<1024xi32, #tpu.memory_space<hbm>>
      %dma_start3A_331 = tpu.memref_slice %arg3[%mul3A_329] : memref<3200000xi32, #tpu.memory_space<hbm>> -> memref<1024xi32, #tpu.memory_space<hbm>>
      tpu.enqueue_dma source(%dma_start3A_331 : memref<1024xi32, #tpu.memory_space<hbm>>) target(%arg13 : memref<1024xi32, #tpu.memory_space<vmem>>) target_semaphore(%arg19 : memref<!tpu.dma_semaphore, #tpu.memory_space<semaphore_mem>>)
      %mul3A_332 = arith.constant 128 : i32
      %mul3A_333 = arith.muli %add3A_123, %mul3A_332 : i32
      %dma_start3A_334 = tpu.memref_slice %arg4[%mul3A_333] : memref<3200000xi32, #tpu.memory_space<hbm>> -> memref<1024xi32, #tpu.memory_space<hbm>>
      %dma_start3A_335 = tpu.memref_slice %arg4[%mul3A_333] : memref<3200000xi32, #tpu.memory_space<hbm>> -> memref<1024xi32, #tpu.memory_space<hbm>>
      tpu.enqueue_dma source(%dma_start3A_335 : memref<1024xi32, #tpu.memory_space<hbm>>) target(%arg15 : memref<1024xi32, #tpu.memory_space<vmem>>) target_semaphore(%arg19 : memref<!tpu.dma_semaphore, #tpu.memory_space<semaphore_mem>>)
      %dma_wait3A_336 = tpu.memref_slice %arg3[%mul3A_329] : memref<3200000xi32, #tpu.memory_space<hbm>> -> memref<1024xi32, #tpu.memory_space<hbm>>
      %dma_wait3A_337 = tpu.memref_slice %arg3[%mul3A_329] : memref<3200000xi32, #tpu.memory_space<hbm>> -> memref<1024xi32, #tpu.memory_space<hbm>>
      tpu.wait_dma2 semaphore(%arg19 : memref<!tpu.dma_semaphore, #tpu.memory_space<semaphore_mem>>) src(%dma_wait3A_337 : memref<1024xi32, #tpu.memory_space<hbm>>) dst(%arg13 : memref<1024xi32, #tpu.memory_space<vmem>>)
      %dma_wait3A_338 = tpu.memref_slice %arg4[%mul3A_333] : memref<3200000xi32, #tpu.memory_space<hbm>> -> memref<1024xi32, #tpu.memory_space<hbm>>
      %dma_wait3A_339 = tpu.memref_slice %arg4[%mul3A_333] : memref<3200000xi32, #tpu.memory_space<hbm>> -> memref<1024xi32, #tpu.memory_space<hbm>>
      tpu.wait_dma2 semaphore(%arg19 : memref<!tpu.dma_semaphore, #tpu.memory_space<semaphore_mem>>) src(%dma_wait3A_339 : memref<1024xi32, #tpu.memory_space<hbm>>) dst(%arg15 : memref<1024xi32, #tpu.memory_space<vmem>>)
    } else {
    }
    %ge3A_129 = arith.constant 25000 : i32
    %ge3A_130 = arith.cmpi sge, %add3A_123, %ge3A_129 : i32
    %convert_element_type3A_131 = arith.extui %ge3A_130 : i1 to i32
    %cond3A_132 = arith.constant 0 : i32
    %cond3A_133 = arith.cmpi ne, %convert_element_type3A_131, %cond3A_132 : i32
    scf.if %cond3A_133 {
      %sub3A = arith.constant 25000 : i32
      %sub3A_328 = arith.subi %add3A_123, %sub3A : i32
      %mul3A_329 = arith.constant 128 : i32
      %mul3A_330 = arith.muli %sub3A_328, %mul3A_329 : i32
      %dma_start3A_331 = arith.constant 0 : i32
      %dma_start3A_332 = tpu.memref_slice %arg5[%dma_start3A_331, %mul3A_330] : memref<2x11264xi32, #tpu.memory_space<hbm>> -> memref<1x1024xi32, #tpu.memory_space<hbm>>
      %dma_start3A_333 = tpu.memref_squeeze %dma_start3A_332 : memref<1x1024xi32, #tpu.memory_space<hbm>> -> memref<1024xi32, #tpu.memory_space<hbm>>
      %dma_start3A_334 = tpu.memref_slice %arg5[%dma_start3A_331, %mul3A_330] : memref<2x11264xi32, #tpu.memory_space<hbm>> -> memref<1x1024xi32, #tpu.memory_space<hbm>>
      %dma_start3A_335 = tpu.memref_squeeze %dma_start3A_334 : memref<1x1024xi32, #tpu.memory_space<hbm>> -> memref<1024xi32, #tpu.memory_space<hbm>>
      tpu.enqueue_dma source(%dma_start3A_335 : memref<1024xi32, #tpu.memory_space<hbm>>) target(%arg13 : memref<1024xi32, #tpu.memory_space<vmem>>) target_semaphore(%arg19 : memref<!tpu.dma_semaphore, #tpu.memory_space<semaphore_mem>>)
      %sub3A_336 = arith.constant 25000 : i32
      %sub3A_337 = arith.subi %add3A_123, %sub3A_336 : i32
      %mul3A_338 = arith.constant 128 : i32
      %mul3A_339 = arith.muli %sub3A_337, %mul3A_338 : i32
      %dma_start3A_340 = arith.constant 1 : i32
      %dma_start3A_341 = tpu.memref_slice %arg5[%dma_start3A_340, %mul3A_339] : memref<2x11264xi32, #tpu.memory_space<hbm>> -> memref<1x1024xi32, #tpu.memory_space<hbm>>
      %dma_start3A_342 = tpu.memref_squeeze %dma_start3A_341 : memref<1x1024xi32, #tpu.memory_space<hbm>> -> memref<1024xi32, #tpu.memory_space<hbm>>
      %dma_start3A_343 = tpu.memref_slice %arg5[%dma_start3A_340, %mul3A_339] : memref<2x11264xi32, #tpu.memory_space<hbm>> -> memref<1x1024xi32, #tpu.memory_space<hbm>>
      %dma_start3A_344 = tpu.memref_squeeze %dma_start3A_343 : memref<1x1024xi32, #tpu.memory_space<hbm>> -> memref<1024xi32, #tpu.memory_space<hbm>>
      tpu.enqueue_dma source(%dma_start3A_344 : memref<1024xi32, #tpu.memory_space<hbm>>) target(%arg15 : memref<1024xi32, #tpu.memory_space<vmem>>) target_semaphore(%arg19 : memref<!tpu.dma_semaphore, #tpu.memory_space<semaphore_mem>>)
      %dma_wait3A_345 = arith.constant 0 : i32
      %dma_wait3A_346 = tpu.memref_slice %arg5[%dma_wait3A_345, %mul3A_330] : memref<2x11264xi32, #tpu.memory_space<hbm>> -> memref<1x1024xi32, #tpu.memory_space<hbm>>
      %dma_wait3A_347 = tpu.memref_squeeze %dma_wait3A_346 : memref<1x1024xi32, #tpu.memory_space<hbm>> -> memref<1024xi32, #tpu.memory_space<hbm>>
      %dma_wait3A_348 = tpu.memref_slice %arg5[%dma_wait3A_345, %mul3A_330] : memref<2x11264xi32, #tpu.memory_space<hbm>> -> memref<1x1024xi32, #tpu.memory_space<hbm>>
      %dma_wait3A_349 = tpu.memref_squeeze %dma_wait3A_348 : memref<1x1024xi32, #tpu.memory_space<hbm>> -> memref<1024xi32, #tpu.memory_space<hbm>>
      tpu.wait_dma2 semaphore(%arg19 : memref<!tpu.dma_semaphore, #tpu.memory_space<semaphore_mem>>) src(%dma_wait3A_349 : memref<1024xi32, #tpu.memory_space<hbm>>) dst(%arg13 : memref<1024xi32, #tpu.memory_space<vmem>>)
      %dma_wait3A_350 = arith.constant 1 : i32
      %dma_wait3A_351 = tpu.memref_slice %arg5[%dma_wait3A_350, %mul3A_339] : memref<2x11264xi32, #tpu.memory_space<hbm>> -> memref<1x1024xi32, #tpu.memory_space<hbm>>
      %dma_wait3A_352 = tpu.memref_squeeze %dma_wait3A_351 : memref<1x1024xi32, #tpu.memory_space<hbm>> -> memref<1024xi32, #tpu.memory_space<hbm>>
      %dma_wait3A_353 = tpu.memref_slice %arg5[%dma_wait3A_350, %mul3A_339] : memref<2x11264xi32, #tpu.memory_space<hbm>> -> memref<1x1024xi32, #tpu.memory_space<hbm>>
      %dma_wait3A_354 = tpu.memref_squeeze %dma_wait3A_353 : memref<1x1024xi32, #tpu.memory_space<hbm>> -> memref<1024xi32, #tpu.memory_space<hbm>>
      tpu.wait_dma2 semaphore(%arg19 : memref<!tpu.dma_semaphore, #tpu.memory_space<semaphore_mem>>) src(%dma_wait3A_354 : memref<1024xi32, #tpu.memory_space<hbm>>) dst(%arg15 : memref<1024xi32, #tpu.memory_space<vmem>>)
    } else {
    }
    %dma_start3A_134 = arith.constant 0 : i32
    %dma_start3A_135 = arith.constant 0 : i32
    %dma_start3A_136 = tpu.memref_slice %arg7[%arg0, %dma_start3A_134, %dma_start3A_135] : memref<2x100096x8xf32, #tpu.memory_space<hbm>> -> memref<1x100096x8xf32, #tpu.memory_space<hbm>>
    %dma_start3A_137 = tpu.memref_squeeze %dma_start3A_136 : memref<1x100096x8xf32, #tpu.memory_space<hbm>> -> memref<100096x8xf32, #tpu.memory_space<hbm>>
    %dma_start3A_138 = arith.constant 0 : i32
    %dma_start3A_139 = arith.constant 0 : i32
    %dma_start3A_140 = tpu.memref_slice %dma_start3A_137[%dma_start3A_138, %dma_start3A_139] : memref<100096x8xf32, #tpu.memory_space<hbm>> -> memref<100096x8xf32, #tpu.memory_space<hbm>>
    tpu.enqueue_indirect_dma source(%dma_start3A_140 : memref<100096x8xf32, #tpu.memory_space<hbm>>) target(%arg17 : memref<1024x8xf32, #tpu.memory_space<vmem>>) offsets(%arg13 : memref<1024xi32, #tpu.memory_space<vmem>>) semaphore(%arg21 : memref<!tpu.dma_semaphore, #tpu.memory_space<semaphore_mem>>)
    %scan3A_141 = arith.constant 0 : i32
    %scan3A_142 = arith.constant 0 : i32
    %scan3A_143 = arith.constant 97 : i32
    %scan3A_144 = arith.addi %scan3A_142, %scan3A_143 : i32
    %scan3A_145 = arith.constant 1 : i32
    scf.for %scan3A_328 = %scan3A_142 to %scan3A_144 step %scan3A_145  : i32 {
      %mul3A_329 = arith.constant 2 : i32
      %mul3A_330 = arith.muli %mul3A_329, %scan3A_328 : i32
      %add3A_331 = arith.constant 2 : i32
      %add3A_332 = arith.addi %add3A_331, %mul3A_330 : i32
      %dma_wait3A_333 = arith.constant 0 : i32
      %dma_wait3A_334 = arith.constant 0 : i32
      %dma_wait3A_335 = tpu.memref_slice %arg7[%arg0, %dma_wait3A_333, %dma_wait3A_334] : memref<2x100096x8xf32, #tpu.memory_space<hbm>> -> memref<1x100096x8xf32, #tpu.memory_space<hbm>>
      %dma_wait3A_336 = tpu.memref_squeeze %dma_wait3A_335 : memref<1x100096x8xf32, #tpu.memory_space<hbm>> -> memref<100096x8xf32, #tpu.memory_space<hbm>>
      %dma_wait3A_337 = arith.constant 0 : i32
      %dma_wait3A_338 = arith.constant 0 : i32
      %dma_wait3A_339 = tpu.memref_slice %dma_wait3A_336[%dma_wait3A_337, %dma_wait3A_338] : memref<100096x8xf32, #tpu.memory_space<hbm>> -> memref<100096x8xf32, #tpu.memory_space<hbm>>
      tpu.wait_indirect_dma semaphore(%arg21 : memref<!tpu.dma_semaphore, #tpu.memory_space<semaphore_mem>>) src(%dma_wait3A_339 : memref<100096x8xf32, #tpu.memory_space<hbm>>) dst(%arg17 : memref<1024x8xf32, #tpu.memory_space<vmem>>)
      %dma_start3A_340 = arith.constant 0 : i32
      %dma_start3A_341 = arith.constant 0 : i32
      %dma_start3A_342 = tpu.memref_slice %arg11[%dma_start3A_340, %dma_start3A_341] : memref<100096x8xf32, #tpu.memory_space<vmem_shared>> -> memref<100096x8xf32, #tpu.memory_space<vmem_shared>>
      tpu.enqueue_indirect_dma source(%arg17 : memref<1024x8xf32, #tpu.memory_space<vmem>>) target(%dma_start3A_342 : memref<100096x8xf32, #tpu.memory_space<vmem_shared>>) offsets(%arg15 : memref<1024xi32, #tpu.memory_space<vmem>>) semaphore(%arg23 : memref<!tpu.dma_semaphore, #tpu.memory_space<semaphore_mem>>) {add = true}
      %dma_wait3A_343 = arith.constant 0 : i32
      %dma_wait3A_344 = arith.constant 0 : i32
      %dma_wait3A_345 = tpu.memref_slice %arg11[%dma_wait3A_343, %dma_wait3A_344] : memref<100096x8xf32, #tpu.memory_space<vmem_shared>> -> memref<100096x8xf32, #tpu.memory_space<vmem_shared>>
      tpu.wait_indirect_dma semaphore(%arg22 : memref<!tpu.dma_semaphore, #tpu.memory_space<semaphore_mem>>) src(%arg16 : memref<1024x8xf32, #tpu.memory_space<vmem>>) dst(%dma_wait3A_345 : memref<100096x8xf32, #tpu.memory_space<vmem_shared>>)
      %mul3A_346 = arith.constant 8 : i32
      %mul3A_347 = arith.muli %add3A_332, %mul3A_346 : i32
      %add3A_348 = arith.addi %mul3A_0, %mul3A_347 : i32
      %lt3A_349 = arith.constant 25000 : i32
      %lt3A_350 = arith.cmpi slt, %add3A_348, %lt3A_349 : i32
      %convert_element_type3A_351 = arith.extui %lt3A_350 : i1 to i32
      %cond3A_352 = arith.constant 0 : i32
      %cond3A_353 = arith.cmpi ne, %convert_element_type3A_351, %cond3A_352 : i32
      scf.if %cond3A_353 {
        %mul3A_403 = arith.constant 128 : i32
        %mul3A_404 = arith.muli %add3A_348, %mul3A_403 : i32
        %dma_start3A_405 = tpu.memref_slice %arg3[%mul3A_404] : memref<3200000xi32, #tpu.memory_space<hbm>> -> memref<1024xi32, #tpu.memory_space<hbm>>
        %dma_start3A_406 = tpu.memref_slice %arg3[%mul3A_404] : memref<3200000xi32, #tpu.memory_space<hbm>> -> memref<1024xi32, #tpu.memory_space<hbm>>
        tpu.enqueue_dma source(%dma_start3A_406 : memref<1024xi32, #tpu.memory_space<hbm>>) target(%arg12 : memref<1024xi32, #tpu.memory_space<vmem>>) target_semaphore(%arg19 : memref<!tpu.dma_semaphore, #tpu.memory_space<semaphore_mem>>)
        %mul3A_407 = arith.constant 128 : i32
        %mul3A_408 = arith.muli %add3A_348, %mul3A_407 : i32
        %dma_start3A_409 = tpu.memref_slice %arg4[%mul3A_408] : memref<3200000xi32, #tpu.memory_space<hbm>> -> memref<1024xi32, #tpu.memory_space<hbm>>
        %dma_start3A_410 = tpu.memref_slice %arg4[%mul3A_408] : memref<3200000xi32, #tpu.memory_space<hbm>> -> memref<1024xi32, #tpu.memory_space<hbm>>
        tpu.enqueue_dma source(%dma_start3A_410 : memref<1024xi32, #tpu.memory_space<hbm>>) target(%arg14 : memref<1024xi32, #tpu.memory_space<vmem>>) target_semaphore(%arg19 : memref<!tpu.dma_semaphore, #tpu.memory_space<semaphore_mem>>)
        %dma_wait3A_411 = tpu.memref_slice %arg3[%mul3A_404] : memref<3200000xi32, #tpu.memory_space<hbm>> -> memref<1024xi32, #tpu.memory_space<hbm>>
        %dma_wait3A_412 = tpu.memref_slice %arg3[%mul3A_404] : memref<3200000xi32, #tpu.memory_space<hbm>> -> memref<1024xi32, #tpu.memory_space<hbm>>
        tpu.wait_dma2 semaphore(%arg19 : memref<!tpu.dma_semaphore, #tpu.memory_space<semaphore_mem>>) src(%dma_wait3A_412 : memref<1024xi32, #tpu.memory_space<hbm>>) dst(%arg12 : memref<1024xi32, #tpu.memory_space<vmem>>)
        %dma_wait3A_413 = tpu.memref_slice %arg4[%mul3A_408] : memref<3200000xi32, #tpu.memory_space<hbm>> -> memref<1024xi32, #tpu.memory_space<hbm>>
        %dma_wait3A_414 = tpu.memref_slice %arg4[%mul3A_408] : memref<3200000xi32, #tpu.memory_space<hbm>> -> memref<1024xi32, #tpu.memory_space<hbm>>
        tpu.wait_dma2 semaphore(%arg19 : memref<!tpu.dma_semaphore, #tpu.memory_space<semaphore_mem>>) src(%dma_wait3A_414 : memref<1024xi32, #tpu.memory_space<hbm>>) dst(%arg14 : memref<1024xi32, #tpu.memory_space<vmem>>)
      } else {
      }
      %ge3A_354 = arith.constant 25000 : i32
      %ge3A_355 = arith.cmpi sge, %add3A_348, %ge3A_354 : i32
      %convert_element_type3A_356 = arith.extui %ge3A_355 : i1 to i32
      %cond3A_357 = arith.constant 0 : i32
      %cond3A_358 = arith.cmpi ne, %convert_element_type3A_356, %cond3A_357 : i32
      scf.if %cond3A_358 {
        %sub3A = arith.constant 25000 : i32
        %sub3A_403 = arith.subi %add3A_348, %sub3A : i32
        %mul3A_404 = arith.constant 128 : i32
        %mul3A_405 = arith.muli %sub3A_403, %mul3A_404 : i32
        %dma_start3A_406 = arith.constant 0 : i32
        %dma_start3A_407 = tpu.memref_slice %arg5[%dma_start3A_406, %mul3A_405] : memref<2x11264xi32, #tpu.memory_space<hbm>> -> memref<1x1024xi32, #tpu.memory_space<hbm>>
        %dma_start3A_408 = tpu.memref_squeeze %dma_start3A_407 : memref<1x1024xi32, #tpu.memory_space<hbm>> -> memref<1024xi32, #tpu.memory_space<hbm>>
        %dma_start3A_409 = tpu.memref_slice %arg5[%dma_start3A_406, %mul3A_405] : memref<2x11264xi32, #tpu.memory_space<hbm>> -> memref<1x1024xi32, #tpu.memory_space<hbm>>
        %dma_start3A_410 = tpu.memref_squeeze %dma_start3A_409 : memref<1x1024xi32, #tpu.memory_space<hbm>> -> memref<1024xi32, #tpu.memory_space<hbm>>
        tpu.enqueue_dma source(%dma_start3A_410 : memref<1024xi32, #tpu.memory_space<hbm>>) target(%arg12 : memref<1024xi32, #tpu.memory_space<vmem>>) target_semaphore(%arg19 : memref<!tpu.dma_semaphore, #tpu.memory_space<semaphore_mem>>)
        %sub3A_411 = arith.constant 25000 : i32
        %sub3A_412 = arith.subi %add3A_348, %sub3A_411 : i32
        %mul3A_413 = arith.constant 128 : i32
        %mul3A_414 = arith.muli %sub3A_412, %mul3A_413 : i32
        %dma_start3A_415 = arith.constant 1 : i32
        %dma_start3A_416 = tpu.memref_slice %arg5[%dma_start3A_415, %mul3A_414] : memref<2x11264xi32, #tpu.memory_space<hbm>> -> memref<1x1024xi32, #tpu.memory_space<hbm>>
        %dma_start3A_417 = tpu.memref_squeeze %dma_start3A_416 : memref<1x1024xi32, #tpu.memory_space<hbm>> -> memref<1024xi32, #tpu.memory_space<hbm>>
        %dma_start3A_418 = tpu.memref_slice %arg5[%dma_start3A_415, %mul3A_414] : memref<2x11264xi32, #tpu.memory_space<hbm>> -> memref<1x1024xi32, #tpu.memory_space<hbm>>
        %dma_start3A_419 = tpu.memref_squeeze %dma_start3A_418 : memref<1x1024xi32, #tpu.memory_space<hbm>> -> memref<1024xi32, #tpu.memory_space<hbm>>
        tpu.enqueue_dma source(%dma_start3A_419 : memref<1024xi32, #tpu.memory_space<hbm>>) target(%arg14 : memref<1024xi32, #tpu.memory_space<vmem>>) target_semaphore(%arg19 : memref<!tpu.dma_semaphore, #tpu.memory_space<semaphore_mem>>)
        %dma_wait3A_420 = arith.constant 0 : i32
        %dma_wait3A_421 = tpu.memref_slice %arg5[%dma_wait3A_420, %mul3A_405] : memref<2x11264xi32, #tpu.memory_space<hbm>> -> memref<1x1024xi32, #tpu.memory_space<hbm>>
        %dma_wait3A_422 = tpu.memref_squeeze %dma_wait3A_421 : memref<1x1024xi32, #tpu.memory_space<hbm>> -> memref<1024xi32, #tpu.memory_space<hbm>>
        %dma_wait3A_423 = tpu.memref_slice %arg5[%dma_wait3A_420, %mul3A_405] : memref<2x11264xi32, #tpu.memory_space<hbm>> -> memref<1x1024xi32, #tpu.memory_space<hbm>>
        %dma_wait3A_424 = tpu.memref_squeeze %dma_wait3A_423 : memref<1x1024xi32, #tpu.memory_space<hbm>> -> memref<1024xi32, #tpu.memory_space<hbm>>
        tpu.wait_dma2 semaphore(%arg19 : memref<!tpu.dma_semaphore, #tpu.memory_space<semaphore_mem>>) src(%dma_wait3A_424 : memref<1024xi32, #tpu.memory_space<hbm>>) dst(%arg12 : memref<1024xi32, #tpu.memory_space<vmem>>)
        %dma_wait3A_425 = arith.constant 1 : i32
        %dma_wait3A_426 = tpu.memref_slice %arg5[%dma_wait3A_425, %mul3A_414] : memref<2x11264xi32, #tpu.memory_space<hbm>> -> memref<1x1024xi32, #tpu.memory_space<hbm>>
        %dma_wait3A_427 = tpu.memref_squeeze %dma_wait3A_426 : memref<1x1024xi32, #tpu.memory_space<hbm>> -> memref<1024xi32, #tpu.memory_space<hbm>>
        %dma_wait3A_428 = tpu.memref_slice %arg5[%dma_wait3A_425, %mul3A_414] : memref<2x11264xi32, #tpu.memory_space<hbm>> -> memref<1x1024xi32, #tpu.memory_space<hbm>>
        %dma_wait3A_429 = tpu.memref_squeeze %dma_wait3A_428 : memref<1x1024xi32, #tpu.memory_space<hbm>> -> memref<1024xi32, #tpu.memory_space<hbm>>
        tpu.wait_dma2 semaphore(%arg19 : memref<!tpu.dma_semaphore, #tpu.memory_space<semaphore_mem>>) src(%dma_wait3A_429 : memref<1024xi32, #tpu.memory_space<hbm>>) dst(%arg14 : memref<1024xi32, #tpu.memory_space<vmem>>)
      } else {
      }
      %dma_start3A_359 = arith.constant 0 : i32
      %dma_start3A_360 = arith.constant 0 : i32
      %dma_start3A_361 = tpu.memref_slice %arg7[%arg0, %dma_start3A_359, %dma_start3A_360] : memref<2x100096x8xf32, #tpu.memory_space<hbm>> -> memref<1x100096x8xf32, #tpu.memory_space<hbm>>
      %dma_start3A_362 = tpu.memref_squeeze %dma_start3A_361 : memref<1x100096x8xf32, #tpu.memory_space<hbm>> -> memref<100096x8xf32, #tpu.memory_space<hbm>>
      %dma_start3A_363 = arith.constant 0 : i32
      %dma_start3A_364 = arith.constant 0 : i32
      %dma_start3A_365 = tpu.memref_slice %dma_start3A_362[%dma_start3A_363, %dma_start3A_364] : memref<100096x8xf32, #tpu.memory_space<hbm>> -> memref<100096x8xf32, #tpu.memory_space<hbm>>
      tpu.enqueue_indirect_dma source(%dma_start3A_365 : memref<100096x8xf32, #tpu.memory_space<hbm>>) target(%arg16 : memref<1024x8xf32, #tpu.memory_space<vmem>>) offsets(%arg12 : memref<1024xi32, #tpu.memory_space<vmem>>) semaphore(%arg20 : memref<!tpu.dma_semaphore, #tpu.memory_space<semaphore_mem>>)
      %mul3A_366 = arith.constant 2 : i32
      %mul3A_367 = arith.muli %mul3A_366, %scan3A_328 : i32
      %add3A_368 = arith.constant 3 : i32
      %add3A_369 = arith.addi %add3A_368, %mul3A_367 : i32
      %dma_wait3A_370 = arith.constant 0 : i32
      %dma_wait3A_371 = arith.constant 0 : i32
      %dma_wait3A_372 = tpu.memref_slice %arg7[%arg0, %dma_wait3A_370, %dma_wait3A_371] : memref<2x100096x8xf32, #tpu.memory_space<hbm>> -> memref<1x100096x8xf32, #tpu.memory_space<hbm>>
      %dma_wait3A_373 = tpu.memref_squeeze %dma_wait3A_372 : memref<1x100096x8xf32, #tpu.memory_space<hbm>> -> memref<100096x8xf32, #tpu.memory_space<hbm>>
      %dma_wait3A_374 = arith.constant 0 : i32
      %dma_wait3A_375 = arith.constant 0 : i32
      %dma_wait3A_376 = tpu.memref_slice %dma_wait3A_373[%dma_wait3A_374, %dma_wait3A_375] : memref<100096x8xf32, #tpu.memory_space<hbm>> -> memref<100096x8xf32, #tpu.memory_space<hbm>>
      tpu.wait_indirect_dma semaphore(%arg20 : memref<!tpu.dma_semaphore, #tpu.memory_space<semaphore_mem>>) src(%dma_wait3A_376 : memref<100096x8xf32, #tpu.memory_space<hbm>>) dst(%arg16 : memref<1024x8xf32, #tpu.memory_space<vmem>>)
      %dma_start3A_377 = arith.constant 0 : i32
      %dma_start3A_378 = arith.constant 0 : i32
      %dma_start3A_379 = tpu.memref_slice %arg11[%dma_start3A_377, %dma_start3A_378] : memref<100096x8xf32, #tpu.memory_space<vmem_shared>> -> memref<100096x8xf32, #tpu.memory_space<vmem_shared>>
      tpu.enqueue_indirect_dma source(%arg16 : memref<1024x8xf32, #tpu.memory_space<vmem>>) target(%dma_start3A_379 : memref<100096x8xf32, #tpu.memory_space<vmem_shared>>) offsets(%arg14 : memref<1024xi32, #tpu.memory_space<vmem>>) semaphore(%arg22 : memref<!tpu.dma_semaphore, #tpu.memory_space<semaphore_mem>>) {add = true}
      %dma_wait3A_380 = arith.constant 0 : i32
      %dma_wait3A_381 = arith.constant 0 : i32
      %dma_wait3A_382 = tpu.memref_slice %arg11[%dma_wait3A_380, %dma_wait3A_381] : memref<100096x8xf32, #tpu.memory_space<vmem_shared>> -> memref<100096x8xf32, #tpu.memory_space<vmem_shared>>
      tpu.wait_indirect_dma semaphore(%arg23 : memref<!tpu.dma_semaphore, #tpu.memory_space<semaphore_mem>>) src(%arg17 : memref<1024x8xf32, #tpu.memory_space<vmem>>) dst(%dma_wait3A_382 : memref<100096x8xf32, #tpu.memory_space<vmem_shared>>)
      %mul3A_383 = arith.constant 8 : i32
      %mul3A_384 = arith.muli %add3A_369, %mul3A_383 : i32
      %add3A_385 = arith.addi %mul3A_0, %mul3A_384 : i32
      %lt3A_386 = arith.constant 25000 : i32
      %lt3A_387 = arith.cmpi slt, %add3A_385, %lt3A_386 : i32
      %convert_element_type3A_388 = arith.extui %lt3A_387 : i1 to i32
      %cond3A_389 = arith.constant 0 : i32
      %cond3A_390 = arith.cmpi ne, %convert_element_type3A_388, %cond3A_389 : i32
      scf.if %cond3A_390 {
        %mul3A_403 = arith.constant 128 : i32
        %mul3A_404 = arith.muli %add3A_385, %mul3A_403 : i32
        %dma_start3A_405 = tpu.memref_slice %arg3[%mul3A_404] : memref<3200000xi32, #tpu.memory_space<hbm>> -> memref<1024xi32, #tpu.memory_space<hbm>>
        %dma_start3A_406 = tpu.memref_slice %arg3[%mul3A_404] : memref<3200000xi32, #tpu.memory_space<hbm>> -> memref<1024xi32, #tpu.memory_space<hbm>>
        tpu.enqueue_dma source(%dma_start3A_406 : memref<1024xi32, #tpu.memory_space<hbm>>) target(%arg13 : memref<1024xi32, #tpu.memory_space<vmem>>) target_semaphore(%arg19 : memref<!tpu.dma_semaphore, #tpu.memory_space<semaphore_mem>>)
        %mul3A_407 = arith.constant 128 : i32
        %mul3A_408 = arith.muli %add3A_385, %mul3A_407 : i32
        %dma_start3A_409 = tpu.memref_slice %arg4[%mul3A_408] : memref<3200000xi32, #tpu.memory_space<hbm>> -> memref<1024xi32, #tpu.memory_space<hbm>>
        %dma_start3A_410 = tpu.memref_slice %arg4[%mul3A_408] : memref<3200000xi32, #tpu.memory_space<hbm>> -> memref<1024xi32, #tpu.memory_space<hbm>>
        tpu.enqueue_dma source(%dma_start3A_410 : memref<1024xi32, #tpu.memory_space<hbm>>) target(%arg15 : memref<1024xi32, #tpu.memory_space<vmem>>) target_semaphore(%arg19 : memref<!tpu.dma_semaphore, #tpu.memory_space<semaphore_mem>>)
        %dma_wait3A_411 = tpu.memref_slice %arg3[%mul3A_404] : memref<3200000xi32, #tpu.memory_space<hbm>> -> memref<1024xi32, #tpu.memory_space<hbm>>
        %dma_wait3A_412 = tpu.memref_slice %arg3[%mul3A_404] : memref<3200000xi32, #tpu.memory_space<hbm>> -> memref<1024xi32, #tpu.memory_space<hbm>>
        tpu.wait_dma2 semaphore(%arg19 : memref<!tpu.dma_semaphore, #tpu.memory_space<semaphore_mem>>) src(%dma_wait3A_412 : memref<1024xi32, #tpu.memory_space<hbm>>) dst(%arg13 : memref<1024xi32, #tpu.memory_space<vmem>>)
        %dma_wait3A_413 = tpu.memref_slice %arg4[%mul3A_408] : memref<3200000xi32, #tpu.memory_space<hbm>> -> memref<1024xi32, #tpu.memory_space<hbm>>
        %dma_wait3A_414 = tpu.memref_slice %arg4[%mul3A_408] : memref<3200000xi32, #tpu.memory_space<hbm>> -> memref<1024xi32, #tpu.memory_space<hbm>>
        tpu.wait_dma2 semaphore(%arg19 : memref<!tpu.dma_semaphore, #tpu.memory_space<semaphore_mem>>) src(%dma_wait3A_414 : memref<1024xi32, #tpu.memory_space<hbm>>) dst(%arg15 : memref<1024xi32, #tpu.memory_space<vmem>>)
      } else {
      }
      %ge3A_391 = arith.constant 25000 : i32
      %ge3A_392 = arith.cmpi sge, %add3A_385, %ge3A_391 : i32
      %convert_element_type3A_393 = arith.extui %ge3A_392 : i1 to i32
      %cond3A_394 = arith.constant 0 : i32
      %cond3A_395 = arith.cmpi ne, %convert_element_type3A_393, %cond3A_394 : i32
      scf.if %cond3A_395 {
        %sub3A = arith.constant 25000 : i32
        %sub3A_403 = arith.subi %add3A_385, %sub3A : i32
        %mul3A_404 = arith.constant 128 : i32
        %mul3A_405 = arith.muli %sub3A_403, %mul3A_404 : i32
        %dma_start3A_406 = arith.constant 0 : i32
        %dma_start3A_407 = tpu.memref_slice %arg5[%dma_start3A_406, %mul3A_405] : memref<2x11264xi32, #tpu.memory_space<hbm>> -> memref<1x1024xi32, #tpu.memory_space<hbm>>
        %dma_start3A_408 = tpu.memref_squeeze %dma_start3A_407 : memref<1x1024xi32, #tpu.memory_space<hbm>> -> memref<1024xi32, #tpu.memory_space<hbm>>
        %dma_start3A_409 = tpu.memref_slice %arg5[%dma_start3A_406, %mul3A_405] : memref<2x11264xi32, #tpu.memory_space<hbm>> -> memref<1x1024xi32, #tpu.memory_space<hbm>>
        %dma_start3A_410 = tpu.memref_squeeze %dma_start3A_409 : memref<1x1024xi32, #tpu.memory_space<hbm>> -> memref<1024xi32, #tpu.memory_space<hbm>>
        tpu.enqueue_dma source(%dma_start3A_410 : memref<1024xi32, #tpu.memory_space<hbm>>) target(%arg13 : memref<1024xi32, #tpu.memory_space<vmem>>) target_semaphore(%arg19 : memref<!tpu.dma_semaphore, #tpu.memory_space<semaphore_mem>>)
        %sub3A_411 = arith.constant 25000 : i32
        %sub3A_412 = arith.subi %add3A_385, %sub3A_411 : i32
        %mul3A_413 = arith.constant 128 : i32
        %mul3A_414 = arith.muli %sub3A_412, %mul3A_413 : i32
        %dma_start3A_415 = arith.constant 1 : i32
        %dma_start3A_416 = tpu.memref_slice %arg5[%dma_start3A_415, %mul3A_414] : memref<2x11264xi32, #tpu.memory_space<hbm>> -> memref<1x1024xi32, #tpu.memory_space<hbm>>
        %dma_start3A_417 = tpu.memref_squeeze %dma_start3A_416 : memref<1x1024xi32, #tpu.memory_space<hbm>> -> memref<1024xi32, #tpu.memory_space<hbm>>
        %dma_start3A_418 = tpu.memref_slice %arg5[%dma_start3A_415, %mul3A_414] : memref<2x11264xi32, #tpu.memory_space<hbm>> -> memref<1x1024xi32, #tpu.memory_space<hbm>>
        %dma_start3A_419 = tpu.memref_squeeze %dma_start3A_418 : memref<1x1024xi32, #tpu.memory_space<hbm>> -> memref<1024xi32, #tpu.memory_space<hbm>>
        tpu.enqueue_dma source(%dma_start3A_419 : memref<1024xi32, #tpu.memory_space<hbm>>) target(%arg15 : memref<1024xi32, #tpu.memory_space<vmem>>) target_semaphore(%arg19 : memref<!tpu.dma_semaphore, #tpu.memory_space<semaphore_mem>>)
        %dma_wait3A_420 = arith.constant 0 : i32
        %dma_wait3A_421 = tpu.memref_slice %arg5[%dma_wait3A_420, %mul3A_405] : memref<2x11264xi32, #tpu.memory_space<hbm>> -> memref<1x1024xi32, #tpu.memory_space<hbm>>
        %dma_wait3A_422 = tpu.memref_squeeze %dma_wait3A_421 : memref<1x1024xi32, #tpu.memory_space<hbm>> -> memref<1024xi32, #tpu.memory_space<hbm>>
        %dma_wait3A_423 = tpu.memref_slice %arg5[%dma_wait3A_420, %mul3A_405] : memref<2x11264xi32, #tpu.memory_space<hbm>> -> memref<1x1024xi32, #tpu.memory_space<hbm>>
        %dma_wait3A_424 = tpu.memref_squeeze %dma_wait3A_423 : memref<1x1024xi32, #tpu.memory_space<hbm>> -> memref<1024xi32, #tpu.memory_space<hbm>>
        tpu.wait_dma2 semaphore(%arg19 : memref<!tpu.dma_semaphore, #tpu.memory_space<semaphore_mem>>) src(%dma_wait3A_424 : memref<1024xi32, #tpu.memory_space<hbm>>) dst(%arg13 : memref<1024xi32, #tpu.memory_space<vmem>>)
        %dma_wait3A_425 = arith.constant 1 : i32
        %dma_wait3A_426 = tpu.memref_slice %arg5[%dma_wait3A_425, %mul3A_414] : memref<2x11264xi32, #tpu.memory_space<hbm>> -> memref<1x1024xi32, #tpu.memory_space<hbm>>
        %dma_wait3A_427 = tpu.memref_squeeze %dma_wait3A_426 : memref<1x1024xi32, #tpu.memory_space<hbm>> -> memref<1024xi32, #tpu.memory_space<hbm>>
        %dma_wait3A_428 = tpu.memref_slice %arg5[%dma_wait3A_425, %mul3A_414] : memref<2x11264xi32, #tpu.memory_space<hbm>> -> memref<1x1024xi32, #tpu.memory_space<hbm>>
        %dma_wait3A_429 = tpu.memref_squeeze %dma_wait3A_428 : memref<1x1024xi32, #tpu.memory_space<hbm>> -> memref<1024xi32, #tpu.memory_space<hbm>>
        tpu.wait_dma2 semaphore(%arg19 : memref<!tpu.dma_semaphore, #tpu.memory_space<semaphore_mem>>) src(%dma_wait3A_429 : memref<1024xi32, #tpu.memory_space<hbm>>) dst(%arg15 : memref<1024xi32, #tpu.memory_space<vmem>>)
      } else {
      }
      %dma_start3A_396 = arith.constant 0 : i32
      %dma_start3A_397 = arith.constant 0 : i32
      %dma_start3A_398 = tpu.memref_slice %arg7[%arg0, %dma_start3A_396, %dma_start3A_397] : memref<2x100096x8xf32, #tpu.memory_space<hbm>> -> memref<1x100096x8xf32, #tpu.memory_space<hbm>>
      %dma_start3A_399 = tpu.memref_squeeze %dma_start3A_398 : memref<1x100096x8xf32, #tpu.memory_space<hbm>> -> memref<100096x8xf32, #tpu.memory_space<hbm>>
      %dma_start3A_400 = arith.constant 0 : i32
      %dma_start3A_401 = arith.constant 0 : i32
      %dma_start3A_402 = tpu.memref_slice %dma_start3A_399[%dma_start3A_400, %dma_start3A_401] : memref<100096x8xf32, #tpu.memory_space<hbm>> -> memref<100096x8xf32, #tpu.memory_space<hbm>>
      tpu.enqueue_indirect_dma source(%dma_start3A_402 : memref<100096x8xf32, #tpu.memory_space<hbm>>) target(%arg17 : memref<1024x8xf32, #tpu.memory_space<vmem>>) offsets(%arg13 : memref<1024xi32, #tpu.memory_space<vmem>>) semaphore(%arg21 : memref<!tpu.dma_semaphore, #tpu.memory_space<semaphore_mem>>)
    }
    %scan3A_146 = arith.constant 97 : i32
    %dma_wait3A_147 = arith.constant 0 : i32
    %dma_wait3A_148 = arith.constant 0 : i32
    %dma_wait3A_149 = tpu.memref_slice %arg7[%arg0, %dma_wait3A_147, %dma_wait3A_148] : memref<2x100096x8xf32, #tpu.memory_space<hbm>> -> memref<1x100096x8xf32, #tpu.memory_space<hbm>>
    %dma_wait3A_150 = tpu.memref_squeeze %dma_wait3A_149 : memref<1x100096x8xf32, #tpu.memory_space<hbm>> -> memref<100096x8xf32, #tpu.memory_space<hbm>>
    %dma_wait3A_151 = arith.constant 0 : i32
    %dma_wait3A_152 = arith.constant 0 : i32
    %dma_wait3A_153 = tpu.memref_slice %dma_wait3A_150[%dma_wait3A_151, %dma_wait3A_152] : memref<100096x8xf32, #tpu.memory_space<hbm>> -> memref<100096x8xf32, #tpu.memory_space<hbm>>
    tpu.wait_indirect_dma semaphore(%arg21 : memref<!tpu.dma_semaphore, #tpu.memory_space<semaphore_mem>>) src(%dma_wait3A_153 : memref<100096x8xf32, #tpu.memory_space<hbm>>) dst(%arg17 : memref<1024x8xf32, #tpu.memory_space<vmem>>)
    %dma_start3A_154 = arith.constant 0 : i32
    %dma_start3A_155 = arith.constant 0 : i32
    %dma_start3A_156 = tpu.memref_slice %arg11[%dma_start3A_154, %dma_start3A_155] : memref<100096x8xf32, #tpu.memory_space<vmem_shared>> -> memref<100096x8xf32, #tpu.memory_space<vmem_shared>>
    tpu.enqueue_indirect_dma source(%arg17 : memref<1024x8xf32, #tpu.memory_space<vmem>>) target(%dma_start3A_156 : memref<100096x8xf32, #tpu.memory_space<vmem_shared>>) offsets(%arg15 : memref<1024xi32, #tpu.memory_space<vmem>>) semaphore(%arg23 : memref<!tpu.dma_semaphore, #tpu.memory_space<semaphore_mem>>) {add = true}
    %dma_wait3A_157 = arith.constant 0 : i32
    %dma_wait3A_158 = arith.constant 0 : i32
    %dma_wait3A_159 = tpu.memref_slice %arg11[%dma_wait3A_157, %dma_wait3A_158] : memref<100096x8xf32, #tpu.memory_space<vmem_shared>> -> memref<100096x8xf32, #tpu.memory_space<vmem_shared>>
    tpu.wait_indirect_dma semaphore(%arg22 : memref<!tpu.dma_semaphore, #tpu.memory_space<semaphore_mem>>) src(%arg16 : memref<1024x8xf32, #tpu.memory_space<vmem>>) dst(%dma_wait3A_159 : memref<100096x8xf32, #tpu.memory_space<vmem_shared>>)
    %dma_wait3A_160 = arith.constant 0 : i32
    %dma_wait3A_161 = arith.constant 0 : i32
    %dma_wait3A_162 = tpu.memref_slice %arg11[%dma_wait3A_160, %dma_wait3A_161] : memref<100096x8xf32, #tpu.memory_space<vmem_shared>> -> memref<100096x8xf32, #tpu.memory_space<vmem_shared>>
    tpu.wait_indirect_dma semaphore(%arg23 : memref<!tpu.dma_semaphore, #tpu.memory_space<semaphore_mem>>) src(%arg17 : memref<1024x8xf32, #tpu.memory_space<vmem>>) dst(%dma_wait3A_162 : memref<100096x8xf32, #tpu.memory_space<vmem_shared>>)
    %barrier3A_163 = arith.constant 0 : index
    tpu.barrier barrier_id(%barrier3A_163)
    %mul3A_164 = arith.constant 6256 : i32
    %mul3A_165 = arith.muli %arg1, %mul3A_164 : i32
    %mul3A_166 = arith.constant 6256 : i32
    %mul3A_167 = arith.muli %arg1, %mul3A_166 : i32
    "tpu.region"() ({
      %run_scoped3A = tpu.sem_alloc : memref<!tpu.dma_semaphore, #tpu.memory_space<semaphore_mem>>
      %dma_start3A_328 = arith.constant 0 : i32
      %dma_start3A_329 = tpu.memref_slice %arg8[%arg0, %mul3A_167, %dma_start3A_328] : memref<2x100096x8xf32, #tpu.memory_space<hbm>> -> memref<1x6256x8xf32, #tpu.memory_space<hbm>>
      %dma_start3A_330 = tpu.memref_squeeze %dma_start3A_329 : memref<1x6256x8xf32, #tpu.memory_space<hbm>> -> memref<6256x8xf32, #tpu.memory_space<hbm>>
      %dma_start3A_331 = arith.constant 0 : i32
      %dma_start3A_332 = tpu.memref_slice %arg11[%mul3A_165, %dma_start3A_331] : memref<100096x8xf32, #tpu.memory_space<vmem_shared>> -> memref<6256x8xf32, #tpu.memory_space<vmem_shared>>
      tpu.enqueue_dma source(%dma_start3A_332 : memref<6256x8xf32, #tpu.memory_space<vmem_shared>>) target(%dma_start3A_330 : memref<6256x8xf32, #tpu.memory_space<hbm>>) target_semaphore(%run_scoped3A : memref<!tpu.dma_semaphore, #tpu.memory_space<semaphore_mem>>)
      %dma_wait3A_333 = arith.constant 0 : i32
      %dma_wait3A_334 = tpu.memref_slice %arg8[%arg0, %mul3A_167, %dma_wait3A_333] : memref<2x100096x8xf32, #tpu.memory_space<hbm>> -> memref<1x6256x8xf32, #tpu.memory_space<hbm>>
      %dma_wait3A_335 = tpu.memref_squeeze %dma_wait3A_334 : memref<1x6256x8xf32, #tpu.memory_space<hbm>> -> memref<6256x8xf32, #tpu.memory_space<hbm>>
      %dma_wait3A_336 = arith.constant 0 : i32
      %dma_wait3A_337 = tpu.memref_slice %arg11[%mul3A_165, %dma_wait3A_336] : memref<100096x8xf32, #tpu.memory_space<vmem_shared>> -> memref<6256x8xf32, #tpu.memory_space<vmem_shared>>
      tpu.wait_dma2 semaphore(%run_scoped3A : memref<!tpu.dma_semaphore, #tpu.memory_space<semaphore_mem>>) src(%dma_wait3A_337 : memref<6256x8xf32, #tpu.memory_space<vmem_shared>>) dst(%dma_wait3A_335 : memref<6256x8xf32, #tpu.memory_space<hbm>>)
      tpu.yield
    }) : () -> ()
    %mul3A_168 = arith.constant 6256 : i32
    %mul3A_169 = arith.muli %arg1, %mul3A_168 : i32
    %mul3A_170 = arith.constant 6256 : i32
    %mul3A_171 = arith.muli %arg1, %mul3A_170 : i32
    "tpu.region"() ({
      %run_scoped3A = tpu.sem_alloc : memref<!tpu.dma_semaphore, #tpu.memory_space<semaphore_mem>>
      %dma_start3A_328 = arith.constant 0 : i32
      %dma_start3A_329 = tpu.memref_slice %arg11[%mul3A_171, %dma_start3A_328] : memref<100096x8xf32, #tpu.memory_space<vmem_shared>> -> memref<6256x8xf32, #tpu.memory_space<vmem_shared>>
      %dma_start3A_330 = arith.constant 0 : i32
      %dma_start3A_331 = tpu.memref_slice %arg6[%mul3A_169, %dma_start3A_330] : memref<100096x8xf32, #tpu.memory_space<hbm>> -> memref<6256x8xf32, #tpu.memory_space<hbm>>
      tpu.enqueue_dma source(%dma_start3A_331 : memref<6256x8xf32, #tpu.memory_space<hbm>>) target(%dma_start3A_329 : memref<6256x8xf32, #tpu.memory_space<vmem_shared>>) target_semaphore(%run_scoped3A : memref<!tpu.dma_semaphore, #tpu.memory_space<semaphore_mem>>)
      %dma_wait3A_332 = arith.constant 0 : i32
      %dma_wait3A_333 = tpu.memref_slice %arg11[%mul3A_171, %dma_wait3A_332] : memref<100096x8xf32, #tpu.memory_space<vmem_shared>> -> memref<6256x8xf32, #tpu.memory_space<vmem_shared>>
      %dma_wait3A_334 = arith.constant 0 : i32
      %dma_wait3A_335 = tpu.memref_slice %arg6[%mul3A_169, %dma_wait3A_334] : memref<100096x8xf32, #tpu.memory_space<hbm>> -> memref<6256x8xf32, #tpu.memory_space<hbm>>
      tpu.wait_dma2 semaphore(%run_scoped3A : memref<!tpu.dma_semaphore, #tpu.memory_space<semaphore_mem>>) src(%dma_wait3A_335 : memref<6256x8xf32, #tpu.memory_space<hbm>>) dst(%dma_wait3A_333 : memref<6256x8xf32, #tpu.memory_space<vmem_shared>>)
      tpu.yield
    }) : () -> ()
    %barrier3A_172 = arith.constant 0 : index
    tpu.barrier barrier_id(%barrier3A_172)
    %add3A_173 = arith.constant 0 : i32
    %add3A_174 = arith.addi %mul3A_0, %add3A_173 : i32
    %lt3A_175 = arith.constant 25000 : i32
    %lt3A_176 = arith.cmpi slt, %add3A_174, %lt3A_175 : i32
    %convert_element_type3A_177 = arith.extui %lt3A_176 : i1 to i32
    %cond3A_178 = arith.constant 0 : i32
    %cond3A_179 = arith.cmpi ne, %convert_element_type3A_177, %cond3A_178 : i32
    scf.if %cond3A_179 {
      %mul3A_328 = arith.constant 128 : i32
      %mul3A_329 = arith.muli %add3A_174, %mul3A_328 : i32
      %dma_start3A_330 = tpu.memref_slice %arg3[%mul3A_329] : memref<3200000xi32, #tpu.memory_space<hbm>> -> memref<1024xi32, #tpu.memory_space<hbm>>
      %dma_start3A_331 = tpu.memref_slice %arg3[%mul3A_329] : memref<3200000xi32, #tpu.memory_space<hbm>> -> memref<1024xi32, #tpu.memory_space<hbm>>
      tpu.enqueue_dma source(%dma_start3A_331 : memref<1024xi32, #tpu.memory_space<hbm>>) target(%arg12 : memref<1024xi32, #tpu.memory_space<vmem>>) target_semaphore(%arg19 : memref<!tpu.dma_semaphore, #tpu.memory_space<semaphore_mem>>)
      %mul3A_332 = arith.constant 128 : i32
      %mul3A_333 = arith.muli %add3A_174, %mul3A_332 : i32
      %dma_start3A_334 = tpu.memref_slice %arg4[%mul3A_333] : memref<3200000xi32, #tpu.memory_space<hbm>> -> memref<1024xi32, #tpu.memory_space<hbm>>
      %dma_start3A_335 = tpu.memref_slice %arg4[%mul3A_333] : memref<3200000xi32, #tpu.memory_space<hbm>> -> memref<1024xi32, #tpu.memory_space<hbm>>
      tpu.enqueue_dma source(%dma_start3A_335 : memref<1024xi32, #tpu.memory_space<hbm>>) target(%arg14 : memref<1024xi32, #tpu.memory_space<vmem>>) target_semaphore(%arg19 : memref<!tpu.dma_semaphore, #tpu.memory_space<semaphore_mem>>)
      %dma_wait3A_336 = tpu.memref_slice %arg3[%mul3A_329] : memref<3200000xi32, #tpu.memory_space<hbm>> -> memref<1024xi32, #tpu.memory_space<hbm>>
      %dma_wait3A_337 = tpu.memref_slice %arg3[%mul3A_329] : memref<3200000xi32, #tpu.memory_space<hbm>> -> memref<1024xi32, #tpu.memory_space<hbm>>
      tpu.wait_dma2 semaphore(%arg19 : memref<!tpu.dma_semaphore, #tpu.memory_space<semaphore_mem>>) src(%dma_wait3A_337 : memref<1024xi32, #tpu.memory_space<hbm>>) dst(%arg12 : memref<1024xi32, #tpu.memory_space<vmem>>)
      %dma_wait3A_338 = tpu.memref_slice %arg4[%mul3A_333] : memref<3200000xi32, #tpu.memory_space<hbm>> -> memref<1024xi32, #tpu.memory_space<hbm>>
      %dma_wait3A_339 = tpu.memref_slice %arg4[%mul3A_333] : memref<3200000xi32, #tpu.memory_space<hbm>> -> memref<1024xi32, #tpu.memory_space<hbm>>
      tpu.wait_dma2 semaphore(%arg19 : memref<!tpu.dma_semaphore, #tpu.memory_space<semaphore_mem>>) src(%dma_wait3A_339 : memref<1024xi32, #tpu.memory_space<hbm>>) dst(%arg14 : memref<1024xi32, #tpu.memory_space<vmem>>)
    } else {
    }
    %ge3A_180 = arith.constant 25000 : i32
    %ge3A_181 = arith.cmpi sge, %add3A_174, %ge3A_180 : i32
    %convert_element_type3A_182 = arith.extui %ge3A_181 : i1 to i32
    %cond3A_183 = arith.constant 0 : i32
    %cond3A_184 = arith.cmpi ne, %convert_element_type3A_182, %cond3A_183 : i32
    scf.if %cond3A_184 {
      %sub3A = arith.constant 25000 : i32
      %sub3A_328 = arith.subi %add3A_174, %sub3A : i32
      %mul3A_329 = arith.constant 128 : i32
      %mul3A_330 = arith.muli %sub3A_328, %mul3A_329 : i32
      %dma_start3A_331 = arith.constant 0 : i32
      %dma_start3A_332 = tpu.memref_slice %arg5[%dma_start3A_331, %mul3A_330] : memref<2x11264xi32, #tpu.memory_space<hbm>> -> memref<1x1024xi32, #tpu.memory_space<hbm>>
      %dma_start3A_333 = tpu.memref_squeeze %dma_start3A_332 : memref<1x1024xi32, #tpu.memory_space<hbm>> -> memref<1024xi32, #tpu.memory_space<hbm>>
      %dma_start3A_334 = tpu.memref_slice %arg5[%dma_start3A_331, %mul3A_330] : memref<2x11264xi32, #tpu.memory_space<hbm>> -> memref<1x1024xi32, #tpu.memory_space<hbm>>
      %dma_start3A_335 = tpu.memref_squeeze %dma_start3A_334 : memref<1x1024xi32, #tpu.memory_space<hbm>> -> memref<1024xi32, #tpu.memory_space<hbm>>
      tpu.enqueue_dma source(%dma_start3A_335 : memref<1024xi32, #tpu.memory_space<hbm>>) target(%arg12 : memref<1024xi32, #tpu.memory_space<vmem>>) target_semaphore(%arg19 : memref<!tpu.dma_semaphore, #tpu.memory_space<semaphore_mem>>)
      %sub3A_336 = arith.constant 25000 : i32
      %sub3A_337 = arith.subi %add3A_174, %sub3A_336 : i32
      %mul3A_338 = arith.constant 128 : i32
      %mul3A_339 = arith.muli %sub3A_337, %mul3A_338 : i32
      %dma_start3A_340 = arith.constant 1 : i32
      %dma_start3A_341 = tpu.memref_slice %arg5[%dma_start3A_340, %mul3A_339] : memref<2x11264xi32, #tpu.memory_space<hbm>> -> memref<1x1024xi32, #tpu.memory_space<hbm>>
      %dma_start3A_342 = tpu.memref_squeeze %dma_start3A_341 : memref<1x1024xi32, #tpu.memory_space<hbm>> -> memref<1024xi32, #tpu.memory_space<hbm>>
      %dma_start3A_343 = tpu.memref_slice %arg5[%dma_start3A_340, %mul3A_339] : memref<2x11264xi32, #tpu.memory_space<hbm>> -> memref<1x1024xi32, #tpu.memory_space<hbm>>
      %dma_start3A_344 = tpu.memref_squeeze %dma_start3A_343 : memref<1x1024xi32, #tpu.memory_space<hbm>> -> memref<1024xi32, #tpu.memory_space<hbm>>
      tpu.enqueue_dma source(%dma_start3A_344 : memref<1024xi32, #tpu.memory_space<hbm>>) target(%arg14 : memref<1024xi32, #tpu.memory_space<vmem>>) target_semaphore(%arg19 : memref<!tpu.dma_semaphore, #tpu.memory_space<semaphore_mem>>)
      %dma_wait3A_345 = arith.constant 0 : i32
      %dma_wait3A_346 = tpu.memref_slice %arg5[%dma_wait3A_345, %mul3A_330] : memref<2x11264xi32, #tpu.memory_space<hbm>> -> memref<1x1024xi32, #tpu.memory_space<hbm>>
      %dma_wait3A_347 = tpu.memref_squeeze %dma_wait3A_346 : memref<1x1024xi32, #tpu.memory_space<hbm>> -> memref<1024xi32, #tpu.memory_space<hbm>>
      %dma_wait3A_348 = tpu.memref_slice %arg5[%dma_wait3A_345, %mul3A_330] : memref<2x11264xi32, #tpu.memory_space<hbm>> -> memref<1x1024xi32, #tpu.memory_space<hbm>>
      %dma_wait3A_349 = tpu.memref_squeeze %dma_wait3A_348 : memref<1x1024xi32, #tpu.memory_space<hbm>> -> memref<1024xi32, #tpu.memory_space<hbm>>
      tpu.wait_dma2 semaphore(%arg19 : memref<!tpu.dma_semaphore, #tpu.memory_space<semaphore_mem>>) src(%dma_wait3A_349 : memref<1024xi32, #tpu.memory_space<hbm>>) dst(%arg12 : memref<1024xi32, #tpu.memory_space<vmem>>)
      %dma_wait3A_350 = arith.constant 1 : i32
      %dma_wait3A_351 = tpu.memref_slice %arg5[%dma_wait3A_350, %mul3A_339] : memref<2x11264xi32, #tpu.memory_space<hbm>> -> memref<1x1024xi32, #tpu.memory_space<hbm>>
      %dma_wait3A_352 = tpu.memref_squeeze %dma_wait3A_351 : memref<1x1024xi32, #tpu.memory_space<hbm>> -> memref<1024xi32, #tpu.memory_space<hbm>>
      %dma_wait3A_353 = tpu.memref_slice %arg5[%dma_wait3A_350, %mul3A_339] : memref<2x11264xi32, #tpu.memory_space<hbm>> -> memref<1x1024xi32, #tpu.memory_space<hbm>>
      %dma_wait3A_354 = tpu.memref_squeeze %dma_wait3A_353 : memref<1x1024xi32, #tpu.memory_space<hbm>> -> memref<1024xi32, #tpu.memory_space<hbm>>
      tpu.wait_dma2 semaphore(%arg19 : memref<!tpu.dma_semaphore, #tpu.memory_space<semaphore_mem>>) src(%dma_wait3A_354 : memref<1024xi32, #tpu.memory_space<hbm>>) dst(%arg14 : memref<1024xi32, #tpu.memory_space<vmem>>)
    } else {
    }
    %dma_start3A_185 = arith.constant 0 : i32
    %dma_start3A_186 = arith.constant 0 : i32
    %dma_start3A_187 = tpu.memref_slice %arg8[%arg0, %dma_start3A_185, %dma_start3A_186] : memref<2x100096x8xf32, #tpu.memory_space<hbm>> -> memref<1x100096x8xf32, #tpu.memory_space<hbm>>
    %dma_start3A_188 = tpu.memref_squeeze %dma_start3A_187 : memref<1x100096x8xf32, #tpu.memory_space<hbm>> -> memref<100096x8xf32, #tpu.memory_space<hbm>>
    %dma_start3A_189 = arith.constant 0 : i32
    %dma_start3A_190 = arith.constant 0 : i32
    %dma_start3A_191 = tpu.memref_slice %dma_start3A_188[%dma_start3A_189, %dma_start3A_190] : memref<100096x8xf32, #tpu.memory_space<hbm>> -> memref<100096x8xf32, #tpu.memory_space<hbm>>
    tpu.enqueue_indirect_dma source(%dma_start3A_191 : memref<100096x8xf32, #tpu.memory_space<hbm>>) target(%arg16 : memref<1024x8xf32, #tpu.memory_space<vmem>>) offsets(%arg12 : memref<1024xi32, #tpu.memory_space<vmem>>) semaphore(%arg20 : memref<!tpu.dma_semaphore, #tpu.memory_space<semaphore_mem>>)
    %dma_wait3A_192 = arith.constant 0 : i32
    %dma_wait3A_193 = arith.constant 0 : i32
    %dma_wait3A_194 = tpu.memref_slice %arg8[%arg0, %dma_wait3A_192, %dma_wait3A_193] : memref<2x100096x8xf32, #tpu.memory_space<hbm>> -> memref<1x100096x8xf32, #tpu.memory_space<hbm>>
    %dma_wait3A_195 = tpu.memref_squeeze %dma_wait3A_194 : memref<1x100096x8xf32, #tpu.memory_space<hbm>> -> memref<100096x8xf32, #tpu.memory_space<hbm>>
    %dma_wait3A_196 = arith.constant 0 : i32
    %dma_wait3A_197 = arith.constant 0 : i32
    %dma_wait3A_198 = tpu.memref_slice %dma_wait3A_195[%dma_wait3A_196, %dma_wait3A_197] : memref<100096x8xf32, #tpu.memory_space<hbm>> -> memref<100096x8xf32, #tpu.memory_space<hbm>>
    tpu.wait_indirect_dma semaphore(%arg20 : memref<!tpu.dma_semaphore, #tpu.memory_space<semaphore_mem>>) src(%dma_wait3A_198 : memref<100096x8xf32, #tpu.memory_space<hbm>>) dst(%arg16 : memref<1024x8xf32, #tpu.memory_space<vmem>>)
    %dma_start3A_199 = arith.constant 0 : i32
    %dma_start3A_200 = arith.constant 0 : i32
    %dma_start3A_201 = tpu.memref_slice %arg11[%dma_start3A_199, %dma_start3A_200] : memref<100096x8xf32, #tpu.memory_space<vmem_shared>> -> memref<100096x8xf32, #tpu.memory_space<vmem_shared>>
    tpu.enqueue_indirect_dma source(%arg16 : memref<1024x8xf32, #tpu.memory_space<vmem>>) target(%dma_start3A_201 : memref<100096x8xf32, #tpu.memory_space<vmem_shared>>) offsets(%arg14 : memref<1024xi32, #tpu.memory_space<vmem>>) semaphore(%arg22 : memref<!tpu.dma_semaphore, #tpu.memory_space<semaphore_mem>>) {add = true}
    %add3A_202 = arith.constant 8 : i32
    %add3A_203 = arith.addi %mul3A_0, %add3A_202 : i32
    %lt3A_204 = arith.constant 25000 : i32
    %lt3A_205 = arith.cmpi slt, %add3A_203, %lt3A_204 : i32
    %convert_element_type3A_206 = arith.extui %lt3A_205 : i1 to i32
    %cond3A_207 = arith.constant 0 : i32
    %cond3A_208 = arith.cmpi ne, %convert_element_type3A_206, %cond3A_207 : i32
    scf.if %cond3A_208 {
      %mul3A_328 = arith.constant 128 : i32
      %mul3A_329 = arith.muli %add3A_203, %mul3A_328 : i32
      %dma_start3A_330 = tpu.memref_slice %arg3[%mul3A_329] : memref<3200000xi32, #tpu.memory_space<hbm>> -> memref<1024xi32, #tpu.memory_space<hbm>>
      %dma_start3A_331 = tpu.memref_slice %arg3[%mul3A_329] : memref<3200000xi32, #tpu.memory_space<hbm>> -> memref<1024xi32, #tpu.memory_space<hbm>>
      tpu.enqueue_dma source(%dma_start3A_331 : memref<1024xi32, #tpu.memory_space<hbm>>) target(%arg13 : memref<1024xi32, #tpu.memory_space<vmem>>) target_semaphore(%arg19 : memref<!tpu.dma_semaphore, #tpu.memory_space<semaphore_mem>>)
      %mul3A_332 = arith.constant 128 : i32
      %mul3A_333 = arith.muli %add3A_203, %mul3A_332 : i32
      %dma_start3A_334 = tpu.memref_slice %arg4[%mul3A_333] : memref<3200000xi32, #tpu.memory_space<hbm>> -> memref<1024xi32, #tpu.memory_space<hbm>>
      %dma_start3A_335 = tpu.memref_slice %arg4[%mul3A_333] : memref<3200000xi32, #tpu.memory_space<hbm>> -> memref<1024xi32, #tpu.memory_space<hbm>>
      tpu.enqueue_dma source(%dma_start3A_335 : memref<1024xi32, #tpu.memory_space<hbm>>) target(%arg15 : memref<1024xi32, #tpu.memory_space<vmem>>) target_semaphore(%arg19 : memref<!tpu.dma_semaphore, #tpu.memory_space<semaphore_mem>>)
      %dma_wait3A_336 = tpu.memref_slice %arg3[%mul3A_329] : memref<3200000xi32, #tpu.memory_space<hbm>> -> memref<1024xi32, #tpu.memory_space<hbm>>
      %dma_wait3A_337 = tpu.memref_slice %arg3[%mul3A_329] : memref<3200000xi32, #tpu.memory_space<hbm>> -> memref<1024xi32, #tpu.memory_space<hbm>>
      tpu.wait_dma2 semaphore(%arg19 : memref<!tpu.dma_semaphore, #tpu.memory_space<semaphore_mem>>) src(%dma_wait3A_337 : memref<1024xi32, #tpu.memory_space<hbm>>) dst(%arg13 : memref<1024xi32, #tpu.memory_space<vmem>>)
      %dma_wait3A_338 = tpu.memref_slice %arg4[%mul3A_333] : memref<3200000xi32, #tpu.memory_space<hbm>> -> memref<1024xi32, #tpu.memory_space<hbm>>
      %dma_wait3A_339 = tpu.memref_slice %arg4[%mul3A_333] : memref<3200000xi32, #tpu.memory_space<hbm>> -> memref<1024xi32, #tpu.memory_space<hbm>>
      tpu.wait_dma2 semaphore(%arg19 : memref<!tpu.dma_semaphore, #tpu.memory_space<semaphore_mem>>) src(%dma_wait3A_339 : memref<1024xi32, #tpu.memory_space<hbm>>) dst(%arg15 : memref<1024xi32, #tpu.memory_space<vmem>>)
    } else {
    }
    %ge3A_209 = arith.constant 25000 : i32
    %ge3A_210 = arith.cmpi sge, %add3A_203, %ge3A_209 : i32
    %convert_element_type3A_211 = arith.extui %ge3A_210 : i1 to i32
    %cond3A_212 = arith.constant 0 : i32
    %cond3A_213 = arith.cmpi ne, %convert_element_type3A_211, %cond3A_212 : i32
    scf.if %cond3A_213 {
      %sub3A = arith.constant 25000 : i32
      %sub3A_328 = arith.subi %add3A_203, %sub3A : i32
      %mul3A_329 = arith.constant 128 : i32
      %mul3A_330 = arith.muli %sub3A_328, %mul3A_329 : i32
      %dma_start3A_331 = arith.constant 0 : i32
      %dma_start3A_332 = tpu.memref_slice %arg5[%dma_start3A_331, %mul3A_330] : memref<2x11264xi32, #tpu.memory_space<hbm>> -> memref<1x1024xi32, #tpu.memory_space<hbm>>
      %dma_start3A_333 = tpu.memref_squeeze %dma_start3A_332 : memref<1x1024xi32, #tpu.memory_space<hbm>> -> memref<1024xi32, #tpu.memory_space<hbm>>
      %dma_start3A_334 = tpu.memref_slice %arg5[%dma_start3A_331, %mul3A_330] : memref<2x11264xi32, #tpu.memory_space<hbm>> -> memref<1x1024xi32, #tpu.memory_space<hbm>>
      %dma_start3A_335 = tpu.memref_squeeze %dma_start3A_334 : memref<1x1024xi32, #tpu.memory_space<hbm>> -> memref<1024xi32, #tpu.memory_space<hbm>>
      tpu.enqueue_dma source(%dma_start3A_335 : memref<1024xi32, #tpu.memory_space<hbm>>) target(%arg13 : memref<1024xi32, #tpu.memory_space<vmem>>) target_semaphore(%arg19 : memref<!tpu.dma_semaphore, #tpu.memory_space<semaphore_mem>>)
      %sub3A_336 = arith.constant 25000 : i32
      %sub3A_337 = arith.subi %add3A_203, %sub3A_336 : i32
      %mul3A_338 = arith.constant 128 : i32
      %mul3A_339 = arith.muli %sub3A_337, %mul3A_338 : i32
      %dma_start3A_340 = arith.constant 1 : i32
      %dma_start3A_341 = tpu.memref_slice %arg5[%dma_start3A_340, %mul3A_339] : memref<2x11264xi32, #tpu.memory_space<hbm>> -> memref<1x1024xi32, #tpu.memory_space<hbm>>
      %dma_start3A_342 = tpu.memref_squeeze %dma_start3A_341 : memref<1x1024xi32, #tpu.memory_space<hbm>> -> memref<1024xi32, #tpu.memory_space<hbm>>
      %dma_start3A_343 = tpu.memref_slice %arg5[%dma_start3A_340, %mul3A_339] : memref<2x11264xi32, #tpu.memory_space<hbm>> -> memref<1x1024xi32, #tpu.memory_space<hbm>>
      %dma_start3A_344 = tpu.memref_squeeze %dma_start3A_343 : memref<1x1024xi32, #tpu.memory_space<hbm>> -> memref<1024xi32, #tpu.memory_space<hbm>>
      tpu.enqueue_dma source(%dma_start3A_344 : memref<1024xi32, #tpu.memory_space<hbm>>) target(%arg15 : memref<1024xi32, #tpu.memory_space<vmem>>) target_semaphore(%arg19 : memref<!tpu.dma_semaphore, #tpu.memory_space<semaphore_mem>>)
      %dma_wait3A_345 = arith.constant 0 : i32
      %dma_wait3A_346 = tpu.memref_slice %arg5[%dma_wait3A_345, %mul3A_330] : memref<2x11264xi32, #tpu.memory_space<hbm>> -> memref<1x1024xi32, #tpu.memory_space<hbm>>
      %dma_wait3A_347 = tpu.memref_squeeze %dma_wait3A_346 : memref<1x1024xi32, #tpu.memory_space<hbm>> -> memref<1024xi32, #tpu.memory_space<hbm>>
      %dma_wait3A_348 = tpu.memref_slice %arg5[%dma_wait3A_345, %mul3A_330] : memref<2x11264xi32, #tpu.memory_space<hbm>> -> memref<1x1024xi32, #tpu.memory_space<hbm>>
      %dma_wait3A_349 = tpu.memref_squeeze %dma_wait3A_348 : memref<1x1024xi32, #tpu.memory_space<hbm>> -> memref<1024xi32, #tpu.memory_space<hbm>>
      tpu.wait_dma2 semaphore(%arg19 : memref<!tpu.dma_semaphore, #tpu.memory_space<semaphore_mem>>) src(%dma_wait3A_349 : memref<1024xi32, #tpu.memory_space<hbm>>) dst(%arg13 : memref<1024xi32, #tpu.memory_space<vmem>>)
      %dma_wait3A_350 = arith.constant 1 : i32
      %dma_wait3A_351 = tpu.memref_slice %arg5[%dma_wait3A_350, %mul3A_339] : memref<2x11264xi32, #tpu.memory_space<hbm>> -> memref<1x1024xi32, #tpu.memory_space<hbm>>
      %dma_wait3A_352 = tpu.memref_squeeze %dma_wait3A_351 : memref<1x1024xi32, #tpu.memory_space<hbm>> -> memref<1024xi32, #tpu.memory_space<hbm>>
      %dma_wait3A_353 = tpu.memref_slice %arg5[%dma_wait3A_350, %mul3A_339] : memref<2x11264xi32, #tpu.memory_space<hbm>> -> memref<1x1024xi32, #tpu.memory_space<hbm>>
      %dma_wait3A_354 = tpu.memref_squeeze %dma_wait3A_353 : memref<1x1024xi32, #tpu.memory_space<hbm>> -> memref<1024xi32, #tpu.memory_space<hbm>>
      tpu.wait_dma2 semaphore(%arg19 : memref<!tpu.dma_semaphore, #tpu.memory_space<semaphore_mem>>) src(%dma_wait3A_354 : memref<1024xi32, #tpu.memory_space<hbm>>) dst(%arg15 : memref<1024xi32, #tpu.memory_space<vmem>>)
    } else {
    }
    %dma_start3A_214 = arith.constant 0 : i32
    %dma_start3A_215 = arith.constant 0 : i32
    %dma_start3A_216 = tpu.memref_slice %arg8[%arg0, %dma_start3A_214, %dma_start3A_215] : memref<2x100096x8xf32, #tpu.memory_space<hbm>> -> memref<1x100096x8xf32, #tpu.memory_space<hbm>>
    %dma_start3A_217 = tpu.memref_squeeze %dma_start3A_216 : memref<1x100096x8xf32, #tpu.memory_space<hbm>> -> memref<100096x8xf32, #tpu.memory_space<hbm>>
    %dma_start3A_218 = arith.constant 0 : i32
    %dma_start3A_219 = arith.constant 0 : i32
    %dma_start3A_220 = tpu.memref_slice %dma_start3A_217[%dma_start3A_218, %dma_start3A_219] : memref<100096x8xf32, #tpu.memory_space<hbm>> -> memref<100096x8xf32, #tpu.memory_space<hbm>>
    tpu.enqueue_indirect_dma source(%dma_start3A_220 : memref<100096x8xf32, #tpu.memory_space<hbm>>) target(%arg17 : memref<1024x8xf32, #tpu.memory_space<vmem>>) offsets(%arg13 : memref<1024xi32, #tpu.memory_space<vmem>>) semaphore(%arg21 : memref<!tpu.dma_semaphore, #tpu.memory_space<semaphore_mem>>)
    %scan3A_221 = arith.constant 0 : i32
    %scan3A_222 = arith.constant 0 : i32
    %scan3A_223 = arith.constant 97 : i32
    %scan3A_224 = arith.addi %scan3A_222, %scan3A_223 : i32
    %scan3A_225 = arith.constant 1 : i32
    scf.for %scan3A_328 = %scan3A_222 to %scan3A_224 step %scan3A_225  : i32 {
      %mul3A_329 = arith.constant 2 : i32
      %mul3A_330 = arith.muli %mul3A_329, %scan3A_328 : i32
      %add3A_331 = arith.constant 2 : i32
      %add3A_332 = arith.addi %add3A_331, %mul3A_330 : i32
      %dma_wait3A_333 = arith.constant 0 : i32
      %dma_wait3A_334 = arith.constant 0 : i32
      %dma_wait3A_335 = tpu.memref_slice %arg8[%arg0, %dma_wait3A_333, %dma_wait3A_334] : memref<2x100096x8xf32, #tpu.memory_space<hbm>> -> memref<1x100096x8xf32, #tpu.memory_space<hbm>>
      %dma_wait3A_336 = tpu.memref_squeeze %dma_wait3A_335 : memref<1x100096x8xf32, #tpu.memory_space<hbm>> -> memref<100096x8xf32, #tpu.memory_space<hbm>>
      %dma_wait3A_337 = arith.constant 0 : i32
      %dma_wait3A_338 = arith.constant 0 : i32
      %dma_wait3A_339 = tpu.memref_slice %dma_wait3A_336[%dma_wait3A_337, %dma_wait3A_338] : memref<100096x8xf32, #tpu.memory_space<hbm>> -> memref<100096x8xf32, #tpu.memory_space<hbm>>
      tpu.wait_indirect_dma semaphore(%arg21 : memref<!tpu.dma_semaphore, #tpu.memory_space<semaphore_mem>>) src(%dma_wait3A_339 : memref<100096x8xf32, #tpu.memory_space<hbm>>) dst(%arg17 : memref<1024x8xf32, #tpu.memory_space<vmem>>)
      %dma_start3A_340 = arith.constant 0 : i32
      %dma_start3A_341 = arith.constant 0 : i32
      %dma_start3A_342 = tpu.memref_slice %arg11[%dma_start3A_340, %dma_start3A_341] : memref<100096x8xf32, #tpu.memory_space<vmem_shared>> -> memref<100096x8xf32, #tpu.memory_space<vmem_shared>>
      tpu.enqueue_indirect_dma source(%arg17 : memref<1024x8xf32, #tpu.memory_space<vmem>>) target(%dma_start3A_342 : memref<100096x8xf32, #tpu.memory_space<vmem_shared>>) offsets(%arg15 : memref<1024xi32, #tpu.memory_space<vmem>>) semaphore(%arg23 : memref<!tpu.dma_semaphore, #tpu.memory_space<semaphore_mem>>) {add = true}
      %dma_wait3A_343 = arith.constant 0 : i32
      %dma_wait3A_344 = arith.constant 0 : i32
      %dma_wait3A_345 = tpu.memref_slice %arg11[%dma_wait3A_343, %dma_wait3A_344] : memref<100096x8xf32, #tpu.memory_space<vmem_shared>> -> memref<100096x8xf32, #tpu.memory_space<vmem_shared>>
      tpu.wait_indirect_dma semaphore(%arg22 : memref<!tpu.dma_semaphore, #tpu.memory_space<semaphore_mem>>) src(%arg16 : memref<1024x8xf32, #tpu.memory_space<vmem>>) dst(%dma_wait3A_345 : memref<100096x8xf32, #tpu.memory_space<vmem_shared>>)
      %mul3A_346 = arith.constant 8 : i32
      %mul3A_347 = arith.muli %add3A_332, %mul3A_346 : i32
      %add3A_348 = arith.addi %mul3A_0, %mul3A_347 : i32
      %lt3A_349 = arith.constant 25000 : i32
      %lt3A_350 = arith.cmpi slt, %add3A_348, %lt3A_349 : i32
      %convert_element_type3A_351 = arith.extui %lt3A_350 : i1 to i32
      %cond3A_352 = arith.constant 0 : i32
      %cond3A_353 = arith.cmpi ne, %convert_element_type3A_351, %cond3A_352 : i32
      scf.if %cond3A_353 {
        %mul3A_403 = arith.constant 128 : i32
        %mul3A_404 = arith.muli %add3A_348, %mul3A_403 : i32
        %dma_start3A_405 = tpu.memref_slice %arg3[%mul3A_404] : memref<3200000xi32, #tpu.memory_space<hbm>> -> memref<1024xi32, #tpu.memory_space<hbm>>
        %dma_start3A_406 = tpu.memref_slice %arg3[%mul3A_404] : memref<3200000xi32, #tpu.memory_space<hbm>> -> memref<1024xi32, #tpu.memory_space<hbm>>
        tpu.enqueue_dma source(%dma_start3A_406 : memref<1024xi32, #tpu.memory_space<hbm>>) target(%arg12 : memref<1024xi32, #tpu.memory_space<vmem>>) target_semaphore(%arg19 : memref<!tpu.dma_semaphore, #tpu.memory_space<semaphore_mem>>)
        %mul3A_407 = arith.constant 128 : i32
        %mul3A_408 = arith.muli %add3A_348, %mul3A_407 : i32
        %dma_start3A_409 = tpu.memref_slice %arg4[%mul3A_408] : memref<3200000xi32, #tpu.memory_space<hbm>> -> memref<1024xi32, #tpu.memory_space<hbm>>
        %dma_start3A_410 = tpu.memref_slice %arg4[%mul3A_408] : memref<3200000xi32, #tpu.memory_space<hbm>> -> memref<1024xi32, #tpu.memory_space<hbm>>
        tpu.enqueue_dma source(%dma_start3A_410 : memref<1024xi32, #tpu.memory_space<hbm>>) target(%arg14 : memref<1024xi32, #tpu.memory_space<vmem>>) target_semaphore(%arg19 : memref<!tpu.dma_semaphore, #tpu.memory_space<semaphore_mem>>)
        %dma_wait3A_411 = tpu.memref_slice %arg3[%mul3A_404] : memref<3200000xi32, #tpu.memory_space<hbm>> -> memref<1024xi32, #tpu.memory_space<hbm>>
        %dma_wait3A_412 = tpu.memref_slice %arg3[%mul3A_404] : memref<3200000xi32, #tpu.memory_space<hbm>> -> memref<1024xi32, #tpu.memory_space<hbm>>
        tpu.wait_dma2 semaphore(%arg19 : memref<!tpu.dma_semaphore, #tpu.memory_space<semaphore_mem>>) src(%dma_wait3A_412 : memref<1024xi32, #tpu.memory_space<hbm>>) dst(%arg12 : memref<1024xi32, #tpu.memory_space<vmem>>)
        %dma_wait3A_413 = tpu.memref_slice %arg4[%mul3A_408] : memref<3200000xi32, #tpu.memory_space<hbm>> -> memref<1024xi32, #tpu.memory_space<hbm>>
        %dma_wait3A_414 = tpu.memref_slice %arg4[%mul3A_408] : memref<3200000xi32, #tpu.memory_space<hbm>> -> memref<1024xi32, #tpu.memory_space<hbm>>
        tpu.wait_dma2 semaphore(%arg19 : memref<!tpu.dma_semaphore, #tpu.memory_space<semaphore_mem>>) src(%dma_wait3A_414 : memref<1024xi32, #tpu.memory_space<hbm>>) dst(%arg14 : memref<1024xi32, #tpu.memory_space<vmem>>)
      } else {
      }
      %ge3A_354 = arith.constant 25000 : i32
      %ge3A_355 = arith.cmpi sge, %add3A_348, %ge3A_354 : i32
      %convert_element_type3A_356 = arith.extui %ge3A_355 : i1 to i32
      %cond3A_357 = arith.constant 0 : i32
      %cond3A_358 = arith.cmpi ne, %convert_element_type3A_356, %cond3A_357 : i32
      scf.if %cond3A_358 {
        %sub3A = arith.constant 25000 : i32
        %sub3A_403 = arith.subi %add3A_348, %sub3A : i32
        %mul3A_404 = arith.constant 128 : i32
        %mul3A_405 = arith.muli %sub3A_403, %mul3A_404 : i32
        %dma_start3A_406 = arith.constant 0 : i32
        %dma_start3A_407 = tpu.memref_slice %arg5[%dma_start3A_406, %mul3A_405] : memref<2x11264xi32, #tpu.memory_space<hbm>> -> memref<1x1024xi32, #tpu.memory_space<hbm>>
        %dma_start3A_408 = tpu.memref_squeeze %dma_start3A_407 : memref<1x1024xi32, #tpu.memory_space<hbm>> -> memref<1024xi32, #tpu.memory_space<hbm>>
        %dma_start3A_409 = tpu.memref_slice %arg5[%dma_start3A_406, %mul3A_405] : memref<2x11264xi32, #tpu.memory_space<hbm>> -> memref<1x1024xi32, #tpu.memory_space<hbm>>
        %dma_start3A_410 = tpu.memref_squeeze %dma_start3A_409 : memref<1x1024xi32, #tpu.memory_space<hbm>> -> memref<1024xi32, #tpu.memory_space<hbm>>
        tpu.enqueue_dma source(%dma_start3A_410 : memref<1024xi32, #tpu.memory_space<hbm>>) target(%arg12 : memref<1024xi32, #tpu.memory_space<vmem>>) target_semaphore(%arg19 : memref<!tpu.dma_semaphore, #tpu.memory_space<semaphore_mem>>)
        %sub3A_411 = arith.constant 25000 : i32
        %sub3A_412 = arith.subi %add3A_348, %sub3A_411 : i32
        %mul3A_413 = arith.constant 128 : i32
        %mul3A_414 = arith.muli %sub3A_412, %mul3A_413 : i32
        %dma_start3A_415 = arith.constant 1 : i32
        %dma_start3A_416 = tpu.memref_slice %arg5[%dma_start3A_415, %mul3A_414] : memref<2x11264xi32, #tpu.memory_space<hbm>> -> memref<1x1024xi32, #tpu.memory_space<hbm>>
        %dma_start3A_417 = tpu.memref_squeeze %dma_start3A_416 : memref<1x1024xi32, #tpu.memory_space<hbm>> -> memref<1024xi32, #tpu.memory_space<hbm>>
        %dma_start3A_418 = tpu.memref_slice %arg5[%dma_start3A_415, %mul3A_414] : memref<2x11264xi32, #tpu.memory_space<hbm>> -> memref<1x1024xi32, #tpu.memory_space<hbm>>
        %dma_start3A_419 = tpu.memref_squeeze %dma_start3A_418 : memref<1x1024xi32, #tpu.memory_space<hbm>> -> memref<1024xi32, #tpu.memory_space<hbm>>
        tpu.enqueue_dma source(%dma_start3A_419 : memref<1024xi32, #tpu.memory_space<hbm>>) target(%arg14 : memref<1024xi32, #tpu.memory_space<vmem>>) target_semaphore(%arg19 : memref<!tpu.dma_semaphore, #tpu.memory_space<semaphore_mem>>)
        %dma_wait3A_420 = arith.constant 0 : i32
        %dma_wait3A_421 = tpu.memref_slice %arg5[%dma_wait3A_420, %mul3A_405] : memref<2x11264xi32, #tpu.memory_space<hbm>> -> memref<1x1024xi32, #tpu.memory_space<hbm>>
        %dma_wait3A_422 = tpu.memref_squeeze %dma_wait3A_421 : memref<1x1024xi32, #tpu.memory_space<hbm>> -> memref<1024xi32, #tpu.memory_space<hbm>>
        %dma_wait3A_423 = tpu.memref_slice %arg5[%dma_wait3A_420, %mul3A_405] : memref<2x11264xi32, #tpu.memory_space<hbm>> -> memref<1x1024xi32, #tpu.memory_space<hbm>>
        %dma_wait3A_424 = tpu.memref_squeeze %dma_wait3A_423 : memref<1x1024xi32, #tpu.memory_space<hbm>> -> memref<1024xi32, #tpu.memory_space<hbm>>
        tpu.wait_dma2 semaphore(%arg19 : memref<!tpu.dma_semaphore, #tpu.memory_space<semaphore_mem>>) src(%dma_wait3A_424 : memref<1024xi32, #tpu.memory_space<hbm>>) dst(%arg12 : memref<1024xi32, #tpu.memory_space<vmem>>)
        %dma_wait3A_425 = arith.constant 1 : i32
        %dma_wait3A_426 = tpu.memref_slice %arg5[%dma_wait3A_425, %mul3A_414] : memref<2x11264xi32, #tpu.memory_space<hbm>> -> memref<1x1024xi32, #tpu.memory_space<hbm>>
        %dma_wait3A_427 = tpu.memref_squeeze %dma_wait3A_426 : memref<1x1024xi32, #tpu.memory_space<hbm>> -> memref<1024xi32, #tpu.memory_space<hbm>>
        %dma_wait3A_428 = tpu.memref_slice %arg5[%dma_wait3A_425, %mul3A_414] : memref<2x11264xi32, #tpu.memory_space<hbm>> -> memref<1x1024xi32, #tpu.memory_space<hbm>>
        %dma_wait3A_429 = tpu.memref_squeeze %dma_wait3A_428 : memref<1x1024xi32, #tpu.memory_space<hbm>> -> memref<1024xi32, #tpu.memory_space<hbm>>
        tpu.wait_dma2 semaphore(%arg19 : memref<!tpu.dma_semaphore, #tpu.memory_space<semaphore_mem>>) src(%dma_wait3A_429 : memref<1024xi32, #tpu.memory_space<hbm>>) dst(%arg14 : memref<1024xi32, #tpu.memory_space<vmem>>)
      } else {
      }
      %dma_start3A_359 = arith.constant 0 : i32
      %dma_start3A_360 = arith.constant 0 : i32
      %dma_start3A_361 = tpu.memref_slice %arg8[%arg0, %dma_start3A_359, %dma_start3A_360] : memref<2x100096x8xf32, #tpu.memory_space<hbm>> -> memref<1x100096x8xf32, #tpu.memory_space<hbm>>
      %dma_start3A_362 = tpu.memref_squeeze %dma_start3A_361 : memref<1x100096x8xf32, #tpu.memory_space<hbm>> -> memref<100096x8xf32, #tpu.memory_space<hbm>>
      %dma_start3A_363 = arith.constant 0 : i32
      %dma_start3A_364 = arith.constant 0 : i32
      %dma_start3A_365 = tpu.memref_slice %dma_start3A_362[%dma_start3A_363, %dma_start3A_364] : memref<100096x8xf32, #tpu.memory_space<hbm>> -> memref<100096x8xf32, #tpu.memory_space<hbm>>
      tpu.enqueue_indirect_dma source(%dma_start3A_365 : memref<100096x8xf32, #tpu.memory_space<hbm>>) target(%arg16 : memref<1024x8xf32, #tpu.memory_space<vmem>>) offsets(%arg12 : memref<1024xi32, #tpu.memory_space<vmem>>) semaphore(%arg20 : memref<!tpu.dma_semaphore, #tpu.memory_space<semaphore_mem>>)
      %mul3A_366 = arith.constant 2 : i32
      %mul3A_367 = arith.muli %mul3A_366, %scan3A_328 : i32
      %add3A_368 = arith.constant 3 : i32
      %add3A_369 = arith.addi %add3A_368, %mul3A_367 : i32
      %dma_wait3A_370 = arith.constant 0 : i32
      %dma_wait3A_371 = arith.constant 0 : i32
      %dma_wait3A_372 = tpu.memref_slice %arg8[%arg0, %dma_wait3A_370, %dma_wait3A_371] : memref<2x100096x8xf32, #tpu.memory_space<hbm>> -> memref<1x100096x8xf32, #tpu.memory_space<hbm>>
      %dma_wait3A_373 = tpu.memref_squeeze %dma_wait3A_372 : memref<1x100096x8xf32, #tpu.memory_space<hbm>> -> memref<100096x8xf32, #tpu.memory_space<hbm>>
      %dma_wait3A_374 = arith.constant 0 : i32
      %dma_wait3A_375 = arith.constant 0 : i32
      %dma_wait3A_376 = tpu.memref_slice %dma_wait3A_373[%dma_wait3A_374, %dma_wait3A_375] : memref<100096x8xf32, #tpu.memory_space<hbm>> -> memref<100096x8xf32, #tpu.memory_space<hbm>>
      tpu.wait_indirect_dma semaphore(%arg20 : memref<!tpu.dma_semaphore, #tpu.memory_space<semaphore_mem>>) src(%dma_wait3A_376 : memref<100096x8xf32, #tpu.memory_space<hbm>>) dst(%arg16 : memref<1024x8xf32, #tpu.memory_space<vmem>>)
      %dma_start3A_377 = arith.constant 0 : i32
      %dma_start3A_378 = arith.constant 0 : i32
      %dma_start3A_379 = tpu.memref_slice %arg11[%dma_start3A_377, %dma_start3A_378] : memref<100096x8xf32, #tpu.memory_space<vmem_shared>> -> memref<100096x8xf32, #tpu.memory_space<vmem_shared>>
      tpu.enqueue_indirect_dma source(%arg16 : memref<1024x8xf32, #tpu.memory_space<vmem>>) target(%dma_start3A_379 : memref<100096x8xf32, #tpu.memory_space<vmem_shared>>) offsets(%arg14 : memref<1024xi32, #tpu.memory_space<vmem>>) semaphore(%arg22 : memref<!tpu.dma_semaphore, #tpu.memory_space<semaphore_mem>>) {add = true}
      %dma_wait3A_380 = arith.constant 0 : i32
      %dma_wait3A_381 = arith.constant 0 : i32
      %dma_wait3A_382 = tpu.memref_slice %arg11[%dma_wait3A_380, %dma_wait3A_381] : memref<100096x8xf32, #tpu.memory_space<vmem_shared>> -> memref<100096x8xf32, #tpu.memory_space<vmem_shared>>
      tpu.wait_indirect_dma semaphore(%arg23 : memref<!tpu.dma_semaphore, #tpu.memory_space<semaphore_mem>>) src(%arg17 : memref<1024x8xf32, #tpu.memory_space<vmem>>) dst(%dma_wait3A_382 : memref<100096x8xf32, #tpu.memory_space<vmem_shared>>)
      %mul3A_383 = arith.constant 8 : i32
      %mul3A_384 = arith.muli %add3A_369, %mul3A_383 : i32
      %add3A_385 = arith.addi %mul3A_0, %mul3A_384 : i32
      %lt3A_386 = arith.constant 25000 : i32
      %lt3A_387 = arith.cmpi slt, %add3A_385, %lt3A_386 : i32
      %convert_element_type3A_388 = arith.extui %lt3A_387 : i1 to i32
      %cond3A_389 = arith.constant 0 : i32
      %cond3A_390 = arith.cmpi ne, %convert_element_type3A_388, %cond3A_389 : i32
      scf.if %cond3A_390 {
        %mul3A_403 = arith.constant 128 : i32
        %mul3A_404 = arith.muli %add3A_385, %mul3A_403 : i32
        %dma_start3A_405 = tpu.memref_slice %arg3[%mul3A_404] : memref<3200000xi32, #tpu.memory_space<hbm>> -> memref<1024xi32, #tpu.memory_space<hbm>>
        %dma_start3A_406 = tpu.memref_slice %arg3[%mul3A_404] : memref<3200000xi32, #tpu.memory_space<hbm>> -> memref<1024xi32, #tpu.memory_space<hbm>>
        tpu.enqueue_dma source(%dma_start3A_406 : memref<1024xi32, #tpu.memory_space<hbm>>) target(%arg13 : memref<1024xi32, #tpu.memory_space<vmem>>) target_semaphore(%arg19 : memref<!tpu.dma_semaphore, #tpu.memory_space<semaphore_mem>>)
        %mul3A_407 = arith.constant 128 : i32
        %mul3A_408 = arith.muli %add3A_385, %mul3A_407 : i32
        %dma_start3A_409 = tpu.memref_slice %arg4[%mul3A_408] : memref<3200000xi32, #tpu.memory_space<hbm>> -> memref<1024xi32, #tpu.memory_space<hbm>>
        %dma_start3A_410 = tpu.memref_slice %arg4[%mul3A_408] : memref<3200000xi32, #tpu.memory_space<hbm>> -> memref<1024xi32, #tpu.memory_space<hbm>>
        tpu.enqueue_dma source(%dma_start3A_410 : memref<1024xi32, #tpu.memory_space<hbm>>) target(%arg15 : memref<1024xi32, #tpu.memory_space<vmem>>) target_semaphore(%arg19 : memref<!tpu.dma_semaphore, #tpu.memory_space<semaphore_mem>>)
        %dma_wait3A_411 = tpu.memref_slice %arg3[%mul3A_404] : memref<3200000xi32, #tpu.memory_space<hbm>> -> memref<1024xi32, #tpu.memory_space<hbm>>
        %dma_wait3A_412 = tpu.memref_slice %arg3[%mul3A_404] : memref<3200000xi32, #tpu.memory_space<hbm>> -> memref<1024xi32, #tpu.memory_space<hbm>>
        tpu.wait_dma2 semaphore(%arg19 : memref<!tpu.dma_semaphore, #tpu.memory_space<semaphore_mem>>) src(%dma_wait3A_412 : memref<1024xi32, #tpu.memory_space<hbm>>) dst(%arg13 : memref<1024xi32, #tpu.memory_space<vmem>>)
        %dma_wait3A_413 = tpu.memref_slice %arg4[%mul3A_408] : memref<3200000xi32, #tpu.memory_space<hbm>> -> memref<1024xi32, #tpu.memory_space<hbm>>
        %dma_wait3A_414 = tpu.memref_slice %arg4[%mul3A_408] : memref<3200000xi32, #tpu.memory_space<hbm>> -> memref<1024xi32, #tpu.memory_space<hbm>>
        tpu.wait_dma2 semaphore(%arg19 : memref<!tpu.dma_semaphore, #tpu.memory_space<semaphore_mem>>) src(%dma_wait3A_414 : memref<1024xi32, #tpu.memory_space<hbm>>) dst(%arg15 : memref<1024xi32, #tpu.memory_space<vmem>>)
      } else {
      }
      %ge3A_391 = arith.constant 25000 : i32
      %ge3A_392 = arith.cmpi sge, %add3A_385, %ge3A_391 : i32
      %convert_element_type3A_393 = arith.extui %ge3A_392 : i1 to i32
      %cond3A_394 = arith.constant 0 : i32
      %cond3A_395 = arith.cmpi ne, %convert_element_type3A_393, %cond3A_394 : i32
      scf.if %cond3A_395 {
        %sub3A = arith.constant 25000 : i32
        %sub3A_403 = arith.subi %add3A_385, %sub3A : i32
        %mul3A_404 = arith.constant 128 : i32
        %mul3A_405 = arith.muli %sub3A_403, %mul3A_404 : i32
        %dma_start3A_406 = arith.constant 0 : i32
        %dma_start3A_407 = tpu.memref_slice %arg5[%dma_start3A_406, %mul3A_405] : memref<2x11264xi32, #tpu.memory_space<hbm>> -> memref<1x1024xi32, #tpu.memory_space<hbm>>
        %dma_start3A_408 = tpu.memref_squeeze %dma_start3A_407 : memref<1x1024xi32, #tpu.memory_space<hbm>> -> memref<1024xi32, #tpu.memory_space<hbm>>
        %dma_start3A_409 = tpu.memref_slice %arg5[%dma_start3A_406, %mul3A_405] : memref<2x11264xi32, #tpu.memory_space<hbm>> -> memref<1x1024xi32, #tpu.memory_space<hbm>>
        %dma_start3A_410 = tpu.memref_squeeze %dma_start3A_409 : memref<1x1024xi32, #tpu.memory_space<hbm>> -> memref<1024xi32, #tpu.memory_space<hbm>>
        tpu.enqueue_dma source(%dma_start3A_410 : memref<1024xi32, #tpu.memory_space<hbm>>) target(%arg13 : memref<1024xi32, #tpu.memory_space<vmem>>) target_semaphore(%arg19 : memref<!tpu.dma_semaphore, #tpu.memory_space<semaphore_mem>>)
        %sub3A_411 = arith.constant 25000 : i32
        %sub3A_412 = arith.subi %add3A_385, %sub3A_411 : i32
        %mul3A_413 = arith.constant 128 : i32
        %mul3A_414 = arith.muli %sub3A_412, %mul3A_413 : i32
        %dma_start3A_415 = arith.constant 1 : i32
        %dma_start3A_416 = tpu.memref_slice %arg5[%dma_start3A_415, %mul3A_414] : memref<2x11264xi32, #tpu.memory_space<hbm>> -> memref<1x1024xi32, #tpu.memory_space<hbm>>
        %dma_start3A_417 = tpu.memref_squeeze %dma_start3A_416 : memref<1x1024xi32, #tpu.memory_space<hbm>> -> memref<1024xi32, #tpu.memory_space<hbm>>
        %dma_start3A_418 = tpu.memref_slice %arg5[%dma_start3A_415, %mul3A_414] : memref<2x11264xi32, #tpu.memory_space<hbm>> -> memref<1x1024xi32, #tpu.memory_space<hbm>>
        %dma_start3A_419 = tpu.memref_squeeze %dma_start3A_418 : memref<1x1024xi32, #tpu.memory_space<hbm>> -> memref<1024xi32, #tpu.memory_space<hbm>>
        tpu.enqueue_dma source(%dma_start3A_419 : memref<1024xi32, #tpu.memory_space<hbm>>) target(%arg15 : memref<1024xi32, #tpu.memory_space<vmem>>) target_semaphore(%arg19 : memref<!tpu.dma_semaphore, #tpu.memory_space<semaphore_mem>>)
        %dma_wait3A_420 = arith.constant 0 : i32
        %dma_wait3A_421 = tpu.memref_slice %arg5[%dma_wait3A_420, %mul3A_405] : memref<2x11264xi32, #tpu.memory_space<hbm>> -> memref<1x1024xi32, #tpu.memory_space<hbm>>
        %dma_wait3A_422 = tpu.memref_squeeze %dma_wait3A_421 : memref<1x1024xi32, #tpu.memory_space<hbm>> -> memref<1024xi32, #tpu.memory_space<hbm>>
        %dma_wait3A_423 = tpu.memref_slice %arg5[%dma_wait3A_420, %mul3A_405] : memref<2x11264xi32, #tpu.memory_space<hbm>> -> memref<1x1024xi32, #tpu.memory_space<hbm>>
        %dma_wait3A_424 = tpu.memref_squeeze %dma_wait3A_423 : memref<1x1024xi32, #tpu.memory_space<hbm>> -> memref<1024xi32, #tpu.memory_space<hbm>>
        tpu.wait_dma2 semaphore(%arg19 : memref<!tpu.dma_semaphore, #tpu.memory_space<semaphore_mem>>) src(%dma_wait3A_424 : memref<1024xi32, #tpu.memory_space<hbm>>) dst(%arg13 : memref<1024xi32, #tpu.memory_space<vmem>>)
        %dma_wait3A_425 = arith.constant 1 : i32
        %dma_wait3A_426 = tpu.memref_slice %arg5[%dma_wait3A_425, %mul3A_414] : memref<2x11264xi32, #tpu.memory_space<hbm>> -> memref<1x1024xi32, #tpu.memory_space<hbm>>
        %dma_wait3A_427 = tpu.memref_squeeze %dma_wait3A_426 : memref<1x1024xi32, #tpu.memory_space<hbm>> -> memref<1024xi32, #tpu.memory_space<hbm>>
        %dma_wait3A_428 = tpu.memref_slice %arg5[%dma_wait3A_425, %mul3A_414] : memref<2x11264xi32, #tpu.memory_space<hbm>> -> memref<1x1024xi32, #tpu.memory_space<hbm>>
        %dma_wait3A_429 = tpu.memref_squeeze %dma_wait3A_428 : memref<1x1024xi32, #tpu.memory_space<hbm>> -> memref<1024xi32, #tpu.memory_space<hbm>>
        tpu.wait_dma2 semaphore(%arg19 : memref<!tpu.dma_semaphore, #tpu.memory_space<semaphore_mem>>) src(%dma_wait3A_429 : memref<1024xi32, #tpu.memory_space<hbm>>) dst(%arg15 : memref<1024xi32, #tpu.memory_space<vmem>>)
      } else {
      }
      %dma_start3A_396 = arith.constant 0 : i32
      %dma_start3A_397 = arith.constant 0 : i32
      %dma_start3A_398 = tpu.memref_slice %arg8[%arg0, %dma_start3A_396, %dma_start3A_397] : memref<2x100096x8xf32, #tpu.memory_space<hbm>> -> memref<1x100096x8xf32, #tpu.memory_space<hbm>>
      %dma_start3A_399 = tpu.memref_squeeze %dma_start3A_398 : memref<1x100096x8xf32, #tpu.memory_space<hbm>> -> memref<100096x8xf32, #tpu.memory_space<hbm>>
      %dma_start3A_400 = arith.constant 0 : i32
      %dma_start3A_401 = arith.constant 0 : i32
      %dma_start3A_402 = tpu.memref_slice %dma_start3A_399[%dma_start3A_400, %dma_start3A_401] : memref<100096x8xf32, #tpu.memory_space<hbm>> -> memref<100096x8xf32, #tpu.memory_space<hbm>>
      tpu.enqueue_indirect_dma source(%dma_start3A_402 : memref<100096x8xf32, #tpu.memory_space<hbm>>) target(%arg17 : memref<1024x8xf32, #tpu.memory_space<vmem>>) offsets(%arg13 : memref<1024xi32, #tpu.memory_space<vmem>>) semaphore(%arg21 : memref<!tpu.dma_semaphore, #tpu.memory_space<semaphore_mem>>)
    }
    %scan3A_226 = arith.constant 97 : i32
    %dma_wait3A_227 = arith.constant 0 : i32
    %dma_wait3A_228 = arith.constant 0 : i32
    %dma_wait3A_229 = tpu.memref_slice %arg8[%arg0, %dma_wait3A_227, %dma_wait3A_228] : memref<2x100096x8xf32, #tpu.memory_space<hbm>> -> memref<1x100096x8xf32, #tpu.memory_space<hbm>>
    %dma_wait3A_230 = tpu.memref_squeeze %dma_wait3A_229 : memref<1x100096x8xf32, #tpu.memory_space<hbm>> -> memref<100096x8xf32, #tpu.memory_space<hbm>>
    %dma_wait3A_231 = arith.constant 0 : i32
    %dma_wait3A_232 = arith.constant 0 : i32
    %dma_wait3A_233 = tpu.memref_slice %dma_wait3A_230[%dma_wait3A_231, %dma_wait3A_232] : memref<100096x8xf32, #tpu.memory_space<hbm>> -> memref<100096x8xf32, #tpu.memory_space<hbm>>
    tpu.wait_indirect_dma semaphore(%arg21 : memref<!tpu.dma_semaphore, #tpu.memory_space<semaphore_mem>>) src(%dma_wait3A_233 : memref<100096x8xf32, #tpu.memory_space<hbm>>) dst(%arg17 : memref<1024x8xf32, #tpu.memory_space<vmem>>)
    %dma_start3A_234 = arith.constant 0 : i32
    %dma_start3A_235 = arith.constant 0 : i32
    %dma_start3A_236 = tpu.memref_slice %arg11[%dma_start3A_234, %dma_start3A_235] : memref<100096x8xf32, #tpu.memory_space<vmem_shared>> -> memref<100096x8xf32, #tpu.memory_space<vmem_shared>>
    tpu.enqueue_indirect_dma source(%arg17 : memref<1024x8xf32, #tpu.memory_space<vmem>>) target(%dma_start3A_236 : memref<100096x8xf32, #tpu.memory_space<vmem_shared>>) offsets(%arg15 : memref<1024xi32, #tpu.memory_space<vmem>>) semaphore(%arg23 : memref<!tpu.dma_semaphore, #tpu.memory_space<semaphore_mem>>) {add = true}
    %dma_wait3A_237 = arith.constant 0 : i32
    %dma_wait3A_238 = arith.constant 0 : i32
    %dma_wait3A_239 = tpu.memref_slice %arg11[%dma_wait3A_237, %dma_wait3A_238] : memref<100096x8xf32, #tpu.memory_space<vmem_shared>> -> memref<100096x8xf32, #tpu.memory_space<vmem_shared>>
    tpu.wait_indirect_dma semaphore(%arg22 : memref<!tpu.dma_semaphore, #tpu.memory_space<semaphore_mem>>) src(%arg16 : memref<1024x8xf32, #tpu.memory_space<vmem>>) dst(%dma_wait3A_239 : memref<100096x8xf32, #tpu.memory_space<vmem_shared>>)
    %dma_wait3A_240 = arith.constant 0 : i32
    %dma_wait3A_241 = arith.constant 0 : i32
    %dma_wait3A_242 = tpu.memref_slice %arg11[%dma_wait3A_240, %dma_wait3A_241] : memref<100096x8xf32, #tpu.memory_space<vmem_shared>> -> memref<100096x8xf32, #tpu.memory_space<vmem_shared>>
    tpu.wait_indirect_dma semaphore(%arg23 : memref<!tpu.dma_semaphore, #tpu.memory_space<semaphore_mem>>) src(%arg17 : memref<1024x8xf32, #tpu.memory_space<vmem>>) dst(%dma_wait3A_242 : memref<100096x8xf32, #tpu.memory_space<vmem_shared>>)
    %barrier3A_243 = arith.constant 0 : index
    tpu.barrier barrier_id(%barrier3A_243)
    %mul3A_244 = arith.constant 6256 : i32
    %mul3A_245 = arith.muli %arg1, %mul3A_244 : i32
    %mul3A_246 = arith.constant 6256 : i32
    %mul3A_247 = arith.muli %arg1, %mul3A_246 : i32
    "tpu.region"() ({
      %run_scoped3A = tpu.sem_alloc : memref<!tpu.dma_semaphore, #tpu.memory_space<semaphore_mem>>
      %dma_start3A_328 = arith.constant 0 : i32
      %dma_start3A_329 = tpu.memref_slice %arg9[%arg0, %mul3A_247, %dma_start3A_328] : memref<2x100096x8xf32, #tpu.memory_space<hbm>> -> memref<1x6256x8xf32, #tpu.memory_space<hbm>>
      %dma_start3A_330 = tpu.memref_squeeze %dma_start3A_329 : memref<1x6256x8xf32, #tpu.memory_space<hbm>> -> memref<6256x8xf32, #tpu.memory_space<hbm>>
      %dma_start3A_331 = arith.constant 0 : i32
      %dma_start3A_332 = tpu.memref_slice %arg11[%mul3A_245, %dma_start3A_331] : memref<100096x8xf32, #tpu.memory_space<vmem_shared>> -> memref<6256x8xf32, #tpu.memory_space<vmem_shared>>
      tpu.enqueue_dma source(%dma_start3A_332 : memref<6256x8xf32, #tpu.memory_space<vmem_shared>>) target(%dma_start3A_330 : memref<6256x8xf32, #tpu.memory_space<hbm>>) target_semaphore(%run_scoped3A : memref<!tpu.dma_semaphore, #tpu.memory_space<semaphore_mem>>)
      %dma_wait3A_333 = arith.constant 0 : i32
      %dma_wait3A_334 = tpu.memref_slice %arg9[%arg0, %mul3A_247, %dma_wait3A_333] : memref<2x100096x8xf32, #tpu.memory_space<hbm>> -> memref<1x6256x8xf32, #tpu.memory_space<hbm>>
      %dma_wait3A_335 = tpu.memref_squeeze %dma_wait3A_334 : memref<1x6256x8xf32, #tpu.memory_space<hbm>> -> memref<6256x8xf32, #tpu.memory_space<hbm>>
      %dma_wait3A_336 = arith.constant 0 : i32
      %dma_wait3A_337 = tpu.memref_slice %arg11[%mul3A_245, %dma_wait3A_336] : memref<100096x8xf32, #tpu.memory_space<vmem_shared>> -> memref<6256x8xf32, #tpu.memory_space<vmem_shared>>
      tpu.wait_dma2 semaphore(%run_scoped3A : memref<!tpu.dma_semaphore, #tpu.memory_space<semaphore_mem>>) src(%dma_wait3A_337 : memref<6256x8xf32, #tpu.memory_space<vmem_shared>>) dst(%dma_wait3A_335 : memref<6256x8xf32, #tpu.memory_space<hbm>>)
      tpu.yield
    }) : () -> ()
    %mul3A_248 = arith.constant 6256 : i32
    %mul3A_249 = arith.muli %arg1, %mul3A_248 : i32
    %mul3A_250 = arith.constant 6256 : i32
    %mul3A_251 = arith.muli %arg1, %mul3A_250 : i32
    "tpu.region"() ({
      %run_scoped3A = tpu.sem_alloc : memref<!tpu.dma_semaphore, #tpu.memory_space<semaphore_mem>>
      %dma_start3A_328 = arith.constant 0 : i32
      %dma_start3A_329 = tpu.memref_slice %arg11[%mul3A_251, %dma_start3A_328] : memref<100096x8xf32, #tpu.memory_space<vmem_shared>> -> memref<6256x8xf32, #tpu.memory_space<vmem_shared>>
      %dma_start3A_330 = arith.constant 0 : i32
      %dma_start3A_331 = tpu.memref_slice %arg6[%mul3A_249, %dma_start3A_330] : memref<100096x8xf32, #tpu.memory_space<hbm>> -> memref<6256x8xf32, #tpu.memory_space<hbm>>
      tpu.enqueue_dma source(%dma_start3A_331 : memref<6256x8xf32, #tpu.memory_space<hbm>>) target(%dma_start3A_329 : memref<6256x8xf32, #tpu.memory_space<vmem_shared>>) target_semaphore(%run_scoped3A : memref<!tpu.dma_semaphore, #tpu.memory_space<semaphore_mem>>)
      %dma_wait3A_332 = arith.constant 0 : i32
      %dma_wait3A_333 = tpu.memref_slice %arg11[%mul3A_251, %dma_wait3A_332] : memref<100096x8xf32, #tpu.memory_space<vmem_shared>> -> memref<6256x8xf32, #tpu.memory_space<vmem_shared>>
      %dma_wait3A_334 = arith.constant 0 : i32
      %dma_wait3A_335 = tpu.memref_slice %arg6[%mul3A_249, %dma_wait3A_334] : memref<100096x8xf32, #tpu.memory_space<hbm>> -> memref<6256x8xf32, #tpu.memory_space<hbm>>
      tpu.wait_dma2 semaphore(%run_scoped3A : memref<!tpu.dma_semaphore, #tpu.memory_space<semaphore_mem>>) src(%dma_wait3A_335 : memref<6256x8xf32, #tpu.memory_space<hbm>>) dst(%dma_wait3A_333 : memref<6256x8xf32, #tpu.memory_space<vmem_shared>>)
      tpu.yield
    }) : () -> ()
    %barrier3A_252 = arith.constant 0 : index
    tpu.barrier barrier_id(%barrier3A_252)
    %add3A_253 = arith.constant 0 : i32
    %add3A_254 = arith.addi %mul3A_0, %add3A_253 : i32
    %lt3A_255 = arith.constant 25000 : i32
    %lt3A_256 = arith.cmpi slt, %add3A_254, %lt3A_255 : i32
    %convert_element_type3A_257 = arith.extui %lt3A_256 : i1 to i32
    %cond3A_258 = arith.constant 0 : i32
    %cond3A_259 = arith.cmpi ne, %convert_element_type3A_257, %cond3A_258 : i32
    scf.if %cond3A_259 {
      %mul3A_328 = arith.constant 128 : i32
      %mul3A_329 = arith.muli %add3A_254, %mul3A_328 : i32
      %dma_start3A_330 = tpu.memref_slice %arg3[%mul3A_329] : memref<3200000xi32, #tpu.memory_space<hbm>> -> memref<1024xi32, #tpu.memory_space<hbm>>
      %dma_start3A_331 = tpu.memref_slice %arg3[%mul3A_329] : memref<3200000xi32, #tpu.memory_space<hbm>> -> memref<1024xi32, #tpu.memory_space<hbm>>
      tpu.enqueue_dma source(%dma_start3A_331 : memref<1024xi32, #tpu.memory_space<hbm>>) target(%arg12 : memref<1024xi32, #tpu.memory_space<vmem>>) target_semaphore(%arg19 : memref<!tpu.dma_semaphore, #tpu.memory_space<semaphore_mem>>)
      %mul3A_332 = arith.constant 128 : i32
      %mul3A_333 = arith.muli %add3A_254, %mul3A_332 : i32
      %dma_start3A_334 = tpu.memref_slice %arg4[%mul3A_333] : memref<3200000xi32, #tpu.memory_space<hbm>> -> memref<1024xi32, #tpu.memory_space<hbm>>
      %dma_start3A_335 = tpu.memref_slice %arg4[%mul3A_333] : memref<3200000xi32, #tpu.memory_space<hbm>> -> memref<1024xi32, #tpu.memory_space<hbm>>
      tpu.enqueue_dma source(%dma_start3A_335 : memref<1024xi32, #tpu.memory_space<hbm>>) target(%arg14 : memref<1024xi32, #tpu.memory_space<vmem>>) target_semaphore(%arg19 : memref<!tpu.dma_semaphore, #tpu.memory_space<semaphore_mem>>)
      %dma_wait3A_336 = tpu.memref_slice %arg3[%mul3A_329] : memref<3200000xi32, #tpu.memory_space<hbm>> -> memref<1024xi32, #tpu.memory_space<hbm>>
      %dma_wait3A_337 = tpu.memref_slice %arg3[%mul3A_329] : memref<3200000xi32, #tpu.memory_space<hbm>> -> memref<1024xi32, #tpu.memory_space<hbm>>
      tpu.wait_dma2 semaphore(%arg19 : memref<!tpu.dma_semaphore, #tpu.memory_space<semaphore_mem>>) src(%dma_wait3A_337 : memref<1024xi32, #tpu.memory_space<hbm>>) dst(%arg12 : memref<1024xi32, #tpu.memory_space<vmem>>)
      %dma_wait3A_338 = tpu.memref_slice %arg4[%mul3A_333] : memref<3200000xi32, #tpu.memory_space<hbm>> -> memref<1024xi32, #tpu.memory_space<hbm>>
      %dma_wait3A_339 = tpu.memref_slice %arg4[%mul3A_333] : memref<3200000xi32, #tpu.memory_space<hbm>> -> memref<1024xi32, #tpu.memory_space<hbm>>
      tpu.wait_dma2 semaphore(%arg19 : memref<!tpu.dma_semaphore, #tpu.memory_space<semaphore_mem>>) src(%dma_wait3A_339 : memref<1024xi32, #tpu.memory_space<hbm>>) dst(%arg14 : memref<1024xi32, #tpu.memory_space<vmem>>)
    } else {
    }
    %ge3A_260 = arith.constant 25000 : i32
    %ge3A_261 = arith.cmpi sge, %add3A_254, %ge3A_260 : i32
    %convert_element_type3A_262 = arith.extui %ge3A_261 : i1 to i32
    %cond3A_263 = arith.constant 0 : i32
    %cond3A_264 = arith.cmpi ne, %convert_element_type3A_262, %cond3A_263 : i32
    scf.if %cond3A_264 {
      %sub3A = arith.constant 25000 : i32
      %sub3A_328 = arith.subi %add3A_254, %sub3A : i32
      %mul3A_329 = arith.constant 128 : i32
      %mul3A_330 = arith.muli %sub3A_328, %mul3A_329 : i32
      %dma_start3A_331 = arith.constant 0 : i32
      %dma_start3A_332 = tpu.memref_slice %arg5[%dma_start3A_331, %mul3A_330] : memref<2x11264xi32, #tpu.memory_space<hbm>> -> memref<1x1024xi32, #tpu.memory_space<hbm>>
      %dma_start3A_333 = tpu.memref_squeeze %dma_start3A_332 : memref<1x1024xi32, #tpu.memory_space<hbm>> -> memref<1024xi32, #tpu.memory_space<hbm>>
      %dma_start3A_334 = tpu.memref_slice %arg5[%dma_start3A_331, %mul3A_330] : memref<2x11264xi32, #tpu.memory_space<hbm>> -> memref<1x1024xi32, #tpu.memory_space<hbm>>
      %dma_start3A_335 = tpu.memref_squeeze %dma_start3A_334 : memref<1x1024xi32, #tpu.memory_space<hbm>> -> memref<1024xi32, #tpu.memory_space<hbm>>
      tpu.enqueue_dma source(%dma_start3A_335 : memref<1024xi32, #tpu.memory_space<hbm>>) target(%arg12 : memref<1024xi32, #tpu.memory_space<vmem>>) target_semaphore(%arg19 : memref<!tpu.dma_semaphore, #tpu.memory_space<semaphore_mem>>)
      %sub3A_336 = arith.constant 25000 : i32
      %sub3A_337 = arith.subi %add3A_254, %sub3A_336 : i32
      %mul3A_338 = arith.constant 128 : i32
      %mul3A_339 = arith.muli %sub3A_337, %mul3A_338 : i32
      %dma_start3A_340 = arith.constant 1 : i32
      %dma_start3A_341 = tpu.memref_slice %arg5[%dma_start3A_340, %mul3A_339] : memref<2x11264xi32, #tpu.memory_space<hbm>> -> memref<1x1024xi32, #tpu.memory_space<hbm>>
      %dma_start3A_342 = tpu.memref_squeeze %dma_start3A_341 : memref<1x1024xi32, #tpu.memory_space<hbm>> -> memref<1024xi32, #tpu.memory_space<hbm>>
      %dma_start3A_343 = tpu.memref_slice %arg5[%dma_start3A_340, %mul3A_339] : memref<2x11264xi32, #tpu.memory_space<hbm>> -> memref<1x1024xi32, #tpu.memory_space<hbm>>
      %dma_start3A_344 = tpu.memref_squeeze %dma_start3A_343 : memref<1x1024xi32, #tpu.memory_space<hbm>> -> memref<1024xi32, #tpu.memory_space<hbm>>
      tpu.enqueue_dma source(%dma_start3A_344 : memref<1024xi32, #tpu.memory_space<hbm>>) target(%arg14 : memref<1024xi32, #tpu.memory_space<vmem>>) target_semaphore(%arg19 : memref<!tpu.dma_semaphore, #tpu.memory_space<semaphore_mem>>)
      %dma_wait3A_345 = arith.constant 0 : i32
      %dma_wait3A_346 = tpu.memref_slice %arg5[%dma_wait3A_345, %mul3A_330] : memref<2x11264xi32, #tpu.memory_space<hbm>> -> memref<1x1024xi32, #tpu.memory_space<hbm>>
      %dma_wait3A_347 = tpu.memref_squeeze %dma_wait3A_346 : memref<1x1024xi32, #tpu.memory_space<hbm>> -> memref<1024xi32, #tpu.memory_space<hbm>>
      %dma_wait3A_348 = tpu.memref_slice %arg5[%dma_wait3A_345, %mul3A_330] : memref<2x11264xi32, #tpu.memory_space<hbm>> -> memref<1x1024xi32, #tpu.memory_space<hbm>>
      %dma_wait3A_349 = tpu.memref_squeeze %dma_wait3A_348 : memref<1x1024xi32, #tpu.memory_space<hbm>> -> memref<1024xi32, #tpu.memory_space<hbm>>
      tpu.wait_dma2 semaphore(%arg19 : memref<!tpu.dma_semaphore, #tpu.memory_space<semaphore_mem>>) src(%dma_wait3A_349 : memref<1024xi32, #tpu.memory_space<hbm>>) dst(%arg12 : memref<1024xi32, #tpu.memory_space<vmem>>)
      %dma_wait3A_350 = arith.constant 1 : i32
      %dma_wait3A_351 = tpu.memref_slice %arg5[%dma_wait3A_350, %mul3A_339] : memref<2x11264xi32, #tpu.memory_space<hbm>> -> memref<1x1024xi32, #tpu.memory_space<hbm>>
      %dma_wait3A_352 = tpu.memref_squeeze %dma_wait3A_351 : memref<1x1024xi32, #tpu.memory_space<hbm>> -> memref<1024xi32, #tpu.memory_space<hbm>>
      %dma_wait3A_353 = tpu.memref_slice %arg5[%dma_wait3A_350, %mul3A_339] : memref<2x11264xi32, #tpu.memory_space<hbm>> -> memref<1x1024xi32, #tpu.memory_space<hbm>>
      %dma_wait3A_354 = tpu.memref_squeeze %dma_wait3A_353 : memref<1x1024xi32, #tpu.memory_space<hbm>> -> memref<1024xi32, #tpu.memory_space<hbm>>
      tpu.wait_dma2 semaphore(%arg19 : memref<!tpu.dma_semaphore, #tpu.memory_space<semaphore_mem>>) src(%dma_wait3A_354 : memref<1024xi32, #tpu.memory_space<hbm>>) dst(%arg14 : memref<1024xi32, #tpu.memory_space<vmem>>)
    } else {
    }
    %dma_start3A_265 = arith.constant 0 : i32
    %dma_start3A_266 = arith.constant 0 : i32
    %dma_start3A_267 = tpu.memref_slice %arg9[%arg0, %dma_start3A_265, %dma_start3A_266] : memref<2x100096x8xf32, #tpu.memory_space<hbm>> -> memref<1x100096x8xf32, #tpu.memory_space<hbm>>
    %dma_start3A_268 = tpu.memref_squeeze %dma_start3A_267 : memref<1x100096x8xf32, #tpu.memory_space<hbm>> -> memref<100096x8xf32, #tpu.memory_space<hbm>>
    %dma_start3A_269 = arith.constant 0 : i32
    %dma_start3A_270 = arith.constant 0 : i32
    %dma_start3A_271 = tpu.memref_slice %dma_start3A_268[%dma_start3A_269, %dma_start3A_270] : memref<100096x8xf32, #tpu.memory_space<hbm>> -> memref<100096x8xf32, #tpu.memory_space<hbm>>
    tpu.enqueue_indirect_dma source(%dma_start3A_271 : memref<100096x8xf32, #tpu.memory_space<hbm>>) target(%arg16 : memref<1024x8xf32, #tpu.memory_space<vmem>>) offsets(%arg12 : memref<1024xi32, #tpu.memory_space<vmem>>) semaphore(%arg20 : memref<!tpu.dma_semaphore, #tpu.memory_space<semaphore_mem>>)
    %dma_wait3A_272 = arith.constant 0 : i32
    %dma_wait3A_273 = arith.constant 0 : i32
    %dma_wait3A_274 = tpu.memref_slice %arg9[%arg0, %dma_wait3A_272, %dma_wait3A_273] : memref<2x100096x8xf32, #tpu.memory_space<hbm>> -> memref<1x100096x8xf32, #tpu.memory_space<hbm>>
    %dma_wait3A_275 = tpu.memref_squeeze %dma_wait3A_274 : memref<1x100096x8xf32, #tpu.memory_space<hbm>> -> memref<100096x8xf32, #tpu.memory_space<hbm>>
    %dma_wait3A_276 = arith.constant 0 : i32
    %dma_wait3A_277 = arith.constant 0 : i32
    %dma_wait3A_278 = tpu.memref_slice %dma_wait3A_275[%dma_wait3A_276, %dma_wait3A_277] : memref<100096x8xf32, #tpu.memory_space<hbm>> -> memref<100096x8xf32, #tpu.memory_space<hbm>>
    tpu.wait_indirect_dma semaphore(%arg20 : memref<!tpu.dma_semaphore, #tpu.memory_space<semaphore_mem>>) src(%dma_wait3A_278 : memref<100096x8xf32, #tpu.memory_space<hbm>>) dst(%arg16 : memref<1024x8xf32, #tpu.memory_space<vmem>>)
    %dma_start3A_279 = arith.constant 0 : i32
    %dma_start3A_280 = arith.constant 0 : i32
    %dma_start3A_281 = tpu.memref_slice %arg11[%dma_start3A_279, %dma_start3A_280] : memref<100096x8xf32, #tpu.memory_space<vmem_shared>> -> memref<100096x8xf32, #tpu.memory_space<vmem_shared>>
    tpu.enqueue_indirect_dma source(%arg16 : memref<1024x8xf32, #tpu.memory_space<vmem>>) target(%dma_start3A_281 : memref<100096x8xf32, #tpu.memory_space<vmem_shared>>) offsets(%arg14 : memref<1024xi32, #tpu.memory_space<vmem>>) semaphore(%arg22 : memref<!tpu.dma_semaphore, #tpu.memory_space<semaphore_mem>>) {add = true}
    %add3A_282 = arith.constant 8 : i32
    %add3A_283 = arith.addi %mul3A_0, %add3A_282 : i32
    %lt3A_284 = arith.constant 25000 : i32
    %lt3A_285 = arith.cmpi slt, %add3A_283, %lt3A_284 : i32
    %convert_element_type3A_286 = arith.extui %lt3A_285 : i1 to i32
    %cond3A_287 = arith.constant 0 : i32
    %cond3A_288 = arith.cmpi ne, %convert_element_type3A_286, %cond3A_287 : i32
    scf.if %cond3A_288 {
      %mul3A_328 = arith.constant 128 : i32
      %mul3A_329 = arith.muli %add3A_283, %mul3A_328 : i32
      %dma_start3A_330 = tpu.memref_slice %arg3[%mul3A_329] : memref<3200000xi32, #tpu.memory_space<hbm>> -> memref<1024xi32, #tpu.memory_space<hbm>>
      %dma_start3A_331 = tpu.memref_slice %arg3[%mul3A_329] : memref<3200000xi32, #tpu.memory_space<hbm>> -> memref<1024xi32, #tpu.memory_space<hbm>>
      tpu.enqueue_dma source(%dma_start3A_331 : memref<1024xi32, #tpu.memory_space<hbm>>) target(%arg13 : memref<1024xi32, #tpu.memory_space<vmem>>) target_semaphore(%arg19 : memref<!tpu.dma_semaphore, #tpu.memory_space<semaphore_mem>>)
      %mul3A_332 = arith.constant 128 : i32
      %mul3A_333 = arith.muli %add3A_283, %mul3A_332 : i32
      %dma_start3A_334 = tpu.memref_slice %arg4[%mul3A_333] : memref<3200000xi32, #tpu.memory_space<hbm>> -> memref<1024xi32, #tpu.memory_space<hbm>>
      %dma_start3A_335 = tpu.memref_slice %arg4[%mul3A_333] : memref<3200000xi32, #tpu.memory_space<hbm>> -> memref<1024xi32, #tpu.memory_space<hbm>>
      tpu.enqueue_dma source(%dma_start3A_335 : memref<1024xi32, #tpu.memory_space<hbm>>) target(%arg15 : memref<1024xi32, #tpu.memory_space<vmem>>) target_semaphore(%arg19 : memref<!tpu.dma_semaphore, #tpu.memory_space<semaphore_mem>>)
      %dma_wait3A_336 = tpu.memref_slice %arg3[%mul3A_329] : memref<3200000xi32, #tpu.memory_space<hbm>> -> memref<1024xi32, #tpu.memory_space<hbm>>
      %dma_wait3A_337 = tpu.memref_slice %arg3[%mul3A_329] : memref<3200000xi32, #tpu.memory_space<hbm>> -> memref<1024xi32, #tpu.memory_space<hbm>>
      tpu.wait_dma2 semaphore(%arg19 : memref<!tpu.dma_semaphore, #tpu.memory_space<semaphore_mem>>) src(%dma_wait3A_337 : memref<1024xi32, #tpu.memory_space<hbm>>) dst(%arg13 : memref<1024xi32, #tpu.memory_space<vmem>>)
      %dma_wait3A_338 = tpu.memref_slice %arg4[%mul3A_333] : memref<3200000xi32, #tpu.memory_space<hbm>> -> memref<1024xi32, #tpu.memory_space<hbm>>
      %dma_wait3A_339 = tpu.memref_slice %arg4[%mul3A_333] : memref<3200000xi32, #tpu.memory_space<hbm>> -> memref<1024xi32, #tpu.memory_space<hbm>>
      tpu.wait_dma2 semaphore(%arg19 : memref<!tpu.dma_semaphore, #tpu.memory_space<semaphore_mem>>) src(%dma_wait3A_339 : memref<1024xi32, #tpu.memory_space<hbm>>) dst(%arg15 : memref<1024xi32, #tpu.memory_space<vmem>>)
    } else {
    }
    %ge3A_289 = arith.constant 25000 : i32
    %ge3A_290 = arith.cmpi sge, %add3A_283, %ge3A_289 : i32
    %convert_element_type3A_291 = arith.extui %ge3A_290 : i1 to i32
    %cond3A_292 = arith.constant 0 : i32
    %cond3A_293 = arith.cmpi ne, %convert_element_type3A_291, %cond3A_292 : i32
    scf.if %cond3A_293 {
      %sub3A = arith.constant 25000 : i32
      %sub3A_328 = arith.subi %add3A_283, %sub3A : i32
      %mul3A_329 = arith.constant 128 : i32
      %mul3A_330 = arith.muli %sub3A_328, %mul3A_329 : i32
      %dma_start3A_331 = arith.constant 0 : i32
      %dma_start3A_332 = tpu.memref_slice %arg5[%dma_start3A_331, %mul3A_330] : memref<2x11264xi32, #tpu.memory_space<hbm>> -> memref<1x1024xi32, #tpu.memory_space<hbm>>
      %dma_start3A_333 = tpu.memref_squeeze %dma_start3A_332 : memref<1x1024xi32, #tpu.memory_space<hbm>> -> memref<1024xi32, #tpu.memory_space<hbm>>
      %dma_start3A_334 = tpu.memref_slice %arg5[%dma_start3A_331, %mul3A_330] : memref<2x11264xi32, #tpu.memory_space<hbm>> -> memref<1x1024xi32, #tpu.memory_space<hbm>>
      %dma_start3A_335 = tpu.memref_squeeze %dma_start3A_334 : memref<1x1024xi32, #tpu.memory_space<hbm>> -> memref<1024xi32, #tpu.memory_space<hbm>>
      tpu.enqueue_dma source(%dma_start3A_335 : memref<1024xi32, #tpu.memory_space<hbm>>) target(%arg13 : memref<1024xi32, #tpu.memory_space<vmem>>) target_semaphore(%arg19 : memref<!tpu.dma_semaphore, #tpu.memory_space<semaphore_mem>>)
      %sub3A_336 = arith.constant 25000 : i32
      %sub3A_337 = arith.subi %add3A_283, %sub3A_336 : i32
      %mul3A_338 = arith.constant 128 : i32
      %mul3A_339 = arith.muli %sub3A_337, %mul3A_338 : i32
      %dma_start3A_340 = arith.constant 1 : i32
      %dma_start3A_341 = tpu.memref_slice %arg5[%dma_start3A_340, %mul3A_339] : memref<2x11264xi32, #tpu.memory_space<hbm>> -> memref<1x1024xi32, #tpu.memory_space<hbm>>
      %dma_start3A_342 = tpu.memref_squeeze %dma_start3A_341 : memref<1x1024xi32, #tpu.memory_space<hbm>> -> memref<1024xi32, #tpu.memory_space<hbm>>
      %dma_start3A_343 = tpu.memref_slice %arg5[%dma_start3A_340, %mul3A_339] : memref<2x11264xi32, #tpu.memory_space<hbm>> -> memref<1x1024xi32, #tpu.memory_space<hbm>>
      %dma_start3A_344 = tpu.memref_squeeze %dma_start3A_343 : memref<1x1024xi32, #tpu.memory_space<hbm>> -> memref<1024xi32, #tpu.memory_space<hbm>>
      tpu.enqueue_dma source(%dma_start3A_344 : memref<1024xi32, #tpu.memory_space<hbm>>) target(%arg15 : memref<1024xi32, #tpu.memory_space<vmem>>) target_semaphore(%arg19 : memref<!tpu.dma_semaphore, #tpu.memory_space<semaphore_mem>>)
      %dma_wait3A_345 = arith.constant 0 : i32
      %dma_wait3A_346 = tpu.memref_slice %arg5[%dma_wait3A_345, %mul3A_330] : memref<2x11264xi32, #tpu.memory_space<hbm>> -> memref<1x1024xi32, #tpu.memory_space<hbm>>
      %dma_wait3A_347 = tpu.memref_squeeze %dma_wait3A_346 : memref<1x1024xi32, #tpu.memory_space<hbm>> -> memref<1024xi32, #tpu.memory_space<hbm>>
      %dma_wait3A_348 = tpu.memref_slice %arg5[%dma_wait3A_345, %mul3A_330] : memref<2x11264xi32, #tpu.memory_space<hbm>> -> memref<1x1024xi32, #tpu.memory_space<hbm>>
      %dma_wait3A_349 = tpu.memref_squeeze %dma_wait3A_348 : memref<1x1024xi32, #tpu.memory_space<hbm>> -> memref<1024xi32, #tpu.memory_space<hbm>>
      tpu.wait_dma2 semaphore(%arg19 : memref<!tpu.dma_semaphore, #tpu.memory_space<semaphore_mem>>) src(%dma_wait3A_349 : memref<1024xi32, #tpu.memory_space<hbm>>) dst(%arg13 : memref<1024xi32, #tpu.memory_space<vmem>>)
      %dma_wait3A_350 = arith.constant 1 : i32
      %dma_wait3A_351 = tpu.memref_slice %arg5[%dma_wait3A_350, %mul3A_339] : memref<2x11264xi32, #tpu.memory_space<hbm>> -> memref<1x1024xi32, #tpu.memory_space<hbm>>
      %dma_wait3A_352 = tpu.memref_squeeze %dma_wait3A_351 : memref<1x1024xi32, #tpu.memory_space<hbm>> -> memref<1024xi32, #tpu.memory_space<hbm>>
      %dma_wait3A_353 = tpu.memref_slice %arg5[%dma_wait3A_350, %mul3A_339] : memref<2x11264xi32, #tpu.memory_space<hbm>> -> memref<1x1024xi32, #tpu.memory_space<hbm>>
      %dma_wait3A_354 = tpu.memref_squeeze %dma_wait3A_353 : memref<1x1024xi32, #tpu.memory_space<hbm>> -> memref<1024xi32, #tpu.memory_space<hbm>>
      tpu.wait_dma2 semaphore(%arg19 : memref<!tpu.dma_semaphore, #tpu.memory_space<semaphore_mem>>) src(%dma_wait3A_354 : memref<1024xi32, #tpu.memory_space<hbm>>) dst(%arg15 : memref<1024xi32, #tpu.memory_space<vmem>>)
    } else {
    }
    %dma_start3A_294 = arith.constant 0 : i32
    %dma_start3A_295 = arith.constant 0 : i32
    %dma_start3A_296 = tpu.memref_slice %arg9[%arg0, %dma_start3A_294, %dma_start3A_295] : memref<2x100096x8xf32, #tpu.memory_space<hbm>> -> memref<1x100096x8xf32, #tpu.memory_space<hbm>>
    %dma_start3A_297 = tpu.memref_squeeze %dma_start3A_296 : memref<1x100096x8xf32, #tpu.memory_space<hbm>> -> memref<100096x8xf32, #tpu.memory_space<hbm>>
    %dma_start3A_298 = arith.constant 0 : i32
    %dma_start3A_299 = arith.constant 0 : i32
    %dma_start3A_300 = tpu.memref_slice %dma_start3A_297[%dma_start3A_298, %dma_start3A_299] : memref<100096x8xf32, #tpu.memory_space<hbm>> -> memref<100096x8xf32, #tpu.memory_space<hbm>>
    tpu.enqueue_indirect_dma source(%dma_start3A_300 : memref<100096x8xf32, #tpu.memory_space<hbm>>) target(%arg17 : memref<1024x8xf32, #tpu.memory_space<vmem>>) offsets(%arg13 : memref<1024xi32, #tpu.memory_space<vmem>>) semaphore(%arg21 : memref<!tpu.dma_semaphore, #tpu.memory_space<semaphore_mem>>)
    %scan3A_301 = arith.constant 0 : i32
    %scan3A_302 = arith.constant 0 : i32
    %scan3A_303 = arith.constant 97 : i32
    %scan3A_304 = arith.addi %scan3A_302, %scan3A_303 : i32
    %scan3A_305 = arith.constant 1 : i32
    scf.for %scan3A_328 = %scan3A_302 to %scan3A_304 step %scan3A_305  : i32 {
      %mul3A_329 = arith.constant 2 : i32
      %mul3A_330 = arith.muli %mul3A_329, %scan3A_328 : i32
      %add3A_331 = arith.constant 2 : i32
      %add3A_332 = arith.addi %add3A_331, %mul3A_330 : i32
      %dma_wait3A_333 = arith.constant 0 : i32
      %dma_wait3A_334 = arith.constant 0 : i32
      %dma_wait3A_335 = tpu.memref_slice %arg9[%arg0, %dma_wait3A_333, %dma_wait3A_334] : memref<2x100096x8xf32, #tpu.memory_space<hbm>> -> memref<1x100096x8xf32, #tpu.memory_space<hbm>>
      %dma_wait3A_336 = tpu.memref_squeeze %dma_wait3A_335 : memref<1x100096x8xf32, #tpu.memory_space<hbm>> -> memref<100096x8xf32, #tpu.memory_space<hbm>>
      %dma_wait3A_337 = arith.constant 0 : i32
      %dma_wait3A_338 = arith.constant 0 : i32
      %dma_wait3A_339 = tpu.memref_slice %dma_wait3A_336[%dma_wait3A_337, %dma_wait3A_338] : memref<100096x8xf32, #tpu.memory_space<hbm>> -> memref<100096x8xf32, #tpu.memory_space<hbm>>
      tpu.wait_indirect_dma semaphore(%arg21 : memref<!tpu.dma_semaphore, #tpu.memory_space<semaphore_mem>>) src(%dma_wait3A_339 : memref<100096x8xf32, #tpu.memory_space<hbm>>) dst(%arg17 : memref<1024x8xf32, #tpu.memory_space<vmem>>)
      %dma_start3A_340 = arith.constant 0 : i32
      %dma_start3A_341 = arith.constant 0 : i32
      %dma_start3A_342 = tpu.memref_slice %arg11[%dma_start3A_340, %dma_start3A_341] : memref<100096x8xf32, #tpu.memory_space<vmem_shared>> -> memref<100096x8xf32, #tpu.memory_space<vmem_shared>>
      tpu.enqueue_indirect_dma source(%arg17 : memref<1024x8xf32, #tpu.memory_space<vmem>>) target(%dma_start3A_342 : memref<100096x8xf32, #tpu.memory_space<vmem_shared>>) offsets(%arg15 : memref<1024xi32, #tpu.memory_space<vmem>>) semaphore(%arg23 : memref<!tpu.dma_semaphore, #tpu.memory_space<semaphore_mem>>) {add = true}
      %dma_wait3A_343 = arith.constant 0 : i32
      %dma_wait3A_344 = arith.constant 0 : i32
      %dma_wait3A_345 = tpu.memref_slice %arg11[%dma_wait3A_343, %dma_wait3A_344] : memref<100096x8xf32, #tpu.memory_space<vmem_shared>> -> memref<100096x8xf32, #tpu.memory_space<vmem_shared>>
      tpu.wait_indirect_dma semaphore(%arg22 : memref<!tpu.dma_semaphore, #tpu.memory_space<semaphore_mem>>) src(%arg16 : memref<1024x8xf32, #tpu.memory_space<vmem>>) dst(%dma_wait3A_345 : memref<100096x8xf32, #tpu.memory_space<vmem_shared>>)
      %mul3A_346 = arith.constant 8 : i32
      %mul3A_347 = arith.muli %add3A_332, %mul3A_346 : i32
      %add3A_348 = arith.addi %mul3A_0, %mul3A_347 : i32
      %lt3A_349 = arith.constant 25000 : i32
      %lt3A_350 = arith.cmpi slt, %add3A_348, %lt3A_349 : i32
      %convert_element_type3A_351 = arith.extui %lt3A_350 : i1 to i32
      %cond3A_352 = arith.constant 0 : i32
      %cond3A_353 = arith.cmpi ne, %convert_element_type3A_351, %cond3A_352 : i32
      scf.if %cond3A_353 {
        %mul3A_403 = arith.constant 128 : i32
        %mul3A_404 = arith.muli %add3A_348, %mul3A_403 : i32
        %dma_start3A_405 = tpu.memref_slice %arg3[%mul3A_404] : memref<3200000xi32, #tpu.memory_space<hbm>> -> memref<1024xi32, #tpu.memory_space<hbm>>
        %dma_start3A_406 = tpu.memref_slice %arg3[%mul3A_404] : memref<3200000xi32, #tpu.memory_space<hbm>> -> memref<1024xi32, #tpu.memory_space<hbm>>
        tpu.enqueue_dma source(%dma_start3A_406 : memref<1024xi32, #tpu.memory_space<hbm>>) target(%arg12 : memref<1024xi32, #tpu.memory_space<vmem>>) target_semaphore(%arg19 : memref<!tpu.dma_semaphore, #tpu.memory_space<semaphore_mem>>)
        %mul3A_407 = arith.constant 128 : i32
        %mul3A_408 = arith.muli %add3A_348, %mul3A_407 : i32
        %dma_start3A_409 = tpu.memref_slice %arg4[%mul3A_408] : memref<3200000xi32, #tpu.memory_space<hbm>> -> memref<1024xi32, #tpu.memory_space<hbm>>
        %dma_start3A_410 = tpu.memref_slice %arg4[%mul3A_408] : memref<3200000xi32, #tpu.memory_space<hbm>> -> memref<1024xi32, #tpu.memory_space<hbm>>
        tpu.enqueue_dma source(%dma_start3A_410 : memref<1024xi32, #tpu.memory_space<hbm>>) target(%arg14 : memref<1024xi32, #tpu.memory_space<vmem>>) target_semaphore(%arg19 : memref<!tpu.dma_semaphore, #tpu.memory_space<semaphore_mem>>)
        %dma_wait3A_411 = tpu.memref_slice %arg3[%mul3A_404] : memref<3200000xi32, #tpu.memory_space<hbm>> -> memref<1024xi32, #tpu.memory_space<hbm>>
        %dma_wait3A_412 = tpu.memref_slice %arg3[%mul3A_404] : memref<3200000xi32, #tpu.memory_space<hbm>> -> memref<1024xi32, #tpu.memory_space<hbm>>
        tpu.wait_dma2 semaphore(%arg19 : memref<!tpu.dma_semaphore, #tpu.memory_space<semaphore_mem>>) src(%dma_wait3A_412 : memref<1024xi32, #tpu.memory_space<hbm>>) dst(%arg12 : memref<1024xi32, #tpu.memory_space<vmem>>)
        %dma_wait3A_413 = tpu.memref_slice %arg4[%mul3A_408] : memref<3200000xi32, #tpu.memory_space<hbm>> -> memref<1024xi32, #tpu.memory_space<hbm>>
        %dma_wait3A_414 = tpu.memref_slice %arg4[%mul3A_408] : memref<3200000xi32, #tpu.memory_space<hbm>> -> memref<1024xi32, #tpu.memory_space<hbm>>
        tpu.wait_dma2 semaphore(%arg19 : memref<!tpu.dma_semaphore, #tpu.memory_space<semaphore_mem>>) src(%dma_wait3A_414 : memref<1024xi32, #tpu.memory_space<hbm>>) dst(%arg14 : memref<1024xi32, #tpu.memory_space<vmem>>)
      } else {
      }
      %ge3A_354 = arith.constant 25000 : i32
      %ge3A_355 = arith.cmpi sge, %add3A_348, %ge3A_354 : i32
      %convert_element_type3A_356 = arith.extui %ge3A_355 : i1 to i32
      %cond3A_357 = arith.constant 0 : i32
      %cond3A_358 = arith.cmpi ne, %convert_element_type3A_356, %cond3A_357 : i32
      scf.if %cond3A_358 {
        %sub3A = arith.constant 25000 : i32
        %sub3A_403 = arith.subi %add3A_348, %sub3A : i32
        %mul3A_404 = arith.constant 128 : i32
        %mul3A_405 = arith.muli %sub3A_403, %mul3A_404 : i32
        %dma_start3A_406 = arith.constant 0 : i32
        %dma_start3A_407 = tpu.memref_slice %arg5[%dma_start3A_406, %mul3A_405] : memref<2x11264xi32, #tpu.memory_space<hbm>> -> memref<1x1024xi32, #tpu.memory_space<hbm>>
        %dma_start3A_408 = tpu.memref_squeeze %dma_start3A_407 : memref<1x1024xi32, #tpu.memory_space<hbm>> -> memref<1024xi32, #tpu.memory_space<hbm>>
        %dma_start3A_409 = tpu.memref_slice %arg5[%dma_start3A_406, %mul3A_405] : memref<2x11264xi32, #tpu.memory_space<hbm>> -> memref<1x1024xi32, #tpu.memory_space<hbm>>
        %dma_start3A_410 = tpu.memref_squeeze %dma_start3A_409 : memref<1x1024xi32, #tpu.memory_space<hbm>> -> memref<1024xi32, #tpu.memory_space<hbm>>
        tpu.enqueue_dma source(%dma_start3A_410 : memref<1024xi32, #tpu.memory_space<hbm>>) target(%arg12 : memref<1024xi32, #tpu.memory_space<vmem>>) target_semaphore(%arg19 : memref<!tpu.dma_semaphore, #tpu.memory_space<semaphore_mem>>)
        %sub3A_411 = arith.constant 25000 : i32
        %sub3A_412 = arith.subi %add3A_348, %sub3A_411 : i32
        %mul3A_413 = arith.constant 128 : i32
        %mul3A_414 = arith.muli %sub3A_412, %mul3A_413 : i32
        %dma_start3A_415 = arith.constant 1 : i32
        %dma_start3A_416 = tpu.memref_slice %arg5[%dma_start3A_415, %mul3A_414] : memref<2x11264xi32, #tpu.memory_space<hbm>> -> memref<1x1024xi32, #tpu.memory_space<hbm>>
        %dma_start3A_417 = tpu.memref_squeeze %dma_start3A_416 : memref<1x1024xi32, #tpu.memory_space<hbm>> -> memref<1024xi32, #tpu.memory_space<hbm>>
        %dma_start3A_418 = tpu.memref_slice %arg5[%dma_start3A_415, %mul3A_414] : memref<2x11264xi32, #tpu.memory_space<hbm>> -> memref<1x1024xi32, #tpu.memory_space<hbm>>
        %dma_start3A_419 = tpu.memref_squeeze %dma_start3A_418 : memref<1x1024xi32, #tpu.memory_space<hbm>> -> memref<1024xi32, #tpu.memory_space<hbm>>
        tpu.enqueue_dma source(%dma_start3A_419 : memref<1024xi32, #tpu.memory_space<hbm>>) target(%arg14 : memref<1024xi32, #tpu.memory_space<vmem>>) target_semaphore(%arg19 : memref<!tpu.dma_semaphore, #tpu.memory_space<semaphore_mem>>)
        %dma_wait3A_420 = arith.constant 0 : i32
        %dma_wait3A_421 = tpu.memref_slice %arg5[%dma_wait3A_420, %mul3A_405] : memref<2x11264xi32, #tpu.memory_space<hbm>> -> memref<1x1024xi32, #tpu.memory_space<hbm>>
        %dma_wait3A_422 = tpu.memref_squeeze %dma_wait3A_421 : memref<1x1024xi32, #tpu.memory_space<hbm>> -> memref<1024xi32, #tpu.memory_space<hbm>>
        %dma_wait3A_423 = tpu.memref_slice %arg5[%dma_wait3A_420, %mul3A_405] : memref<2x11264xi32, #tpu.memory_space<hbm>> -> memref<1x1024xi32, #tpu.memory_space<hbm>>
        %dma_wait3A_424 = tpu.memref_squeeze %dma_wait3A_423 : memref<1x1024xi32, #tpu.memory_space<hbm>> -> memref<1024xi32, #tpu.memory_space<hbm>>
        tpu.wait_dma2 semaphore(%arg19 : memref<!tpu.dma_semaphore, #tpu.memory_space<semaphore_mem>>) src(%dma_wait3A_424 : memref<1024xi32, #tpu.memory_space<hbm>>) dst(%arg12 : memref<1024xi32, #tpu.memory_space<vmem>>)
        %dma_wait3A_425 = arith.constant 1 : i32
        %dma_wait3A_426 = tpu.memref_slice %arg5[%dma_wait3A_425, %mul3A_414] : memref<2x11264xi32, #tpu.memory_space<hbm>> -> memref<1x1024xi32, #tpu.memory_space<hbm>>
        %dma_wait3A_427 = tpu.memref_squeeze %dma_wait3A_426 : memref<1x1024xi32, #tpu.memory_space<hbm>> -> memref<1024xi32, #tpu.memory_space<hbm>>
        %dma_wait3A_428 = tpu.memref_slice %arg5[%dma_wait3A_425, %mul3A_414] : memref<2x11264xi32, #tpu.memory_space<hbm>> -> memref<1x1024xi32, #tpu.memory_space<hbm>>
        %dma_wait3A_429 = tpu.memref_squeeze %dma_wait3A_428 : memref<1x1024xi32, #tpu.memory_space<hbm>> -> memref<1024xi32, #tpu.memory_space<hbm>>
        tpu.wait_dma2 semaphore(%arg19 : memref<!tpu.dma_semaphore, #tpu.memory_space<semaphore_mem>>) src(%dma_wait3A_429 : memref<1024xi32, #tpu.memory_space<hbm>>) dst(%arg14 : memref<1024xi32, #tpu.memory_space<vmem>>)
      } else {
      }
      %dma_start3A_359 = arith.constant 0 : i32
      %dma_start3A_360 = arith.constant 0 : i32
      %dma_start3A_361 = tpu.memref_slice %arg9[%arg0, %dma_start3A_359, %dma_start3A_360] : memref<2x100096x8xf32, #tpu.memory_space<hbm>> -> memref<1x100096x8xf32, #tpu.memory_space<hbm>>
      %dma_start3A_362 = tpu.memref_squeeze %dma_start3A_361 : memref<1x100096x8xf32, #tpu.memory_space<hbm>> -> memref<100096x8xf32, #tpu.memory_space<hbm>>
      %dma_start3A_363 = arith.constant 0 : i32
      %dma_start3A_364 = arith.constant 0 : i32
      %dma_start3A_365 = tpu.memref_slice %dma_start3A_362[%dma_start3A_363, %dma_start3A_364] : memref<100096x8xf32, #tpu.memory_space<hbm>> -> memref<100096x8xf32, #tpu.memory_space<hbm>>
      tpu.enqueue_indirect_dma source(%dma_start3A_365 : memref<100096x8xf32, #tpu.memory_space<hbm>>) target(%arg16 : memref<1024x8xf32, #tpu.memory_space<vmem>>) offsets(%arg12 : memref<1024xi32, #tpu.memory_space<vmem>>) semaphore(%arg20 : memref<!tpu.dma_semaphore, #tpu.memory_space<semaphore_mem>>)
      %mul3A_366 = arith.constant 2 : i32
      %mul3A_367 = arith.muli %mul3A_366, %scan3A_328 : i32
      %add3A_368 = arith.constant 3 : i32
      %add3A_369 = arith.addi %add3A_368, %mul3A_367 : i32
      %dma_wait3A_370 = arith.constant 0 : i32
      %dma_wait3A_371 = arith.constant 0 : i32
      %dma_wait3A_372 = tpu.memref_slice %arg9[%arg0, %dma_wait3A_370, %dma_wait3A_371] : memref<2x100096x8xf32, #tpu.memory_space<hbm>> -> memref<1x100096x8xf32, #tpu.memory_space<hbm>>
      %dma_wait3A_373 = tpu.memref_squeeze %dma_wait3A_372 : memref<1x100096x8xf32, #tpu.memory_space<hbm>> -> memref<100096x8xf32, #tpu.memory_space<hbm>>
      %dma_wait3A_374 = arith.constant 0 : i32
      %dma_wait3A_375 = arith.constant 0 : i32
      %dma_wait3A_376 = tpu.memref_slice %dma_wait3A_373[%dma_wait3A_374, %dma_wait3A_375] : memref<100096x8xf32, #tpu.memory_space<hbm>> -> memref<100096x8xf32, #tpu.memory_space<hbm>>
      tpu.wait_indirect_dma semaphore(%arg20 : memref<!tpu.dma_semaphore, #tpu.memory_space<semaphore_mem>>) src(%dma_wait3A_376 : memref<100096x8xf32, #tpu.memory_space<hbm>>) dst(%arg16 : memref<1024x8xf32, #tpu.memory_space<vmem>>)
      %dma_start3A_377 = arith.constant 0 : i32
      %dma_start3A_378 = arith.constant 0 : i32
      %dma_start3A_379 = tpu.memref_slice %arg11[%dma_start3A_377, %dma_start3A_378] : memref<100096x8xf32, #tpu.memory_space<vmem_shared>> -> memref<100096x8xf32, #tpu.memory_space<vmem_shared>>
      tpu.enqueue_indirect_dma source(%arg16 : memref<1024x8xf32, #tpu.memory_space<vmem>>) target(%dma_start3A_379 : memref<100096x8xf32, #tpu.memory_space<vmem_shared>>) offsets(%arg14 : memref<1024xi32, #tpu.memory_space<vmem>>) semaphore(%arg22 : memref<!tpu.dma_semaphore, #tpu.memory_space<semaphore_mem>>) {add = true}
      %dma_wait3A_380 = arith.constant 0 : i32
      %dma_wait3A_381 = arith.constant 0 : i32
      %dma_wait3A_382 = tpu.memref_slice %arg11[%dma_wait3A_380, %dma_wait3A_381] : memref<100096x8xf32, #tpu.memory_space<vmem_shared>> -> memref<100096x8xf32, #tpu.memory_space<vmem_shared>>
      tpu.wait_indirect_dma semaphore(%arg23 : memref<!tpu.dma_semaphore, #tpu.memory_space<semaphore_mem>>) src(%arg17 : memref<1024x8xf32, #tpu.memory_space<vmem>>) dst(%dma_wait3A_382 : memref<100096x8xf32, #tpu.memory_space<vmem_shared>>)
      %mul3A_383 = arith.constant 8 : i32
      %mul3A_384 = arith.muli %add3A_369, %mul3A_383 : i32
      %add3A_385 = arith.addi %mul3A_0, %mul3A_384 : i32
      %lt3A_386 = arith.constant 25000 : i32
      %lt3A_387 = arith.cmpi slt, %add3A_385, %lt3A_386 : i32
      %convert_element_type3A_388 = arith.extui %lt3A_387 : i1 to i32
      %cond3A_389 = arith.constant 0 : i32
      %cond3A_390 = arith.cmpi ne, %convert_element_type3A_388, %cond3A_389 : i32
      scf.if %cond3A_390 {
        %mul3A_403 = arith.constant 128 : i32
        %mul3A_404 = arith.muli %add3A_385, %mul3A_403 : i32
        %dma_start3A_405 = tpu.memref_slice %arg3[%mul3A_404] : memref<3200000xi32, #tpu.memory_space<hbm>> -> memref<1024xi32, #tpu.memory_space<hbm>>
        %dma_start3A_406 = tpu.memref_slice %arg3[%mul3A_404] : memref<3200000xi32, #tpu.memory_space<hbm>> -> memref<1024xi32, #tpu.memory_space<hbm>>
        tpu.enqueue_dma source(%dma_start3A_406 : memref<1024xi32, #tpu.memory_space<hbm>>) target(%arg13 : memref<1024xi32, #tpu.memory_space<vmem>>) target_semaphore(%arg19 : memref<!tpu.dma_semaphore, #tpu.memory_space<semaphore_mem>>)
        %mul3A_407 = arith.constant 128 : i32
        %mul3A_408 = arith.muli %add3A_385, %mul3A_407 : i32
        %dma_start3A_409 = tpu.memref_slice %arg4[%mul3A_408] : memref<3200000xi32, #tpu.memory_space<hbm>> -> memref<1024xi32, #tpu.memory_space<hbm>>
        %dma_start3A_410 = tpu.memref_slice %arg4[%mul3A_408] : memref<3200000xi32, #tpu.memory_space<hbm>> -> memref<1024xi32, #tpu.memory_space<hbm>>
        tpu.enqueue_dma source(%dma_start3A_410 : memref<1024xi32, #tpu.memory_space<hbm>>) target(%arg15 : memref<1024xi32, #tpu.memory_space<vmem>>) target_semaphore(%arg19 : memref<!tpu.dma_semaphore, #tpu.memory_space<semaphore_mem>>)
        %dma_wait3A_411 = tpu.memref_slice %arg3[%mul3A_404] : memref<3200000xi32, #tpu.memory_space<hbm>> -> memref<1024xi32, #tpu.memory_space<hbm>>
        %dma_wait3A_412 = tpu.memref_slice %arg3[%mul3A_404] : memref<3200000xi32, #tpu.memory_space<hbm>> -> memref<1024xi32, #tpu.memory_space<hbm>>
        tpu.wait_dma2 semaphore(%arg19 : memref<!tpu.dma_semaphore, #tpu.memory_space<semaphore_mem>>) src(%dma_wait3A_412 : memref<1024xi32, #tpu.memory_space<hbm>>) dst(%arg13 : memref<1024xi32, #tpu.memory_space<vmem>>)
        %dma_wait3A_413 = tpu.memref_slice %arg4[%mul3A_408] : memref<3200000xi32, #tpu.memory_space<hbm>> -> memref<1024xi32, #tpu.memory_space<hbm>>
        %dma_wait3A_414 = tpu.memref_slice %arg4[%mul3A_408] : memref<3200000xi32, #tpu.memory_space<hbm>> -> memref<1024xi32, #tpu.memory_space<hbm>>
        tpu.wait_dma2 semaphore(%arg19 : memref<!tpu.dma_semaphore, #tpu.memory_space<semaphore_mem>>) src(%dma_wait3A_414 : memref<1024xi32, #tpu.memory_space<hbm>>) dst(%arg15 : memref<1024xi32, #tpu.memory_space<vmem>>)
      } else {
      }
      %ge3A_391 = arith.constant 25000 : i32
      %ge3A_392 = arith.cmpi sge, %add3A_385, %ge3A_391 : i32
      %convert_element_type3A_393 = arith.extui %ge3A_392 : i1 to i32
      %cond3A_394 = arith.constant 0 : i32
      %cond3A_395 = arith.cmpi ne, %convert_element_type3A_393, %cond3A_394 : i32
      scf.if %cond3A_395 {
        %sub3A = arith.constant 25000 : i32
        %sub3A_403 = arith.subi %add3A_385, %sub3A : i32
        %mul3A_404 = arith.constant 128 : i32
        %mul3A_405 = arith.muli %sub3A_403, %mul3A_404 : i32
        %dma_start3A_406 = arith.constant 0 : i32
        %dma_start3A_407 = tpu.memref_slice %arg5[%dma_start3A_406, %mul3A_405] : memref<2x11264xi32, #tpu.memory_space<hbm>> -> memref<1x1024xi32, #tpu.memory_space<hbm>>
        %dma_start3A_408 = tpu.memref_squeeze %dma_start3A_407 : memref<1x1024xi32, #tpu.memory_space<hbm>> -> memref<1024xi32, #tpu.memory_space<hbm>>
        %dma_start3A_409 = tpu.memref_slice %arg5[%dma_start3A_406, %mul3A_405] : memref<2x11264xi32, #tpu.memory_space<hbm>> -> memref<1x1024xi32, #tpu.memory_space<hbm>>
        %dma_start3A_410 = tpu.memref_squeeze %dma_start3A_409 : memref<1x1024xi32, #tpu.memory_space<hbm>> -> memref<1024xi32, #tpu.memory_space<hbm>>
        tpu.enqueue_dma source(%dma_start3A_410 : memref<1024xi32, #tpu.memory_space<hbm>>) target(%arg13 : memref<1024xi32, #tpu.memory_space<vmem>>) target_semaphore(%arg19 : memref<!tpu.dma_semaphore, #tpu.memory_space<semaphore_mem>>)
        %sub3A_411 = arith.constant 25000 : i32
        %sub3A_412 = arith.subi %add3A_385, %sub3A_411 : i32
        %mul3A_413 = arith.constant 128 : i32
        %mul3A_414 = arith.muli %sub3A_412, %mul3A_413 : i32
        %dma_start3A_415 = arith.constant 1 : i32
        %dma_start3A_416 = tpu.memref_slice %arg5[%dma_start3A_415, %mul3A_414] : memref<2x11264xi32, #tpu.memory_space<hbm>> -> memref<1x1024xi32, #tpu.memory_space<hbm>>
        %dma_start3A_417 = tpu.memref_squeeze %dma_start3A_416 : memref<1x1024xi32, #tpu.memory_space<hbm>> -> memref<1024xi32, #tpu.memory_space<hbm>>
        %dma_start3A_418 = tpu.memref_slice %arg5[%dma_start3A_415, %mul3A_414] : memref<2x11264xi32, #tpu.memory_space<hbm>> -> memref<1x1024xi32, #tpu.memory_space<hbm>>
        %dma_start3A_419 = tpu.memref_squeeze %dma_start3A_418 : memref<1x1024xi32, #tpu.memory_space<hbm>> -> memref<1024xi32, #tpu.memory_space<hbm>>
        tpu.enqueue_dma source(%dma_start3A_419 : memref<1024xi32, #tpu.memory_space<hbm>>) target(%arg15 : memref<1024xi32, #tpu.memory_space<vmem>>) target_semaphore(%arg19 : memref<!tpu.dma_semaphore, #tpu.memory_space<semaphore_mem>>)
        %dma_wait3A_420 = arith.constant 0 : i32
        %dma_wait3A_421 = tpu.memref_slice %arg5[%dma_wait3A_420, %mul3A_405] : memref<2x11264xi32, #tpu.memory_space<hbm>> -> memref<1x1024xi32, #tpu.memory_space<hbm>>
        %dma_wait3A_422 = tpu.memref_squeeze %dma_wait3A_421 : memref<1x1024xi32, #tpu.memory_space<hbm>> -> memref<1024xi32, #tpu.memory_space<hbm>>
        %dma_wait3A_423 = tpu.memref_slice %arg5[%dma_wait3A_420, %mul3A_405] : memref<2x11264xi32, #tpu.memory_space<hbm>> -> memref<1x1024xi32, #tpu.memory_space<hbm>>
        %dma_wait3A_424 = tpu.memref_squeeze %dma_wait3A_423 : memref<1x1024xi32, #tpu.memory_space<hbm>> -> memref<1024xi32, #tpu.memory_space<hbm>>
        tpu.wait_dma2 semaphore(%arg19 : memref<!tpu.dma_semaphore, #tpu.memory_space<semaphore_mem>>) src(%dma_wait3A_424 : memref<1024xi32, #tpu.memory_space<hbm>>) dst(%arg13 : memref<1024xi32, #tpu.memory_space<vmem>>)
        %dma_wait3A_425 = arith.constant 1 : i32
        %dma_wait3A_426 = tpu.memref_slice %arg5[%dma_wait3A_425, %mul3A_414] : memref<2x11264xi32, #tpu.memory_space<hbm>> -> memref<1x1024xi32, #tpu.memory_space<hbm>>
        %dma_wait3A_427 = tpu.memref_squeeze %dma_wait3A_426 : memref<1x1024xi32, #tpu.memory_space<hbm>> -> memref<1024xi32, #tpu.memory_space<hbm>>
        %dma_wait3A_428 = tpu.memref_slice %arg5[%dma_wait3A_425, %mul3A_414] : memref<2x11264xi32, #tpu.memory_space<hbm>> -> memref<1x1024xi32, #tpu.memory_space<hbm>>
        %dma_wait3A_429 = tpu.memref_squeeze %dma_wait3A_428 : memref<1x1024xi32, #tpu.memory_space<hbm>> -> memref<1024xi32, #tpu.memory_space<hbm>>
        tpu.wait_dma2 semaphore(%arg19 : memref<!tpu.dma_semaphore, #tpu.memory_space<semaphore_mem>>) src(%dma_wait3A_429 : memref<1024xi32, #tpu.memory_space<hbm>>) dst(%arg15 : memref<1024xi32, #tpu.memory_space<vmem>>)
      } else {
      }
      %dma_start3A_396 = arith.constant 0 : i32
      %dma_start3A_397 = arith.constant 0 : i32
      %dma_start3A_398 = tpu.memref_slice %arg9[%arg0, %dma_start3A_396, %dma_start3A_397] : memref<2x100096x8xf32, #tpu.memory_space<hbm>> -> memref<1x100096x8xf32, #tpu.memory_space<hbm>>
      %dma_start3A_399 = tpu.memref_squeeze %dma_start3A_398 : memref<1x100096x8xf32, #tpu.memory_space<hbm>> -> memref<100096x8xf32, #tpu.memory_space<hbm>>
      %dma_start3A_400 = arith.constant 0 : i32
      %dma_start3A_401 = arith.constant 0 : i32
      %dma_start3A_402 = tpu.memref_slice %dma_start3A_399[%dma_start3A_400, %dma_start3A_401] : memref<100096x8xf32, #tpu.memory_space<hbm>> -> memref<100096x8xf32, #tpu.memory_space<hbm>>
      tpu.enqueue_indirect_dma source(%dma_start3A_402 : memref<100096x8xf32, #tpu.memory_space<hbm>>) target(%arg17 : memref<1024x8xf32, #tpu.memory_space<vmem>>) offsets(%arg13 : memref<1024xi32, #tpu.memory_space<vmem>>) semaphore(%arg21 : memref<!tpu.dma_semaphore, #tpu.memory_space<semaphore_mem>>)
    }
    %scan3A_306 = arith.constant 97 : i32
    %dma_wait3A_307 = arith.constant 0 : i32
    %dma_wait3A_308 = arith.constant 0 : i32
    %dma_wait3A_309 = tpu.memref_slice %arg9[%arg0, %dma_wait3A_307, %dma_wait3A_308] : memref<2x100096x8xf32, #tpu.memory_space<hbm>> -> memref<1x100096x8xf32, #tpu.memory_space<hbm>>
    %dma_wait3A_310 = tpu.memref_squeeze %dma_wait3A_309 : memref<1x100096x8xf32, #tpu.memory_space<hbm>> -> memref<100096x8xf32, #tpu.memory_space<hbm>>
    %dma_wait3A_311 = arith.constant 0 : i32
    %dma_wait3A_312 = arith.constant 0 : i32
    %dma_wait3A_313 = tpu.memref_slice %dma_wait3A_310[%dma_wait3A_311, %dma_wait3A_312] : memref<100096x8xf32, #tpu.memory_space<hbm>> -> memref<100096x8xf32, #tpu.memory_space<hbm>>
    tpu.wait_indirect_dma semaphore(%arg21 : memref<!tpu.dma_semaphore, #tpu.memory_space<semaphore_mem>>) src(%dma_wait3A_313 : memref<100096x8xf32, #tpu.memory_space<hbm>>) dst(%arg17 : memref<1024x8xf32, #tpu.memory_space<vmem>>)
    %dma_start3A_314 = arith.constant 0 : i32
    %dma_start3A_315 = arith.constant 0 : i32
    %dma_start3A_316 = tpu.memref_slice %arg11[%dma_start3A_314, %dma_start3A_315] : memref<100096x8xf32, #tpu.memory_space<vmem_shared>> -> memref<100096x8xf32, #tpu.memory_space<vmem_shared>>
    tpu.enqueue_indirect_dma source(%arg17 : memref<1024x8xf32, #tpu.memory_space<vmem>>) target(%dma_start3A_316 : memref<100096x8xf32, #tpu.memory_space<vmem_shared>>) offsets(%arg15 : memref<1024xi32, #tpu.memory_space<vmem>>) semaphore(%arg23 : memref<!tpu.dma_semaphore, #tpu.memory_space<semaphore_mem>>) {add = true}
    %dma_wait3A_317 = arith.constant 0 : i32
    %dma_wait3A_318 = arith.constant 0 : i32
    %dma_wait3A_319 = tpu.memref_slice %arg11[%dma_wait3A_317, %dma_wait3A_318] : memref<100096x8xf32, #tpu.memory_space<vmem_shared>> -> memref<100096x8xf32, #tpu.memory_space<vmem_shared>>
    tpu.wait_indirect_dma semaphore(%arg22 : memref<!tpu.dma_semaphore, #tpu.memory_space<semaphore_mem>>) src(%arg16 : memref<1024x8xf32, #tpu.memory_space<vmem>>) dst(%dma_wait3A_319 : memref<100096x8xf32, #tpu.memory_space<vmem_shared>>)
    %dma_wait3A_320 = arith.constant 0 : i32
    %dma_wait3A_321 = arith.constant 0 : i32
    %dma_wait3A_322 = tpu.memref_slice %arg11[%dma_wait3A_320, %dma_wait3A_321] : memref<100096x8xf32, #tpu.memory_space<vmem_shared>> -> memref<100096x8xf32, #tpu.memory_space<vmem_shared>>
    tpu.wait_indirect_dma semaphore(%arg23 : memref<!tpu.dma_semaphore, #tpu.memory_space<semaphore_mem>>) src(%arg17 : memref<1024x8xf32, #tpu.memory_space<vmem>>) dst(%dma_wait3A_322 : memref<100096x8xf32, #tpu.memory_space<vmem_shared>>)
    %barrier3A_323 = arith.constant 0 : index
    tpu.barrier barrier_id(%barrier3A_323)
    %mul3A_324 = arith.constant 6256 : i32
    %mul3A_325 = arith.muli %arg1, %mul3A_324 : i32
    %mul3A_326 = arith.constant 6256 : i32
    %mul3A_327 = arith.muli %arg1, %mul3A_326 : i32
    "tpu.region"() ({
      %run_scoped3A = tpu.sem_alloc : memref<!tpu.dma_semaphore, #tpu.memory_space<semaphore_mem>>
      %dma_start3A_328 = arith.constant 0 : i32
      %dma_start3A_329 = tpu.memref_slice %arg9[%arg0, %mul3A_327, %dma_start3A_328] : memref<2x100096x8xf32, #tpu.memory_space<hbm>> -> memref<1x6256x8xf32, #tpu.memory_space<hbm>>
      %dma_start3A_330 = tpu.memref_squeeze %dma_start3A_329 : memref<1x6256x8xf32, #tpu.memory_space<hbm>> -> memref<6256x8xf32, #tpu.memory_space<hbm>>
      %dma_start3A_331 = arith.constant 0 : i32
      %dma_start3A_332 = tpu.memref_slice %arg11[%mul3A_325, %dma_start3A_331] : memref<100096x8xf32, #tpu.memory_space<vmem_shared>> -> memref<6256x8xf32, #tpu.memory_space<vmem_shared>>
      tpu.enqueue_dma source(%dma_start3A_332 : memref<6256x8xf32, #tpu.memory_space<vmem_shared>>) target(%dma_start3A_330 : memref<6256x8xf32, #tpu.memory_space<hbm>>) target_semaphore(%run_scoped3A : memref<!tpu.dma_semaphore, #tpu.memory_space<semaphore_mem>>)
      %dma_wait3A_333 = arith.constant 0 : i32
      %dma_wait3A_334 = tpu.memref_slice %arg9[%arg0, %mul3A_327, %dma_wait3A_333] : memref<2x100096x8xf32, #tpu.memory_space<hbm>> -> memref<1x6256x8xf32, #tpu.memory_space<hbm>>
      %dma_wait3A_335 = tpu.memref_squeeze %dma_wait3A_334 : memref<1x6256x8xf32, #tpu.memory_space<hbm>> -> memref<6256x8xf32, #tpu.memory_space<hbm>>
      %dma_wait3A_336 = arith.constant 0 : i32
      %dma_wait3A_337 = tpu.memref_slice %arg11[%mul3A_325, %dma_wait3A_336] : memref<100096x8xf32, #tpu.memory_space<vmem_shared>> -> memref<6256x8xf32, #tpu.memory_space<vmem_shared>>
      tpu.wait_dma2 semaphore(%run_scoped3A : memref<!tpu.dma_semaphore, #tpu.memory_space<semaphore_mem>>) src(%dma_wait3A_337 : memref<6256x8xf32, #tpu.memory_space<vmem_shared>>) dst(%dma_wait3A_335 : memref<6256x8xf32, #tpu.memory_space<hbm>>)
      tpu.yield
    }) : () -> ()
    return
  }
}

#map = affine_map<(d0, d1) -> (0, 0)>
#map1 = affine_map<(d0, d1) -> (0)>
#map2 = affine_map<(d0, d1) -> (0, 0, 0)>
module attributes {stable_mosaic.version = 14 : i64} {
  func.func @_pmpd_body(%arg0: i32, %arg1: i32, %arg2: memref<3200000x16xf32, #tpu.memory_space<hbm>>, %arg3: memref<3200000xi32, #tpu.memory_space<hbm>>, %arg4: memref<3200000xi32, #tpu.memory_space<hbm>>, %arg5: memref<2x11264xi32, #tpu.memory_space<hbm>>, %arg6: memref<100096x8xf32, #tpu.memory_space<hbm>>, %arg7: memref<2x100096x8xf32, #tpu.memory_space<hbm>>, %arg8: memref<100096x8xf32, #tpu.memory_space<vmem_shared>>, %arg9: memref<1024xi32, #tpu.memory_space<vmem>>, %arg10: memref<1024xi32, #tpu.memory_space<vmem>>, %arg11: memref<1024xi32, #tpu.memory_space<vmem>>, %arg12: memref<1024xi32, #tpu.memory_space<vmem>>, %arg13: memref<1024x8xf32, #tpu.memory_space<vmem>>, %arg14: memref<1024x8xf32, #tpu.memory_space<vmem>>, %arg15: memref<!tpu.dma_semaphore, #tpu.memory_space<semaphore_mem>>, %arg16: memref<!tpu.dma_semaphore, #tpu.memory_space<semaphore_mem>>, %arg17: memref<!tpu.dma_semaphore, #tpu.memory_space<semaphore_mem>>, %arg18: memref<!tpu.dma_semaphore, #tpu.memory_space<semaphore_mem>>, %arg19: memref<!tpu.dma_semaphore, #tpu.memory_space<semaphore_mem>>) attributes {dimension_semantics = [#tpu.dimension_semantics<core_parallel>, #tpu.dimension_semantics<subcore_parallel>], iteration_bounds = array<i64: 2, 16>, scalar_prefetch = 0 : i64, scratch_operands = 12 : i64, tpu.core_type = #tpu.core_type<sc_vector_subcore>, window_params = [{transform_indices = #map}, {transform_indices = #map1}, {transform_indices = #map1}, {transform_indices = #map}, {transform_indices = #map}, {transform_indices = #map2}]} {
    %mul3A = arith.constant 1568 : i32
    %mul3A_0 = arith.muli %arg1, %mul3A : i32
    %mul3A_1 = arith.constant 6256 : i32
    %mul3A_2 = arith.muli %arg1, %mul3A_1 : i32
    %mul3A_3 = arith.constant 6256 : i32
    %mul3A_4 = arith.muli %arg1, %mul3A_3 : i32
    "tpu.region"() ({
      %run_scoped3A = tpu.sem_alloc : memref<!tpu.dma_semaphore, #tpu.memory_space<semaphore_mem>>
      %dma_start3A_84 = arith.constant 0 : i32
      %dma_start3A_85 = tpu.memref_slice %arg8[%mul3A_4, %dma_start3A_84] : memref<100096x8xf32, #tpu.memory_space<vmem_shared>> -> memref<6256x8xf32, #tpu.memory_space<vmem_shared>>
      %dma_start3A_86 = arith.constant 0 : i32
      %dma_start3A_87 = tpu.memref_slice %arg6[%mul3A_2, %dma_start3A_86] : memref<100096x8xf32, #tpu.memory_space<hbm>> -> memref<6256x8xf32, #tpu.memory_space<hbm>>
      tpu.enqueue_dma source(%dma_start3A_87 : memref<6256x8xf32, #tpu.memory_space<hbm>>) target(%dma_start3A_85 : memref<6256x8xf32, #tpu.memory_space<vmem_shared>>) target_semaphore(%run_scoped3A : memref<!tpu.dma_semaphore, #tpu.memory_space<semaphore_mem>>)
      %dma_wait3A_88 = arith.constant 0 : i32
      %dma_wait3A_89 = tpu.memref_slice %arg8[%mul3A_4, %dma_wait3A_88] : memref<100096x8xf32, #tpu.memory_space<vmem_shared>> -> memref<6256x8xf32, #tpu.memory_space<vmem_shared>>
      %dma_wait3A_90 = arith.constant 0 : i32
      %dma_wait3A_91 = tpu.memref_slice %arg6[%mul3A_2, %dma_wait3A_90] : memref<100096x8xf32, #tpu.memory_space<hbm>> -> memref<6256x8xf32, #tpu.memory_space<hbm>>
      tpu.wait_dma2 semaphore(%run_scoped3A : memref<!tpu.dma_semaphore, #tpu.memory_space<semaphore_mem>>) src(%dma_wait3A_91 : memref<6256x8xf32, #tpu.memory_space<hbm>>) dst(%dma_wait3A_89 : memref<6256x8xf32, #tpu.memory_space<vmem_shared>>)
      tpu.yield
    }) : () -> ()
    %barrier3A = arith.constant 0 : index
    tpu.barrier barrier_id(%barrier3A)
    %add3A = arith.constant 0 : i32
    %add3A_5 = arith.addi %mul3A_0, %add3A : i32
    %lt3A = arith.constant 25000 : i32
    %lt3A_6 = arith.cmpi slt, %add3A_5, %lt3A : i32
    %convert_element_type3A = arith.extui %lt3A_6 : i1 to i32
    %cond3A = arith.constant 0 : i32
    %cond3A_7 = arith.cmpi ne, %convert_element_type3A, %cond3A : i32
    scf.if %cond3A_7 {
      %mul3A_84 = arith.constant 128 : i32
      %mul3A_85 = arith.muli %add3A_5, %mul3A_84 : i32
      %dma_start3A_86 = tpu.memref_slice %arg3[%mul3A_85] : memref<3200000xi32, #tpu.memory_space<hbm>> -> memref<1024xi32, #tpu.memory_space<hbm>>
      %dma_start3A_87 = tpu.memref_slice %arg3[%mul3A_85] : memref<3200000xi32, #tpu.memory_space<hbm>> -> memref<1024xi32, #tpu.memory_space<hbm>>
      tpu.enqueue_dma source(%dma_start3A_87 : memref<1024xi32, #tpu.memory_space<hbm>>) target(%arg9 : memref<1024xi32, #tpu.memory_space<vmem>>) target_semaphore(%arg15 : memref<!tpu.dma_semaphore, #tpu.memory_space<semaphore_mem>>)
      %mul3A_88 = arith.constant 128 : i32
      %mul3A_89 = arith.muli %add3A_5, %mul3A_88 : i32
      %dma_start3A_90 = tpu.memref_slice %arg4[%mul3A_89] : memref<3200000xi32, #tpu.memory_space<hbm>> -> memref<1024xi32, #tpu.memory_space<hbm>>
      %dma_start3A_91 = tpu.memref_slice %arg4[%mul3A_89] : memref<3200000xi32, #tpu.memory_space<hbm>> -> memref<1024xi32, #tpu.memory_space<hbm>>
      tpu.enqueue_dma source(%dma_start3A_91 : memref<1024xi32, #tpu.memory_space<hbm>>) target(%arg11 : memref<1024xi32, #tpu.memory_space<vmem>>) target_semaphore(%arg15 : memref<!tpu.dma_semaphore, #tpu.memory_space<semaphore_mem>>)
      %dma_wait3A_92 = tpu.memref_slice %arg3[%mul3A_85] : memref<3200000xi32, #tpu.memory_space<hbm>> -> memref<1024xi32, #tpu.memory_space<hbm>>
      %dma_wait3A_93 = tpu.memref_slice %arg3[%mul3A_85] : memref<3200000xi32, #tpu.memory_space<hbm>> -> memref<1024xi32, #tpu.memory_space<hbm>>
      tpu.wait_dma2 semaphore(%arg15 : memref<!tpu.dma_semaphore, #tpu.memory_space<semaphore_mem>>) src(%dma_wait3A_93 : memref<1024xi32, #tpu.memory_space<hbm>>) dst(%arg9 : memref<1024xi32, #tpu.memory_space<vmem>>)
      %dma_wait3A_94 = tpu.memref_slice %arg4[%mul3A_89] : memref<3200000xi32, #tpu.memory_space<hbm>> -> memref<1024xi32, #tpu.memory_space<hbm>>
      %dma_wait3A_95 = tpu.memref_slice %arg4[%mul3A_89] : memref<3200000xi32, #tpu.memory_space<hbm>> -> memref<1024xi32, #tpu.memory_space<hbm>>
      tpu.wait_dma2 semaphore(%arg15 : memref<!tpu.dma_semaphore, #tpu.memory_space<semaphore_mem>>) src(%dma_wait3A_95 : memref<1024xi32, #tpu.memory_space<hbm>>) dst(%arg11 : memref<1024xi32, #tpu.memory_space<vmem>>)
    } else {
    }
    %ge3A = arith.constant 25000 : i32
    %ge3A_8 = arith.cmpi sge, %add3A_5, %ge3A : i32
    %convert_element_type3A_9 = arith.extui %ge3A_8 : i1 to i32
    %cond3A_10 = arith.constant 0 : i32
    %cond3A_11 = arith.cmpi ne, %convert_element_type3A_9, %cond3A_10 : i32
    scf.if %cond3A_11 {
      %sub3A = arith.constant 25000 : i32
      %sub3A_84 = arith.subi %add3A_5, %sub3A : i32
      %mul3A_85 = arith.constant 128 : i32
      %mul3A_86 = arith.muli %sub3A_84, %mul3A_85 : i32
      %dma_start3A_87 = arith.constant 0 : i32
      %dma_start3A_88 = tpu.memref_slice %arg5[%dma_start3A_87, %mul3A_86] : memref<2x11264xi32, #tpu.memory_space<hbm>> -> memref<1x1024xi32, #tpu.memory_space<hbm>>
      %dma_start3A_89 = tpu.memref_squeeze %dma_start3A_88 : memref<1x1024xi32, #tpu.memory_space<hbm>> -> memref<1024xi32, #tpu.memory_space<hbm>>
      %dma_start3A_90 = tpu.memref_slice %arg5[%dma_start3A_87, %mul3A_86] : memref<2x11264xi32, #tpu.memory_space<hbm>> -> memref<1x1024xi32, #tpu.memory_space<hbm>>
      %dma_start3A_91 = tpu.memref_squeeze %dma_start3A_90 : memref<1x1024xi32, #tpu.memory_space<hbm>> -> memref<1024xi32, #tpu.memory_space<hbm>>
      tpu.enqueue_dma source(%dma_start3A_91 : memref<1024xi32, #tpu.memory_space<hbm>>) target(%arg9 : memref<1024xi32, #tpu.memory_space<vmem>>) target_semaphore(%arg15 : memref<!tpu.dma_semaphore, #tpu.memory_space<semaphore_mem>>)
      %sub3A_92 = arith.constant 25000 : i32
      %sub3A_93 = arith.subi %add3A_5, %sub3A_92 : i32
      %mul3A_94 = arith.constant 128 : i32
      %mul3A_95 = arith.muli %sub3A_93, %mul3A_94 : i32
      %dma_start3A_96 = arith.constant 1 : i32
      %dma_start3A_97 = tpu.memref_slice %arg5[%dma_start3A_96, %mul3A_95] : memref<2x11264xi32, #tpu.memory_space<hbm>> -> memref<1x1024xi32, #tpu.memory_space<hbm>>
      %dma_start3A_98 = tpu.memref_squeeze %dma_start3A_97 : memref<1x1024xi32, #tpu.memory_space<hbm>> -> memref<1024xi32, #tpu.memory_space<hbm>>
      %dma_start3A_99 = tpu.memref_slice %arg5[%dma_start3A_96, %mul3A_95] : memref<2x11264xi32, #tpu.memory_space<hbm>> -> memref<1x1024xi32, #tpu.memory_space<hbm>>
      %dma_start3A_100 = tpu.memref_squeeze %dma_start3A_99 : memref<1x1024xi32, #tpu.memory_space<hbm>> -> memref<1024xi32, #tpu.memory_space<hbm>>
      tpu.enqueue_dma source(%dma_start3A_100 : memref<1024xi32, #tpu.memory_space<hbm>>) target(%arg11 : memref<1024xi32, #tpu.memory_space<vmem>>) target_semaphore(%arg15 : memref<!tpu.dma_semaphore, #tpu.memory_space<semaphore_mem>>)
      %dma_wait3A_101 = arith.constant 0 : i32
      %dma_wait3A_102 = tpu.memref_slice %arg5[%dma_wait3A_101, %mul3A_86] : memref<2x11264xi32, #tpu.memory_space<hbm>> -> memref<1x1024xi32, #tpu.memory_space<hbm>>
      %dma_wait3A_103 = tpu.memref_squeeze %dma_wait3A_102 : memref<1x1024xi32, #tpu.memory_space<hbm>> -> memref<1024xi32, #tpu.memory_space<hbm>>
      %dma_wait3A_104 = tpu.memref_slice %arg5[%dma_wait3A_101, %mul3A_86] : memref<2x11264xi32, #tpu.memory_space<hbm>> -> memref<1x1024xi32, #tpu.memory_space<hbm>>
      %dma_wait3A_105 = tpu.memref_squeeze %dma_wait3A_104 : memref<1x1024xi32, #tpu.memory_space<hbm>> -> memref<1024xi32, #tpu.memory_space<hbm>>
      tpu.wait_dma2 semaphore(%arg15 : memref<!tpu.dma_semaphore, #tpu.memory_space<semaphore_mem>>) src(%dma_wait3A_105 : memref<1024xi32, #tpu.memory_space<hbm>>) dst(%arg9 : memref<1024xi32, #tpu.memory_space<vmem>>)
      %dma_wait3A_106 = arith.constant 1 : i32
      %dma_wait3A_107 = tpu.memref_slice %arg5[%dma_wait3A_106, %mul3A_95] : memref<2x11264xi32, #tpu.memory_space<hbm>> -> memref<1x1024xi32, #tpu.memory_space<hbm>>
      %dma_wait3A_108 = tpu.memref_squeeze %dma_wait3A_107 : memref<1x1024xi32, #tpu.memory_space<hbm>> -> memref<1024xi32, #tpu.memory_space<hbm>>
      %dma_wait3A_109 = tpu.memref_slice %arg5[%dma_wait3A_106, %mul3A_95] : memref<2x11264xi32, #tpu.memory_space<hbm>> -> memref<1x1024xi32, #tpu.memory_space<hbm>>
      %dma_wait3A_110 = tpu.memref_squeeze %dma_wait3A_109 : memref<1x1024xi32, #tpu.memory_space<hbm>> -> memref<1024xi32, #tpu.memory_space<hbm>>
      tpu.wait_dma2 semaphore(%arg15 : memref<!tpu.dma_semaphore, #tpu.memory_space<semaphore_mem>>) src(%dma_wait3A_110 : memref<1024xi32, #tpu.memory_space<hbm>>) dst(%arg11 : memref<1024xi32, #tpu.memory_space<vmem>>)
    } else {
    }
    %add3A_12 = arith.constant 0 : i32
    %add3A_13 = arith.addi %mul3A_0, %add3A_12 : i32
    %lt3A_14 = arith.constant 25000 : i32
    %lt3A_15 = arith.cmpi slt, %add3A_13, %lt3A_14 : i32
    %convert_element_type3A_16 = arith.extui %lt3A_15 : i1 to i32
    %cond3A_17 = arith.constant 0 : i32
    %cond3A_18 = arith.cmpi ne, %convert_element_type3A_16, %cond3A_17 : i32
    scf.if %cond3A_18 {
      %add3A_84 = arith.constant 0 : i32
      %add3A_85 = arith.addi %mul3A_0, %add3A_84 : i32
      %mul3A_86 = arith.constant 128 : i32
      %mul3A_87 = arith.muli %add3A_85, %mul3A_86 : i32
      %mul3A_88 = arith.constant 8 : i32
      %mul3A_89 = arith.muli %arg0, %mul3A_88 : i32
      %dma_start3A_90 = tpu.memref_slice %arg2[%mul3A_87, %mul3A_89] : memref<3200000x16xf32, #tpu.memory_space<hbm>> -> memref<1024x8xf32, #tpu.memory_space<hbm>>
      %dma_start3A_91 = tpu.memref_slice %arg2[%mul3A_87, %mul3A_89] : memref<3200000x16xf32, #tpu.memory_space<hbm>> -> memref<1024x8xf32, #tpu.memory_space<hbm>>
      tpu.enqueue_dma source(%dma_start3A_91 : memref<1024x8xf32, #tpu.memory_space<hbm>>) target(%arg13 : memref<1024x8xf32, #tpu.memory_space<vmem>>) target_semaphore(%arg16 : memref<!tpu.dma_semaphore, #tpu.memory_space<semaphore_mem>>)
    } else {
    }
    %add3A_19 = arith.constant 0 : i32
    %add3A_20 = arith.addi %mul3A_0, %add3A_19 : i32
    %lt3A_21 = arith.constant 25000 : i32
    %lt3A_22 = arith.cmpi slt, %add3A_20, %lt3A_21 : i32
    %convert_element_type3A_23 = arith.extui %lt3A_22 : i1 to i32
    %cond3A_24 = arith.constant 0 : i32
    %cond3A_25 = arith.cmpi ne, %convert_element_type3A_23, %cond3A_24 : i32
    scf.if %cond3A_25 {
      %add3A_84 = arith.constant 0 : i32
      %add3A_85 = arith.addi %mul3A_0, %add3A_84 : i32
      %mul3A_86 = arith.constant 128 : i32
      %mul3A_87 = arith.muli %add3A_85, %mul3A_86 : i32
      %mul3A_88 = arith.constant 8 : i32
      %mul3A_89 = arith.muli %arg0, %mul3A_88 : i32
      %dma_wait3A_90 = tpu.memref_slice %arg2[%mul3A_87, %mul3A_89] : memref<3200000x16xf32, #tpu.memory_space<hbm>> -> memref<1024x8xf32, #tpu.memory_space<hbm>>
      %dma_wait3A_91 = tpu.memref_slice %arg2[%mul3A_87, %mul3A_89] : memref<3200000x16xf32, #tpu.memory_space<hbm>> -> memref<1024x8xf32, #tpu.memory_space<hbm>>
      tpu.wait_dma2 semaphore(%arg16 : memref<!tpu.dma_semaphore, #tpu.memory_space<semaphore_mem>>) src(%dma_wait3A_91 : memref<1024x8xf32, #tpu.memory_space<hbm>>) dst(%arg13 : memref<1024x8xf32, #tpu.memory_space<vmem>>)
    } else {
    }
    %dma_start3A = arith.constant 0 : i32
    %dma_start3A_26 = arith.constant 0 : i32
    %dma_start3A_27 = tpu.memref_slice %arg8[%dma_start3A, %dma_start3A_26] : memref<100096x8xf32, #tpu.memory_space<vmem_shared>> -> memref<100096x8xf32, #tpu.memory_space<vmem_shared>>
    tpu.enqueue_indirect_dma source(%arg13 : memref<1024x8xf32, #tpu.memory_space<vmem>>) target(%dma_start3A_27 : memref<100096x8xf32, #tpu.memory_space<vmem_shared>>) offsets(%arg9 : memref<1024xi32, #tpu.memory_space<vmem>>) semaphore(%arg18 : memref<!tpu.dma_semaphore, #tpu.memory_space<semaphore_mem>>) {add = true}
    %dma_start3A_28 = arith.constant 0 : i32
    %dma_start3A_29 = arith.constant 0 : i32
    %dma_start3A_30 = tpu.memref_slice %arg8[%dma_start3A_28, %dma_start3A_29] : memref<100096x8xf32, #tpu.memory_space<vmem_shared>> -> memref<100096x8xf32, #tpu.memory_space<vmem_shared>>
    tpu.enqueue_indirect_dma source(%arg13 : memref<1024x8xf32, #tpu.memory_space<vmem>>) target(%dma_start3A_30 : memref<100096x8xf32, #tpu.memory_space<vmem_shared>>) offsets(%arg11 : memref<1024xi32, #tpu.memory_space<vmem>>) semaphore(%arg18 : memref<!tpu.dma_semaphore, #tpu.memory_space<semaphore_mem>>) {add = true}
    %add3A_31 = arith.constant 8 : i32
    %add3A_32 = arith.addi %mul3A_0, %add3A_31 : i32
    %lt3A_33 = arith.constant 25000 : i32
    %lt3A_34 = arith.cmpi slt, %add3A_32, %lt3A_33 : i32
    %convert_element_type3A_35 = arith.extui %lt3A_34 : i1 to i32
    %cond3A_36 = arith.constant 0 : i32
    %cond3A_37 = arith.cmpi ne, %convert_element_type3A_35, %cond3A_36 : i32
    scf.if %cond3A_37 {
      %mul3A_84 = arith.constant 128 : i32
      %mul3A_85 = arith.muli %add3A_32, %mul3A_84 : i32
      %dma_start3A_86 = tpu.memref_slice %arg3[%mul3A_85] : memref<3200000xi32, #tpu.memory_space<hbm>> -> memref<1024xi32, #tpu.memory_space<hbm>>
      %dma_start3A_87 = tpu.memref_slice %arg3[%mul3A_85] : memref<3200000xi32, #tpu.memory_space<hbm>> -> memref<1024xi32, #tpu.memory_space<hbm>>
      tpu.enqueue_dma source(%dma_start3A_87 : memref<1024xi32, #tpu.memory_space<hbm>>) target(%arg10 : memref<1024xi32, #tpu.memory_space<vmem>>) target_semaphore(%arg15 : memref<!tpu.dma_semaphore, #tpu.memory_space<semaphore_mem>>)
      %mul3A_88 = arith.constant 128 : i32
      %mul3A_89 = arith.muli %add3A_32, %mul3A_88 : i32
      %dma_start3A_90 = tpu.memref_slice %arg4[%mul3A_89] : memref<3200000xi32, #tpu.memory_space<hbm>> -> memref<1024xi32, #tpu.memory_space<hbm>>
      %dma_start3A_91 = tpu.memref_slice %arg4[%mul3A_89] : memref<3200000xi32, #tpu.memory_space<hbm>> -> memref<1024xi32, #tpu.memory_space<hbm>>
      tpu.enqueue_dma source(%dma_start3A_91 : memref<1024xi32, #tpu.memory_space<hbm>>) target(%arg12 : memref<1024xi32, #tpu.memory_space<vmem>>) target_semaphore(%arg15 : memref<!tpu.dma_semaphore, #tpu.memory_space<semaphore_mem>>)
      %dma_wait3A_92 = tpu.memref_slice %arg3[%mul3A_85] : memref<3200000xi32, #tpu.memory_space<hbm>> -> memref<1024xi32, #tpu.memory_space<hbm>>
      %dma_wait3A_93 = tpu.memref_slice %arg3[%mul3A_85] : memref<3200000xi32, #tpu.memory_space<hbm>> -> memref<1024xi32, #tpu.memory_space<hbm>>
      tpu.wait_dma2 semaphore(%arg15 : memref<!tpu.dma_semaphore, #tpu.memory_space<semaphore_mem>>) src(%dma_wait3A_93 : memref<1024xi32, #tpu.memory_space<hbm>>) dst(%arg10 : memref<1024xi32, #tpu.memory_space<vmem>>)
      %dma_wait3A_94 = tpu.memref_slice %arg4[%mul3A_89] : memref<3200000xi32, #tpu.memory_space<hbm>> -> memref<1024xi32, #tpu.memory_space<hbm>>
      %dma_wait3A_95 = tpu.memref_slice %arg4[%mul3A_89] : memref<3200000xi32, #tpu.memory_space<hbm>> -> memref<1024xi32, #tpu.memory_space<hbm>>
      tpu.wait_dma2 semaphore(%arg15 : memref<!tpu.dma_semaphore, #tpu.memory_space<semaphore_mem>>) src(%dma_wait3A_95 : memref<1024xi32, #tpu.memory_space<hbm>>) dst(%arg12 : memref<1024xi32, #tpu.memory_space<vmem>>)
    } else {
    }
    %ge3A_38 = arith.constant 25000 : i32
    %ge3A_39 = arith.cmpi sge, %add3A_32, %ge3A_38 : i32
    %convert_element_type3A_40 = arith.extui %ge3A_39 : i1 to i32
    %cond3A_41 = arith.constant 0 : i32
    %cond3A_42 = arith.cmpi ne, %convert_element_type3A_40, %cond3A_41 : i32
    scf.if %cond3A_42 {
      %sub3A = arith.constant 25000 : i32
      %sub3A_84 = arith.subi %add3A_32, %sub3A : i32
      %mul3A_85 = arith.constant 128 : i32
      %mul3A_86 = arith.muli %sub3A_84, %mul3A_85 : i32
      %dma_start3A_87 = arith.constant 0 : i32
      %dma_start3A_88 = tpu.memref_slice %arg5[%dma_start3A_87, %mul3A_86] : memref<2x11264xi32, #tpu.memory_space<hbm>> -> memref<1x1024xi32, #tpu.memory_space<hbm>>
      %dma_start3A_89 = tpu.memref_squeeze %dma_start3A_88 : memref<1x1024xi32, #tpu.memory_space<hbm>> -> memref<1024xi32, #tpu.memory_space<hbm>>
      %dma_start3A_90 = tpu.memref_slice %arg5[%dma_start3A_87, %mul3A_86] : memref<2x11264xi32, #tpu.memory_space<hbm>> -> memref<1x1024xi32, #tpu.memory_space<hbm>>
      %dma_start3A_91 = tpu.memref_squeeze %dma_start3A_90 : memref<1x1024xi32, #tpu.memory_space<hbm>> -> memref<1024xi32, #tpu.memory_space<hbm>>
      tpu.enqueue_dma source(%dma_start3A_91 : memref<1024xi32, #tpu.memory_space<hbm>>) target(%arg10 : memref<1024xi32, #tpu.memory_space<vmem>>) target_semaphore(%arg15 : memref<!tpu.dma_semaphore, #tpu.memory_space<semaphore_mem>>)
      %sub3A_92 = arith.constant 25000 : i32
      %sub3A_93 = arith.subi %add3A_32, %sub3A_92 : i32
      %mul3A_94 = arith.constant 128 : i32
      %mul3A_95 = arith.muli %sub3A_93, %mul3A_94 : i32
      %dma_start3A_96 = arith.constant 1 : i32
      %dma_start3A_97 = tpu.memref_slice %arg5[%dma_start3A_96, %mul3A_95] : memref<2x11264xi32, #tpu.memory_space<hbm>> -> memref<1x1024xi32, #tpu.memory_space<hbm>>
      %dma_start3A_98 = tpu.memref_squeeze %dma_start3A_97 : memref<1x1024xi32, #tpu.memory_space<hbm>> -> memref<1024xi32, #tpu.memory_space<hbm>>
      %dma_start3A_99 = tpu.memref_slice %arg5[%dma_start3A_96, %mul3A_95] : memref<2x11264xi32, #tpu.memory_space<hbm>> -> memref<1x1024xi32, #tpu.memory_space<hbm>>
      %dma_start3A_100 = tpu.memref_squeeze %dma_start3A_99 : memref<1x1024xi32, #tpu.memory_space<hbm>> -> memref<1024xi32, #tpu.memory_space<hbm>>
      tpu.enqueue_dma source(%dma_start3A_100 : memref<1024xi32, #tpu.memory_space<hbm>>) target(%arg12 : memref<1024xi32, #tpu.memory_space<vmem>>) target_semaphore(%arg15 : memref<!tpu.dma_semaphore, #tpu.memory_space<semaphore_mem>>)
      %dma_wait3A_101 = arith.constant 0 : i32
      %dma_wait3A_102 = tpu.memref_slice %arg5[%dma_wait3A_101, %mul3A_86] : memref<2x11264xi32, #tpu.memory_space<hbm>> -> memref<1x1024xi32, #tpu.memory_space<hbm>>
      %dma_wait3A_103 = tpu.memref_squeeze %dma_wait3A_102 : memref<1x1024xi32, #tpu.memory_space<hbm>> -> memref<1024xi32, #tpu.memory_space<hbm>>
      %dma_wait3A_104 = tpu.memref_slice %arg5[%dma_wait3A_101, %mul3A_86] : memref<2x11264xi32, #tpu.memory_space<hbm>> -> memref<1x1024xi32, #tpu.memory_space<hbm>>
      %dma_wait3A_105 = tpu.memref_squeeze %dma_wait3A_104 : memref<1x1024xi32, #tpu.memory_space<hbm>> -> memref<1024xi32, #tpu.memory_space<hbm>>
      tpu.wait_dma2 semaphore(%arg15 : memref<!tpu.dma_semaphore, #tpu.memory_space<semaphore_mem>>) src(%dma_wait3A_105 : memref<1024xi32, #tpu.memory_space<hbm>>) dst(%arg10 : memref<1024xi32, #tpu.memory_space<vmem>>)
      %dma_wait3A_106 = arith.constant 1 : i32
      %dma_wait3A_107 = tpu.memref_slice %arg5[%dma_wait3A_106, %mul3A_95] : memref<2x11264xi32, #tpu.memory_space<hbm>> -> memref<1x1024xi32, #tpu.memory_space<hbm>>
      %dma_wait3A_108 = tpu.memref_squeeze %dma_wait3A_107 : memref<1x1024xi32, #tpu.memory_space<hbm>> -> memref<1024xi32, #tpu.memory_space<hbm>>
      %dma_wait3A_109 = tpu.memref_slice %arg5[%dma_wait3A_106, %mul3A_95] : memref<2x11264xi32, #tpu.memory_space<hbm>> -> memref<1x1024xi32, #tpu.memory_space<hbm>>
      %dma_wait3A_110 = tpu.memref_squeeze %dma_wait3A_109 : memref<1x1024xi32, #tpu.memory_space<hbm>> -> memref<1024xi32, #tpu.memory_space<hbm>>
      tpu.wait_dma2 semaphore(%arg15 : memref<!tpu.dma_semaphore, #tpu.memory_space<semaphore_mem>>) src(%dma_wait3A_110 : memref<1024xi32, #tpu.memory_space<hbm>>) dst(%arg12 : memref<1024xi32, #tpu.memory_space<vmem>>)
    } else {
    }
    %add3A_43 = arith.constant 8 : i32
    %add3A_44 = arith.addi %mul3A_0, %add3A_43 : i32
    %lt3A_45 = arith.constant 25000 : i32
    %lt3A_46 = arith.cmpi slt, %add3A_44, %lt3A_45 : i32
    %convert_element_type3A_47 = arith.extui %lt3A_46 : i1 to i32
    %cond3A_48 = arith.constant 0 : i32
    %cond3A_49 = arith.cmpi ne, %convert_element_type3A_47, %cond3A_48 : i32
    scf.if %cond3A_49 {
      %add3A_84 = arith.constant 8 : i32
      %add3A_85 = arith.addi %mul3A_0, %add3A_84 : i32
      %mul3A_86 = arith.constant 128 : i32
      %mul3A_87 = arith.muli %add3A_85, %mul3A_86 : i32
      %mul3A_88 = arith.constant 8 : i32
      %mul3A_89 = arith.muli %arg0, %mul3A_88 : i32
      %dma_start3A_90 = tpu.memref_slice %arg2[%mul3A_87, %mul3A_89] : memref<3200000x16xf32, #tpu.memory_space<hbm>> -> memref<1024x8xf32, #tpu.memory_space<hbm>>
      %dma_start3A_91 = tpu.memref_slice %arg2[%mul3A_87, %mul3A_89] : memref<3200000x16xf32, #tpu.memory_space<hbm>> -> memref<1024x8xf32, #tpu.memory_space<hbm>>
      tpu.enqueue_dma source(%dma_start3A_91 : memref<1024x8xf32, #tpu.memory_space<hbm>>) target(%arg14 : memref<1024x8xf32, #tpu.memory_space<vmem>>) target_semaphore(%arg17 : memref<!tpu.dma_semaphore, #tpu.memory_space<semaphore_mem>>)
    } else {
    }
    %scan3A = arith.constant 0 : i32
    %scan3A_50 = arith.constant 0 : i32
    %scan3A_51 = arith.constant 97 : i32
    %scan3A_52 = arith.addi %scan3A_50, %scan3A_51 : i32
    %scan3A_53 = arith.constant 1 : i32
    scf.for %scan3A_84 = %scan3A_50 to %scan3A_52 step %scan3A_53  : i32 {
      %mul3A_85 = arith.constant 2 : i32
      %mul3A_86 = arith.muli %mul3A_85, %scan3A_84 : i32
      %add3A_87 = arith.constant 2 : i32
      %add3A_88 = arith.addi %add3A_87, %mul3A_86 : i32
      %sub3A = arith.constant 1 : i32
      %sub3A_89 = arith.subi %add3A_88, %sub3A : i32
      %mul3A_90 = arith.constant 8 : i32
      %mul3A_91 = arith.muli %sub3A_89, %mul3A_90 : i32
      %add3A_92 = arith.addi %mul3A_0, %mul3A_91 : i32
      %lt3A_93 = arith.constant 25000 : i32
      %lt3A_94 = arith.cmpi slt, %add3A_92, %lt3A_93 : i32
      %convert_element_type3A_95 = arith.extui %lt3A_94 : i1 to i32
      %cond3A_96 = arith.constant 0 : i32
      %cond3A_97 = arith.cmpi ne, %convert_element_type3A_95, %cond3A_96 : i32
      scf.if %cond3A_97 {
        %mul3A_178 = arith.constant 8 : i32
        %mul3A_179 = arith.muli %sub3A_89, %mul3A_178 : i32
        %add3A_180 = arith.addi %mul3A_0, %mul3A_179 : i32
        %mul3A_181 = arith.constant 128 : i32
        %mul3A_182 = arith.muli %add3A_180, %mul3A_181 : i32
        %mul3A_183 = arith.constant 8 : i32
        %mul3A_184 = arith.muli %arg0, %mul3A_183 : i32
        %dma_wait3A_185 = tpu.memref_slice %arg2[%mul3A_182, %mul3A_184] : memref<3200000x16xf32, #tpu.memory_space<hbm>> -> memref<1024x8xf32, #tpu.memory_space<hbm>>
        %dma_wait3A_186 = tpu.memref_slice %arg2[%mul3A_182, %mul3A_184] : memref<3200000x16xf32, #tpu.memory_space<hbm>> -> memref<1024x8xf32, #tpu.memory_space<hbm>>
        tpu.wait_dma2 semaphore(%arg17 : memref<!tpu.dma_semaphore, #tpu.memory_space<semaphore_mem>>) src(%dma_wait3A_186 : memref<1024x8xf32, #tpu.memory_space<hbm>>) dst(%arg14 : memref<1024x8xf32, #tpu.memory_space<vmem>>)
      } else {
      }
      %dma_start3A_98 = arith.constant 0 : i32
      %dma_start3A_99 = arith.constant 0 : i32
      %dma_start3A_100 = tpu.memref_slice %arg8[%dma_start3A_98, %dma_start3A_99] : memref<100096x8xf32, #tpu.memory_space<vmem_shared>> -> memref<100096x8xf32, #tpu.memory_space<vmem_shared>>
      tpu.enqueue_indirect_dma source(%arg14 : memref<1024x8xf32, #tpu.memory_space<vmem>>) target(%dma_start3A_100 : memref<100096x8xf32, #tpu.memory_space<vmem_shared>>) offsets(%arg10 : memref<1024xi32, #tpu.memory_space<vmem>>) semaphore(%arg19 : memref<!tpu.dma_semaphore, #tpu.memory_space<semaphore_mem>>) {add = true}
      %dma_start3A_101 = arith.constant 0 : i32
      %dma_start3A_102 = arith.constant 0 : i32
      %dma_start3A_103 = tpu.memref_slice %arg8[%dma_start3A_101, %dma_start3A_102] : memref<100096x8xf32, #tpu.memory_space<vmem_shared>> -> memref<100096x8xf32, #tpu.memory_space<vmem_shared>>
      tpu.enqueue_indirect_dma source(%arg14 : memref<1024x8xf32, #tpu.memory_space<vmem>>) target(%dma_start3A_103 : memref<100096x8xf32, #tpu.memory_space<vmem_shared>>) offsets(%arg12 : memref<1024xi32, #tpu.memory_space<vmem>>) semaphore(%arg19 : memref<!tpu.dma_semaphore, #tpu.memory_space<semaphore_mem>>) {add = true}
      %dma_wait3A_104 = arith.constant 0 : i32
      %dma_wait3A_105 = arith.constant 0 : i32
      %dma_wait3A_106 = tpu.memref_slice %arg8[%dma_wait3A_104, %dma_wait3A_105] : memref<100096x8xf32, #tpu.memory_space<vmem_shared>> -> memref<100096x8xf32, #tpu.memory_space<vmem_shared>>
      tpu.wait_indirect_dma semaphore(%arg18 : memref<!tpu.dma_semaphore, #tpu.memory_space<semaphore_mem>>) src(%arg13 : memref<1024x8xf32, #tpu.memory_space<vmem>>) dst(%dma_wait3A_106 : memref<100096x8xf32, #tpu.memory_space<vmem_shared>>)
      %dma_wait3A_107 = arith.constant 0 : i32
      %dma_wait3A_108 = arith.constant 0 : i32
      %dma_wait3A_109 = tpu.memref_slice %arg8[%dma_wait3A_107, %dma_wait3A_108] : memref<100096x8xf32, #tpu.memory_space<vmem_shared>> -> memref<100096x8xf32, #tpu.memory_space<vmem_shared>>
      tpu.wait_indirect_dma semaphore(%arg18 : memref<!tpu.dma_semaphore, #tpu.memory_space<semaphore_mem>>) src(%arg13 : memref<1024x8xf32, #tpu.memory_space<vmem>>) dst(%dma_wait3A_109 : memref<100096x8xf32, #tpu.memory_space<vmem_shared>>)
      %mul3A_110 = arith.constant 8 : i32
      %mul3A_111 = arith.muli %add3A_88, %mul3A_110 : i32
      %add3A_112 = arith.addi %mul3A_0, %mul3A_111 : i32
      %lt3A_113 = arith.constant 25000 : i32
      %lt3A_114 = arith.cmpi slt, %add3A_112, %lt3A_113 : i32
      %convert_element_type3A_115 = arith.extui %lt3A_114 : i1 to i32
      %cond3A_116 = arith.constant 0 : i32
      %cond3A_117 = arith.cmpi ne, %convert_element_type3A_115, %cond3A_116 : i32
      scf.if %cond3A_117 {
        %mul3A_178 = arith.constant 128 : i32
        %mul3A_179 = arith.muli %add3A_112, %mul3A_178 : i32
        %dma_start3A_180 = tpu.memref_slice %arg3[%mul3A_179] : memref<3200000xi32, #tpu.memory_space<hbm>> -> memref<1024xi32, #tpu.memory_space<hbm>>
        %dma_start3A_181 = tpu.memref_slice %arg3[%mul3A_179] : memref<3200000xi32, #tpu.memory_space<hbm>> -> memref<1024xi32, #tpu.memory_space<hbm>>
        tpu.enqueue_dma source(%dma_start3A_181 : memref<1024xi32, #tpu.memory_space<hbm>>) target(%arg9 : memref<1024xi32, #tpu.memory_space<vmem>>) target_semaphore(%arg15 : memref<!tpu.dma_semaphore, #tpu.memory_space<semaphore_mem>>)
        %mul3A_182 = arith.constant 128 : i32
        %mul3A_183 = arith.muli %add3A_112, %mul3A_182 : i32
        %dma_start3A_184 = tpu.memref_slice %arg4[%mul3A_183] : memref<3200000xi32, #tpu.memory_space<hbm>> -> memref<1024xi32, #tpu.memory_space<hbm>>
        %dma_start3A_185 = tpu.memref_slice %arg4[%mul3A_183] : memref<3200000xi32, #tpu.memory_space<hbm>> -> memref<1024xi32, #tpu.memory_space<hbm>>
        tpu.enqueue_dma source(%dma_start3A_185 : memref<1024xi32, #tpu.memory_space<hbm>>) target(%arg11 : memref<1024xi32, #tpu.memory_space<vmem>>) target_semaphore(%arg15 : memref<!tpu.dma_semaphore, #tpu.memory_space<semaphore_mem>>)
        %dma_wait3A_186 = tpu.memref_slice %arg3[%mul3A_179] : memref<3200000xi32, #tpu.memory_space<hbm>> -> memref<1024xi32, #tpu.memory_space<hbm>>
        %dma_wait3A_187 = tpu.memref_slice %arg3[%mul3A_179] : memref<3200000xi32, #tpu.memory_space<hbm>> -> memref<1024xi32, #tpu.memory_space<hbm>>
        tpu.wait_dma2 semaphore(%arg15 : memref<!tpu.dma_semaphore, #tpu.memory_space<semaphore_mem>>) src(%dma_wait3A_187 : memref<1024xi32, #tpu.memory_space<hbm>>) dst(%arg9 : memref<1024xi32, #tpu.memory_space<vmem>>)
        %dma_wait3A_188 = tpu.memref_slice %arg4[%mul3A_183] : memref<3200000xi32, #tpu.memory_space<hbm>> -> memref<1024xi32, #tpu.memory_space<hbm>>
        %dma_wait3A_189 = tpu.memref_slice %arg4[%mul3A_183] : memref<3200000xi32, #tpu.memory_space<hbm>> -> memref<1024xi32, #tpu.memory_space<hbm>>
        tpu.wait_dma2 semaphore(%arg15 : memref<!tpu.dma_semaphore, #tpu.memory_space<semaphore_mem>>) src(%dma_wait3A_189 : memref<1024xi32, #tpu.memory_space<hbm>>) dst(%arg11 : memref<1024xi32, #tpu.memory_space<vmem>>)
      } else {
      }
      %ge3A_118 = arith.constant 25000 : i32
      %ge3A_119 = arith.cmpi sge, %add3A_112, %ge3A_118 : i32
      %convert_element_type3A_120 = arith.extui %ge3A_119 : i1 to i32
      %cond3A_121 = arith.constant 0 : i32
      %cond3A_122 = arith.cmpi ne, %convert_element_type3A_120, %cond3A_121 : i32
      scf.if %cond3A_122 {
        %sub3A_178 = arith.constant 25000 : i32
        %sub3A_179 = arith.subi %add3A_112, %sub3A_178 : i32
        %mul3A_180 = arith.constant 128 : i32
        %mul3A_181 = arith.muli %sub3A_179, %mul3A_180 : i32
        %dma_start3A_182 = arith.constant 0 : i32
        %dma_start3A_183 = tpu.memref_slice %arg5[%dma_start3A_182, %mul3A_181] : memref<2x11264xi32, #tpu.memory_space<hbm>> -> memref<1x1024xi32, #tpu.memory_space<hbm>>
        %dma_start3A_184 = tpu.memref_squeeze %dma_start3A_183 : memref<1x1024xi32, #tpu.memory_space<hbm>> -> memref<1024xi32, #tpu.memory_space<hbm>>
        %dma_start3A_185 = tpu.memref_slice %arg5[%dma_start3A_182, %mul3A_181] : memref<2x11264xi32, #tpu.memory_space<hbm>> -> memref<1x1024xi32, #tpu.memory_space<hbm>>
        %dma_start3A_186 = tpu.memref_squeeze %dma_start3A_185 : memref<1x1024xi32, #tpu.memory_space<hbm>> -> memref<1024xi32, #tpu.memory_space<hbm>>
        tpu.enqueue_dma source(%dma_start3A_186 : memref<1024xi32, #tpu.memory_space<hbm>>) target(%arg9 : memref<1024xi32, #tpu.memory_space<vmem>>) target_semaphore(%arg15 : memref<!tpu.dma_semaphore, #tpu.memory_space<semaphore_mem>>)
        %sub3A_187 = arith.constant 25000 : i32
        %sub3A_188 = arith.subi %add3A_112, %sub3A_187 : i32
        %mul3A_189 = arith.constant 128 : i32
        %mul3A_190 = arith.muli %sub3A_188, %mul3A_189 : i32
        %dma_start3A_191 = arith.constant 1 : i32
        %dma_start3A_192 = tpu.memref_slice %arg5[%dma_start3A_191, %mul3A_190] : memref<2x11264xi32, #tpu.memory_space<hbm>> -> memref<1x1024xi32, #tpu.memory_space<hbm>>
        %dma_start3A_193 = tpu.memref_squeeze %dma_start3A_192 : memref<1x1024xi32, #tpu.memory_space<hbm>> -> memref<1024xi32, #tpu.memory_space<hbm>>
        %dma_start3A_194 = tpu.memref_slice %arg5[%dma_start3A_191, %mul3A_190] : memref<2x11264xi32, #tpu.memory_space<hbm>> -> memref<1x1024xi32, #tpu.memory_space<hbm>>
        %dma_start3A_195 = tpu.memref_squeeze %dma_start3A_194 : memref<1x1024xi32, #tpu.memory_space<hbm>> -> memref<1024xi32, #tpu.memory_space<hbm>>
        tpu.enqueue_dma source(%dma_start3A_195 : memref<1024xi32, #tpu.memory_space<hbm>>) target(%arg11 : memref<1024xi32, #tpu.memory_space<vmem>>) target_semaphore(%arg15 : memref<!tpu.dma_semaphore, #tpu.memory_space<semaphore_mem>>)
        %dma_wait3A_196 = arith.constant 0 : i32
        %dma_wait3A_197 = tpu.memref_slice %arg5[%dma_wait3A_196, %mul3A_181] : memref<2x11264xi32, #tpu.memory_space<hbm>> -> memref<1x1024xi32, #tpu.memory_space<hbm>>
        %dma_wait3A_198 = tpu.memref_squeeze %dma_wait3A_197 : memref<1x1024xi32, #tpu.memory_space<hbm>> -> memref<1024xi32, #tpu.memory_space<hbm>>
        %dma_wait3A_199 = tpu.memref_slice %arg5[%dma_wait3A_196, %mul3A_181] : memref<2x11264xi32, #tpu.memory_space<hbm>> -> memref<1x1024xi32, #tpu.memory_space<hbm>>
        %dma_wait3A_200 = tpu.memref_squeeze %dma_wait3A_199 : memref<1x1024xi32, #tpu.memory_space<hbm>> -> memref<1024xi32, #tpu.memory_space<hbm>>
        tpu.wait_dma2 semaphore(%arg15 : memref<!tpu.dma_semaphore, #tpu.memory_space<semaphore_mem>>) src(%dma_wait3A_200 : memref<1024xi32, #tpu.memory_space<hbm>>) dst(%arg9 : memref<1024xi32, #tpu.memory_space<vmem>>)
        %dma_wait3A_201 = arith.constant 1 : i32
        %dma_wait3A_202 = tpu.memref_slice %arg5[%dma_wait3A_201, %mul3A_190] : memref<2x11264xi32, #tpu.memory_space<hbm>> -> memref<1x1024xi32, #tpu.memory_space<hbm>>
        %dma_wait3A_203 = tpu.memref_squeeze %dma_wait3A_202 : memref<1x1024xi32, #tpu.memory_space<hbm>> -> memref<1024xi32, #tpu.memory_space<hbm>>
        %dma_wait3A_204 = tpu.memref_slice %arg5[%dma_wait3A_201, %mul3A_190] : memref<2x11264xi32, #tpu.memory_space<hbm>> -> memref<1x1024xi32, #tpu.memory_space<hbm>>
        %dma_wait3A_205 = tpu.memref_squeeze %dma_wait3A_204 : memref<1x1024xi32, #tpu.memory_space<hbm>> -> memref<1024xi32, #tpu.memory_space<hbm>>
        tpu.wait_dma2 semaphore(%arg15 : memref<!tpu.dma_semaphore, #tpu.memory_space<semaphore_mem>>) src(%dma_wait3A_205 : memref<1024xi32, #tpu.memory_space<hbm>>) dst(%arg11 : memref<1024xi32, #tpu.memory_space<vmem>>)
      } else {
      }
      %mul3A_123 = arith.constant 8 : i32
      %mul3A_124 = arith.muli %add3A_88, %mul3A_123 : i32
      %add3A_125 = arith.addi %mul3A_0, %mul3A_124 : i32
      %lt3A_126 = arith.constant 25000 : i32
      %lt3A_127 = arith.cmpi slt, %add3A_125, %lt3A_126 : i32
      %convert_element_type3A_128 = arith.extui %lt3A_127 : i1 to i32
      %cond3A_129 = arith.constant 0 : i32
      %cond3A_130 = arith.cmpi ne, %convert_element_type3A_128, %cond3A_129 : i32
      scf.if %cond3A_130 {
        %mul3A_178 = arith.constant 8 : i32
        %mul3A_179 = arith.muli %add3A_88, %mul3A_178 : i32
        %add3A_180 = arith.addi %mul3A_0, %mul3A_179 : i32
        %mul3A_181 = arith.constant 128 : i32
        %mul3A_182 = arith.muli %add3A_180, %mul3A_181 : i32
        %mul3A_183 = arith.constant 8 : i32
        %mul3A_184 = arith.muli %arg0, %mul3A_183 : i32
        %dma_start3A_185 = tpu.memref_slice %arg2[%mul3A_182, %mul3A_184] : memref<3200000x16xf32, #tpu.memory_space<hbm>> -> memref<1024x8xf32, #tpu.memory_space<hbm>>
        %dma_start3A_186 = tpu.memref_slice %arg2[%mul3A_182, %mul3A_184] : memref<3200000x16xf32, #tpu.memory_space<hbm>> -> memref<1024x8xf32, #tpu.memory_space<hbm>>
        tpu.enqueue_dma source(%dma_start3A_186 : memref<1024x8xf32, #tpu.memory_space<hbm>>) target(%arg13 : memref<1024x8xf32, #tpu.memory_space<vmem>>) target_semaphore(%arg16 : memref<!tpu.dma_semaphore, #tpu.memory_space<semaphore_mem>>)
      } else {
      }
      %mul3A_131 = arith.constant 2 : i32
      %mul3A_132 = arith.muli %mul3A_131, %scan3A_84 : i32
      %add3A_133 = arith.constant 3 : i32
      %add3A_134 = arith.addi %add3A_133, %mul3A_132 : i32
      %sub3A_135 = arith.constant 1 : i32
      %sub3A_136 = arith.subi %add3A_134, %sub3A_135 : i32
      %mul3A_137 = arith.constant 8 : i32
      %mul3A_138 = arith.muli %sub3A_136, %mul3A_137 : i32
      %add3A_139 = arith.addi %mul3A_0, %mul3A_138 : i32
      %lt3A_140 = arith.constant 25000 : i32
      %lt3A_141 = arith.cmpi slt, %add3A_139, %lt3A_140 : i32
      %convert_element_type3A_142 = arith.extui %lt3A_141 : i1 to i32
      %cond3A_143 = arith.constant 0 : i32
      %cond3A_144 = arith.cmpi ne, %convert_element_type3A_142, %cond3A_143 : i32
      scf.if %cond3A_144 {
        %mul3A_178 = arith.constant 8 : i32
        %mul3A_179 = arith.muli %sub3A_136, %mul3A_178 : i32
        %add3A_180 = arith.addi %mul3A_0, %mul3A_179 : i32
        %mul3A_181 = arith.constant 128 : i32
        %mul3A_182 = arith.muli %add3A_180, %mul3A_181 : i32
        %mul3A_183 = arith.constant 8 : i32
        %mul3A_184 = arith.muli %arg0, %mul3A_183 : i32
        %dma_wait3A_185 = tpu.memref_slice %arg2[%mul3A_182, %mul3A_184] : memref<3200000x16xf32, #tpu.memory_space<hbm>> -> memref<1024x8xf32, #tpu.memory_space<hbm>>
        %dma_wait3A_186 = tpu.memref_slice %arg2[%mul3A_182, %mul3A_184] : memref<3200000x16xf32, #tpu.memory_space<hbm>> -> memref<1024x8xf32, #tpu.memory_space<hbm>>
        tpu.wait_dma2 semaphore(%arg16 : memref<!tpu.dma_semaphore, #tpu.memory_space<semaphore_mem>>) src(%dma_wait3A_186 : memref<1024x8xf32, #tpu.memory_space<hbm>>) dst(%arg13 : memref<1024x8xf32, #tpu.memory_space<vmem>>)
      } else {
      }
      %dma_start3A_145 = arith.constant 0 : i32
      %dma_start3A_146 = arith.constant 0 : i32
      %dma_start3A_147 = tpu.memref_slice %arg8[%dma_start3A_145, %dma_start3A_146] : memref<100096x8xf32, #tpu.memory_space<vmem_shared>> -> memref<100096x8xf32, #tpu.memory_space<vmem_shared>>
      tpu.enqueue_indirect_dma source(%arg13 : memref<1024x8xf32, #tpu.memory_space<vmem>>) target(%dma_start3A_147 : memref<100096x8xf32, #tpu.memory_space<vmem_shared>>) offsets(%arg9 : memref<1024xi32, #tpu.memory_space<vmem>>) semaphore(%arg18 : memref<!tpu.dma_semaphore, #tpu.memory_space<semaphore_mem>>) {add = true}
      %dma_start3A_148 = arith.constant 0 : i32
      %dma_start3A_149 = arith.constant 0 : i32
      %dma_start3A_150 = tpu.memref_slice %arg8[%dma_start3A_148, %dma_start3A_149] : memref<100096x8xf32, #tpu.memory_space<vmem_shared>> -> memref<100096x8xf32, #tpu.memory_space<vmem_shared>>
      tpu.enqueue_indirect_dma source(%arg13 : memref<1024x8xf32, #tpu.memory_space<vmem>>) target(%dma_start3A_150 : memref<100096x8xf32, #tpu.memory_space<vmem_shared>>) offsets(%arg11 : memref<1024xi32, #tpu.memory_space<vmem>>) semaphore(%arg18 : memref<!tpu.dma_semaphore, #tpu.memory_space<semaphore_mem>>) {add = true}
      %dma_wait3A_151 = arith.constant 0 : i32
      %dma_wait3A_152 = arith.constant 0 : i32
      %dma_wait3A_153 = tpu.memref_slice %arg8[%dma_wait3A_151, %dma_wait3A_152] : memref<100096x8xf32, #tpu.memory_space<vmem_shared>> -> memref<100096x8xf32, #tpu.memory_space<vmem_shared>>
      tpu.wait_indirect_dma semaphore(%arg19 : memref<!tpu.dma_semaphore, #tpu.memory_space<semaphore_mem>>) src(%arg14 : memref<1024x8xf32, #tpu.memory_space<vmem>>) dst(%dma_wait3A_153 : memref<100096x8xf32, #tpu.memory_space<vmem_shared>>)
      %dma_wait3A_154 = arith.constant 0 : i32
      %dma_wait3A_155 = arith.constant 0 : i32
      %dma_wait3A_156 = tpu.memref_slice %arg8[%dma_wait3A_154, %dma_wait3A_155] : memref<100096x8xf32, #tpu.memory_space<vmem_shared>> -> memref<100096x8xf32, #tpu.memory_space<vmem_shared>>
      tpu.wait_indirect_dma semaphore(%arg19 : memref<!tpu.dma_semaphore, #tpu.memory_space<semaphore_mem>>) src(%arg14 : memref<1024x8xf32, #tpu.memory_space<vmem>>) dst(%dma_wait3A_156 : memref<100096x8xf32, #tpu.memory_space<vmem_shared>>)
      %mul3A_157 = arith.constant 8 : i32
      %mul3A_158 = arith.muli %add3A_134, %mul3A_157 : i32
      %add3A_159 = arith.addi %mul3A_0, %mul3A_158 : i32
      %lt3A_160 = arith.constant 25000 : i32
      %lt3A_161 = arith.cmpi slt, %add3A_159, %lt3A_160 : i32
      %convert_element_type3A_162 = arith.extui %lt3A_161 : i1 to i32
      %cond3A_163 = arith.constant 0 : i32
      %cond3A_164 = arith.cmpi ne, %convert_element_type3A_162, %cond3A_163 : i32
      scf.if %cond3A_164 {
        %mul3A_178 = arith.constant 128 : i32
        %mul3A_179 = arith.muli %add3A_159, %mul3A_178 : i32
        %dma_start3A_180 = tpu.memref_slice %arg3[%mul3A_179] : memref<3200000xi32, #tpu.memory_space<hbm>> -> memref<1024xi32, #tpu.memory_space<hbm>>
        %dma_start3A_181 = tpu.memref_slice %arg3[%mul3A_179] : memref<3200000xi32, #tpu.memory_space<hbm>> -> memref<1024xi32, #tpu.memory_space<hbm>>
        tpu.enqueue_dma source(%dma_start3A_181 : memref<1024xi32, #tpu.memory_space<hbm>>) target(%arg10 : memref<1024xi32, #tpu.memory_space<vmem>>) target_semaphore(%arg15 : memref<!tpu.dma_semaphore, #tpu.memory_space<semaphore_mem>>)
        %mul3A_182 = arith.constant 128 : i32
        %mul3A_183 = arith.muli %add3A_159, %mul3A_182 : i32
        %dma_start3A_184 = tpu.memref_slice %arg4[%mul3A_183] : memref<3200000xi32, #tpu.memory_space<hbm>> -> memref<1024xi32, #tpu.memory_space<hbm>>
        %dma_start3A_185 = tpu.memref_slice %arg4[%mul3A_183] : memref<3200000xi32, #tpu.memory_space<hbm>> -> memref<1024xi32, #tpu.memory_space<hbm>>
        tpu.enqueue_dma source(%dma_start3A_185 : memref<1024xi32, #tpu.memory_space<hbm>>) target(%arg12 : memref<1024xi32, #tpu.memory_space<vmem>>) target_semaphore(%arg15 : memref<!tpu.dma_semaphore, #tpu.memory_space<semaphore_mem>>)
        %dma_wait3A_186 = tpu.memref_slice %arg3[%mul3A_179] : memref<3200000xi32, #tpu.memory_space<hbm>> -> memref<1024xi32, #tpu.memory_space<hbm>>
        %dma_wait3A_187 = tpu.memref_slice %arg3[%mul3A_179] : memref<3200000xi32, #tpu.memory_space<hbm>> -> memref<1024xi32, #tpu.memory_space<hbm>>
        tpu.wait_dma2 semaphore(%arg15 : memref<!tpu.dma_semaphore, #tpu.memory_space<semaphore_mem>>) src(%dma_wait3A_187 : memref<1024xi32, #tpu.memory_space<hbm>>) dst(%arg10 : memref<1024xi32, #tpu.memory_space<vmem>>)
        %dma_wait3A_188 = tpu.memref_slice %arg4[%mul3A_183] : memref<3200000xi32, #tpu.memory_space<hbm>> -> memref<1024xi32, #tpu.memory_space<hbm>>
        %dma_wait3A_189 = tpu.memref_slice %arg4[%mul3A_183] : memref<3200000xi32, #tpu.memory_space<hbm>> -> memref<1024xi32, #tpu.memory_space<hbm>>
        tpu.wait_dma2 semaphore(%arg15 : memref<!tpu.dma_semaphore, #tpu.memory_space<semaphore_mem>>) src(%dma_wait3A_189 : memref<1024xi32, #tpu.memory_space<hbm>>) dst(%arg12 : memref<1024xi32, #tpu.memory_space<vmem>>)
      } else {
      }
      %ge3A_165 = arith.constant 25000 : i32
      %ge3A_166 = arith.cmpi sge, %add3A_159, %ge3A_165 : i32
      %convert_element_type3A_167 = arith.extui %ge3A_166 : i1 to i32
      %cond3A_168 = arith.constant 0 : i32
      %cond3A_169 = arith.cmpi ne, %convert_element_type3A_167, %cond3A_168 : i32
      scf.if %cond3A_169 {
        %sub3A_178 = arith.constant 25000 : i32
        %sub3A_179 = arith.subi %add3A_159, %sub3A_178 : i32
        %mul3A_180 = arith.constant 128 : i32
        %mul3A_181 = arith.muli %sub3A_179, %mul3A_180 : i32
        %dma_start3A_182 = arith.constant 0 : i32
        %dma_start3A_183 = tpu.memref_slice %arg5[%dma_start3A_182, %mul3A_181] : memref<2x11264xi32, #tpu.memory_space<hbm>> -> memref<1x1024xi32, #tpu.memory_space<hbm>>
        %dma_start3A_184 = tpu.memref_squeeze %dma_start3A_183 : memref<1x1024xi32, #tpu.memory_space<hbm>> -> memref<1024xi32, #tpu.memory_space<hbm>>
        %dma_start3A_185 = tpu.memref_slice %arg5[%dma_start3A_182, %mul3A_181] : memref<2x11264xi32, #tpu.memory_space<hbm>> -> memref<1x1024xi32, #tpu.memory_space<hbm>>
        %dma_start3A_186 = tpu.memref_squeeze %dma_start3A_185 : memref<1x1024xi32, #tpu.memory_space<hbm>> -> memref<1024xi32, #tpu.memory_space<hbm>>
        tpu.enqueue_dma source(%dma_start3A_186 : memref<1024xi32, #tpu.memory_space<hbm>>) target(%arg10 : memref<1024xi32, #tpu.memory_space<vmem>>) target_semaphore(%arg15 : memref<!tpu.dma_semaphore, #tpu.memory_space<semaphore_mem>>)
        %sub3A_187 = arith.constant 25000 : i32
        %sub3A_188 = arith.subi %add3A_159, %sub3A_187 : i32
        %mul3A_189 = arith.constant 128 : i32
        %mul3A_190 = arith.muli %sub3A_188, %mul3A_189 : i32
        %dma_start3A_191 = arith.constant 1 : i32
        %dma_start3A_192 = tpu.memref_slice %arg5[%dma_start3A_191, %mul3A_190] : memref<2x11264xi32, #tpu.memory_space<hbm>> -> memref<1x1024xi32, #tpu.memory_space<hbm>>
        %dma_start3A_193 = tpu.memref_squeeze %dma_start3A_192 : memref<1x1024xi32, #tpu.memory_space<hbm>> -> memref<1024xi32, #tpu.memory_space<hbm>>
        %dma_start3A_194 = tpu.memref_slice %arg5[%dma_start3A_191, %mul3A_190] : memref<2x11264xi32, #tpu.memory_space<hbm>> -> memref<1x1024xi32, #tpu.memory_space<hbm>>
        %dma_start3A_195 = tpu.memref_squeeze %dma_start3A_194 : memref<1x1024xi32, #tpu.memory_space<hbm>> -> memref<1024xi32, #tpu.memory_space<hbm>>
        tpu.enqueue_dma source(%dma_start3A_195 : memref<1024xi32, #tpu.memory_space<hbm>>) target(%arg12 : memref<1024xi32, #tpu.memory_space<vmem>>) target_semaphore(%arg15 : memref<!tpu.dma_semaphore, #tpu.memory_space<semaphore_mem>>)
        %dma_wait3A_196 = arith.constant 0 : i32
        %dma_wait3A_197 = tpu.memref_slice %arg5[%dma_wait3A_196, %mul3A_181] : memref<2x11264xi32, #tpu.memory_space<hbm>> -> memref<1x1024xi32, #tpu.memory_space<hbm>>
        %dma_wait3A_198 = tpu.memref_squeeze %dma_wait3A_197 : memref<1x1024xi32, #tpu.memory_space<hbm>> -> memref<1024xi32, #tpu.memory_space<hbm>>
        %dma_wait3A_199 = tpu.memref_slice %arg5[%dma_wait3A_196, %mul3A_181] : memref<2x11264xi32, #tpu.memory_space<hbm>> -> memref<1x1024xi32, #tpu.memory_space<hbm>>
        %dma_wait3A_200 = tpu.memref_squeeze %dma_wait3A_199 : memref<1x1024xi32, #tpu.memory_space<hbm>> -> memref<1024xi32, #tpu.memory_space<hbm>>
        tpu.wait_dma2 semaphore(%arg15 : memref<!tpu.dma_semaphore, #tpu.memory_space<semaphore_mem>>) src(%dma_wait3A_200 : memref<1024xi32, #tpu.memory_space<hbm>>) dst(%arg10 : memref<1024xi32, #tpu.memory_space<vmem>>)
        %dma_wait3A_201 = arith.constant 1 : i32
        %dma_wait3A_202 = tpu.memref_slice %arg5[%dma_wait3A_201, %mul3A_190] : memref<2x11264xi32, #tpu.memory_space<hbm>> -> memref<1x1024xi32, #tpu.memory_space<hbm>>
        %dma_wait3A_203 = tpu.memref_squeeze %dma_wait3A_202 : memref<1x1024xi32, #tpu.memory_space<hbm>> -> memref<1024xi32, #tpu.memory_space<hbm>>
        %dma_wait3A_204 = tpu.memref_slice %arg5[%dma_wait3A_201, %mul3A_190] : memref<2x11264xi32, #tpu.memory_space<hbm>> -> memref<1x1024xi32, #tpu.memory_space<hbm>>
        %dma_wait3A_205 = tpu.memref_squeeze %dma_wait3A_204 : memref<1x1024xi32, #tpu.memory_space<hbm>> -> memref<1024xi32, #tpu.memory_space<hbm>>
        tpu.wait_dma2 semaphore(%arg15 : memref<!tpu.dma_semaphore, #tpu.memory_space<semaphore_mem>>) src(%dma_wait3A_205 : memref<1024xi32, #tpu.memory_space<hbm>>) dst(%arg12 : memref<1024xi32, #tpu.memory_space<vmem>>)
      } else {
      }
      %mul3A_170 = arith.constant 8 : i32
      %mul3A_171 = arith.muli %add3A_134, %mul3A_170 : i32
      %add3A_172 = arith.addi %mul3A_0, %mul3A_171 : i32
      %lt3A_173 = arith.constant 25000 : i32
      %lt3A_174 = arith.cmpi slt, %add3A_172, %lt3A_173 : i32
      %convert_element_type3A_175 = arith.extui %lt3A_174 : i1 to i32
      %cond3A_176 = arith.constant 0 : i32
      %cond3A_177 = arith.cmpi ne, %convert_element_type3A_175, %cond3A_176 : i32
      scf.if %cond3A_177 {
        %mul3A_178 = arith.constant 8 : i32
        %mul3A_179 = arith.muli %add3A_134, %mul3A_178 : i32
        %add3A_180 = arith.addi %mul3A_0, %mul3A_179 : i32
        %mul3A_181 = arith.constant 128 : i32
        %mul3A_182 = arith.muli %add3A_180, %mul3A_181 : i32
        %mul3A_183 = arith.constant 8 : i32
        %mul3A_184 = arith.muli %arg0, %mul3A_183 : i32
        %dma_start3A_185 = tpu.memref_slice %arg2[%mul3A_182, %mul3A_184] : memref<3200000x16xf32, #tpu.memory_space<hbm>> -> memref<1024x8xf32, #tpu.memory_space<hbm>>
        %dma_start3A_186 = tpu.memref_slice %arg2[%mul3A_182, %mul3A_184] : memref<3200000x16xf32, #tpu.memory_space<hbm>> -> memref<1024x8xf32, #tpu.memory_space<hbm>>
        tpu.enqueue_dma source(%dma_start3A_186 : memref<1024x8xf32, #tpu.memory_space<hbm>>) target(%arg14 : memref<1024x8xf32, #tpu.memory_space<vmem>>) target_semaphore(%arg17 : memref<!tpu.dma_semaphore, #tpu.memory_space<semaphore_mem>>)
      } else {
      }
    }
    %scan3A_54 = arith.constant 97 : i32
    %add3A_55 = arith.constant 1560 : i32
    %add3A_56 = arith.addi %mul3A_0, %add3A_55 : i32
    %lt3A_57 = arith.constant 25000 : i32
    %lt3A_58 = arith.cmpi slt, %add3A_56, %lt3A_57 : i32
    %convert_element_type3A_59 = arith.extui %lt3A_58 : i1 to i32
    %cond3A_60 = arith.constant 0 : i32
    %cond3A_61 = arith.cmpi ne, %convert_element_type3A_59, %cond3A_60 : i32
    scf.if %cond3A_61 {
      %add3A_84 = arith.constant 1560 : i32
      %add3A_85 = arith.addi %mul3A_0, %add3A_84 : i32
      %mul3A_86 = arith.constant 128 : i32
      %mul3A_87 = arith.muli %add3A_85, %mul3A_86 : i32
      %mul3A_88 = arith.constant 8 : i32
      %mul3A_89 = arith.muli %arg0, %mul3A_88 : i32
      %dma_wait3A_90 = tpu.memref_slice %arg2[%mul3A_87, %mul3A_89] : memref<3200000x16xf32, #tpu.memory_space<hbm>> -> memref<1024x8xf32, #tpu.memory_space<hbm>>
      %dma_wait3A_91 = tpu.memref_slice %arg2[%mul3A_87, %mul3A_89] : memref<3200000x16xf32, #tpu.memory_space<hbm>> -> memref<1024x8xf32, #tpu.memory_space<hbm>>
      tpu.wait_dma2 semaphore(%arg17 : memref<!tpu.dma_semaphore, #tpu.memory_space<semaphore_mem>>) src(%dma_wait3A_91 : memref<1024x8xf32, #tpu.memory_space<hbm>>) dst(%arg14 : memref<1024x8xf32, #tpu.memory_space<vmem>>)
    } else {
    }
    %dma_start3A_62 = arith.constant 0 : i32
    %dma_start3A_63 = arith.constant 0 : i32
    %dma_start3A_64 = tpu.memref_slice %arg8[%dma_start3A_62, %dma_start3A_63] : memref<100096x8xf32, #tpu.memory_space<vmem_shared>> -> memref<100096x8xf32, #tpu.memory_space<vmem_shared>>
    tpu.enqueue_indirect_dma source(%arg14 : memref<1024x8xf32, #tpu.memory_space<vmem>>) target(%dma_start3A_64 : memref<100096x8xf32, #tpu.memory_space<vmem_shared>>) offsets(%arg10 : memref<1024xi32, #tpu.memory_space<vmem>>) semaphore(%arg19 : memref<!tpu.dma_semaphore, #tpu.memory_space<semaphore_mem>>) {add = true}
    %dma_start3A_65 = arith.constant 0 : i32
    %dma_start3A_66 = arith.constant 0 : i32
    %dma_start3A_67 = tpu.memref_slice %arg8[%dma_start3A_65, %dma_start3A_66] : memref<100096x8xf32, #tpu.memory_space<vmem_shared>> -> memref<100096x8xf32, #tpu.memory_space<vmem_shared>>
    tpu.enqueue_indirect_dma source(%arg14 : memref<1024x8xf32, #tpu.memory_space<vmem>>) target(%dma_start3A_67 : memref<100096x8xf32, #tpu.memory_space<vmem_shared>>) offsets(%arg12 : memref<1024xi32, #tpu.memory_space<vmem>>) semaphore(%arg19 : memref<!tpu.dma_semaphore, #tpu.memory_space<semaphore_mem>>) {add = true}
    %dma_wait3A = arith.constant 0 : i32
    %dma_wait3A_68 = arith.constant 0 : i32
    %dma_wait3A_69 = tpu.memref_slice %arg8[%dma_wait3A, %dma_wait3A_68] : memref<100096x8xf32, #tpu.memory_space<vmem_shared>> -> memref<100096x8xf32, #tpu.memory_space<vmem_shared>>
    tpu.wait_indirect_dma semaphore(%arg18 : memref<!tpu.dma_semaphore, #tpu.memory_space<semaphore_mem>>) src(%arg13 : memref<1024x8xf32, #tpu.memory_space<vmem>>) dst(%dma_wait3A_69 : memref<100096x8xf32, #tpu.memory_space<vmem_shared>>)
    %dma_wait3A_70 = arith.constant 0 : i32
    %dma_wait3A_71 = arith.constant 0 : i32
    %dma_wait3A_72 = tpu.memref_slice %arg8[%dma_wait3A_70, %dma_wait3A_71] : memref<100096x8xf32, #tpu.memory_space<vmem_shared>> -> memref<100096x8xf32, #tpu.memory_space<vmem_shared>>
    tpu.wait_indirect_dma semaphore(%arg18 : memref<!tpu.dma_semaphore, #tpu.memory_space<semaphore_mem>>) src(%arg13 : memref<1024x8xf32, #tpu.memory_space<vmem>>) dst(%dma_wait3A_72 : memref<100096x8xf32, #tpu.memory_space<vmem_shared>>)
    %dma_wait3A_73 = arith.constant 0 : i32
    %dma_wait3A_74 = arith.constant 0 : i32
    %dma_wait3A_75 = tpu.memref_slice %arg8[%dma_wait3A_73, %dma_wait3A_74] : memref<100096x8xf32, #tpu.memory_space<vmem_shared>> -> memref<100096x8xf32, #tpu.memory_space<vmem_shared>>
    tpu.wait_indirect_dma semaphore(%arg19 : memref<!tpu.dma_semaphore, #tpu.memory_space<semaphore_mem>>) src(%arg14 : memref<1024x8xf32, #tpu.memory_space<vmem>>) dst(%dma_wait3A_75 : memref<100096x8xf32, #tpu.memory_space<vmem_shared>>)
    %dma_wait3A_76 = arith.constant 0 : i32
    %dma_wait3A_77 = arith.constant 0 : i32
    %dma_wait3A_78 = tpu.memref_slice %arg8[%dma_wait3A_76, %dma_wait3A_77] : memref<100096x8xf32, #tpu.memory_space<vmem_shared>> -> memref<100096x8xf32, #tpu.memory_space<vmem_shared>>
    tpu.wait_indirect_dma semaphore(%arg19 : memref<!tpu.dma_semaphore, #tpu.memory_space<semaphore_mem>>) src(%arg14 : memref<1024x8xf32, #tpu.memory_space<vmem>>) dst(%dma_wait3A_78 : memref<100096x8xf32, #tpu.memory_space<vmem_shared>>)
    %barrier3A_79 = arith.constant 0 : index
    tpu.barrier barrier_id(%barrier3A_79)
    %mul3A_80 = arith.constant 6256 : i32
    %mul3A_81 = arith.muli %arg1, %mul3A_80 : i32
    %mul3A_82 = arith.constant 6256 : i32
    %mul3A_83 = arith.muli %arg1, %mul3A_82 : i32
    "tpu.region"() ({
      %run_scoped3A = tpu.sem_alloc : memref<!tpu.dma_semaphore, #tpu.memory_space<semaphore_mem>>
      %dma_start3A_84 = arith.constant 0 : i32
      %dma_start3A_85 = tpu.memref_slice %arg7[%arg0, %mul3A_83, %dma_start3A_84] : memref<2x100096x8xf32, #tpu.memory_space<hbm>> -> memref<1x6256x8xf32, #tpu.memory_space<hbm>>
      %dma_start3A_86 = tpu.memref_squeeze %dma_start3A_85 : memref<1x6256x8xf32, #tpu.memory_space<hbm>> -> memref<6256x8xf32, #tpu.memory_space<hbm>>
      %dma_start3A_87 = arith.constant 0 : i32
      %dma_start3A_88 = tpu.memref_slice %arg8[%mul3A_81, %dma_start3A_87] : memref<100096x8xf32, #tpu.memory_space<vmem_shared>> -> memref<6256x8xf32, #tpu.memory_space<vmem_shared>>
      tpu.enqueue_dma source(%dma_start3A_88 : memref<6256x8xf32, #tpu.memory_space<vmem_shared>>) target(%dma_start3A_86 : memref<6256x8xf32, #tpu.memory_space<hbm>>) target_semaphore(%run_scoped3A : memref<!tpu.dma_semaphore, #tpu.memory_space<semaphore_mem>>)
      %dma_wait3A_89 = arith.constant 0 : i32
      %dma_wait3A_90 = tpu.memref_slice %arg7[%arg0, %mul3A_83, %dma_wait3A_89] : memref<2x100096x8xf32, #tpu.memory_space<hbm>> -> memref<1x6256x8xf32, #tpu.memory_space<hbm>>
      %dma_wait3A_91 = tpu.memref_squeeze %dma_wait3A_90 : memref<1x6256x8xf32, #tpu.memory_space<hbm>> -> memref<6256x8xf32, #tpu.memory_space<hbm>>
      %dma_wait3A_92 = arith.constant 0 : i32
      %dma_wait3A_93 = tpu.memref_slice %arg8[%mul3A_81, %dma_wait3A_92] : memref<100096x8xf32, #tpu.memory_space<vmem_shared>> -> memref<6256x8xf32, #tpu.memory_space<vmem_shared>>
      tpu.wait_dma2 semaphore(%run_scoped3A : memref<!tpu.dma_semaphore, #tpu.memory_space<semaphore_mem>>) src(%dma_wait3A_93 : memref<6256x8xf32, #tpu.memory_space<vmem_shared>>) dst(%dma_wait3A_91 : memref<6256x8xf32, #tpu.memory_space<hbm>>)
      tpu.yield
    }) : () -> ()
    return
  }
}

module attributes {stable_mosaic.version = 14 : i64} {
  func.func @_fuse_body(%arg0: i32, %arg1: memref<2000x16xf32, #tpu.memory_space<vmem>>, %arg2: memref<2000x1xf32, #tpu.memory_space<vmem>>, %arg3: memref<2x2000x8xf32, #tpu.memory_space<vmem>>, %arg4: memref<2x2000x8xf32, #tpu.memory_space<vmem>>, %arg5: memref<2x2000x8xf32, #tpu.memory_space<vmem>>, %arg6: memref<2x2000x8xf32, #tpu.memory_space<vmem>>, %arg7: memref<16x16xf32, #tpu.memory_space<vmem>>, %arg8: memref<16x16xf32, #tpu.memory_space<vmem>>, %arg9: memref<8x8x16xf32, #tpu.memory_space<vmem>>, %arg10: memref<1x16xf32, #tpu.memory_space<vmem>>, %arg11: memref<2000x16xf32, #tpu.memory_space<vmem>>, %arg12: memref<1x2x16xf32, #tpu.memory_space<vmem>>) attributes {dimension_semantics = [#tpu.dimension_semantics<arbitrary>], iteration_bounds = array<i64: 50>, scalar_prefetch = 0 : i64, scratch_operands = 0 : i64, tpu.core_type = #tpu.core_type<tc>, window_params = [{transform_indices = @transform_0, window_bounds = array<i64: 2000, 16>}, {transform_indices = @transform_1, window_bounds = array<i64: 2000, 1>}, {transform_indices = @transform_2, window_bounds = array<i64: 2, 2000, 8>}, {transform_indices = @transform_3, window_bounds = array<i64: 2, 2000, 8>}, {transform_indices = @transform_4, window_bounds = array<i64: 2, 2000, 8>}, {transform_indices = @transform_5, window_bounds = array<i64: 2, 2000, 8>}, {pipeline_mode = #tpu.pipeline_mode<synchronous>, transform_indices = @transform_6, window_bounds = array<i64: 16, 16>}, {pipeline_mode = #tpu.pipeline_mode<synchronous>, transform_indices = @transform_7, window_bounds = array<i64: 16, 16>}, {pipeline_mode = #tpu.pipeline_mode<synchronous>, transform_indices = @transform_8, window_bounds = array<i64: 8, 8, 16>}, {pipeline_mode = #tpu.pipeline_mode<synchronous>, transform_indices = @transform_9, window_bounds = array<i64: 1, 16>}, {transform_indices = @transform_10, window_bounds = array<i64: 2000, 16>}, {transform_indices = @transform_11, window_bounds = array<i64: 1, 2, 16>}]} {
    %get3A = arith.constant 0 : index
    %get3A_0 = arith.constant 0 : index
    %get3A_1 = vector.load %arg1[%get3A, %get3A_0] : memref<2000x16xf32, #tpu.memory_space<vmem>>, vector<2000x16xf32>
    %get3A_2 = arith.constant 0 : index
    %get3A_3 = arith.constant 0 : index
    %get3A_4 = arith.constant 0 : index
    %get3A_5 = vector.load %arg9[%get3A_2, %get3A_3, %get3A_4] : memref<8x8x16xf32, #tpu.memory_space<vmem>>, vector<8x8x16xf32>
    %get3A_6 = arith.constant 0 : index
    %get3A_7 = arith.constant 0 : index
    %get3A_8 = vector.load %arg7[%get3A_6, %get3A_7] : memref<16x16xf32, #tpu.memory_space<vmem>>, vector<16x16xf32>
    %dot_general3A = arith.constant dense<0.000000e+00> : vector<2000x16xf32>
    %dot_general3A_9 = tpu.matmul %get3A_1, %get3A_8, %dot_general3A {dimension_numbers = #tpu.dot_dimension_numbers<[1], [0], [0], [1], [0, 0, 1, 1], [], []>, transpose_lhs_hint = false} : vector<2000x16xf32>, vector<16x16xf32>, vector<2000x16xf32> -> vector<2000x16xf32>
    %get3A_10 = arith.constant 0 : index
    %get3A_11 = arith.constant 0 : index
    %get3A_12 = vector.load %arg2[%get3A_10, %get3A_11] : memref<2000x1xf32, #tpu.memory_space<vmem>>, vector<2000x1xf32>
    %mul3A = vector.broadcast %get3A_12 : vector<2000x1xf32> to vector<2000x16xf32>
    %mul3A_13 = arith.mulf %mul3A, %get3A_1 : vector<2000x16xf32>
    %get3A_14 = arith.constant 0 : index
    %get3A_15 = arith.constant 0 : index
    %get3A_16 = vector.load %arg8[%get3A_14, %get3A_15] : memref<16x16xf32, #tpu.memory_space<vmem>>, vector<16x16xf32>
    %dot_general3A_17 = arith.constant dense<0.000000e+00> : vector<2000x16xf32>
    %dot_general3A_18 = tpu.matmul %mul3A_13, %get3A_16, %dot_general3A_17 {dimension_numbers = #tpu.dot_dimension_numbers<[1], [0], [0], [1], [0, 0, 1, 1], [], []>, transpose_lhs_hint = false} : vector<2000x16xf32>, vector<16x16xf32>, vector<2000x16xf32> -> vector<2000x16xf32>
    %add3A = arith.addf %dot_general3A_9, %dot_general3A_18 : vector<2000x16xf32>
    %get3A_19 = arith.constant 0 : index
    %get3A_20 = arith.constant 0 : index
    %get3A_21 = arith.constant 0 : index
    %get3A_22 = vector.load %arg3[%get3A_19, %get3A_20, %get3A_21] : memref<2x2000x8xf32, #tpu.memory_space<vmem>>, vector<1x2000x8xf32>
    %get3A_23 = vector.shape_cast %get3A_22 : vector<1x2000x8xf32> to vector<2000x8xf32>
    %slice3A = vector.extract_strided_slice %get3A_5 {offsets = [0, 0, 0], sizes = [1, 8, 16], strides = [1, 1, 1]} : vector<8x8x16xf32> to vector<1x8x16xf32>
    %squeeze3A = vector.shape_cast %slice3A : vector<1x8x16xf32> to vector<8x16xf32>
    %dot_general3A_24 = arith.constant dense<0.000000e+00> : vector<2000x16xf32>
    %dot_general3A_25 = tpu.matmul %get3A_23, %squeeze3A, %dot_general3A_24 {dimension_numbers = #tpu.dot_dimension_numbers<[1], [0], [0], [1], [0, 0, 1, 1], [], []>, transpose_lhs_hint = false} : vector<2000x8xf32>, vector<8x16xf32>, vector<2000x16xf32> -> vector<2000x16xf32>
    %add3A_26 = arith.addf %add3A, %dot_general3A_25 : vector<2000x16xf32>
    %get3A_27 = arith.constant 1 : index
    %get3A_28 = arith.constant 0 : index
    %get3A_29 = arith.constant 0 : index
    %get3A_30 = vector.load %arg3[%get3A_27, %get3A_28, %get3A_29] : memref<2x2000x8xf32, #tpu.memory_space<vmem>>, vector<1x2000x8xf32>
    %get3A_31 = vector.shape_cast %get3A_30 : vector<1x2000x8xf32> to vector<2000x8xf32>
    %slice3A_32 = vector.extract_strided_slice %get3A_5 {offsets = [1, 0, 0], sizes = [1, 8, 16], strides = [1, 1, 1]} : vector<8x8x16xf32> to vector<1x8x16xf32>
    %squeeze3A_33 = vector.shape_cast %slice3A_32 : vector<1x8x16xf32> to vector<8x16xf32>
    %dot_general3A_34 = arith.constant dense<0.000000e+00> : vector<2000x16xf32>
    %dot_general3A_35 = tpu.matmul %get3A_31, %squeeze3A_33, %dot_general3A_34 {dimension_numbers = #tpu.dot_dimension_numbers<[1], [0], [0], [1], [0, 0, 1, 1], [], []>, transpose_lhs_hint = false} : vector<2000x8xf32>, vector<8x16xf32>, vector<2000x16xf32> -> vector<2000x16xf32>
    %add3A_36 = arith.addf %add3A_26, %dot_general3A_35 : vector<2000x16xf32>
    %get3A_37 = arith.constant 0 : index
    %get3A_38 = arith.constant 0 : index
    %get3A_39 = arith.constant 0 : index
    %get3A_40 = vector.load %arg4[%get3A_37, %get3A_38, %get3A_39] : memref<2x2000x8xf32, #tpu.memory_space<vmem>>, vector<1x2000x8xf32>
    %get3A_41 = vector.shape_cast %get3A_40 : vector<1x2000x8xf32> to vector<2000x8xf32>
    %slice3A_42 = vector.extract_strided_slice %get3A_5 {offsets = [2, 0, 0], sizes = [1, 8, 16], strides = [1, 1, 1]} : vector<8x8x16xf32> to vector<1x8x16xf32>
    %squeeze3A_43 = vector.shape_cast %slice3A_42 : vector<1x8x16xf32> to vector<8x16xf32>
    %dot_general3A_44 = arith.constant dense<0.000000e+00> : vector<2000x16xf32>
    %dot_general3A_45 = tpu.matmul %get3A_41, %squeeze3A_43, %dot_general3A_44 {dimension_numbers = #tpu.dot_dimension_numbers<[1], [0], [0], [1], [0, 0, 1, 1], [], []>, transpose_lhs_hint = false} : vector<2000x8xf32>, vector<8x16xf32>, vector<2000x16xf32> -> vector<2000x16xf32>
    %add3A_46 = arith.addf %add3A_36, %dot_general3A_45 : vector<2000x16xf32>
    %get3A_47 = arith.constant 1 : index
    %get3A_48 = arith.constant 0 : index
    %get3A_49 = arith.constant 0 : index
    %get3A_50 = vector.load %arg4[%get3A_47, %get3A_48, %get3A_49] : memref<2x2000x8xf32, #tpu.memory_space<vmem>>, vector<1x2000x8xf32>
    %get3A_51 = vector.shape_cast %get3A_50 : vector<1x2000x8xf32> to vector<2000x8xf32>
    %slice3A_52 = vector.extract_strided_slice %get3A_5 {offsets = [3, 0, 0], sizes = [1, 8, 16], strides = [1, 1, 1]} : vector<8x8x16xf32> to vector<1x8x16xf32>
    %squeeze3A_53 = vector.shape_cast %slice3A_52 : vector<1x8x16xf32> to vector<8x16xf32>
    %dot_general3A_54 = arith.constant dense<0.000000e+00> : vector<2000x16xf32>
    %dot_general3A_55 = tpu.matmul %get3A_51, %squeeze3A_53, %dot_general3A_54 {dimension_numbers = #tpu.dot_dimension_numbers<[1], [0], [0], [1], [0, 0, 1, 1], [], []>, transpose_lhs_hint = false} : vector<2000x8xf32>, vector<8x16xf32>, vector<2000x16xf32> -> vector<2000x16xf32>
    %add3A_56 = arith.addf %add3A_46, %dot_general3A_55 : vector<2000x16xf32>
    %get3A_57 = arith.constant 0 : index
    %get3A_58 = arith.constant 0 : index
    %get3A_59 = arith.constant 0 : index
    %get3A_60 = vector.load %arg5[%get3A_57, %get3A_58, %get3A_59] : memref<2x2000x8xf32, #tpu.memory_space<vmem>>, vector<1x2000x8xf32>
    %get3A_61 = vector.shape_cast %get3A_60 : vector<1x2000x8xf32> to vector<2000x8xf32>
    %slice3A_62 = vector.extract_strided_slice %get3A_5 {offsets = [4, 0, 0], sizes = [1, 8, 16], strides = [1, 1, 1]} : vector<8x8x16xf32> to vector<1x8x16xf32>
    %squeeze3A_63 = vector.shape_cast %slice3A_62 : vector<1x8x16xf32> to vector<8x16xf32>
    %dot_general3A_64 = arith.constant dense<0.000000e+00> : vector<2000x16xf32>
    %dot_general3A_65 = tpu.matmul %get3A_61, %squeeze3A_63, %dot_general3A_64 {dimension_numbers = #tpu.dot_dimension_numbers<[1], [0], [0], [1], [0, 0, 1, 1], [], []>, transpose_lhs_hint = false} : vector<2000x8xf32>, vector<8x16xf32>, vector<2000x16xf32> -> vector<2000x16xf32>
    %add3A_66 = arith.addf %add3A_56, %dot_general3A_65 : vector<2000x16xf32>
    %get3A_67 = arith.constant 1 : index
    %get3A_68 = arith.constant 0 : index
    %get3A_69 = arith.constant 0 : index
    %get3A_70 = vector.load %arg5[%get3A_67, %get3A_68, %get3A_69] : memref<2x2000x8xf32, #tpu.memory_space<vmem>>, vector<1x2000x8xf32>
    %get3A_71 = vector.shape_cast %get3A_70 : vector<1x2000x8xf32> to vector<2000x8xf32>
    %slice3A_72 = vector.extract_strided_slice %get3A_5 {offsets = [5, 0, 0], sizes = [1, 8, 16], strides = [1, 1, 1]} : vector<8x8x16xf32> to vector<1x8x16xf32>
    %squeeze3A_73 = vector.shape_cast %slice3A_72 : vector<1x8x16xf32> to vector<8x16xf32>
    %dot_general3A_74 = arith.constant dense<0.000000e+00> : vector<2000x16xf32>
    %dot_general3A_75 = tpu.matmul %get3A_71, %squeeze3A_73, %dot_general3A_74 {dimension_numbers = #tpu.dot_dimension_numbers<[1], [0], [0], [1], [0, 0, 1, 1], [], []>, transpose_lhs_hint = false} : vector<2000x8xf32>, vector<8x16xf32>, vector<2000x16xf32> -> vector<2000x16xf32>
    %add3A_76 = arith.addf %add3A_66, %dot_general3A_75 : vector<2000x16xf32>
    %get3A_77 = arith.constant 0 : index
    %get3A_78 = arith.constant 0 : index
    %get3A_79 = arith.constant 0 : index
    %get3A_80 = vector.load %arg6[%get3A_77, %get3A_78, %get3A_79] : memref<2x2000x8xf32, #tpu.memory_space<vmem>>, vector<1x2000x8xf32>
    %get3A_81 = vector.shape_cast %get3A_80 : vector<1x2000x8xf32> to vector<2000x8xf32>
    %slice3A_82 = vector.extract_strided_slice %get3A_5 {offsets = [6, 0, 0], sizes = [1, 8, 16], strides = [1, 1, 1]} : vector<8x8x16xf32> to vector<1x8x16xf32>
    %squeeze3A_83 = vector.shape_cast %slice3A_82 : vector<1x8x16xf32> to vector<8x16xf32>
    %dot_general3A_84 = arith.constant dense<0.000000e+00> : vector<2000x16xf32>
    %dot_general3A_85 = tpu.matmul %get3A_81, %squeeze3A_83, %dot_general3A_84 {dimension_numbers = #tpu.dot_dimension_numbers<[1], [0], [0], [1], [0, 0, 1, 1], [], []>, transpose_lhs_hint = false} : vector<2000x8xf32>, vector<8x16xf32>, vector<2000x16xf32> -> vector<2000x16xf32>
    %add3A_86 = arith.addf %add3A_76, %dot_general3A_85 : vector<2000x16xf32>
    %get3A_87 = arith.constant 1 : index
    %get3A_88 = arith.constant 0 : index
    %get3A_89 = arith.constant 0 : index
    %get3A_90 = vector.load %arg6[%get3A_87, %get3A_88, %get3A_89] : memref<2x2000x8xf32, #tpu.memory_space<vmem>>, vector<1x2000x8xf32>
    %get3A_91 = vector.shape_cast %get3A_90 : vector<1x2000x8xf32> to vector<2000x8xf32>
    %slice3A_92 = vector.extract_strided_slice %get3A_5 {offsets = [7, 0, 0], sizes = [1, 8, 16], strides = [1, 1, 1]} : vector<8x8x16xf32> to vector<1x8x16xf32>
    %squeeze3A_93 = vector.shape_cast %slice3A_92 : vector<1x8x16xf32> to vector<8x16xf32>
    %dot_general3A_94 = arith.constant dense<0.000000e+00> : vector<2000x16xf32>
    %dot_general3A_95 = tpu.matmul %get3A_91, %squeeze3A_93, %dot_general3A_94 {dimension_numbers = #tpu.dot_dimension_numbers<[1], [0], [0], [1], [0, 0, 1, 1], [], []>, transpose_lhs_hint = false} : vector<2000x8xf32>, vector<8x16xf32>, vector<2000x16xf32> -> vector<2000x16xf32>
    %add3A_96 = arith.addf %add3A_86, %dot_general3A_95 : vector<2000x16xf32>
    %get3A_97 = arith.constant 0 : index
    %get3A_98 = arith.constant 0 : index
    %get3A_99 = vector.load %arg10[%get3A_97, %get3A_98] : memref<1x16xf32, #tpu.memory_space<vmem>>, vector<1x16xf32>
    %add3A_100 = vector.broadcast %get3A_99 : vector<1x16xf32> to vector<2000x16xf32>
    %add3A_101 = arith.addf %add3A_96, %add3A_100 : vector<2000x16xf32>
    %iota3A = tpu.iota {dimensions = array<i32: 1>} : vector<2000x16xi32>
    %ge3A = arith.constant 8 : i32
    %ge3A_102 = vector.broadcast %ge3A : i32 to vector<2000x16xi32>
    %ge3A_103 = arith.cmpi sge, %iota3A, %ge3A_102 : vector<2000x16xi32>
    %lt3A = arith.constant 0.000000e+00 : f32
    %lt3A_104 = vector.broadcast %lt3A : f32 to vector<2000x16xf32>
    %lt3A_105 = arith.cmpf olt, %add3A_101, %lt3A_104 : vector<2000x16xf32>
    %and3A = arith.andi %ge3A_103, %lt3A_105 : vector<2000x16xi1>
    %jit3A = arith.constant 0.000000e+00 : f32
    %broadcast_in_dim3A = vector.broadcast %jit3A : f32 to vector<2000x16xf32>
    %select_n3A = arith.select %and3A, %broadcast_in_dim3A, %add3A_101 : vector<2000x16xi1>, vector<2000x16xf32>
    %swap3A = arith.constant 0 : index
    %swap3A_106 = arith.constant 0 : index
    %swap3A_107 = vector.load %arg11[%swap3A, %swap3A_106] : memref<2000x16xf32, #tpu.memory_space<vmem>>, vector<2000x16xf32>
    tpu.vector_store %arg11[%swap3A, %swap3A_106], %select_n3A {strides = array<i32>} : memref<2000x16xf32, #tpu.memory_space<vmem>>, vector<2000x16xf32>,
    %reduce_sum3A = arith.constant dense<0.000000e+00> : vector<16xf32>
    %reduce_sum3A_108 = vector.multi_reduction <add>, %select_n3A, %reduce_sum3A [0] : vector<2000x16xf32> to vector<16xf32>
    %mul3A_109 = arith.mulf %select_n3A, %select_n3A : vector<2000x16xf32>
    %reduce_sum3A_110 = arith.constant dense<0.000000e+00> : vector<16xf32>
    %reduce_sum3A_111 = vector.multi_reduction <add>, %mul3A_109, %reduce_sum3A_110 [0] : vector<2000x16xf32> to vector<16xf32>
    %stack3A = vector.shape_cast %reduce_sum3A_108 : vector<16xf32> to vector<1x16xf32>
    %stack3A_112 = vector.shape_cast %reduce_sum3A_111 : vector<16xf32> to vector<1x16xf32>
    %stack3A_113 = tpu.concatenate %stack3A, %stack3A_112 in 0 : vector<1x16xf32>, vector<1x16xf32> -> vector<2x16xf32>
    %broadcast_in_dim3A_114 = vector.shape_cast %stack3A_113 : vector<2x16xf32> to vector<1x2x16xf32>
    %swap3A_115 = arith.constant 0 : index
    %swap3A_116 = arith.constant 0 : index
    %swap3A_117 = arith.constant 0 : index
    %swap3A_118 = vector.load %arg12[%swap3A_115, %swap3A_116, %swap3A_117] : memref<1x2x16xf32, #tpu.memory_space<vmem>>, vector<1x2x16xf32>
    tpu.vector_store %arg12[%swap3A_115, %swap3A_116, %swap3A_117], %broadcast_in_dim3A_114 {strides = array<i32>} : memref<1x2x16xf32, #tpu.memory_space<vmem>>, vector<1x2x16xf32>,
    return
  }
  func.func @transform_0(%arg0: i32) -> (i32, i32) {
    %c0_i32 = arith.constant 0 : i32
    %c0_i32_0 = arith.constant 0 : i32
    return %arg0, %c0_i32 : i32, i32
  }
  func.func @transform_1(%arg0: i32) -> (i32, i32) {
    %c0_i32 = arith.constant 0 : i32
    %c0_i32_0 = arith.constant 0 : i32
    return %arg0, %c0_i32 : i32, i32
  }
  func.func @transform_2(%arg0: i32) -> (i32, i32, i32) {
    %c0_i32 = arith.constant 0 : i32
    %c0_i32_0 = arith.constant 0 : i32
    %c0_i32_1 = arith.constant 0 : i32
    return %c0_i32, %arg0, %c0_i32_0 : i32, i32, i32
  }
  func.func @transform_3(%arg0: i32) -> (i32, i32, i32) {
    %c0_i32 = arith.constant 0 : i32
    %c0_i32_0 = arith.constant 0 : i32
    %c0_i32_1 = arith.constant 0 : i32
    return %c0_i32, %arg0, %c0_i32_0 : i32, i32, i32
  }
  func.func @transform_4(%arg0: i32) -> (i32, i32, i32) {
    %c0_i32 = arith.constant 0 : i32
    %c0_i32_0 = arith.constant 0 : i32
    %c0_i32_1 = arith.constant 0 : i32
    return %c0_i32, %arg0, %c0_i32_0 : i32, i32, i32
  }
  func.func @transform_5(%arg0: i32) -> (i32, i32, i32) {
    %c0_i32 = arith.constant 0 : i32
    %c0_i32_0 = arith.constant 0 : i32
    %c0_i32_1 = arith.constant 0 : i32
    return %c0_i32, %arg0, %c0_i32_0 : i32, i32, i32
  }
  func.func @transform_6(%arg0: i32) -> (i32, i32) {
    %c0_i32 = arith.constant 0 : i32
    %c0_i32_0 = arith.constant 0 : i32
    %c0_i32_1 = arith.constant 0 : i32
    return %c0_i32, %c0_i32_0 : i32, i32
  }
  func.func @transform_7(%arg0: i32) -> (i32, i32) {
    %c0_i32 = arith.constant 0 : i32
    %c0_i32_0 = arith.constant 0 : i32
    %c0_i32_1 = arith.constant 0 : i32
    return %c0_i32, %c0_i32_0 : i32, i32
  }
  func.func @transform_8(%arg0: i32) -> (i32, i32, i32) {
    %c0_i32 = arith.constant 0 : i32
    %c0_i32_0 = arith.constant 0 : i32
    %c0_i32_1 = arith.constant 0 : i32
    %c0_i32_2 = arith.constant 0 : i32
    return %c0_i32, %c0_i32_0, %c0_i32_1 : i32, i32, i32
  }
  func.func @transform_9(%arg0: i32) -> (i32, i32) {
    %c0_i32 = arith.constant 0 : i32
    %c0_i32_0 = arith.constant 0 : i32
    %c0_i32_1 = arith.constant 0 : i32
    return %c0_i32, %c0_i32_0 : i32, i32
  }
  func.func @transform_10(%arg0: i32) -> (i32, i32) {
    %c0_i32 = arith.constant 0 : i32
    %c0_i32_0 = arith.constant 0 : i32
    return %arg0, %c0_i32 : i32, i32
  }
  func.func @transform_11(%arg0: i32) -> (i32, i32, i32) {
    %c0_i32 = arith.constant 0 : i32
    %c0_i32_0 = arith.constant 0 : i32
    %c0_i32_1 = arith.constant 0 : i32
    return %arg0, %c0_i32, %c0_i32_0 : i32, i32, i32
  }
}

module attributes {stable_mosaic.version = 14 : i64} {
  func.func @_bn_body(%arg0: i32, %arg1: memref<2000x16xf32, #tpu.memory_space<vmem>>, %arg2: memref<1x16xf32, #tpu.memory_space<vmem>>, %arg3: memref<1x16xf32, #tpu.memory_space<vmem>>, %arg4: memref<2000x16xf32, #tpu.memory_space<vmem>>) attributes {dimension_semantics = [#tpu.dimension_semantics<arbitrary>], iteration_bounds = array<i64: 50>, scalar_prefetch = 0 : i64, scratch_operands = 0 : i64, tpu.core_type = #tpu.core_type<tc>, window_params = [{transform_indices = @transform_0, window_bounds = array<i64: 2000, 16>}, {pipeline_mode = #tpu.pipeline_mode<synchronous>, transform_indices = @transform_1, window_bounds = array<i64: 1, 16>}, {pipeline_mode = #tpu.pipeline_mode<synchronous>, transform_indices = @transform_2, window_bounds = array<i64: 1, 16>}, {transform_indices = @transform_3, window_bounds = array<i64: 2000, 16>}]} {
    %get3A = arith.constant 0 : index
    %get3A_0 = arith.constant 0 : index
    %get3A_1 = vector.load %arg1[%get3A, %get3A_0] : memref<2000x16xf32, #tpu.memory_space<vmem>>, vector<2000x16xf32>
    %get3A_2 = arith.constant 0 : index
    %get3A_3 = arith.constant 0 : index
    %get3A_4 = vector.load %arg2[%get3A_2, %get3A_3] : memref<1x16xf32, #tpu.memory_space<vmem>>, vector<1x16xf32>
    %mul3A = vector.broadcast %get3A_4 : vector<1x16xf32> to vector<2000x16xf32>
    %mul3A_5 = arith.mulf %get3A_1, %mul3A : vector<2000x16xf32>
    %get3A_6 = arith.constant 0 : index
    %get3A_7 = arith.constant 0 : index
    %get3A_8 = vector.load %arg3[%get3A_6, %get3A_7] : memref<1x16xf32, #tpu.memory_space<vmem>>, vector<1x16xf32>
    %add3A = vector.broadcast %get3A_8 : vector<1x16xf32> to vector<2000x16xf32>
    %add3A_9 = arith.addf %mul3A_5, %add3A : vector<2000x16xf32>
    %swap3A = arith.constant 0 : index
    %swap3A_10 = arith.constant 0 : index
    %swap3A_11 = vector.load %arg4[%swap3A, %swap3A_10] : memref<2000x16xf32, #tpu.memory_space<vmem>>, vector<2000x16xf32>
    tpu.vector_store %arg4[%swap3A, %swap3A_10], %add3A_9 {strides = array<i32>} : memref<2000x16xf32, #tpu.memory_space<vmem>>, vector<2000x16xf32>,
    return
  }
  func.func @transform_0(%arg0: i32) -> (i32, i32) {
    %c0_i32 = arith.constant 0 : i32
    %c0_i32_0 = arith.constant 0 : i32
    return %arg0, %c0_i32 : i32, i32
  }
  func.func @transform_1(%arg0: i32) -> (i32, i32) {
    %c0_i32 = arith.constant 0 : i32
    %c0_i32_0 = arith.constant 0 : i32
    %c0_i32_1 = arith.constant 0 : i32
    return %c0_i32, %c0_i32_0 : i32, i32
  }
  func.func @transform_2(%arg0: i32) -> (i32, i32) {
    %c0_i32 = arith.constant 0 : i32
    %c0_i32_0 = arith.constant 0 : i32
    %c0_i32_1 = arith.constant 0 : i32
    return %c0_i32, %c0_i32_0 : i32, i32
  }
  func.func @transform_3(%arg0: i32) -> (i32, i32) {
    %c0_i32 = arith.constant 0 : i32
    %c0_i32_0 = arith.constant 0 : i32
    return %arg0, %c0_i32 : i32, i32
  }
}

</mosaic_0001>

<sc_bundles>
// kernel: kernel.6.cloned.1.call-start
scs
__scs_entry_jumppad:
0x0: {  	(pc) =	sbr.rel $0x88, $3  }
0x1: {  	(tag) =	ssettag $0x0;
	lr =	simm.s32 $0x1  }
0x2: {  	[smem:$0x3F8F] =	sst lr;
	_ =	strace $0xD0000000  }
0x3: {  	_ = 	snop  }
0x4: {  	_ = 	snop  }
0x5: {  	_ = 	snop  }
0x6: {  	_ = 	snop  }
0x7: {  	_ = 	snop  }
__scs_overlays_trampoline_lowered:
0x8: {  	[smem:$0x3F9E] =	sst s0  }
0x9: {  	[smem:$0x3F9F] =	sst s1  }
0xa: {  	[smem:$0x3FA0] =	sst s2  }
0xb: {  	[smem:$0x3FA1] =	sst s3  }
0xc: {  	[smem:$0x3FA2] =	sst s4  }
0xd: {  	[smem:$0x3FA3] =	sst s5  }
0xe: {  	[smem:$0x3FA4] =	sst s6  }
0xf: {  	[smem:$0x3FA5] =	sst s7  }
0x10: {  	[smem:$0x3FA6] =	sst s8  }
0x11: {  	[smem:$0x3FA7] =	sst s9;
	s0 =	simm.s32 @!p0 $0x0  }
0x12: {  	s1 =	sld [smem:$0x3F8D];
	s0 =	simm.s32 @p0 $0x1  }
0x13: {  	[smem:$0x3FA8] =	sst s0;
	s0 =	simm.s32 @!p1 $0x0  }
0x14: {  	s2 =	sld [smem:$0x3F8C];
	s0 =	simm.s32 @p1 $0x1  }
0x15: {  	[smem:$0x3FA9] =	sst s0;
	s0 =	simm.s32 @!p2 $0x0  }
0x16: {  	s3 =	sld [smem:$0x3FDB];
	s0 =	simm.s32 @p2 $0x1  }
0x17: {  	s4 =	simm.s32 $0x1BF5;
	[smem:$0x3FAB] =	sst s0  }
0x18: {  	s0 =	sld [smem:$0x3F8E];
	_ =	swait.ge [sflag:s4], $0x0  }
0x19: {  	s7 =	sld [smem:$0x3F8F]  }
0x1a: {  	s8 =	sadd.s32 $0xFFFFE003, lr  }
0x1b: {  	s9 =	sadd.s32 $0xFFFFFEF7, lr;
	s5 =	simm.s32 $0xFFFFFFFF;
	p2 =	slt.u32 s8, $0xFFFFF086  }
0x1c: {  	p1 =	slt.u32 s9, $0xF7A;
	s5 =	simm.s32 @!p2 $0x0  }
0x1d: {  	s5 =	simm.s32 @p1 $0x1;
	p0 =	seq.s32 s7, s2  }
0x1e: {  	s7 =	smul.u32 @!p0 $0xF7A, s2;
	p2 =	seq.s32 @!p0 s5, $0x0  }
0x1f: {  	s9 =	smul.u32 $0xF7A, s1;
	s8 =	simm.s32 @!p0 $0x1BF5;
	p2 =	por !p2, p0  }
0x20: {  	[sflag:s8] =	ssyncset.s32 @!p0 $0xFFFFF086;
	s6 =	sadd.s32 @!p0 s3, s7;
	s7 =	simm.s32 @!p0 $0x108  }
0x21: {  	s3 =	sadd.s32 s3, s9;
	s6 =	sadd.s32 @!p0 $0x88, s6;
	s7 =	simm.s32 @p2 $0x1082  }
0x22: {  	[simem:s7], [sflag:s8] =	dma.local @!p0 [hbm:s6], $0xF7A  }
0x23: {  	s9 =	sor.u32 $0xD0000000, s2;
	s6 =	simm.s32 $0x108;
	_ =	swait.ge @!p0 [sflag:s8], $0x0  }
0x24: {  	s3 =	sadd.s32 $0x88, s3;
	s6 =	simm.s32 @!p1 $0x1082;
	[sflag:s4] =	ssyncset.s32 $0xFFFFF086  }
0x25: {  	[simem:s6], [sflag:s4] =	dma.local [hbm:s3], $0xF7A  }
0x26: {  	[smem:$0x3F8F] =	sst s1;
	(tag) =	ssettag s2;
	_ =	strace s9  }
0x27: {  	s1 =	sld [smem:$0x3F9F]  }
0x28: {  	s2 =	sld [smem:$0x3FA0]  }
0x29: {  	s4 =	sld [smem:$0x3FA2]  }
0x2a: {  	p0 =	seq.s32 s5, $0x0;
	s5 =	sld [smem:$0x3FA3]  }
0x2b: {  	s6 =	sld [smem:$0x3FA4]  }
0x2c: {  	s7 =	sld [smem:$0x3FA5]  }
0x2d: {  	s3 =	simm.s32 $0x108;
	s8 =	sld [smem:$0x3FA6]  }
0x2e: {  	s3 =	simm.s32 @!p0 $0x1082;
	s9 =	sld [smem:$0x3FA7]  }
0x2f: {  	lr =	sadd.s32 s0, s3;
	s0 =	sld [smem:$0x3F9E]  }
0x30: {  	s3 =	sld [smem:$0x3FA1]  }
0x31: {  	[smem:$0x3FAA] =	sst s10  }
0x32: {  	s10 =	sld [smem:$0x3FA8];
	_ =	sdelay $0x3  }
0x33: {  	p0 =	seq.s32 s10, $0x1;
	s10 =	sld [smem:$0x3FAA];
	_ =	sdelay $0x3  }
0x34: {  	[smem:$0x3FAA] =	sst s10  }
0x35: {  	s10 =	sld [smem:$0x3FA9];
	_ =	sdelay $0x3  }
0x36: {  	p1 =	seq.s32 s10, $0x1;
	s10 =	sld [smem:$0x3FAA];
	_ =	sdelay $0x3  }
0x37: {  	[smem:$0x3FAA] =	sst s10  }
0x38: {  	s10 =	sld [smem:$0x3FAB]  }
0x39: {  	_ = 	snop;
	(pc) =	sbr.ind lr, $3  }
0x3a: {  	_ = 	snop  }
0x3b: {  	_ = 	snop  }
0x3c: {  	p2 =	seq.s32 s10, $0x1;
	s10 =	sld [smem:$0x3FAA]  }
0x3d: {  	_ =	shalt  }
0x3e: {  	_ =	shalt  }
0x3f: {  	_ =	shalt  }
0x40: {  	_ =	shalt  }
0x41: {  	_ =	shalt  }
0x42: {  	_ =	shalt  }
0x43: {  	_ =	shalt  }
0x44: {  	_ =	shalt  }
0x45: {  	_ =	shalt  }
0x46: {  	_ =	shalt  }
0x47: {  	_ =	shalt  }
0x48: {  	_ =	shalt  }
0x49: {  	_ =	shalt  }
0x4a: {  	_ =	shalt  }
0x4b: {  	_ =	shalt  }
0x4c: {  	_ =	shalt  }
0x4d: {  	_ =	shalt  }
0x4e: {  	_ =	shalt  }
0x4f: {  	_ =	shalt  }
0x50: {  	_ =	shalt  }
0x51: {  	_ =	shalt  }
0x52: {  	_ =	shalt  }
0x53: {  	_ =	shalt  }
0x54: {  	_ =	shalt  }
0x55: {  	_ =	shalt  }
0x56: {  	_ =	shalt  }
0x57: {  	_ =	shalt  }
0x58: {  	_ =	shalt  }
0x59: {  	_ =	shalt  }
0x5a: {  	_ =	shalt  }
0x5b: {  	_ =	shalt  }
0x5c: {  	_ =	shalt  }
0x5d: {  	_ =	shalt  }
0x5e: {  	_ =	shalt  }
0x5f: {  	_ =	shalt  }
0x60: {  	_ =	shalt  }
0x61: {  	_ =	shalt  }
0x62: {  	_ =	shalt  }
0x63: {  	_ =	shalt  }
0x64: {  	_ =	shalt  }
0x65: {  	_ =	shalt  }
0x66: {  	_ =	shalt  }
0x67: {  	_ =	shalt  }
0x68: {  	_ =	shalt  }
0x69: {  	_ =	shalt  }
0x6a: {  	_ =	shalt  }
0x6b: {  	_ =	shalt  }
0x6c: {  	_ =	shalt  }
0x6d: {  	_ =	shalt  }
0x6e: {  	_ =	shalt  }
0x6f: {  	_ =	shalt  }
0x70: {  	_ =	shalt  }
0x71: {  	_ =	shalt  }
0x72: {  	_ =	shalt  }
0x73: {  	_ =	shalt  }
0x74: {  	_ =	shalt  }
0x75: {  	_ =	shalt  }
0x76: {  	_ =	shalt  }
0x77: {  	_ =	shalt  }
0x78: {  	_ =	shalt  }
0x79: {  	_ =	shalt  }
0x7a: {  	_ =	shalt  }
0x7b: {  	_ =	shalt  }
0x7c: {  	_ =	shalt  }
0x7d: {  	_ =	shalt  }
0x7e: {  	_ =	shalt  }
0x7f: {  	_ =	shalt  }
0x80: {  	_ =	shalt  }
0x81: {  	_ =	shalt  }
0x82: {  	_ =	shalt  }
0x83: {  	_ =	shalt  }
0x84: {  	_ =	shalt  }
0x85: {  	_ =	shalt  }
0x86: {  	_ =	shalt  }
0x87: {  	_ =	shalt  }
.Lfunc_end0:
.L_simem_size_0:
called_computation_lowered:
.L_overlay_start_0:
0x88: {  	s2 =	sld [smem:$0x3FD9]  }
0x89: {  	s3 =	sld [smem:$0x3FFE];
	_ =	sdelay $0x1  }
0x8a: {  	s1 =	srdreg.scid  }
0x8b: {  	s0 =	sand.u32 $0x1, s1  }
0x8c: {  	s16 =	sshll.u32 s0, $0xA;
	s2 =	sadd.s32 s3, s2  }
0x8d: {  	s2 =	sadd.s32 s2, s16  }
0x8e: {  	[smem:$0x3FB6] =	sst s2  }
0x8f: {  	_ = 	snop  }
0x90: {  	(tm) =	ssettm $0x1  }
0x91: {  	s17 =	sld [smem:$0x3FFB];
	_ =	sdelay $0x3  }
0x92: {  	_ =	strace s17  }
0x93: {  	s2 =	sld [smem:$0x3FFC];
	_ =	sdelay $0x3  }
0x94: {  	_ =	strace s2  }
0x95: {  	s2 =	sld [smem:$0x3FFD];
	_ =	sdelay $0x3  }
0x96: {  	_ =	strace s2  }
0x97: {  	_ =	strace $0x8FFFFFFF  }
0x98: {  	s18 =	sld [smem:$0x3FDB];
	_ =	sdelay $0x1  }
0x99: {  	s19 =	simm.s32 $_scs_section_size  }
0x9a: {  	s4 =	simm.s32 $_size__tile_overlayer_lowered;
	s5 =	simm.s32 $_tile_overlayer_lowered  }
0x9b: {  	s22 =	simm.s32 $0x1BFF;
	s21 =	sshll.u32 s5, $0x1;
	s2 =	sadd.s32 s19, s18  }
0x9c: {  	s6 =	simm.s32 $0x0;
	s20 =	sshll.u32 s4, $0x1;
	s4 =	sadd.s32 s21, s2  }
0x9d: {  	[timem:s6], [sflag:s22] =	dma.local [hbm:s4], s20  }
0x9e: {  	_ =	swait.ge [sflag:s22], s20  }
0x9f: {  	s3 =	ssub.s32 $0x0, s20;
	[sflag:s22] =	ssyncset.done $0x0  }
0xa0: {  	[sflag:s22] =	ssyncadd.s32 s3;
	_ =	sdelay $0x1  }
0xa1: {  	s23 =	simm.s32 $0x1B8B  }
0xa2: {  	_ =	swait.ge [sflag:s23], $0x1  }
0xa3: {  	[sflag:s23] =	ssyncset.done $0x0  }
0xa4: {  	s25 =	simm.s32 $0x1B8E;
	s24 =	sld [smem:$0x3FFE];
	[sflag:s23] =	ssyncadd.s32 $0xFFFFFFFF  }
0xa5: {  	s26 =	simm.s32 $execute0_lowered;
	[smem:$0x3FD2] =	sst s25  }
0xa6: {  	s4 =	sshll.u32 s26, $0x1;
	_ =	strace $0x80000046;
	[dreg:$0x1] =	wrdreg $0xFFFFFFFF  }
0xa7: {  	s28 =	simm.s32 $_size_execute0_lowered;
	s2 =	sadd.s32 s2, s4;
	[dreg:$0x0] =	wrdreg $0x0  }
0xa8: {  	s4 =	sshll.u32 s28, $0x1;
	[dreg:$0x2] =	wrdreg s2  }
0xa9: {  	[dreg:$0x3] =	wrdreg s4  }
0xaa: {  	[dreg:$0x4] =	wrdreg $0xC0  }
0xab: {  	_ =	task [dreg:s6], $0x5FFFF  }
0xac: {  	[dreg:$0x1] =	wrdreg $0xFFFFFFFF  }
0xad: {  	[dreg:$0x0] =	wrdreg $0x60  }
0xae: {  	[dreg:$0x2] =	wrdreg s24  }
0xaf: {  	[dreg:$0x3] =	wrdreg $0x0  }
0xb0: {  	[dreg:$0x4] =	wrdreg $0x9  }
0xb1: {  	_ =	task.clear_ibuf [dreg:s6], $0x5FFFF;
	_ =	strace $0x90000046  }
0xb2: {  	s29 =	simm.s32 $0x9;
	_ =	strace $0x80000048  }
0xb3: {  	_ =	swait.ge [sflag:s29], $0x1  }
0xb4: {  	[sflag:s29] =	ssyncadd.s32 $0xFFFFFFFF  }
0xb5: {  	_ =	strace $0x90000048  }
0xb6: {  	_ =	sfence  }
0xb7: {  	s30 =	sld [smem:$0x0];
	_ =	sdelay $0x2  }
0xb8: {  	s31 =	sshll.u32 s1, $0xD;
	s1 =	sshrl.u32 s1, $0x2  }
0xb9: {  	s3 =	sand.u32 $0x4000, s31;
	s1 =	sadd.s32 s1, s30  }
0xba: {  	s0 =	sor.u32 s3, s0;
	s1 =	sshll.u32 s1, $0x11  }
0xbb: {  	s0 =	sor.u32 s1, s0  }
0xbc: {  	s0 =	sadd.s32 $0x8F2B, s0  }
0xbd: {  	[sflag:s0] =	ssyncadd.remote.s32 $0x1  }
0xbe: {  	_ =	sfence.sel $0xFFFF  }
0xbf: {  	[dreg:$0x0] =	wrdreg $0xFFFFFFFF;
	(pc) =	sbr.abs _section_cstart, $3  }
0xc0: {  	[dreg:$0x1] =	wrdreg $0xFFFFFFFF  }
0xc1: {  	_ =	task.clear_ibuf [dreg:s6], $0x2FFFF;
	_ =	strace $0x9FFFFFFF  }
0xc2: {  	(tm) =	ssettm $0x7FFFFFFF  }
0xc3: {  	_ =	shalt  }
tec
execute0_lowered:
.L_overlay_start_1:
0x0: {  	(tag) =	ssettag $0x1  }
0x1: {  	s0 =	rddreg [dreg:$0x0]  }
0x2: {  	s1 =	rddreg [dreg:$0x1];
	s2 =	simm.s32 $0x0  }
0x3: {  	s3 =	srdreg.scid;
	s19 =	stileid.u32;
	s31 =	simm.s32 $0x2  }
0x4: {  	[smem:$0x7FF] =	sst s2;
	s3 =	sand.u32 $0x1, s3;
	s4 =	smul.u32 $0xC380, s19  }
0x5: {  	s20 =	sadd.s32 $0x64E00, s0;
	s6 =	sadd.s32 $0x296A00, s0;
	s8 =	smul.u32 $0x186A, s19  }
0x6: {  	s21 =	sadd.s32 $0x3200, s0;
	s9 =	sadd.s32 $0x2F9200, s0;
	s12 =	smul.u32 $0x30D4, s19  }
0x7: {  	s10 =	sadd.s32 $0x32A000, s0;
	s11 =	sadd.s32 $0x2C8400, s0;
	s16 =	smul.u32 $0xC350, s19  }
0x8: {  	s13 =	sadd.s32 $0x297600, s0;
	p0 =	sne.s32 s19, $0x0;
	s30 =	smul.u32 $0x31000, s19  }
0x9: {  	_ =	strace $0x80000047;
	s5 =	sadd.s32 s3, s0;
	[dreg:$0x6] =	wrdreg s20  }
0xa: {  	s14 =	ssub.s32 $0x2, s3;
	s3 =	smul.u32 $0xC3800, s3;
	[dreg:$0x7] =	wrdreg s21  }
0xb: {  	s7 =	sshrl.u32 s4, $0x3;
	s15 =	sshrl.u32 s14, $0x1;
	s5 =	sadd.s32 $0x24D400, s5  }
0xc: {  	s25 =	sadd.s32 $0xC35, s8;
	s29 =	sadd.s32 s4, s1;
	s7 =	sadd.s32 s7, s0  }
0xd: {  	s14 =	ssub.s32 s14, s15;
	s15 =	smul.u32 $0x620, s19;
	s12 =	sadd.s32 s12, s5  }
0xe: {  	s24 =	sadd.s32 s16, s3;
	s18 =	sshrl.u32 s3, $0x3;
	[dreg:$0xd] =	wrdreg s29  }
0xf: {  	s17 =	sshll.u32 s25, $0x1;
	s0 =	sadd.s32 $0x2968A0, s0;
	[dreg:$0x8] =	wrdreg s12  }
0x10: {  	s28 =	sadd.s32 s4, s3;
	s5 =	sadd.s32 s17, s5;
	[dreg:$0xc] =	wrdreg s0  }
0x11: {  	s12 =	sshrl.u32 s24, $0x3;
	s4 =	sadd.s32 $0x27E200, s7;
	[dreg:$0xa] =	wrdreg s5  }
0x12: {  	s8 =	sadd.s32 s13, s18;
	s16 =	sadd.s32 s9, s18;
	[dreg:$0xe] =	wrdreg s4  }
0x13: {  	s0 =	sshrl.u32 s28, $0x3;
	s24 =	smax.u32 s14, $0x1;
	[dreg:$0x4] =	wrdreg s16  }
0x14: {  	s14 =	simm.s32 $0xD380;
	s12 =	sadd.s32 s13, s12;
	[dreg:$0x14] =	wrdreg s24  }
0x15: {  	s17 =	smov.u32 s8;
	s26 =	sadd.s32 s25, s8;
	[dreg:$0x9] =	wrdreg s12  }
0x16: {  	s13 =	smul.u32 $0x6200, s19;
	s7 =	sadd.s32 s10, s0;
	[dreg:$0xb] =	wrdreg s26  }
0x17: {  	s10 =	sadd.s32 s10, s18;
	s18 =	sadd.s32 s11, s18;
	[dreg:$0xf] =	wrdreg s7  }
0x18: {  	s25 =	sor.u32 $0x18, s15;
	s24 =	simm.s32 $0x3;
	[dreg:$0x3] =	wrdreg s10  }
0x19: {  	s4 =	simm.s32 $0x0;
	s12 =	sadd.s32 s9, s0;
	[dreg:$0x5] =	wrdreg s18  }
0x1a: {  	s0 =	sadd.s32 s11, s0;
	[dreg:$0x15] =	wrdreg s25;
	s26 =	sadd.s32 $0x186A0, s8  }
0x1b: {  	s8 =	simm.s32 $0x6;
	s10 =	simm.s32 $0xCB80;
	[dreg:$0x10] =	wrdreg s12  }
0x1c: {  	s11 =	simm.s32 $0x1;
	s18 =	simm.s32 $0xF380;
	[dreg:$0x11] =	wrdreg s0  }
0x1d: {  	s5 =	sor.u32 $0x80, s13;
	[dreg:$0x16] =	wrdreg s26;
	s28 =	sadd.s32 s20, s13  }
0x1e: {  	s29 =	sadd.s32 s21, s13;
	s12 =	simm.s32 $0x400;
	[dreg:$0x17] =	wrdreg s28  }
0x1f: {  	s0 =	simm.s32 $0xCF80;
	s22 =	sadd.s32 s20, s5;
	[dreg:$0x18] =	wrdreg s29  }
0x20: {  	s26 =	simm.s32 $0x4;
	s23 =	sadd.s32 s21, s5;
	[dreg:$0x12] =	wrdreg s22  }
0x21: {  	s21 =	simm.s32 $0xC380;
	s20 =	simm.s32 $0x5;
	[dreg:$0x13] =	wrdreg s23  }
.LBB2_1:
0x22: {  	[dreg:$0x19] =	wrdreg s4  }
0x23: {  	s3 =	rddreg [dreg:$0x8]  }
0x24: {  	s16 =	simm.s32 $0x8;
	s5 =	simm.s32 $0x10;
	s7 =	simm.s32 $0x11380  }
0x25: {  	[tilespmem:s7], [sflag:$0x6] =	stream.strided.gather [hbm4b:s3+s16], $0x61A8, s5, s16, $0x38;
	[tilespmem:$0x17528] =	vst v63  }
0x26: {  	_ =	swait.ge [sflag:s8], $0x61A8  }
0x27: {  	[sflag:s8] =	ssyncset.done $0x0  }
0x28: {  	s19 =	rddreg [dreg:$0x9];
	[sflag:s8] =	ssyncadd.s32 $0xFFFF9E58  }
0x29: {  	[hbm4b:s19+s2] =	stream.linear.scatter [tilespmem:s7], [sflag:$0x6], $0x61A8, $0x38;
	[tilespmem:$0x17528] =	vst v63  }
0x2a: {  	_ =	swait.ge [sflag:s8], $0x61A8  }
0x2b: {  	[sflag:s8] =	ssyncset.done $0x0  }
0x2c: {  	s22 =	rddreg [dreg:$0xa];
	[sflag:s8] =	ssyncadd.s32 $0xFFFF9E58  }
0x2d: {  	[tilespmem:s7], [sflag:$0x6] =	stream.strided.gather [hbm4b:s22+s16], $0x61A8, s5, s16, $0x38;
	[tilespmem:$0x17528] =	vst v63  }
0x2e: {  	_ =	swait.ge [sflag:s8], $0x61A8  }
0x2f: {  	[sflag:s8] =	ssyncset.done $0x0  }
0x30: {  	s23 =	rddreg [dreg:$0xb];
	[sflag:s8] =	ssyncadd.s32 $0xFFFF9E58  }
0x31: {  	[hbm4b:s23+s2] =	stream.linear.scatter [tilespmem:s7], [sflag:$0x6], $0x61A8, $0x38;
	[tilespmem:$0x17528] =	vst v63  }
0x32: {  	_ =	swait.ge [sflag:s8], $0x61A8  }
0x33: {  	[sflag:s8] =	ssyncset.done $0x0;
	s4 =	rddreg [dreg:$0xc]  }
0x34: {  	s3 =	simm.s32 @!p0 $0x1C06;
	s5 =	rddreg [dreg:$0x16];
	[sflag:s8] =	ssyncadd.s32 $0xFFFF9E58  }
0x35: {  	[hbm:s5], [sflag:s3] =	dma.local @!p0 [hbm:s4], $0x60  }
0x36: {  	s3 =	simm.s32 @!p0 $0x6  }
0x37: {  	s25 =	stileid.u32;
	_ =	swait.ge @!p0 [sflag:s3], $0x60  }
0x38: {  	s4 =	sshll.u32 s25, $0x6;
	s5 =	rddreg [dreg:$0xd]  }
0x39: {  	s4 =	sor.u32 $0x1C06, s4;
	s9 =	rddreg [dreg:$0xe]  }
0x3a: {  	[sflag:s3] =	ssyncset.done @!p0 $0x0;
	[dreg:$0x1a] =	wrdreg s4;
	s7 =	sshrl.u32 s5, $0x3  }
0x3b: {  	[sflag:s3] =	ssyncadd.s32 @!p0 $0xFFFFFFA0;
	[dreg:$0x1b] =	wrdreg s7  }
0x3c: {  	[spmem:s7], [sflag:s4] =	dma.local [hbm:s9], $0x1870  }
0x3d: {  	_ =	swait.ge [sflag:s8], $0x1870  }
0x3e: {  	[sflag:s8] =	ssyncset.done $0x0  }
0x3f: {  	[sflag:s8] =	ssyncadd.s32 $0xFFFFE790  }
0x40: {  	[bflag:$0x0] =	sbarrier.arrive $0xFFFF  }
0x41: {  	s15 =	rddreg [dreg:$0x17]  }
0x42: {  	[tilespmem:s21], [sflag:$0x1] =	stream.linear.gather [hbm4b:s15+s2], $0x400, $0x38;
	[tilespmem:$0x17528] =	vst v63  }
0x43: {  	s16 =	rddreg [dreg:$0x18]  }
0x44: {  	[tilespmem:s10], [sflag:$0x1] =	stream.linear.gather [hbm4b:s16+s2], $0x400, $0x38;
	[tilespmem:$0x17528] =	vst v63  }
0x45: {  	_ =	swait.ge [sflag:s11], $0x400  }
0x46: {  	[sflag:s11] =	ssyncset.done $0x0  }
0x47: {  	[sflag:s11] =	ssyncadd.s32 $0xFFFFFC00  }
0x48: {  	_ =	swait.ge [sflag:s11], $0x400  }
0x49: {  	[sflag:s11] =	ssyncset.done $0x0  }
0x4a: {  	[sflag:s11] =	ssyncadd.s32 $0xFFFFFC00  }
0x4b: {  	[tilespmem:s14], [sflag:$0x2] =	stream.indirect.gather [hbm4b:s17+s12], $0x8, s21, s12, $0xb8;
	[tilespmem:$0x17528] =	vst v63  }
0x4c: {  	_ =	swait.ge [sflag:s31], $0x2000  }
0x4d: {  	[sflag:s31] =	ssyncset.done $0x0  }
0x4e: {  	[sflag:s31] =	ssyncadd.s32 $0xFFFFE000  }
0x4f: {  	[spmem:s1] =	stream.indirect.scatter.add.f32 [tilespmem:s14], [sflag:$0x4], $0x8, s10, s12, $0xb8;
	[tilespmem:$0x17528] =	vst v63  }
0x50: {  	s22 =	simm.s32 $0xC780;
	s19 =	rddreg [dreg:$0x12]  }
0x51: {  	[tilespmem:s22], [sflag:$0x1] =	stream.linear.gather [hbm4b:s19+s2], $0x400, $0x38;
	[tilespmem:$0x17528] =	vst v63  }
0x52: {  	s23 =	rddreg [dreg:$0x13]  }
0x53: {  	[tilespmem:s0], [sflag:$0x1] =	stream.linear.gather [hbm4b:s23+s2], $0x400, $0x38;
	[tilespmem:$0x17528] =	vst v63  }
0x54: {  	_ =	swait.ge [sflag:s11], $0x400  }
0x55: {  	[sflag:s11] =	ssyncset.done $0x0  }
0x56: {  	[sflag:s11] =	ssyncadd.s32 $0xFFFFFC00  }
0x57: {  	_ =	swait.ge [sflag:s11], $0x400  }
0x58: {  	[sflag:s11] =	ssyncset.done $0x0;
	s9 =	rddreg [dreg:$0x15]  }
0x59: {  	s7 =	rddreg [dreg:$0x6];
	[sflag:s11] =	ssyncadd.s32 $0xFFFFFC00;
	s25 =	sadd.s32 $0xFFFFFFF8, s9  }
0x5a: {  	[tilespmem:s18], [sflag:$0x3] =	stream.indirect.gather [hbm4b:s17+s12], $0x8, s22, s12, $0xb8;
	[tilespmem:$0x17528] =	vst v63  }
0x5b: {  	s8 =	rddreg [dreg:$0x7];
	p1 =	sgt.u32 s25, $0x61A7  }
0x5c: {  	s3 =	sadd.s32 @!p1 s7, s13;
	s4 =	sadd.s32 @!p1 s8, s13  }
0x5d: {  	_ =	swait.ge [sflag:s24], $0x2000;
	s5 =	sadd.s32 @p1 $0x0, s30;
	s15 =	simm.s32 @p1 $0xC380  }
0x5e: {  	s22 =	simm.s32 @p1 $0x0;
	s16 =	sadd.s32 @!p1 $0x100, s4;
	[sflag:s24] =	ssyncset.done $0x0  }
0x5f: {  	s4 =	sadd.s32 @p1 $0xFFCF3400, s5;
	s5 =	sadd.s32 @p1 $0xFFCF6000, s5;
	[sflag:s24] =	ssyncadd.s32 $0xFFFFE000  }
0x60: {  	[spmem:s1] =	stream.indirect.scatter.add.f32 [tilespmem:s18], [sflag:$0x5], $0x8, s0, s12, $0xb8;
	[tilespmem:$0x17528] =	vst v63  }
0x61: {  	s19 =	sadd.s32 @!p1 $0x100, s3;
	s3 =	simm.s32 @!p1 $0x0;
	_ =	swait.ge [sflag:s26], $0x2000  }
0x62: {  	s4 =	sshrl.u32 @p1 s4, $0x3;
	s5 =	sshrl.u32 @p1 s5, $0x3;
	[sflag:s26] =	ssyncset.done $0x0  }
0x63: {  	s4 =	sadd.s32 @p1 s6, s4;
	s5 =	sadd.s32 @p1 s6, s5;
	[sflag:s26] =	ssyncadd.s32 $0xFFFFE000  }
0x64: {  	[tilespmem:s15], [sflag:$0x1] =	stream.linear.gather @p1 [hbm4b:s4+s22], $0x400, $0x38;
	[tilespmem:$0x17528] =	vst v63  }
0x65: {  	[dreg:$0x1c] =	wrdreg s16;
	s4 =	simm.s32 @!p1 $0xC380;
	s15 =	smov.u32 s16  }
0x66: {  	[tilespmem:s4], [sflag:$0x1] =	stream.linear.gather @!p1 [hbm4b:s19+s3], $0x400, $0x38;
	[tilespmem:$0x17528] =	vst v63  }
0x67: {  	[dreg:$0x1d] =	wrdreg s19;
	s15 =	smov.u32 @p1 s5  }
0x68: {  	[tilespmem:s10], [sflag:$0x1] =	stream.linear.gather [hbm4b:s15+s2], $0x400, $0x38;
	[tilespmem:$0x17528] =	vst v63  }
0x69: {  	_ =	swait.ge [sflag:s11], $0x400  }
0x6a: {  	[sflag:s11] =	ssyncset.done $0x0  }
0x6b: {  	[sflag:s11] =	ssyncadd.s32 $0xFFFFFC00  }
0x6c: {  	_ =	swait.ge [sflag:s11], $0x400  }
0x6d: {  	[sflag:s11] =	ssyncset.done $0x0  }
0x6e: {  	[sflag:s11] =	ssyncadd.s32 $0xFFFFFC00  }
0x6f: {  	[tilespmem:s14], [sflag:$0x2] =	stream.indirect.gather [hbm4b:s17+s12], $0x8, s21, s12, $0xb8;
	[tilespmem:$0x17528] =	vst v63  }
0x70: {  	s29 =	simm.s32 $0x800;
	_ =	swait.ge [sflag:s31], $0x2000  }
0x71: {  	s28 =	sadd.s32 $0x100, s7;
	p3 =	sgt.u32 s9, $0x61A7;
	[sflag:s31] =	ssyncset.done $0x0  }
0x72: {  	s23 =	simm.s32 @p3 $0x0;
	s5 =	sadd.s32 @p3 $0x0, s30;
	[sflag:s31] =	ssyncadd.s32 $0xFFFFE000  }
0x73: {  	[spmem:s1] =	stream.indirect.scatter.add.f32 [tilespmem:s14], [sflag:$0x4], $0x8, s10, s12, $0xb8;
	[tilespmem:$0x17528] =	vst v63  }
0x74: {  	s22 =	simm.s32 @p3 $0xC780;
	s15 =	sadd.s32 @p3 $0xFFCF3800, s5;
	_ =	swait.ge [sflag:s20], $0x2000  }
0x75: {  	s3 =	sadd.s32 $0x10, s9;
	s15 =	sshrl.u32 @p3 s15, $0x3;
	[sflag:s20] =	ssyncset.done $0x0  }
0x76: {  	s4 =	sadd.s32 $0x100, s8;
	s15 =	sadd.s32 @p3 s6, s15;
	[sflag:s20] =	ssyncadd.s32 $0xFFFFE000  }
0x77: {  	[tilespmem:s22], [sflag:$0x1] =	stream.linear.gather @p3 [hbm4b:s15+s23], $0x400, $0x38;
	[tilespmem:$0x17528] =	vst v63  }
0x78: {  	s15 =	sadd.s32 @!p3 s7, s13;
	s22 =	sadd.s32 @!p3 s8, s13;
	s23 =	sadd.s32 @p3 $0xFFCF6400, s5  }
0x79: {  	s5 =	sadd.s32 @!p3 $0x180, s15;
	s25 =	sadd.s32 @!p3 $0x180, s22;
	s15 =	sshrl.u32 @p3 s23, $0x3  }
0x7a: {  	s22 =	simm.s32 @!p3 $0x0;
	s23 =	simm.s32 @!p3 $0xC780;
	s15 =	sadd.s32 @p3 s6, s15  }
.LBB2_2:
0x7b: {  	[tilespmem:s23], [sflag:$0x1] =	stream.linear.gather @!p3 [hbm4b:s5+s22], $0x400, $0x38;
	[tilespmem:$0x17528] =	vst v63  }
0x7c: {  	s25 =	smov.u32 @p3 s15  }
0x7d: {  	s5 =	smov.u32 s29;
	s29 =	sadd.s32 $0x800, s29;
	s15 =	sadd.s32 $0xFFFFFFF8, s3  }
0x7e: {  	[tilespmem:s0], [sflag:$0x1] =	stream.linear.gather [hbm4b:s25+s2], $0x400, $0x38;
	[tilespmem:$0x17528] =	vst v63  }
0x7f: {  	s8 =	simm.s32 $0xC780;
	p2 =	sne.s32 s29, $0x30800;
	_ =	swait.ge [sflag:s11], $0x400  }
0x80: {  	p3 =	sgt.u32 s15, $0x61A7;
	s25 =	smov.u32 s28;
	[sflag:s11] =	ssyncset.done $0x0  }
0x81: {  	s15 =	sadd.s32 @!p3 s28, s13;
	s22 =	sadd.s32 @!p3 s4, s13;
	[sflag:s11] =	ssyncadd.s32 $0xFFFFFC00  }
0x82: {  	s23 =	sadd.s32 @p3 s5, s30;
	s22 =	sadd.s32 @!p3 $0x100, s22;
	_ =	swait.ge [sflag:s11], $0x400  }
0x83: {  	s7 =	sadd.s32 @p3 $0xFFCF3400, s23;
	s23 =	sadd.s32 @p3 $0xFFCF6000, s23;
	[sflag:s11] =	ssyncset.done $0x0  }
0x84: {  	s7 =	sshrl.u32 @p3 s7, $0x3;
	s23 =	sshrl.u32 @p3 s23, $0x3;
	[sflag:s11] =	ssyncadd.s32 $0xFFFFFC00  }
0x85: {  	[tilespmem:s18], [sflag:$0x3] =	stream.indirect.gather [hbm4b:s17+s12], $0x8, s8, s12, $0xb8;
	[tilespmem:$0x17528] =	vst v63  }
0x86: {  	s7 =	sadd.s32 @p3 s6, s7;
	s23 =	sadd.s32 @p3 s6, s23;
	_ =	swait.ge [sflag:s24], $0x2000  }
0x87: {  	s22 =	smov.u32 @p3 s23;
	s23 =	smov.u32 s3;
	[sflag:s24] =	ssyncset.done $0x0  }
0x88: {  	s8 =	smov.u32 s4;
	[sflag:s24] =	ssyncadd.s32 $0xFFFFE000  }
0x89: {  	s16 =	smov.u32 s17;
	s15 =	sadd.s32 @!p3 $0x100, s15;
	s17 =	simm.s32 @p3 $0xC380  }
0x8a: {  	[spmem:s1] =	stream.indirect.scatter.add.f32 [tilespmem:s18], [sflag:$0x5], $0x8, s0, s12, $0xb8;
	[tilespmem:$0x17528] =	vst v63  }
0x8b: {  	s19 =	simm.s32 @!p3 $0x0;
	s21 =	simm.s32 @!p3 $0xC380;
	_ =	swait.ge [sflag:s26], $0x2000  }
0x8c: {  	[sflag:s26] =	ssyncset.done $0x0  }
0x8d: {  	s9 =	simm.s32 @p3 $0x0;
	[sflag:s26] =	ssyncadd.s32 $0xFFFFE000  }
0x8e: {  	[tilespmem:s17], [sflag:$0x1] =	stream.linear.gather @p3 [hbm4b:s7+s9], $0x400, $0x38;
	[tilespmem:$0x17528] =	vst v63  }
0x8f: {  	s17 =	smov.u32 s16;
	_ =	sdelay $0x1  }
0x90: {  	[tilespmem:s21], [sflag:$0x1] =	stream.linear.gather @!p3 [hbm4b:s15+s19], $0x400, $0x38;
	[tilespmem:$0x17528] =	vst v63  }
0x91: {  	s21 =	simm.s32 $0xC380;
	_ =	sdelay $0x1  }
0x92: {  	[tilespmem:s10], [sflag:$0x1] =	stream.linear.gather [hbm4b:s22+s2], $0x400, $0x38;
	[tilespmem:$0x17528] =	vst v63  }
0x93: {  	_ =	swait.ge [sflag:s11], $0x400  }
0x94: {  	[sflag:s11] =	ssyncset.done $0x0  }
0x95: {  	[sflag:s11] =	ssyncadd.s32 $0xFFFFFC00  }
0x96: {  	s28 =	sadd.s32 $0x100, s28;
	_ =	swait.ge [sflag:s11], $0x400  }
0x97: {  	s3 =	sadd.s32 $0x10, s3;
	p3 =	sgt.u32 s23, $0x61A7;
	[sflag:s11] =	ssyncset.done $0x0  }
0x98: {  	s4 =	sadd.s32 $0x100, s4;
	s7 =	sadd.s32 @!p3 s25, s13;
	[sflag:s11] =	ssyncadd.s32 $0xFFFFFC00  }
0x99: {  	[tilespmem:s14], [sflag:$0x2] =	stream.indirect.gather [hbm4b:s16+s12], $0x8, s21, s12, $0xb8;
	[tilespmem:$0x17528] =	vst v63  }
0x9a: {  	s8 =	sadd.s32 @!p3 s8, s13;
	s9 =	sadd.s32 @p3 s5, s30;
	_ =	swait.ge [sflag:s31], $0x2000  }
0x9b: {  	s5 =	sadd.s32 @!p3 $0x180, s7;
	s7 =	sadd.s32 @p3 $0xFFCF3800, s9;
	[sflag:s31] =	ssyncset.done $0x0  }
0x9c: {  	s25 =	sadd.s32 @!p3 $0x180, s8;
	s8 =	simm.s32 @p3 $0xC780;
	[sflag:s31] =	ssyncadd.s32 $0xFFFFE000  }
0x9d: {  	[spmem:s1] =	stream.indirect.scatter.add.f32 [tilespmem:s14], [sflag:$0x4], $0x8, s10, s12, $0xb8;
	[tilespmem:$0x17528] =	vst v63  }
.Ltmp0:
0x9e: {  	s7 =	sshrl.u32 @p3 s7, $0x3;
	_ =	swait.ge [sflag:s20], $0x2000;
	(pc) =	sbr.rel @p2 .LBB2_2-.Ltmp0, $4  }
0x9f: {  	s9 =	sadd.s32 @p3 $0xFFCF6400, s9;
	s7 =	sadd.s32 @p3 s6, s7;
	[sflag:s20] =	ssyncset.done $0x0  }
0xa0: {  	s15 =	simm.s32 @p3 $0x0;
	s9 =	sshrl.u32 @p3 s9, $0x3;
	[sflag:s20] =	ssyncadd.s32 $0xFFFFE000  }
0xa1: {  	[tilespmem:s8], [sflag:$0x1] =	stream.linear.gather @p3 [hbm4b:s7+s15], $0x400, $0x38;
	[tilespmem:$0x17528] =	vst v63  }
0xa2: {  	s23 =	simm.s32 @!p3 $0xC780;
	s22 =	simm.s32 @!p3 $0x0;
	s15 =	sadd.s32 @p3 s6, s9  }
0xa3: {  	[tilespmem:s23], [sflag:$0x1] =	stream.linear.gather @!p3 [hbm4b:s5+s22], $0x400, $0x38;
	[tilespmem:$0x17528] =	vst v63  }
0xa4: {  	s25 =	smov.u32 @p3 s15  }
0xa5: {  	[tilespmem:s0], [sflag:$0x1] =	stream.linear.gather [hbm4b:s25+s2], $0x400, $0x38;
	[tilespmem:$0x17528] =	vst v63  }
0xa6: {  	_ =	swait.ge [sflag:s11], $0x400  }
0xa7: {  	[sflag:s11] =	ssyncset.done $0x0  }
0xa8: {  	[sflag:s11] =	ssyncadd.s32 $0xFFFFFC00  }
0xa9: {  	_ =	swait.ge [sflag:s11], $0x400  }
0xaa: {  	[sflag:s11] =	ssyncset.done $0x0  }
0xab: {  	s25 =	simm.s32 $0xC780;
	[sflag:s11] =	ssyncadd.s32 $0xFFFFFC00  }
0xac: {  	[tilespmem:s18], [sflag:$0x3] =	stream.indirect.gather [hbm4b:s17+s12], $0x8, s25, s12, $0xb8;
	[tilespmem:$0x17528] =	vst v63  }
0xad: {  	_ =	swait.ge [sflag:s24], $0x2000  }
0xae: {  	[sflag:s24] =	ssyncset.done $0x0  }
0xaf: {  	[sflag:s24] =	ssyncadd.s32 $0xFFFFE000  }
0xb0: {  	[spmem:s1] =	stream.indirect.scatter.add.f32 [tilespmem:s18], [sflag:$0x5], $0x8, s0, s12, $0xb8;
	[tilespmem:$0x17528] =	vst v63  }
0xb1: {  	_ =	swait.ge [sflag:s26], $0x2000  }
0xb2: {  	[sflag:s26] =	ssyncset.done $0x0  }
0xb3: {  	[sflag:s26] =	ssyncadd.s32 $0xFFFFE000  }
0xb4: {  	_ =	swait.ge [sflag:s20], $0x2000  }
0xb5: {  	[sflag:s20] =	ssyncset.done $0x0  }
0xb6: {  	[sflag:s20] =	ssyncadd.s32 $0xFFFFE000  }
0xb7: {  	[bflag:$0x0] =	sbarrier.arrive $0xFFFF  }
0xb8: {  	s3 =	rddreg [dreg:$0xf]  }
0xb9: {  	s7 =	rddreg [dreg:$0x1a]  }
0xba: {  	s4 =	simm.s32 $0x6;
	s8 =	rddreg [dreg:$0x1b]  }
0xbb: {  	[hbm:s3], [sflag:s7] =	dma.local [spmem:s8], $0x1870  }
0xbc: {  	_ =	swait.ge [sflag:s4], $0x1870  }
0xbd: {  	[sflag:s4] =	ssyncset.done $0x0  }
0xbe: {  	s9 =	rddreg [dreg:$0xe];
	[sflag:s4] =	ssyncadd.s32 $0xFFFFE790  }
0xbf: {  	[spmem:s8], [sflag:s7] =	dma.local [hbm:s9], $0x1870  }
0xc0: {  	_ =	swait.ge [sflag:s4], $0x1870  }
0xc1: {  	[sflag:s4] =	ssyncset.done $0x0  }
0xc2: {  	[sflag:s4] =	ssyncadd.s32 $0xFFFFE790  }
0xc3: {  	[bflag:$0x0] =	sbarrier.arrive $0xFFFF  }
0xc4: {  	s15 =	simm.s32 $0x0;
	s17 =	rddreg [dreg:$0x17]  }
0xc5: {  	[tilespmem:s21], [sflag:$0x1] =	stream.linear.gather [hbm4b:s17+s15], $0x400, $0x38;
	[tilespmem:$0x17528] =	vst v63  }
0xc6: {  	s19 =	rddreg [dreg:$0x18]  }
0xc7: {  	[tilespmem:s10], [sflag:$0x1] =	stream.linear.gather [hbm4b:s19+s15], $0x400, $0x38;
	[tilespmem:$0x17528] =	vst v63  }
0xc8: {  	_ =	swait.ge [sflag:s11], $0x400  }
0xc9: {  	[sflag:s11] =	ssyncset.done $0x0  }
0xca: {  	[sflag:s11] =	ssyncadd.s32 $0xFFFFFC00  }
0xcb: {  	_ =	swait.ge [sflag:s11], $0x400  }
0xcc: {  	[sflag:s11] =	ssyncset.done $0x0  }
0xcd: {  	s19 =	rddreg [dreg:$0x3];
	[sflag:s11] =	ssyncadd.s32 $0xFFFFFC00  }
0xce: {  	[tilespmem:s14], [sflag:$0x2] =	stream.indirect.gather [hbm4b:s19+s12], $0x8, s21, s12, $0xb8;
	[tilespmem:$0x17528] =	vst v63  }
0xcf: {  	_ =	swait.ge [sflag:s31], $0x2000  }
0xd0: {  	[sflag:s31] =	ssyncset.done $0x0  }
0xd1: {  	[sflag:s31] =	ssyncadd.s32 $0xFFFFE000  }
0xd2: {  	[spmem:s1] =	stream.indirect.scatter.add.f32 [tilespmem:s14], [sflag:$0x4], $0x8, s10, s12, $0xb8;
	[tilespmem:$0x17528] =	vst v63  }
0xd3: {  	s22 =	rddreg [dreg:$0x12]  }
0xd4: {  	[tilespmem:s25], [sflag:$0x1] =	stream.linear.gather [hbm4b:s22+s15], $0x400, $0x38;
	[tilespmem:$0x17528] =	vst v63  }
0xd5: {  	s23 =	rddreg [dreg:$0x13]  }
0xd6: {  	[tilespmem:s0], [sflag:$0x1] =	stream.linear.gather [hbm4b:s23+s15], $0x400, $0x38;
	[tilespmem:$0x17528] =	vst v63  }
0xd7: {  	_ =	swait.ge [sflag:s11], $0x400  }
0xd8: {  	[sflag:s11] =	ssyncset.done $0x0  }
0xd9: {  	[sflag:s11] =	ssyncadd.s32 $0xFFFFFC00  }
0xda: {  	_ =	swait.ge [sflag:s11], $0x400  }
0xdb: {  	[sflag:s11] =	ssyncset.done $0x0  }
0xdc: {  	[sflag:s11] =	ssyncadd.s32 $0xFFFFFC00  }
0xdd: {  	[tilespmem:s18], [sflag:$0x3] =	stream.indirect.gather [hbm4b:s19+s12], $0x8, s25, s12, $0xb8;
	[tilespmem:$0x17528] =	vst v63  }
0xde: {  	_ =	swait.ge [sflag:s24], $0x2000  }
0xdf: {  	s5 =	simm.s32 @p1 $0xC380;
	s3 =	sadd.s32 @p1 $0x0, s30;
	[sflag:s24] =	ssyncset.done $0x0  }
0xe0: {  	s7 =	simm.s32 @p1 $0x0;
	s4 =	sadd.s32 @p1 $0xFFCF3400, s3;
	[sflag:s24] =	ssyncadd.s32 $0xFFFFE000  }
0xe1: {  	[spmem:s1] =	stream.indirect.scatter.add.f32 [tilespmem:s18], [sflag:$0x5], $0x8, s0, s12, $0xb8;
	[tilespmem:$0x17528] =	vst v63  }
0xe2: {  	s3 =	sadd.s32 @p1 $0xFFCF6000, s3;
	s4 =	sshrl.u32 @p1 s4, $0x3;
	_ =	swait.ge [sflag:s26], $0x2000  }
0xe3: {  	s3 =	sshrl.u32 @p1 s3, $0x3;
	s4 =	sadd.s32 @p1 s6, s4;
	[sflag:s26] =	ssyncset.done $0x0  }
0xe4: {  	s3 =	sadd.s32 @p1 s6, s3;
	s8 =	rddreg [dreg:$0x1d];
	[sflag:s26] =	ssyncadd.s32 $0xFFFFE000  }
0xe5: {  	[tilespmem:s5], [sflag:$0x1] =	stream.linear.gather @p1 [hbm4b:s4+s7], $0x400, $0x38;
	[tilespmem:$0x17528] =	vst v63  }
0xe6: {  	s4 =	simm.s32 @!p1 $0x0;
	s5 =	simm.s32 @!p1 $0xC380;
	s7 =	rddreg [dreg:$0x1c]  }
0xe7: {  	[tilespmem:s5], [sflag:$0x1] =	stream.linear.gather @!p1 [hbm4b:s8+s4], $0x400, $0x38;
	[tilespmem:$0x17528] =	vst v63  }
0xe8: {  	s7 =	smov.u32 @p1 s3  }
0xe9: {  	[tilespmem:s10], [sflag:$0x1] =	stream.linear.gather [hbm4b:s7+s2], $0x400, $0x38;
	[tilespmem:$0x17528] =	vst v63  }
0xea: {  	_ =	swait.ge [sflag:s11], $0x400  }
0xeb: {  	[sflag:s11] =	ssyncset.done $0x0  }
0xec: {  	[sflag:s11] =	ssyncadd.s32 $0xFFFFFC00  }
0xed: {  	_ =	swait.ge [sflag:s11], $0x400  }
0xee: {  	[sflag:s11] =	ssyncset.done $0x0  }
0xef: {  	[sflag:s11] =	ssyncadd.s32 $0xFFFFFC00  }
0xf0: {  	[tilespmem:s14], [sflag:$0x2] =	stream.indirect.gather [hbm4b:s19+s12], $0x8, s21, s12, $0xb8;
	[tilespmem:$0x17528] =	vst v63  }
0xf1: {  	_ =	swait.ge [sflag:s31], $0x2000  }
0xf2: {  	s15 =	rddreg [dreg:$0x6]  }
0xf3: {  	s29 =	simm.s32 $0x800;
	s25 =	rddreg [dreg:$0x15];
	[sflag:s31] =	ssyncset.done $0x0  }
0xf4: {  	s17 =	rddreg [dreg:$0x7];
	s28 =	sadd.s32 $0x100, s15;
	p3 =	sgt.u32 s25, $0x61A7  }
0xf5: {  	s3 =	sadd.s32 $0x10, s25;
	[sflag:s31] =	ssyncadd.s32 $0xFFFFE000;
	s5 =	sadd.s32 @p3 $0x0, s30  }
0xf6: {  	[spmem:s1] =	stream.indirect.scatter.add.f32 [tilespmem:s14], [sflag:$0x4], $0x8, s10, s12, $0xb8;
	[tilespmem:$0x17528] =	vst v63  }
0xf7: {  	s4 =	sadd.s32 $0x100, s17;
	s7 =	sadd.s32 @p3 $0xFFCF3800, s5;
	_ =	swait.ge [sflag:s20], $0x2000  }
0xf8: {  	s8 =	simm.s32 @p3 $0xC780;
	s7 =	sshrl.u32 @p3 s7, $0x3;
	[sflag:s20] =	ssyncset.done $0x0  }
0xf9: {  	s9 =	simm.s32 @p3 $0x0;
	s7 =	sadd.s32 @p3 s6, s7;
	[sflag:s20] =	ssyncadd.s32 $0xFFFFE000  }
0xfa: {  	[tilespmem:s8], [sflag:$0x1] =	stream.linear.gather @p3 [hbm4b:s7+s9], $0x400, $0x38;
	[tilespmem:$0x17528] =	vst v63  }
0xfb: {  	s22 =	simm.s32 @!p3 $0x0;
	s7 =	sadd.s32 @!p3 s15, s13;
	s9 =	sadd.s32 @p3 $0xFFCF6400, s5  }
0xfc: {  	s8 =	sadd.s32 @!p3 s17, s13;
	s5 =	sadd.s32 @!p3 $0x180, s7;
	s7 =	sshrl.u32 @p3 s9, $0x3  }
0xfd: {  	s23 =	simm.s32 @!p3 $0xC780;
	s25 =	sadd.s32 @!p3 $0x180, s8;
	s15 =	sadd.s32 @p3 s6, s7  }
.LBB2_4:
0xfe: {  	[tilespmem:s23], [sflag:$0x1] =	stream.linear.gather @!p3 [hbm4b:s5+s22], $0x400, $0x38;
	[tilespmem:$0x17528] =	vst v63  }
0xff: {  	s25 =	smov.u32 @p3 s15  }
0x100: {  	[tilespmem:s0], [sflag:$0x1] =	stream.linear.gather [hbm4b:s25+s2], $0x400, $0x38;
	[tilespmem:$0x17528] =	vst v63  }
0x101: {  	_ =	swait.ge [sflag:s11], $0x400  }
0x102: {  	[sflag:s11] =	ssyncset.done $0x0  }
0x103: {  	[sflag:s11] =	ssyncadd.s32 $0xFFFFFC00  }
0x104: {  	_ =	swait.ge [sflag:s11], $0x400  }
0x105: {  	s5 =	smov.u32 s29;
	s7 =	sadd.s32 $0xFFFFFFF8, s3;
	[sflag:s11] =	ssyncset.done $0x0  }
0x106: {  	s17 =	simm.s32 $0xC780;
	p3 =	sgt.u32 s7, $0x61A7;
	[sflag:s11] =	ssyncadd.s32 $0xFFFFFC00  }
0x107: {  	[tilespmem:s18], [sflag:$0x3] =	stream.indirect.gather [hbm4b:s19+s12], $0x8, s17, s12, $0xb8;
	[tilespmem:$0x17528] =	vst v63  }
0x108: {  	s7 =	sadd.s32 @!p3 s28, s13;
	s8 =	sadd.s32 @!p3 s4, s13;
	_ =	swait.ge [sflag:s24], $0x2000  }
0x109: {  	s9 =	sadd.s32 @p3 s5, s30;
	s21 =	simm.s32 @!p3 $0x0;
	[sflag:s24] =	ssyncset.done $0x0  }
0x10a: {  	s22 =	simm.s32 @!p3 $0xC380;
	s23 =	simm.s32 @p3 $0x0;
	[sflag:s24] =	ssyncadd.s32 $0xFFFFE000  }
0x10b: {  	[spmem:s1] =	stream.indirect.scatter.add.f32 [tilespmem:s18], [sflag:$0x5], $0x8, s0, s12, $0xb8;
	[tilespmem:$0x17528] =	vst v63  }
0x10c: {  	s15 =	sadd.s32 @p3 $0xFFCF3400, s9;
	s9 =	sadd.s32 @p3 $0xFFCF6000, s9;
	_ =	swait.ge [sflag:s26], $0x2000  }
0x10d: {  	s15 =	sshrl.u32 @p3 s15, $0x3;
	s9 =	sshrl.u32 @p3 s9, $0x3;
	[sflag:s26] =	ssyncset.done $0x0  }
0x10e: {  	s15 =	sadd.s32 @p3 s6, s15;
	s19 =	simm.s32 @p3 $0xC380;
	[sflag:s26] =	ssyncadd.s32 $0xFFFFE000  }
0x10f: {  	[tilespmem:s19], [sflag:$0x1] =	stream.linear.gather @p3 [hbm4b:s15+s23], $0x400, $0x38;
	[tilespmem:$0x17528] =	vst v63  }
0x110: {  	s8 =	sadd.s32 @!p3 $0x100, s8;
	s7 =	sadd.s32 @!p3 $0x100, s7;
	s9 =	sadd.s32 @p3 s6, s9  }
0x111: {  	[tilespmem:s22], [sflag:$0x1] =	stream.linear.gather @!p3 [hbm4b:s7+s21], $0x400, $0x38;
	[tilespmem:$0x17528] =	vst v63  }
0x112: {  	s8 =	smov.u32 @p3 s9  }
0x113: {  	[tilespmem:s10], [sflag:$0x1] =	stream.linear.gather [hbm4b:s8+s2], $0x400, $0x38;
	[tilespmem:$0x17528] =	vst v63  }
0x114: {  	s29 =	sadd.s32 $0x800, s29;
	s19 =	rddreg [dreg:$0x3];
	_ =	swait.ge [sflag:s11], $0x400  }
0x115: {  	p2 =	sne.s32 s29, $0x30800;
	s25 =	smov.u32 s28;
	[sflag:s11] =	ssyncset.done $0x0  }
0x116: {  	s28 =	sadd.s32 $0x100, s28;
	s9 =	smov.u32 s3;
	[sflag:s11] =	ssyncadd.s32 $0xFFFFFC00  }
0x117: {  	s3 =	sadd.s32 $0x10, s3;
	s17 =	smov.u32 s4;
	_ =	swait.ge [sflag:s11], $0x400  }
0x118: {  	s4 =	sadd.s32 $0x100, s4;
	p3 =	sgt.u32 s9, $0x61A7;
	[sflag:s11] =	ssyncset.done $0x0  }
0x119: {  	s21 =	simm.s32 $0xC380;
	s7 =	sadd.s32 @!p3 s25, s13;
	[sflag:s11] =	ssyncadd.s32 $0xFFFFFC00  }
0x11a: {  	[tilespmem:s14], [sflag:$0x2] =	stream.indirect.gather [hbm4b:s19+s12], $0x8, s21, s12, $0xb8;
	[tilespmem:$0x17528] =	vst v63  }
0x11b: {  	s9 =	sadd.s32 @p3 s5, s30;
	s15 =	simm.s32 @p3 $0x0;
	_ =	swait.ge [sflag:s31], $0x2000  }
0x11c: {  	s5 =	sadd.s32 @!p3 $0x180, s7;
	s7 =	sadd.s32 @p3 $0xFFCF3800, s9;
	[sflag:s31] =	ssyncset.done $0x0  }
0x11d: {  	s8 =	sadd.s32 @!p3 s17, s13;
	s9 =	sadd.s32 @p3 $0xFFCF6400, s9;
	[sflag:s31] =	ssyncadd.s32 $0xFFFFE000  }
0x11e: {  	[spmem:s1] =	stream.indirect.scatter.add.f32 [tilespmem:s14], [sflag:$0x4], $0x8, s10, s12, $0xb8;
	[tilespmem:$0x17528] =	vst v63  }
.Ltmp1:
0x11f: {  	s25 =	sadd.s32 @!p3 $0x180, s8;
	_ =	swait.ge [sflag:s20], $0x2000;
	(pc) =	sbr.rel @p2 .LBB2_4-.Ltmp1, $4  }
0x120: {  	s7 =	sshrl.u32 @p3 s7, $0x3;
	s8 =	simm.s32 @p3 $0xC780;
	[sflag:s20] =	ssyncset.done $0x0  }
0x121: {  	s9 =	sshrl.u32 @p3 s9, $0x3;
	s7 =	sadd.s32 @p3 s6, s7;
	[sflag:s20] =	ssyncadd.s32 $0xFFFFE000  }
0x122: {  	[tilespmem:s8], [sflag:$0x1] =	stream.linear.gather @p3 [hbm4b:s7+s15], $0x400, $0x38;
	[tilespmem:$0x17528] =	vst v63  }
0x123: {  	s22 =	simm.s32 @!p3 $0x0;
	s23 =	simm.s32 @!p3 $0xC780;
	s15 =	sadd.s32 @p3 s6, s9  }
0x124: {  	[tilespmem:s23], [sflag:$0x1] =	stream.linear.gather @!p3 [hbm4b:s5+s22], $0x400, $0x38;
	[tilespmem:$0x17528] =	vst v63  }
0x125: {  	s25 =	smov.u32 @p3 s15  }
0x126: {  	[tilespmem:s0], [sflag:$0x1] =	stream.linear.gather [hbm4b:s25+s2], $0x400, $0x38;
	[tilespmem:$0x17528] =	vst v63  }
0x127: {  	_ =	swait.ge [sflag:s11], $0x400  }
0x128: {  	[sflag:s11] =	ssyncset.done $0x0  }
0x129: {  	[sflag:s11] =	ssyncadd.s32 $0xFFFFFC00  }
0x12a: {  	_ =	swait.ge [sflag:s11], $0x400  }
0x12b: {  	[sflag:s11] =	ssyncset.done $0x0  }
0x12c: {  	s25 =	simm.s32 $0xC780;
	[sflag:s11] =	ssyncadd.s32 $0xFFFFFC00  }
0x12d: {  	[tilespmem:s18], [sflag:$0x3] =	stream.indirect.gather [hbm4b:s19+s12], $0x8, s25, s12, $0xb8;
	[tilespmem:$0x17528] =	vst v63  }
0x12e: {  	_ =	swait.ge [sflag:s24], $0x2000  }
0x12f: {  	[sflag:s24] =	ssyncset.done $0x0  }
0x130: {  	[sflag:s24] =	ssyncadd.s32 $0xFFFFE000  }
0x131: {  	[spmem:s1] =	stream.indirect.scatter.add.f32 [tilespmem:s18], [sflag:$0x5], $0x8, s0, s12, $0xb8;
	[tilespmem:$0x17528] =	vst v63  }
0x132: {  	_ =	swait.ge [sflag:s26], $0x2000  }
0x133: {  	[sflag:s26] =	ssyncset.done $0x0  }
0x134: {  	[sflag:s26] =	ssyncadd.s32 $0xFFFFE000  }
0x135: {  	_ =	swait.ge [sflag:s20], $0x2000  }
0x136: {  	[sflag:s20] =	ssyncset.done $0x0  }
0x137: {  	[sflag:s20] =	ssyncadd.s32 $0xFFFFE000  }
0x138: {  	[bflag:$0x0] =	sbarrier.arrive $0xFFFF  }
0x139: {  	s3 =	rddreg [dreg:$0x10]  }
0x13a: {  	s7 =	rddreg [dreg:$0x1a]  }
0x13b: {  	s4 =	simm.s32 $0x6;
	s8 =	rddreg [dreg:$0x1b]  }
0x13c: {  	[hbm:s3], [sflag:s7] =	dma.local [spmem:s8], $0x1870  }
0x13d: {  	_ =	swait.ge [sflag:s4], $0x1870  }
0x13e: {  	[sflag:s4] =	ssyncset.done $0x0  }
0x13f: {  	s9 =	rddreg [dreg:$0xe];
	[sflag:s4] =	ssyncadd.s32 $0xFFFFE790  }
0x140: {  	[spmem:s8], [sflag:s7] =	dma.local [hbm:s9], $0x1870  }
0x141: {  	_ =	swait.ge [sflag:s4], $0x1870  }
0x142: {  	[sflag:s4] =	ssyncset.done $0x0  }
0x143: {  	[sflag:s4] =	ssyncadd.s32 $0xFFFFE790  }
0x144: {  	[bflag:$0x0] =	sbarrier.arrive $0xFFFF  }
0x145: {  	s15 =	simm.s32 $0x0;
	s17 =	rddreg [dreg:$0x17]  }
0x146: {  	[tilespmem:s21], [sflag:$0x1] =	stream.linear.gather [hbm4b:s17+s15], $0x400, $0x38;
	[tilespmem:$0x17528] =	vst v63  }
0x147: {  	s19 =	rddreg [dreg:$0x18]  }
0x148: {  	[tilespmem:s10], [sflag:$0x1] =	stream.linear.gather [hbm4b:s19+s15], $0x400, $0x38;
	[tilespmem:$0x17528] =	vst v63  }
0x149: {  	_ =	swait.ge [sflag:s11], $0x400  }
0x14a: {  	[sflag:s11] =	ssyncset.done $0x0  }
0x14b: {  	[sflag:s11] =	ssyncadd.s32 $0xFFFFFC00  }
0x14c: {  	_ =	swait.ge [sflag:s11], $0x400  }
0x14d: {  	[sflag:s11] =	ssyncset.done $0x0  }
0x14e: {  	s19 =	rddreg [dreg:$0x4];
	[sflag:s11] =	ssyncadd.s32 $0xFFFFFC00  }
0x14f: {  	[tilespmem:s14], [sflag:$0x2] =	stream.indirect.gather [hbm4b:s19+s12], $0x8, s21, s12, $0xb8;
	[tilespmem:$0x17528] =	vst v63  }
0x150: {  	_ =	swait.ge [sflag:s31], $0x2000  }
0x151: {  	[sflag:s31] =	ssyncset.done $0x0  }
0x152: {  	[sflag:s31] =	ssyncadd.s32 $0xFFFFE000  }
0x153: {  	[spmem:s1] =	stream.indirect.scatter.add.f32 [tilespmem:s14], [sflag:$0x4], $0x8, s10, s12, $0xb8;
	[tilespmem:$0x17528] =	vst v63  }
0x154: {  	s22 =	rddreg [dreg:$0x12]  }
0x155: {  	[tilespmem:s25], [sflag:$0x1] =	stream.linear.gather [hbm4b:s22+s15], $0x400, $0x38;
	[tilespmem:$0x17528] =	vst v63  }
0x156: {  	s23 =	rddreg [dreg:$0x13]  }
0x157: {  	[tilespmem:s0], [sflag:$0x1] =	stream.linear.gather [hbm4b:s23+s15], $0x400, $0x38;
	[tilespmem:$0x17528] =	vst v63  }
0x158: {  	_ =	swait.ge [sflag:s11], $0x400  }
0x159: {  	[sflag:s11] =	ssyncset.done $0x0  }
0x15a: {  	[sflag:s11] =	ssyncadd.s32 $0xFFFFFC00  }
0x15b: {  	_ =	swait.ge [sflag:s11], $0x400  }
0x15c: {  	[sflag:s11] =	ssyncset.done $0x0  }
0x15d: {  	[sflag:s11] =	ssyncadd.s32 $0xFFFFFC00  }
0x15e: {  	[tilespmem:s18], [sflag:$0x3] =	stream.indirect.gather [hbm4b:s19+s12], $0x8, s25, s12, $0xb8;
	[tilespmem:$0x17528] =	vst v63  }
0x15f: {  	_ =	swait.ge [sflag:s24], $0x2000  }
0x160: {  	s5 =	simm.s32 @p1 $0xC380;
	s3 =	sadd.s32 @p1 $0x0, s30;
	[sflag:s24] =	ssyncset.done $0x0  }
0x161: {  	s7 =	simm.s32 @p1 $0x0;
	s4 =	sadd.s32 @p1 $0xFFCF3400, s3;
	[sflag:s24] =	ssyncadd.s32 $0xFFFFE000  }
0x162: {  	[spmem:s1] =	stream.indirect.scatter.add.f32 [tilespmem:s18], [sflag:$0x5], $0x8, s0, s12, $0xb8;
	[tilespmem:$0x17528] =	vst v63  }
0x163: {  	s3 =	sadd.s32 @p1 $0xFFCF6000, s3;
	s4 =	sshrl.u32 @p1 s4, $0x3;
	_ =	swait.ge [sflag:s26], $0x2000  }
0x164: {  	s3 =	sshrl.u32 @p1 s3, $0x3;
	s4 =	sadd.s32 @p1 s6, s4;
	[sflag:s26] =	ssyncset.done $0x0  }
0x165: {  	s3 =	sadd.s32 @p1 s6, s3;
	s8 =	rddreg [dreg:$0x1d];
	[sflag:s26] =	ssyncadd.s32 $0xFFFFE000  }
0x166: {  	[tilespmem:s5], [sflag:$0x1] =	stream.linear.gather @p1 [hbm4b:s4+s7], $0x400, $0x38;
	[tilespmem:$0x17528] =	vst v63  }
0x167: {  	s4 =	simm.s32 @!p1 $0x0;
	s5 =	simm.s32 @!p1 $0xC380;
	s7 =	rddreg [dreg:$0x1c]  }
0x168: {  	[tilespmem:s5], [sflag:$0x1] =	stream.linear.gather @!p1 [hbm4b:s8+s4], $0x400, $0x38;
	[tilespmem:$0x17528] =	vst v63  }
0x169: {  	s7 =	smov.u32 @p1 s3  }
0x16a: {  	[tilespmem:s10], [sflag:$0x1] =	stream.linear.gather [hbm4b:s7+s2], $0x400, $0x38;
	[tilespmem:$0x17528] =	vst v63  }
0x16b: {  	_ =	swait.ge [sflag:s11], $0x400  }
0x16c: {  	[sflag:s11] =	ssyncset.done $0x0  }
0x16d: {  	[sflag:s11] =	ssyncadd.s32 $0xFFFFFC00  }
0x16e: {  	_ =	swait.ge [sflag:s11], $0x400  }
0x16f: {  	[sflag:s11] =	ssyncset.done $0x0  }
0x170: {  	[sflag:s11] =	ssyncadd.s32 $0xFFFFFC00  }
0x171: {  	[tilespmem:s14], [sflag:$0x2] =	stream.indirect.gather [hbm4b:s19+s12], $0x8, s21, s12, $0xb8;
	[tilespmem:$0x17528] =	vst v63  }
0x172: {  	_ =	swait.ge [sflag:s31], $0x2000  }
0x173: {  	s15 =	rddreg [dreg:$0x6]  }
0x174: {  	s29 =	simm.s32 $0x800;
	s25 =	rddreg [dreg:$0x15];
	[sflag:s31] =	ssyncset.done $0x0  }
0x175: {  	s17 =	rddreg [dreg:$0x7];
	s28 =	sadd.s32 $0x100, s15;
	p3 =	sgt.u32 s25, $0x61A7  }
0x176: {  	s3 =	sadd.s32 $0x10, s25;
	[sflag:s31] =	ssyncadd.s32 $0xFFFFE000;
	s5 =	sadd.s32 @p3 $0x0, s30  }
0x177: {  	[spmem:s1] =	stream.indirect.scatter.add.f32 [tilespmem:s14], [sflag:$0x4], $0x8, s10, s12, $0xb8;
	[tilespmem:$0x17528] =	vst v63  }
0x178: {  	s4 =	sadd.s32 $0x100, s17;
	s7 =	sadd.s32 @p3 $0xFFCF3800, s5;
	_ =	swait.ge [sflag:s20], $0x2000  }
0x179: {  	s8 =	simm.s32 @p3 $0xC780;
	s7 =	sshrl.u32 @p3 s7, $0x3;
	[sflag:s20] =	ssyncset.done $0x0  }
0x17a: {  	s9 =	simm.s32 @p3 $0x0;
	s7 =	sadd.s32 @p3 s6, s7;
	[sflag:s20] =	ssyncadd.s32 $0xFFFFE000  }
0x17b: {  	[tilespmem:s8], [sflag:$0x1] =	stream.linear.gather @p3 [hbm4b:s7+s9], $0x400, $0x38;
	[tilespmem:$0x17528] =	vst v63  }
0x17c: {  	s22 =	simm.s32 @!p3 $0x0;
	s7 =	sadd.s32 @!p3 s15, s13;
	s9 =	sadd.s32 @p3 $0xFFCF6400, s5  }
0x17d: {  	s8 =	sadd.s32 @!p3 s17, s13;
	s5 =	sadd.s32 @!p3 $0x180, s7;
	s7 =	sshrl.u32 @p3 s9, $0x3  }
0x17e: {  	s23 =	simm.s32 @!p3 $0xC780;
	s25 =	sadd.s32 @!p3 $0x180, s8;
	s15 =	sadd.s32 @p3 s6, s7  }
.LBB2_6:
0x17f: {  	[tilespmem:s23], [sflag:$0x1] =	stream.linear.gather @!p3 [hbm4b:s5+s22], $0x400, $0x38;
	[tilespmem:$0x17528] =	vst v63  }
0x180: {  	s25 =	smov.u32 @p3 s15  }
0x181: {  	[tilespmem:s0], [sflag:$0x1] =	stream.linear.gather [hbm4b:s25+s2], $0x400, $0x38;
	[tilespmem:$0x17528] =	vst v63  }
0x182: {  	_ =	swait.ge [sflag:s11], $0x400  }
0x183: {  	[sflag:s11] =	ssyncset.done $0x0  }
0x184: {  	[sflag:s11] =	ssyncadd.s32 $0xFFFFFC00  }
0x185: {  	_ =	swait.ge [sflag:s11], $0x400  }
0x186: {  	s5 =	smov.u32 s29;
	s7 =	sadd.s32 $0xFFFFFFF8, s3;
	[sflag:s11] =	ssyncset.done $0x0  }
0x187: {  	s17 =	simm.s32 $0xC780;
	p3 =	sgt.u32 s7, $0x61A7;
	[sflag:s11] =	ssyncadd.s32 $0xFFFFFC00  }
0x188: {  	[tilespmem:s18], [sflag:$0x3] =	stream.indirect.gather [hbm4b:s19+s12], $0x8, s17, s12, $0xb8;
	[tilespmem:$0x17528] =	vst v63  }
0x189: {  	s7 =	sadd.s32 @!p3 s28, s13;
	s8 =	sadd.s32 @!p3 s4, s13;
	_ =	swait.ge [sflag:s24], $0x2000  }
0x18a: {  	s9 =	sadd.s32 @p3 s5, s30;
	s21 =	simm.s32 @!p3 $0x0;
	[sflag:s24] =	ssyncset.done $0x0  }
0x18b: {  	s22 =	simm.s32 @!p3 $0xC380;
	s23 =	simm.s32 @p3 $0x0;
	[sflag:s24] =	ssyncadd.s32 $0xFFFFE000  }
0x18c: {  	[spmem:s1] =	stream.indirect.scatter.add.f32 [tilespmem:s18], [sflag:$0x5], $0x8, s0, s12, $0xb8;
	[tilespmem:$0x17528] =	vst v63  }
0x18d: {  	s15 =	sadd.s32 @p3 $0xFFCF3400, s9;
	s9 =	sadd.s32 @p3 $0xFFCF6000, s9;
	_ =	swait.ge [sflag:s26], $0x2000  }
0x18e: {  	s15 =	sshrl.u32 @p3 s15, $0x3;
	s9 =	sshrl.u32 @p3 s9, $0x3;
	[sflag:s26] =	ssyncset.done $0x0  }
0x18f: {  	s15 =	sadd.s32 @p3 s6, s15;
	s19 =	simm.s32 @p3 $0xC380;
	[sflag:s26] =	ssyncadd.s32 $0xFFFFE000  }
0x190: {  	[tilespmem:s19], [sflag:$0x1] =	stream.linear.gather @p3 [hbm4b:s15+s23], $0x400, $0x38;
	[tilespmem:$0x17528] =	vst v63  }
0x191: {  	s8 =	sadd.s32 @!p3 $0x100, s8;
	s7 =	sadd.s32 @!p3 $0x100, s7;
	s9 =	sadd.s32 @p3 s6, s9  }
0x192: {  	[tilespmem:s22], [sflag:$0x1] =	stream.linear.gather @!p3 [hbm4b:s7+s21], $0x400, $0x38;
	[tilespmem:$0x17528] =	vst v63  }
0x193: {  	s8 =	smov.u32 @p3 s9  }
0x194: {  	[tilespmem:s10], [sflag:$0x1] =	stream.linear.gather [hbm4b:s8+s2], $0x400, $0x38;
	[tilespmem:$0x17528] =	vst v63  }
0x195: {  	s29 =	sadd.s32 $0x800, s29;
	s19 =	rddreg [dreg:$0x4];
	_ =	swait.ge [sflag:s11], $0x400  }
0x196: {  	p2 =	sne.s32 s29, $0x30800;
	s25 =	smov.u32 s28;
	[sflag:s11] =	ssyncset.done $0x0  }
0x197: {  	s28 =	sadd.s32 $0x100, s28;
	s9 =	smov.u32 s3;
	[sflag:s11] =	ssyncadd.s32 $0xFFFFFC00  }
0x198: {  	s3 =	sadd.s32 $0x10, s3;
	s17 =	smov.u32 s4;
	_ =	swait.ge [sflag:s11], $0x400  }
0x199: {  	s4 =	sadd.s32 $0x100, s4;
	p3 =	sgt.u32 s9, $0x61A7;
	[sflag:s11] =	ssyncset.done $0x0  }
0x19a: {  	s21 =	simm.s32 $0xC380;
	s7 =	sadd.s32 @!p3 s25, s13;
	[sflag:s11] =	ssyncadd.s32 $0xFFFFFC00  }
0x19b: {  	[tilespmem:s14], [sflag:$0x2] =	stream.indirect.gather [hbm4b:s19+s12], $0x8, s21, s12, $0xb8;
	[tilespmem:$0x17528] =	vst v63  }
0x19c: {  	s9 =	sadd.s32 @p3 s5, s30;
	s15 =	simm.s32 @p3 $0x0;
	_ =	swait.ge [sflag:s31], $0x2000  }
0x19d: {  	s5 =	sadd.s32 @!p3 $0x180, s7;
	s7 =	sadd.s32 @p3 $0xFFCF3800, s9;
	[sflag:s31] =	ssyncset.done $0x0  }
0x19e: {  	s8 =	sadd.s32 @!p3 s17, s13;
	s9 =	sadd.s32 @p3 $0xFFCF6400, s9;
	[sflag:s31] =	ssyncadd.s32 $0xFFFFE000  }
0x19f: {  	[spmem:s1] =	stream.indirect.scatter.add.f32 [tilespmem:s14], [sflag:$0x4], $0x8, s10, s12, $0xb8;
	[tilespmem:$0x17528] =	vst v63  }
.Ltmp2:
0x1a0: {  	s25 =	sadd.s32 @!p3 $0x180, s8;
	_ =	swait.ge [sflag:s20], $0x2000;
	(pc) =	sbr.rel @p2 .LBB2_6-.Ltmp2, $4  }
0x1a1: {  	s7 =	sshrl.u32 @p3 s7, $0x3;
	s8 =	simm.s32 @p3 $0xC780;
	[sflag:s20] =	ssyncset.done $0x0  }
0x1a2: {  	s9 =	sshrl.u32 @p3 s9, $0x3;
	s7 =	sadd.s32 @p3 s6, s7;
	[sflag:s20] =	ssyncadd.s32 $0xFFFFE000  }
0x1a3: {  	[tilespmem:s8], [sflag:$0x1] =	stream.linear.gather @p3 [hbm4b:s7+s15], $0x400, $0x38;
	[tilespmem:$0x17528] =	vst v63  }
0x1a4: {  	s22 =	simm.s32 @!p3 $0x0;
	s23 =	simm.s32 @!p3 $0xC780;
	s15 =	sadd.s32 @p3 s6, s9  }
0x1a5: {  	[tilespmem:s23], [sflag:$0x1] =	stream.linear.gather @!p3 [hbm4b:s5+s22], $0x400, $0x38;
	[tilespmem:$0x17528] =	vst v63  }
0x1a6: {  	s25 =	smov.u32 @p3 s15  }
0x1a7: {  	[tilespmem:s0], [sflag:$0x1] =	stream.linear.gather [hbm4b:s25+s2], $0x400, $0x38;
	[tilespmem:$0x17528] =	vst v63  }
0x1a8: {  	_ =	swait.ge [sflag:s11], $0x400  }
0x1a9: {  	[sflag:s11] =	ssyncset.done $0x0  }
0x1aa: {  	[sflag:s11] =	ssyncadd.s32 $0xFFFFFC00  }
0x1ab: {  	_ =	swait.ge [sflag:s11], $0x400  }
0x1ac: {  	[sflag:s11] =	ssyncset.done $0x0  }
0x1ad: {  	s25 =	simm.s32 $0xC780;
	[sflag:s11] =	ssyncadd.s32 $0xFFFFFC00  }
0x1ae: {  	[tilespmem:s18], [sflag:$0x3] =	stream.indirect.gather [hbm4b:s19+s12], $0x8, s25, s12, $0xb8;
	[tilespmem:$0x17528] =	vst v63  }
0x1af: {  	_ =	swait.ge [sflag:s24], $0x2000  }
0x1b0: {  	[sflag:s24] =	ssyncset.done $0x0  }
0x1b1: {  	[sflag:s24] =	ssyncadd.s32 $0xFFFFE000  }
0x1b2: {  	[spmem:s1] =	stream.indirect.scatter.add.f32 [tilespmem:s18], [sflag:$0x5], $0x8, s0, s12, $0xb8;
	[tilespmem:$0x17528] =	vst v63  }
0x1b3: {  	_ =	swait.ge [sflag:s26], $0x2000  }
0x1b4: {  	[sflag:s26] =	ssyncset.done $0x0  }
0x1b5: {  	[sflag:s26] =	ssyncadd.s32 $0xFFFFE000  }
0x1b6: {  	_ =	swait.ge [sflag:s20], $0x2000  }
0x1b7: {  	[sflag:s20] =	ssyncset.done $0x0  }
0x1b8: {  	[sflag:s20] =	ssyncadd.s32 $0xFFFFE000  }
0x1b9: {  	[bflag:$0x0] =	sbarrier.arrive $0xFFFF  }
0x1ba: {  	s3 =	rddreg [dreg:$0x11]  }
0x1bb: {  	s7 =	rddreg [dreg:$0x1a]  }
0x1bc: {  	s4 =	simm.s32 $0x6;
	s8 =	rddreg [dreg:$0x1b]  }
0x1bd: {  	[hbm:s3], [sflag:s7] =	dma.local [spmem:s8], $0x1870  }
0x1be: {  	_ =	swait.ge [sflag:s4], $0x1870  }
0x1bf: {  	[sflag:s4] =	ssyncset.done $0x0  }
0x1c0: {  	s9 =	rddreg [dreg:$0xe];
	[sflag:s4] =	ssyncadd.s32 $0xFFFFE790  }
0x1c1: {  	[spmem:s8], [sflag:s7] =	dma.local [hbm:s9], $0x1870  }
0x1c2: {  	_ =	swait.ge [sflag:s4], $0x1870  }
0x1c3: {  	[sflag:s4] =	ssyncset.done $0x0  }
0x1c4: {  	[sflag:s4] =	ssyncadd.s32 $0xFFFFE790  }
0x1c5: {  	[bflag:$0x0] =	sbarrier.arrive $0xFFFF  }
0x1c6: {  	s15 =	simm.s32 $0x0;
	s17 =	rddreg [dreg:$0x17]  }
0x1c7: {  	[tilespmem:s21], [sflag:$0x1] =	stream.linear.gather [hbm4b:s17+s15], $0x400, $0x38;
	[tilespmem:$0x17528] =	vst v63  }
0x1c8: {  	s19 =	rddreg [dreg:$0x18]  }
0x1c9: {  	[tilespmem:s10], [sflag:$0x1] =	stream.linear.gather [hbm4b:s19+s15], $0x400, $0x38;
	[tilespmem:$0x17528] =	vst v63  }
0x1ca: {  	_ =	swait.ge [sflag:s11], $0x400  }
0x1cb: {  	[sflag:s11] =	ssyncset.done $0x0  }
0x1cc: {  	[sflag:s11] =	ssyncadd.s32 $0xFFFFFC00  }
0x1cd: {  	_ =	swait.ge [sflag:s11], $0x400  }
0x1ce: {  	[sflag:s11] =	ssyncset.done $0x0  }
0x1cf: {  	s19 =	rddreg [dreg:$0x5];
	[sflag:s11] =	ssyncadd.s32 $0xFFFFFC00  }
0x1d0: {  	[tilespmem:s14], [sflag:$0x2] =	stream.indirect.gather [hbm4b:s19+s12], $0x8, s21, s12, $0xb8;
	[tilespmem:$0x17528] =	vst v63  }
0x1d1: {  	_ =	swait.ge [sflag:s31], $0x2000  }
0x1d2: {  	[sflag:s31] =	ssyncset.done $0x0  }
0x1d3: {  	[sflag:s31] =	ssyncadd.s32 $0xFFFFE000  }
0x1d4: {  	[spmem:s1] =	stream.indirect.scatter.add.f32 [tilespmem:s14], [sflag:$0x4], $0x8, s10, s12, $0xb8;
	[tilespmem:$0x17528] =	vst v63  }
0x1d5: {  	s22 =	rddreg [dreg:$0x12]  }
0x1d6: {  	[tilespmem:s25], [sflag:$0x1] =	stream.linear.gather [hbm4b:s22+s15], $0x400, $0x38;
	[tilespmem:$0x17528] =	vst v63  }
0x1d7: {  	s23 =	rddreg [dreg:$0x13]  }
0x1d8: {  	[tilespmem:s0], [sflag:$0x1] =	stream.linear.gather [hbm4b:s23+s15], $0x400, $0x38;
	[tilespmem:$0x17528] =	vst v63  }
0x1d9: {  	_ =	swait.ge [sflag:s11], $0x400  }
0x1da: {  	[sflag:s11] =	ssyncset.done $0x0  }
0x1db: {  	[sflag:s11] =	ssyncadd.s32 $0xFFFFFC00  }
0x1dc: {  	_ =	swait.ge [sflag:s11], $0x400  }
0x1dd: {  	[sflag:s11] =	ssyncset.done $0x0  }
0x1de: {  	[sflag:s11] =	ssyncadd.s32 $0xFFFFFC00  }
0x1df: {  	[tilespmem:s18], [sflag:$0x3] =	stream.indirect.gather [hbm4b:s19+s12], $0x8, s25, s12, $0xb8;
	[tilespmem:$0x17528] =	vst v63  }
0x1e0: {  	_ =	swait.ge [sflag:s24], $0x2000  }
0x1e1: {  	[sflag:s24] =	ssyncset.done $0x0  }
0x1e2: {  	s5 =	simm.s32 @p1 $0xC380;
	s3 =	sadd.s32 @p1 $0x0, s30;
	[sflag:s24] =	ssyncadd.s32 $0xFFFFE000  }
0x1e3: {  	[spmem:s1] =	stream.indirect.scatter.add.f32 [tilespmem:s18], [sflag:$0x5], $0x8, s0, s12, $0xb8;
	[tilespmem:$0x17528] =	vst v63  }
0x1e4: {  	s7 =	simm.s32 @p1 $0x0;
	s4 =	sadd.s32 @p1 $0xFFCF3400, s3;
	_ =	swait.ge [sflag:s26], $0x2000  }
0x1e5: {  	s3 =	sadd.s32 @p1 $0xFFCF6000, s3;
	s4 =	sshrl.u32 @p1 s4, $0x3;
	[sflag:s26] =	ssyncset.done $0x0  }
0x1e6: {  	s3 =	sshrl.u32 @p1 s3, $0x3;
	s4 =	sadd.s32 @p1 s6, s4;
	[sflag:s26] =	ssyncadd.s32 $0xFFFFE000  }
0x1e7: {  	[tilespmem:s5], [sflag:$0x1] =	stream.linear.gather @p1 [hbm4b:s4+s7], $0x400, $0x38;
	[tilespmem:$0x17528] =	vst v63  }
0x1e8: {  	s4 =	simm.s32 @!p1 $0x0;
	s5 =	simm.s32 @!p1 $0xC380;
	s7 =	rddreg [dreg:$0x1d]  }
0x1e9: {  	[tilespmem:s5], [sflag:$0x1] =	stream.linear.gather @!p1 [hbm4b:s7+s4], $0x400, $0x38;
	[tilespmem:$0x17528] =	vst v63  }
0x1ea: {  	s3 =	sadd.s32 @p1 s6, s3;
	s4 =	rddreg [dreg:$0x1c]  }
0x1eb: {  	s4 =	smov.u32 @p1 s3  }
0x1ec: {  	[tilespmem:s10], [sflag:$0x1] =	stream.linear.gather [hbm4b:s4+s2], $0x400, $0x38;
	[tilespmem:$0x17528] =	vst v63  }
0x1ed: {  	_ =	swait.ge [sflag:s11], $0x400  }
0x1ee: {  	[sflag:s11] =	ssyncset.done $0x0  }
0x1ef: {  	[sflag:s11] =	ssyncadd.s32 $0xFFFFFC00  }
0x1f0: {  	_ =	swait.ge [sflag:s11], $0x400  }
0x1f1: {  	[sflag:s11] =	ssyncset.done $0x0  }
0x1f2: {  	[sflag:s11] =	ssyncadd.s32 $0xFFFFFC00  }
0x1f3: {  	[tilespmem:s14], [sflag:$0x2] =	stream.indirect.gather [hbm4b:s19+s12], $0x8, s21, s12, $0xb8;
	[tilespmem:$0x17528] =	vst v63  }
0x1f4: {  	_ =	swait.ge [sflag:s31], $0x2000  }
0x1f5: {  	s15 =	rddreg [dreg:$0x6]  }
0x1f6: {  	s23 =	simm.s32 $0x800;
	s25 =	rddreg [dreg:$0x15];
	[sflag:s31] =	ssyncset.done $0x0  }
0x1f7: {  	s17 =	rddreg [dreg:$0x7];
	s28 =	sadd.s32 $0x100, s15;
	p2 =	sgt.u32 s25, $0x61A7  }
0x1f8: {  	s3 =	sadd.s32 $0x10, s25;
	[sflag:s31] =	ssyncadd.s32 $0xFFFFE000;
	s5 =	sadd.s32 @p2 $0x0, s30  }
0x1f9: {  	[spmem:s1] =	stream.indirect.scatter.add.f32 [tilespmem:s14], [sflag:$0x4], $0x8, s10, s12, $0xb8;
	[tilespmem:$0x17528] =	vst v63  }
0x1fa: {  	s4 =	sadd.s32 $0x100, s17;
	s7 =	sadd.s32 @p2 $0xFFCF3800, s5;
	_ =	swait.ge [sflag:s20], $0x2000  }
0x1fb: {  	s8 =	simm.s32 @p2 $0xC780;
	s7 =	sshrl.u32 @p2 s7, $0x3;
	[sflag:s20] =	ssyncset.done $0x0  }
0x1fc: {  	s9 =	simm.s32 @p2 $0x0;
	s7 =	sadd.s32 @p2 s6, s7;
	[sflag:s20] =	ssyncadd.s32 $0xFFFFE000  }
0x1fd: {  	[tilespmem:s8], [sflag:$0x1] =	stream.linear.gather @p2 [hbm4b:s7+s9], $0x400, $0x38;
	[tilespmem:$0x17528] =	vst v63  }
0x1fe: {  	s22 =	simm.s32 @!p2 $0x0;
	s7 =	sadd.s32 @!p2 s15, s13;
	s9 =	sadd.s32 @p2 $0xFFCF6400, s5  }
0x1ff: {  	s8 =	sadd.s32 @!p2 s17, s13;
	s5 =	sadd.s32 @!p2 $0x180, s7;
	s7 =	sshrl.u32 @p2 s9, $0x3  }
0x200: {  	s29 =	simm.s32 @!p2 $0xC780;
	s25 =	sadd.s32 @!p2 $0x180, s8;
	s15 =	sadd.s32 @p2 s6, s7  }
.LBB2_8:
0x201: {  	[tilespmem:s29], [sflag:$0x1] =	stream.linear.gather @!p2 [hbm4b:s5+s22], $0x400, $0x38;
	[tilespmem:$0x17528] =	vst v63  }
0x202: {  	s25 =	smov.u32 @p2 s15  }
0x203: {  	[tilespmem:s0], [sflag:$0x1] =	stream.linear.gather [hbm4b:s25+s2], $0x400, $0x38;
	[tilespmem:$0x17528] =	vst v63  }
0x204: {  	_ =	swait.ge [sflag:s11], $0x400  }
0x205: {  	[sflag:s11] =	ssyncset.done $0x0  }
0x206: {  	[sflag:s11] =	ssyncadd.s32 $0xFFFFFC00  }
0x207: {  	_ =	swait.ge [sflag:s11], $0x400  }
0x208: {  	s5 =	smov.u32 s23;
	s7 =	sadd.s32 $0xFFFFFFF8, s3;
	[sflag:s11] =	ssyncset.done $0x0  }
0x209: {  	s17 =	simm.s32 $0xC780;
	p2 =	sgt.u32 s7, $0x61A7;
	[sflag:s11] =	ssyncadd.s32 $0xFFFFFC00  }
0x20a: {  	[tilespmem:s18], [sflag:$0x3] =	stream.indirect.gather [hbm4b:s19+s12], $0x8, s17, s12, $0xb8;
	[tilespmem:$0x17528] =	vst v63  }
0x20b: {  	s7 =	sadd.s32 @!p2 s28, s13;
	s8 =	sadd.s32 @!p2 s4, s13;
	_ =	swait.ge [sflag:s24], $0x2000  }
0x20c: {  	s9 =	sadd.s32 @p2 s5, s30;
	s21 =	simm.s32 @!p2 $0x0;
	[sflag:s24] =	ssyncset.done $0x0  }
0x20d: {  	s22 =	simm.s32 @!p2 $0xC380;
	s29 =	simm.s32 @p2 $0x0;
	[sflag:s24] =	ssyncadd.s32 $0xFFFFE000  }
0x20e: {  	[spmem:s1] =	stream.indirect.scatter.add.f32 [tilespmem:s18], [sflag:$0x5], $0x8, s0, s12, $0xb8;
	[tilespmem:$0x17528] =	vst v63  }
0x20f: {  	s15 =	sadd.s32 @p2 $0xFFCF3400, s9;
	s9 =	sadd.s32 @p2 $0xFFCF6000, s9;
	_ =	swait.ge [sflag:s26], $0x2000  }
0x210: {  	s15 =	sshrl.u32 @p2 s15, $0x3;
	s9 =	sshrl.u32 @p2 s9, $0x3;
	[sflag:s26] =	ssyncset.done $0x0  }
0x211: {  	s15 =	sadd.s32 @p2 s6, s15;
	s19 =	simm.s32 @p2 $0xC380;
	[sflag:s26] =	ssyncadd.s32 $0xFFFFE000  }
0x212: {  	[tilespmem:s19], [sflag:$0x1] =	stream.linear.gather @p2 [hbm4b:s15+s29], $0x400, $0x38;
	[tilespmem:$0x17528] =	vst v63  }
0x213: {  	s8 =	sadd.s32 @!p2 $0x100, s8;
	s7 =	sadd.s32 @!p2 $0x100, s7;
	s9 =	sadd.s32 @p2 s6, s9  }
0x214: {  	[tilespmem:s22], [sflag:$0x1] =	stream.linear.gather @!p2 [hbm4b:s7+s21], $0x400, $0x38;
	[tilespmem:$0x17528] =	vst v63  }
0x215: {  	s8 =	smov.u32 @p2 s9  }
0x216: {  	[tilespmem:s10], [sflag:$0x1] =	stream.linear.gather [hbm4b:s8+s2], $0x400, $0x38;
	[tilespmem:$0x17528] =	vst v63  }
0x217: {  	s23 =	sadd.s32 $0x800, s23;
	s19 =	rddreg [dreg:$0x5];
	_ =	swait.ge [sflag:s11], $0x400  }
0x218: {  	p1 =	sne.s32 s23, $0x30800;
	s25 =	smov.u32 s28;
	[sflag:s11] =	ssyncset.done $0x0  }
0x219: {  	s28 =	sadd.s32 $0x100, s28;
	s9 =	smov.u32 s3;
	[sflag:s11] =	ssyncadd.s32 $0xFFFFFC00  }
0x21a: {  	s3 =	sadd.s32 $0x10, s3;
	s17 =	smov.u32 s4;
	_ =	swait.ge [sflag:s11], $0x400  }
0x21b: {  	s4 =	sadd.s32 $0x100, s4;
	p2 =	sgt.u32 s9, $0x61A7;
	[sflag:s11] =	ssyncset.done $0x0  }
0x21c: {  	s21 =	simm.s32 $0xC380;
	s7 =	sadd.s32 @!p2 s25, s13;
	[sflag:s11] =	ssyncadd.s32 $0xFFFFFC00  }
0x21d: {  	[tilespmem:s14], [sflag:$0x2] =	stream.indirect.gather [hbm4b:s19+s12], $0x8, s21, s12, $0xb8;
	[tilespmem:$0x17528] =	vst v63  }
0x21e: {  	s9 =	sadd.s32 @p2 s5, s30;
	s15 =	simm.s32 @p2 $0x0;
	_ =	swait.ge [sflag:s31], $0x2000  }
0x21f: {  	s5 =	sadd.s32 @!p2 $0x180, s7;
	s7 =	sadd.s32 @p2 $0xFFCF3800, s9;
	[sflag:s31] =	ssyncset.done $0x0  }
0x220: {  	s8 =	sadd.s32 @!p2 s17, s13;
	s9 =	sadd.s32 @p2 $0xFFCF6400, s9;
	[sflag:s31] =	ssyncadd.s32 $0xFFFFE000  }
0x221: {  	[spmem:s1] =	stream.indirect.scatter.add.f32 [tilespmem:s14], [sflag:$0x4], $0x8, s10, s12, $0xb8;
	[tilespmem:$0x17528] =	vst v63  }
.Ltmp3:
0x222: {  	s25 =	sadd.s32 @!p2 $0x180, s8;
	_ =	swait.ge [sflag:s20], $0x2000;
	(pc) =	sbr.rel @p1 .LBB2_8-.Ltmp3, $4  }
0x223: {  	s7 =	sshrl.u32 @p2 s7, $0x3;
	s8 =	simm.s32 @p2 $0xC780;
	[sflag:s20] =	ssyncset.done $0x0  }
0x224: {  	s9 =	sshrl.u32 @p2 s9, $0x3;
	s7 =	sadd.s32 @p2 s6, s7;
	[sflag:s20] =	ssyncadd.s32 $0xFFFFE000  }
0x225: {  	[tilespmem:s8], [sflag:$0x1] =	stream.linear.gather @p2 [hbm4b:s7+s15], $0x400, $0x38;
	[tilespmem:$0x17528] =	vst v63  }
0x226: {  	s22 =	simm.s32 @!p2 $0x0;
	s29 =	simm.s32 @!p2 $0xC780;
	s15 =	sadd.s32 @p2 s6, s9  }
0x227: {  	[tilespmem:s29], [sflag:$0x1] =	stream.linear.gather @!p2 [hbm4b:s5+s22], $0x400, $0x38;
	[tilespmem:$0x17528] =	vst v63  }
0x228: {  	s25 =	smov.u32 @p2 s15  }
0x229: {  	[tilespmem:s0], [sflag:$0x1] =	stream.linear.gather [hbm4b:s25+s2], $0x400, $0x38;
	[tilespmem:$0x17528] =	vst v63  }
0x22a: {  	_ =	swait.ge [sflag:s11], $0x400  }
0x22b: {  	[sflag:s11] =	ssyncset.done $0x0  }
0x22c: {  	[sflag:s11] =	ssyncadd.s32 $0xFFFFFC00  }
0x22d: {  	_ =	swait.ge [sflag:s11], $0x400  }
0x22e: {  	[sflag:s11] =	ssyncset.done $0x0  }
0x22f: {  	s3 =	simm.s32 $0xC780;
	[sflag:s11] =	ssyncadd.s32 $0xFFFFFC00  }
0x230: {  	[tilespmem:s18], [sflag:$0x3] =	stream.indirect.gather [hbm4b:s19+s12], $0x8, s3, s12, $0xb8;
	[tilespmem:$0x17528] =	vst v63  }
0x231: {  	_ =	swait.ge [sflag:s24], $0x2000  }
0x232: {  	[sflag:s24] =	ssyncset.done $0x0  }
0x233: {  	[sflag:s24] =	ssyncadd.s32 $0xFFFFE000  }
0x234: {  	[spmem:s1] =	stream.indirect.scatter.add.f32 [tilespmem:s18], [sflag:$0x5], $0x8, s0, s12, $0xb8;
	[tilespmem:$0x17528] =	vst v63  }
0x235: {  	_ =	swait.ge [sflag:s26], $0x2000  }
0x236: {  	[sflag:s26] =	ssyncset.done $0x0  }
0x237: {  	[sflag:s26] =	ssyncadd.s32 $0xFFFFE000  }
0x238: {  	_ =	swait.ge [sflag:s20], $0x2000  }
0x239: {  	[sflag:s20] =	ssyncset.done $0x0  }
0x23a: {  	[sflag:s20] =	ssyncadd.s32 $0xFFFFE000  }
0x23b: {  	[bflag:$0x0] =	sbarrier.arrive $0xFFFF  }
0x23c: {  	s23 =	rddreg [dreg:$0x11]  }
0x23d: {  	s4 =	rddreg [dreg:$0x1a]  }
0x23e: {  	s8 =	simm.s32 $0x6;
	s25 =	rddreg [dreg:$0x1b]  }
0x23f: {  	[hbm:s23], [sflag:s4] =	dma.local [spmem:s25], $0x1870  }
0x240: {  	_ =	swait.ge [sflag:s8], $0x1870  }
0x241: {  	s28 =	rddreg [dreg:$0x19]  }
0x242: {  	s29 =	rddreg [dreg:$0x14];
	s4 =	sadd.s32 $0x1, s28  }
0x243: {  	p1 =	sne.s32 s4, s29  }
.Ltmp4:
0x244: {  	_ = 	snop;
	(pc) =	sbr.rel @p1 .LBB2_1-.Ltmp4, $3  }
0x245: {  	_ =	sdelay $0x1  }
0x246: {  	[sflag:s8] =	ssyncset.done $0x0  }
0x247: {  	s17 =	smov.u32 s16;
	[sflag:s8] =	ssyncadd.s32 $0xFFFFE790  }
0x248: {  	_ =	sfence.sel $0x180000  }
0x249: {  	[bflag:$0x0] =	sbarrier.arrive $0xFFFF  }
0x24a: {  	_ =	strace $0x90000047  }
0x24b: {  	[bflag:$0x2] =	sbarrier.arrive $0xFFFF  }
0x24c: {  	s0 =	rddreg [dreg:$0x2]  }
0x24d: {  	s0 =	sadd.s32 @!p0 $0x100000, s0  }
0x24e: {  	[sflag:s0] =	ssyncadd.tile.s32 @!p0 $0x1;
	_ =	shalt  }
.Lfunc_end2:
_tile_overlayer_lowered:
.L_overlay_start_2:
0x24f: {  	(tag) =	ssettag $0x2  }
0x250: {  	s0 =	rddreg [dreg:$0x0];
	s2 =	stileid.u32  }
0x251: {  	s1 =	rddreg [dreg:$0x1];
	p0 =	sne.s32 s2, $0x0  }
0x252: {  	s3 =	rddreg [dreg:$0x2];
	[bflag:$0x3] =	sbarrier.arrive $0xFFFF;
	s2 =	simm.s32 @!p0 $0x1C06  }
0x253: {  	[timem:s3], [sflag:s2] =	dma.local @!p0 [hbm:s0], s1  }
0x254: {  	s0 =	simm.s32 @!p0 $0x6  }
0x255: {  	_ =	swait.ge @!p0 [sflag:s0], s1  }
0x256: {  	s1 =	ssub.s32 @!p0 $0x0, s1;
	[sflag:s0] =	ssyncset.done @!p0 $0x0  }
0x257: {  	[sflag:s0] =	ssyncadd.s32 @!p0 s1  }
0x258: {  	[bflag:$0x3] =	sbarrier.arrive $0xFFFF  }
0x259: {  	_ =	shalt  }

// kernel: kernel.9.cloned.1.call-start
scs
__scs_entry_jumppad:
0x0: {  	(pc) =	sbr.rel $0x88, $3  }
0x1: {  	(tag) =	ssettag $0x0;
	lr =	simm.s32 $0x1  }
0x2: {  	[smem:$0x3F8F] =	sst lr;
	_ =	strace $0xD0000000  }
0x3: {  	_ = 	snop  }
0x4: {  	_ = 	snop  }
0x5: {  	_ = 	snop  }
0x6: {  	_ = 	snop  }
0x7: {  	_ = 	snop  }
__scs_overlays_trampoline_lowered:
0x8: {  	[smem:$0x3F9E] =	sst s0  }
0x9: {  	[smem:$0x3F9F] =	sst s1  }
0xa: {  	[smem:$0x3FA0] =	sst s2  }
0xb: {  	[smem:$0x3FA1] =	sst s3  }
0xc: {  	[smem:$0x3FA2] =	sst s4  }
0xd: {  	[smem:$0x3FA3] =	sst s5  }
0xe: {  	[smem:$0x3FA4] =	sst s6  }
0xf: {  	[smem:$0x3FA5] =	sst s7  }
0x10: {  	[smem:$0x3FA6] =	sst s8  }
0x11: {  	[smem:$0x3FA7] =	sst s9;
	s0 =	simm.s32 @!p0 $0x0  }
0x12: {  	s1 =	sld [smem:$0x3F8D];
	s0 =	simm.s32 @p0 $0x1  }
0x13: {  	[smem:$0x3FA8] =	sst s0;
	s0 =	simm.s32 @!p1 $0x0  }
0x14: {  	s2 =	sld [smem:$0x3F8C];
	s0 =	simm.s32 @p1 $0x1  }
0x15: {  	[smem:$0x3FA9] =	sst s0;
	s0 =	simm.s32 @!p2 $0x0  }
0x16: {  	s3 =	sld [smem:$0x3FDB];
	s0 =	simm.s32 @p2 $0x1  }
0x17: {  	s4 =	simm.s32 $0x1BF5;
	[smem:$0x3FAB] =	sst s0  }
0x18: {  	s0 =	sld [smem:$0x3F8E];
	_ =	swait.ge [sflag:s4], $0x0  }
0x19: {  	s7 =	sld [smem:$0x3F8F]  }
0x1a: {  	s8 =	sadd.s32 $0xFFFFE003, lr  }
0x1b: {  	s9 =	sadd.s32 $0xFFFFFEF7, lr;
	s5 =	simm.s32 $0xFFFFFFFF;
	p2 =	slt.u32 s8, $0xFFFFF086  }
0x1c: {  	p1 =	slt.u32 s9, $0xF7A;
	s5 =	simm.s32 @!p2 $0x0  }
0x1d: {  	s5 =	simm.s32 @p1 $0x1;
	p0 =	seq.s32 s7, s2  }
0x1e: {  	s7 =	smul.u32 @!p0 $0xF7A, s2;
	p2 =	seq.s32 @!p0 s5, $0x0  }
0x1f: {  	s9 =	smul.u32 $0xF7A, s1;
	s8 =	simm.s32 @!p0 $0x1BF5;
	p2 =	por !p2, p0  }
0x20: {  	[sflag:s8] =	ssyncset.s32 @!p0 $0xFFFFF086;
	s6 =	sadd.s32 @!p0 s3, s7;
	s7 =	simm.s32 @!p0 $0x108  }
0x21: {  	s3 =	sadd.s32 s3, s9;
	s6 =	sadd.s32 @!p0 $0x88, s6;
	s7 =	simm.s32 @p2 $0x1082  }
0x22: {  	[simem:s7], [sflag:s8] =	dma.local @!p0 [hbm:s6], $0xF7A  }
0x23: {  	s9 =	sor.u32 $0xD0000000, s2;
	s6 =	simm.s32 $0x108;
	_ =	swait.ge @!p0 [sflag:s8], $0x0  }
0x24: {  	s3 =	sadd.s32 $0x88, s3;
	s6 =	simm.s32 @!p1 $0x1082;
	[sflag:s4] =	ssyncset.s32 $0xFFFFF086  }
0x25: {  	[simem:s6], [sflag:s4] =	dma.local [hbm:s3], $0xF7A  }
0x26: {  	[smem:$0x3F8F] =	sst s1;
	(tag) =	ssettag s2;
	_ =	strace s9  }
0x27: {  	s1 =	sld [smem:$0x3F9F]  }
0x28: {  	s2 =	sld [smem:$0x3FA0]  }
0x29: {  	s4 =	sld [smem:$0x3FA2]  }
0x2a: {  	p0 =	seq.s32 s5, $0x0;
	s5 =	sld [smem:$0x3FA3]  }
0x2b: {  	s6 =	sld [smem:$0x3FA4]  }
0x2c: {  	s7 =	sld [smem:$0x3FA5]  }
0x2d: {  	s3 =	simm.s32 $0x108;
	s8 =	sld [smem:$0x3FA6]  }
0x2e: {  	s3 =	simm.s32 @!p0 $0x1082;
	s9 =	sld [smem:$0x3FA7]  }
0x2f: {  	lr =	sadd.s32 s0, s3;
	s0 =	sld [smem:$0x3F9E]  }
0x30: {  	s3 =	sld [smem:$0x3FA1]  }
0x31: {  	[smem:$0x3FAA] =	sst s10  }
0x32: {  	s10 =	sld [smem:$0x3FA8];
	_ =	sdelay $0x3  }
0x33: {  	p0 =	seq.s32 s10, $0x1;
	s10 =	sld [smem:$0x3FAA];
	_ =	sdelay $0x3  }
0x34: {  	[smem:$0x3FAA] =	sst s10  }
0x35: {  	s10 =	sld [smem:$0x3FA9];
	_ =	sdelay $0x3  }
0x36: {  	p1 =	seq.s32 s10, $0x1;
	s10 =	sld [smem:$0x3FAA];
	_ =	sdelay $0x3  }
0x37: {  	[smem:$0x3FAA] =	sst s10  }
0x38: {  	s10 =	sld [smem:$0x3FAB]  }
0x39: {  	_ = 	snop;
	(pc) =	sbr.ind lr, $3  }
0x3a: {  	_ = 	snop  }
0x3b: {  	_ = 	snop  }
0x3c: {  	p2 =	seq.s32 s10, $0x1;
	s10 =	sld [smem:$0x3FAA]  }
0x3d: {  	_ =	shalt  }
0x3e: {  	_ =	shalt  }
0x3f: {  	_ =	shalt  }
0x40: {  	_ =	shalt  }
0x41: {  	_ =	shalt  }
0x42: {  	_ =	shalt  }
0x43: {  	_ =	shalt  }
0x44: {  	_ =	shalt  }
0x45: {  	_ =	shalt  }
0x46: {  	_ =	shalt  }
0x47: {  	_ =	shalt  }
0x48: {  	_ =	shalt  }
0x49: {  	_ =	shalt  }
0x4a: {  	_ =	shalt  }
0x4b: {  	_ =	shalt  }
0x4c: {  	_ =	shalt  }
0x4d: {  	_ =	shalt  }
0x4e: {  	_ =	shalt  }
0x4f: {  	_ =	shalt  }
0x50: {  	_ =	shalt  }
0x51: {  	_ =	shalt  }
0x52: {  	_ =	shalt  }
0x53: {  	_ =	shalt  }
0x54: {  	_ =	shalt  }
0x55: {  	_ =	shalt  }
0x56: {  	_ =	shalt  }
0x57: {  	_ =	shalt  }
0x58: {  	_ =	shalt  }
0x59: {  	_ =	shalt  }
0x5a: {  	_ =	shalt  }
0x5b: {  	_ =	shalt  }
0x5c: {  	_ =	shalt  }
0x5d: {  	_ =	shalt  }
0x5e: {  	_ =	shalt  }
0x5f: {  	_ =	shalt  }
0x60: {  	_ =	shalt  }
0x61: {  	_ =	shalt  }
0x62: {  	_ =	shalt  }
0x63: {  	_ =	shalt  }
0x64: {  	_ =	shalt  }
0x65: {  	_ =	shalt  }
0x66: {  	_ =	shalt  }
0x67: {  	_ =	shalt  }
0x68: {  	_ =	shalt  }
0x69: {  	_ =	shalt  }
0x6a: {  	_ =	shalt  }
0x6b: {  	_ =	shalt  }
0x6c: {  	_ =	shalt  }
0x6d: {  	_ =	shalt  }
0x6e: {  	_ =	shalt  }
0x6f: {  	_ =	shalt  }
0x70: {  	_ =	shalt  }
0x71: {  	_ =	shalt  }
0x72: {  	_ =	shalt  }
0x73: {  	_ =	shalt  }
0x74: {  	_ =	shalt  }
0x75: {  	_ =	shalt  }
0x76: {  	_ =	shalt  }
0x77: {  	_ =	shalt  }
0x78: {  	_ =	shalt  }
0x79: {  	_ =	shalt  }
0x7a: {  	_ =	shalt  }
0x7b: {  	_ =	shalt  }
0x7c: {  	_ =	shalt  }
0x7d: {  	_ =	shalt  }
0x7e: {  	_ =	shalt  }
0x7f: {  	_ =	shalt  }
0x80: {  	_ =	shalt  }
0x81: {  	_ =	shalt  }
0x82: {  	_ =	shalt  }
0x83: {  	_ =	shalt  }
0x84: {  	_ =	shalt  }
0x85: {  	_ =	shalt  }
0x86: {  	_ =	shalt  }
0x87: {  	_ =	shalt  }
.Lfunc_end0:
.L_simem_size_0:
called_computation.1_lowered:
.L_overlay_start_0:
0x88: {  	s2 =	sld [smem:$0x3FD9]  }
0x89: {  	s3 =	sld [smem:$0x3FFE];
	_ =	sdelay $0x1  }
0x8a: {  	s1 =	srdreg.scid  }
0x8b: {  	s0 =	sand.u32 $0x1, s1  }
0x8c: {  	s17 =	sshll.u32 s0, $0xA;
	s2 =	sadd.s32 s3, s2  }
0x8d: {  	s2 =	sadd.s32 s2, s17  }
0x8e: {  	[smem:$0x3FB6] =	sst s2  }
0x8f: {  	_ = 	snop  }
0x90: {  	s18 =	sld [smem:$0x3FD0];
	(tm) =	ssettm $0x1  }
0x91: {  	s19 =	sld [smem:$0x3FFB];
	_ =	sdelay $0x3  }
0x92: {  	_ =	strace s19  }
0x93: {  	s2 =	sld [smem:$0x3FFC];
	_ =	sdelay $0x3  }
0x94: {  	_ =	strace s2  }
0x95: {  	s2 =	sld [smem:$0x3FFD];
	_ =	sdelay $0x3  }
0x96: {  	_ =	strace s2  }
0x97: {  	_ =	strace $0x8FFFFFFF  }
0x98: {  	s20 =	sld [smem:$0x3FDB];
	_ =	sdelay $0x1  }
0x99: {  	s4 =	simm.s32 $_scs_section_size  }
0x9a: {  	s5 =	simm.s32 $_size__tile_overlayer_lowered;
	s6 =	simm.s32 $_tile_overlayer_lowered  }
0x9b: {  	s7 =	simm.s32 $0x1BFF;
	s21 =	sshll.u32 s6, $0x1;
	s4 =	sadd.s32 s4, s20  }
0x9c: {  	s22 =	simm.s32 $0x0;
	s5 =	sshll.u32 s5, $0x1;
	s6 =	sadd.s32 s21, s4  }
0x9d: {  	[timem:s22], [sflag:s7] =	dma.local [hbm:s6], s5  }
0x9e: {  	_ =	swait.ge [sflag:s7], s5  }
0x9f: {  	s5 =	ssub.s32 $0x0, s5;
	[sflag:s7] =	ssyncset.done $0x0  }
0xa0: {  	[sflag:s7] =	ssyncadd.s32 s5;
	_ =	sdelay $0x1  }
0xa1: {  	s23 =	simm.s32 $0x1B8B  }
0xa2: {  	_ =	swait.ge [sflag:s23], $0x1  }
0xa3: {  	[sflag:s23] =	ssyncset.done $0x0  }
0xa4: {  	[sflag:s23] =	ssyncadd.s32 $0xFFFFFFFF  }
0xa5: {  	s5 =	sld [smem:$0x0]  }
0xa6: {  	s6 =	sand.u32 $0xFFFFFFFE, s1  }
0xa7: {  	p0 =	sne.s32 s1, s6  }
0xa8: {  	s6 =	sshll.u32 @p0 s6, $0xE  }
0xa9: {  	s6 =	sadd.s32 @p0 $0x11B8D, s6;
	s7 =	sshll.u32 @p0 s5, $0x11  }
0xaa: {  	s6 =	sor.u32 @p0 s7, s6  }
0xab: {  	[sflag:s6] =	ssyncadd.remote.s32 @p0 $0x1;
	_ =	sdelay $0x1  }
0xac: {  	s6 =	simm.s32 @p0 $0x1B8D  }
0xad: {  	_ =	swait.eq @p0 [sflag:s6], $0x1  }
0xae: {  	[sflag:s6] =	ssyncadd.s32 @p0 $0xFFFFFFFF  }
0xaf: {  	s7 =	sshll.u32 @!p0 s1, $0xE  }
0xb0: {  	s7 =	sor.u32 @!p0 $0x4000, s7;
	s6 =	simm.s32 @!p0 $0x1B8D  }
0xb1: {  	s5 =	sshll.u32 @!p0 s5, $0x11;
	s7 =	sadd.s32 @!p0 $0x11B8D, s7;
	_ =	swait.eq @!p0 [sflag:s6], $0x1  }
0xb2: {  	s5 =	sor.u32 @!p0 s5, s7;
	[sflag:s6] =	ssyncadd.s32 @!p0 $0xFFFFFFFF  }
0xb3: {  	s25 =	simm.s32 $0x1B8E;
	s24 =	sld [smem:$0x3FFE];
	[sflag:s5] =	ssyncadd.remote.s32 @!p0 $0x1  }
0xb4: {  	s26 =	simm.s32 $execute0_lowered;
	[smem:$0x3FD2] =	sst s25  }
0xb5: {  	s6 =	sshll.u32 s26, $0x1;
	_ =	strace $0x80000049;
	[dreg:$0x1] =	wrdreg $0xFFFFFFFF  }
0xb6: {  	s28 =	simm.s32 $_size_execute0_lowered;
	s4 =	sadd.s32 s4, s6;
	[dreg:$0x0] =	wrdreg $0x0  }
0xb7: {  	s6 =	sshll.u32 s28, $0x1;
	[dreg:$0x2] =	wrdreg s4  }
0xb8: {  	[dreg:$0x3] =	wrdreg s6  }
0xb9: {  	[dreg:$0x4] =	wrdreg $0xC0  }
0xba: {  	_ =	task [dreg:s22], $0x5FFFF  }
0xbb: {  	[dreg:$0x1] =	wrdreg $0xFFFFFFFF  }
0xbc: {  	[dreg:$0x0] =	wrdreg $0x60  }
0xbd: {  	[dreg:$0x2] =	wrdreg s24  }
0xbe: {  	[dreg:$0x3] =	wrdreg s18  }
0xbf: {  	[dreg:$0x4] =	wrdreg $0x0  }
0xc0: {  	[dreg:$0x5] =	wrdreg $0xA  }
0xc1: {  	_ =	task.clear_ibuf [dreg:s22], $0x6FFFF;
	_ =	strace $0x90000049  }
0xc2: {  	s29 =	simm.s32 $0xA;
	_ =	strace $0x8000004B  }
0xc3: {  	_ =	swait.ge [sflag:s29], $0x1  }
0xc4: {  	[sflag:s29] =	ssyncadd.s32 $0xFFFFFFFF  }
0xc5: {  	_ =	strace $0x9000004B  }
0xc6: {  	_ =	sfence  }
0xc7: {  	s30 =	sld [smem:$0x0];
	_ =	sdelay $0x2  }
0xc8: {  	s31 =	sshll.u32 s1, $0xD;
	s1 =	sshrl.u32 s1, $0x2  }
0xc9: {  	s4 =	sand.u32 $0x4000, s31;
	s1 =	sadd.s32 s1, s30  }
0xca: {  	s0 =	sor.u32 s4, s0;
	s1 =	sshll.u32 s1, $0x11  }
0xcb: {  	s0 =	sor.u32 s1, s0  }
0xcc: {  	s0 =	sadd.s32 $0x8F2B, s0  }
0xcd: {  	[sflag:s0] =	ssyncadd.remote.s32 $0x1  }
0xce: {  	_ =	sfence.sel $0xFFFF  }
0xcf: {  	[dreg:$0x0] =	wrdreg $0xFFFFFFFF;
	(pc) =	sbr.abs _section_cstart, $3  }
0xd0: {  	[dreg:$0x1] =	wrdreg $0xFFFFFFFF  }
0xd1: {  	_ =	task.clear_ibuf [dreg:s22], $0x2FFFF;
	_ =	strace $0x9FFFFFFF  }
0xd2: {  	(tm) =	ssettm $0x7FFFFFFF  }
0xd3: {  	_ =	shalt  }
tec
execute0_lowered:
.L_overlay_start_1:
0x0: {  	(tag) =	ssettag $0x1  }
0x1: {  	s0 =	rddreg [dreg:$0x0]  }
0x2: {  	s2 =	rddreg [dreg:$0x1]  }
0x3: {  	s1 =	rddreg [dreg:$0x2];
	s3 =	simm.s32 $0x0  }
0x4: {  	s4 =	srdreg.scid;
	s29 =	simm.s32 $0xD380;
	s31 =	simm.s32 $0x400  }
0x5: {  	[smem:$0x7FF] =	sst s3;
	s3 =	stileid.u32;
	s7 =	sadd.s32 $0x342EE00, s0  }
0x6: {  	s11 =	sand.u32 $0x1, s4;
	s20 =	sadd.s32 $0x64E00, s0;
	s9 =	smul.u32 $0xC380, s3  }
0x7: {  	s5 =	sadd.s32 $0x3200, s0;
	s6 =	sadd.s32 $0x296A00, s0;
	s13 =	smul.u32 $0x620, s3  }
0x8: {  	_ =	strace $0x8000004A;
	s8 =	ssub.s32 $0x2, s11;
	s23 =	smul.u32 $0x62000, s3  }
0x9: {  	s22 =	sshll.u32 s3, $0x6;
	s15 =	smul.u32 $0xC3800, s11;
	[dreg:$0x4] =	wrdreg s20  }
0xa: {  	s25 =	sadd.s32 s7, s11;
	[dreg:$0x5] =	wrdreg s5;
	s19 =	smul.u32 $0x31000, s3  }
0xb: {  	p0 =	seq.s32 s3, $0xF;
	s12 =	sshrl.u32 s8, $0x1;
	s10 =	sshrl.u32 s9, $0x3  }
0xc: {  	s12 =	ssub.s32 s8, s12;
	s21 =	sadd.s32 s9, s1;
	s8 =	smul.u32 $0x6200, s3  }
0xd: {  	s24 =	sor.u32 $0x8, s13;
	s18 =	sadd.s32 s23, s25;
	[dreg:$0x6] =	wrdreg s21  }
0xe: {  	s9 =	sadd.s32 s9, s15;
	[dreg:$0xb] =	wrdreg s18;
	s30 =	smax.u32 s12, $0x1  }
0xf: {  	s0 =	sadd.s32 s10, s0;
	s10 =	sor.u32 $0x1C06, s22;
	[dreg:$0x10] =	wrdreg s30  }
0x10: {  	s17 =	sshll.u32 s24, $0x4;
	s0 =	sadd.s32 $0x27E200, s0;
	[dreg:$0x8] =	wrdreg s10  }
0x11: {  	s9 =	sshrl.u32 s9, $0x3;
	s14 =	sadd.s32 s20, s8;
	[dreg:$0x7] =	wrdreg s0  }
0x12: {  	s21 =	sor.u32 $0x18, s13;
	s16 =	sadd.s32 s5, s8;
	[dreg:$0x9] =	wrdreg s14  }
0x13: {  	s12 =	simm.s32 $0x0;
	s4 =	sadd.s32 s20, s17;
	[dreg:$0xa] =	wrdreg s16  }
0x14: {  	s26 =	sadd.s32 s5, s17;
	s2 =	sadd.s32 s2, s9;
	[dreg:$0xc] =	wrdreg s4  }
0x15: {  	s9 =	simm.s32 $0x4;
	[dreg:$0xd] =	wrdreg s26;
	s14 =	sshll.u32 s24, $0x8  }
0x16: {  	[dreg:$0xf] =	wrdreg s2;
	s0 =	sadd.s32 s23, s7;
	s4 =	simm.s32 $0x6  }
0x17: {  	s23 =	simm.s32 $0xC380;
	s24 =	simm.s32 $0xCB80;
	s2 =	simm.s32 $0xCF80  }
0x18: {  	s7 =	simm.s32 $0xF380;
	s28 =	sadd.s32 s14, s25;
	s0 =	sadd.s32 s11, s0  }
0x19: {  	s25 =	simm.s32 $0x1;
	[dreg:$0xe] =	wrdreg s28;
	s0 =	sadd.s32 $0x1800, s0  }
0x1a: {  	s11 =	simm.s32 $0x5;
	[dreg:$0x11] =	wrdreg s0;
	s0 =	simm.s32 $0xC780  }
.LBB2_1:
0x1b: {  	s3 =	rddreg [dreg:$0x6]  }
0x1c: {  	s22 =	rddreg [dreg:$0x7];
	s13 =	sshrl.u32 s3, $0x3  }
0x1d: {  	[spmem:s13], [sflag:s10] =	dma.local [hbm:s22], $0x1870  }
0x1e: {  	_ =	swait.ge [sflag:s4], $0x1870  }
0x1f: {  	[sflag:s4] =	ssyncset.done $0x0  }
0x20: {  	[sflag:s4] =	ssyncadd.s32 $0xFFFFE790  }
0x21: {  	[bflag:$0x0] =	sbarrier.arrive $0xFFFF  }
0x22: {  	s26 =	simm.s32 $0x0;
	s10 =	rddreg [dreg:$0x9]  }
0x23: {  	[tilespmem:s23], [sflag:$0x1] =	stream.linear.gather [hbm4b:s10+s26], $0x400, $0x38;
	[tilespmem:$0x11380] =	vst v63  }
0x24: {  	s14 =	rddreg [dreg:$0xa]  }
0x25: {  	[tilespmem:s24], [sflag:$0x1] =	stream.linear.gather [hbm4b:s14+s26], $0x400, $0x38;
	[tilespmem:$0x11380] =	vst v63  }
0x26: {  	_ =	swait.ge [sflag:s25], $0x400  }
0x27: {  	[sflag:s25] =	ssyncset.done $0x0  }
0x28: {  	[sflag:s25] =	ssyncadd.s32 $0xFFFFFC00  }
0x29: {  	_ =	swait.ge [sflag:s25], $0x400  }
0x2a: {  	s5 =	simm.s32 $0x8;
	s16 =	simm.s32 $0x10;
	[sflag:s25] =	ssyncset.done $0x0  }
0x2b: {  	s17 =	simm.s32 $0x2;
	s15 =	rddreg [dreg:$0xb];
	[sflag:s25] =	ssyncadd.s32 $0xFFFFFC00  }
0x2c: {  	[tilespmem:s29], [sflag:$0x2] =	stream.strided.gather [hbm4b:s15+s5], $0x2000, s16, s5, $0x38;
	[tilespmem:$0x11380] =	vst v63  }
0x2d: {  	_ =	swait.ge [sflag:s17], $0x2000  }
0x2e: {  	[sflag:s17] =	ssyncset.done $0x0  }
0x2f: {  	[sflag:s17] =	ssyncadd.s32 $0xFFFFE000  }
0x30: {  	[spmem:s1] =	stream.indirect.scatter.add.f32 [tilespmem:s29], [sflag:$0x4], $0x8, s23, s31, $0xb8;
	[tilespmem:$0x11380] =	vst v63  }
0x31: {  	_ = 	snop  }
0x32: {  	[spmem:s1] =	stream.indirect.scatter.add.f32 [tilespmem:s29], [sflag:$0x4], $0x8, s24, s31, $0xb8;
	[tilespmem:$0x11380] =	vst v63  }
0x33: {  	s18 =	rddreg [dreg:$0xc]  }
0x34: {  	[tilespmem:s0], [sflag:$0x1] =	stream.linear.gather [hbm4b:s18+s26], $0x400, $0x38;
	[tilespmem:$0x11380] =	vst v63  }
0x35: {  	s20 =	rddreg [dreg:$0xd]  }
0x36: {  	[tilespmem:s2], [sflag:$0x1] =	stream.linear.gather [hbm4b:s20+s26], $0x400, $0x38;
	[tilespmem:$0x11380] =	vst v63  }
0x37: {  	_ =	swait.ge [sflag:s25], $0x400  }
0x38: {  	[sflag:s25] =	ssyncset.done $0x0  }
0x39: {  	[sflag:s25] =	ssyncadd.s32 $0xFFFFFC00  }
0x3a: {  	s14 =	sadd.s32 $0xFFFFFFF0, s21;
	_ =	swait.ge [sflag:s25], $0x400  }
0x3b: {  	p1 =	sgt.u32 s14, $0x61A7;
	[sflag:s25] =	ssyncset.done $0x0  }
0x3c: {  	s14 =	simm.s32 @!p1 $0x3;
	s22 =	rddreg [dreg:$0xe];
	[sflag:s25] =	ssyncadd.s32 $0xFFFFFC00  }
0x3d: {  	[tilespmem:s7], [sflag:$0x3] =	stream.strided.gather [hbm4b:s22+s5], $0x2000, s16, s5, $0x38;
	[tilespmem:$0x11380] =	vst v63  }
0x3e: {  	_ =	swait.ge @!p1 [sflag:s14], $0x2000  }
0x3f: {  	[sflag:s14] =	ssyncset.done @!p1 $0x0  }
0x40: {  	[sflag:s14] =	ssyncadd.s32 @!p1 $0xFFFFE000  }
0x41: {  	[spmem:s1] =	stream.indirect.scatter.add.f32 [tilespmem:s7], [sflag:$0x5], $0x8, s0, s31, $0xb8;
	[tilespmem:$0x11380] =	vst v63  }
0x42: {  	_ = 	snop  }
0x43: {  	[spmem:s1] =	stream.indirect.scatter.add.f32 [tilespmem:s7], [sflag:$0x5], $0x8, s2, s31, $0xb8;
	[tilespmem:$0x11380] =	vst v63  }
0x44: {  	_ =	swait.ge [sflag:s9], $0x2000  }
0x45: {  	[sflag:s9] =	ssyncset.done $0x0  }
0x46: {  	s26 =	sadd.s32 $0xFFFFFFF8, s21;
	[sflag:s9] =	ssyncadd.s32 $0xFFFFE000  }
0x47: {  	p1 =	slt.u32 s26, $0x61A8;
	_ =	swait.ge [sflag:s9], $0x2000  }
0x48: {  	s15 =	simm.s32 @p1 $0x0;
	s3 =	rddreg [dreg:$0x4]  }
0x49: {  	s16 =	simm.s32 @p1 $0xC380;
	[sflag:s9] =	ssyncset.done $0x0;
	s14 =	sadd.s32 @p1 s3, s8  }
0x4a: {  	s4 =	rddreg [dreg:$0x5];
	[sflag:s9] =	ssyncadd.s32 $0xFFFFE000;
	s14 =	sadd.s32 @p1 $0x100, s14  }
0x4b: {  	[tilespmem:s16], [sflag:$0x1] =	stream.linear.gather @p1 [hbm4b:s14+s15], $0x400, $0x38;
	[tilespmem:$0x11380] =	vst v63  }
0x4c: {  	s14 =	sadd.s32 @p1 s4, s8  }
0x4d: {  	s17 =	simm.s32 @p1 $0x1;
	s16 =	simm.s32 @p1 $0xCB80;
	s14 =	sadd.s32 @p1 $0x100, s14  }
0x4e: {  	[tilespmem:s16], [sflag:$0x1] =	stream.linear.gather @p1 [hbm4b:s14+s15], $0x400, $0x38;
	[tilespmem:$0x11380] =	vst v63  }
0x4f: {  	_ =	swait.ge @p1 [sflag:s17], $0x400  }
0x50: {  	[sflag:s17] =	ssyncset.done @p1 $0x0  }
0x51: {  	s18 =	simm.s32 @p1 $0xD380;
	s28 =	simm.s32 @p1 $0x8;
	[sflag:s17] =	ssyncadd.s32 @p1 $0xFFFFFC00  }
0x52: {  	s14 =	sadd.s32 @!p1 $0x0, s19;
	s16 =	simm.s32 @p1 $0x10;
	_ =	swait.ge @p1 [sflag:s17], $0x400  }
0x53: {  	s15 =	sadd.s32 @!p1 $0xFFCF3400, s14;
	[sflag:s17] =	ssyncset.done @p1 $0x0;
	s5 =	rddreg [dreg:$0x11]  }
0x54: {  	s26 =	sadd.s32 @p1 $0xFFFFF800, s5;
	[sflag:s17] =	ssyncadd.s32 @p1 $0xFFFFFC00;
	s17 =	simm.s32 @p1 $0x2  }
0x55: {  	[tilespmem:s18], [sflag:$0x2] =	stream.strided.gather @p1 [hbm4b:s26+s28], $0x2000, s16, s28, $0x38;
	[tilespmem:$0x11380] =	vst v63  }
0x56: {  	s14 =	sadd.s32 @!p1 $0xFFCF6000, s14;
	s15 =	sshrl.u32 @!p1 s15, $0x3;
	_ =	swait.ge @p1 [sflag:s17], $0x2000  }
0x57: {  	s14 =	sshrl.u32 @!p1 s14, $0x3;
	s15 =	sadd.s32 @!p1 s6, s15;
	[sflag:s17] =	ssyncset.done @p1 $0x0  }
0x58: {  	s16 =	simm.s32 @!p1 $0x0;
	s18 =	simm.s32 @!p1 $0xC380;
	[sflag:s17] =	ssyncadd.s32 @p1 $0xFFFFE000  }
0x59: {  	[tilespmem:s18], [sflag:$0x1] =	stream.linear.gather @!p1 [hbm4b:s15+s16], $0x400, $0x38;
	[tilespmem:$0x11380] =	vst v63  }
0x5a: {  	s14 =	sadd.s32 @!p1 s6, s14;
	s17 =	simm.s32 @!p1 $0x1;
	s15 =	simm.s32 @!p1 $0xCB80  }
0x5b: {  	[tilespmem:s15], [sflag:$0x1] =	stream.linear.gather @!p1 [hbm4b:s14+s16], $0x400, $0x38;
	[tilespmem:$0x11380] =	vst v63  }
0x5c: {  	_ =	swait.ge @!p1 [sflag:s17], $0x400  }
0x5d: {  	[sflag:s17] =	ssyncset.done @!p1 $0x0  }
0x5e: {  	[sflag:s17] =	ssyncadd.s32 @!p1 $0xFFFFFC00  }
0x5f: {  	_ =	swait.ge @!p1 [sflag:s17], $0x400  }
0x60: {  	[sflag:s17] =	ssyncset.done @!p1 $0x0  }
0x61: {  	[sflag:s17] =	ssyncadd.s32 @!p1 $0xFFFFFC00  }
0x62: {  	[spmem:s1] =	stream.indirect.scatter.add.f32 [tilespmem:s29], [sflag:$0x4], $0x8, s23, s31, $0xb8;
	[tilespmem:$0x11380] =	vst v63  }
0x63: {  	_ = 	snop  }
0x64: {  	[spmem:s1] =	stream.indirect.scatter.add.f32 [tilespmem:s29], [sflag:$0x4], $0x8, s24, s31, $0xb8;
	[tilespmem:$0x11380] =	vst v63  }
0x65: {  	_ =	swait.ge [sflag:s11], $0x2000  }
0x66: {  	[sflag:s11] =	ssyncset.done $0x0  }
0x67: {  	p2 =	slt.u32 s21, $0x61A8;
	[sflag:s11] =	ssyncadd.s32 $0xFFFFE000  }
0x68: {  	s14 =	sadd.s32 @p2 s3, s8;
	_ =	swait.ge [sflag:s11], $0x2000  }
0x69: {  	s15 =	simm.s32 @p2 $0xC780;
	s16 =	simm.s32 @p2 $0x0;
	[sflag:s11] =	ssyncset.done $0x0  }
0x6a: {  	s14 =	sadd.s32 @p2 $0x180, s14;
	s17 =	sadd.s32 @p2 s4, s8;
	[sflag:s11] =	ssyncadd.s32 $0xFFFFE000  }
0x6b: {  	[tilespmem:s15], [sflag:$0x1] =	stream.linear.gather @p2 [hbm4b:s14+s16], $0x400, $0x38;
	[tilespmem:$0x11380] =	vst v63  }
0x6c: {  	s14 =	simm.s32 @p2 $0xCF80;
	s15 =	sadd.s32 @p2 $0x180, s17;
	s17 =	simm.s32 @p2 $0x1  }
0x6d: {  	[tilespmem:s14], [sflag:$0x1] =	stream.linear.gather @p2 [hbm4b:s15+s16], $0x400, $0x38;
	[tilespmem:$0x11380] =	vst v63  }
0x6e: {  	_ =	swait.ge @p2 [sflag:s17], $0x400  }
0x6f: {  	[sflag:s17] =	ssyncset.done @p2 $0x0  }
0x70: {  	s26 =	simm.s32 @p2 $0x10;
	s18 =	simm.s32 @p2 $0x8;
	[sflag:s17] =	ssyncadd.s32 @p2 $0xFFFFFC00  }
0x71: {  	s14 =	sadd.s32 @!p2 $0x0, s19;
	s16 =	simm.s32 @p2 $0xF380;
	_ =	swait.ge @p2 [sflag:s17], $0x400  }
0x72: {  	s15 =	sadd.s32 @!p2 $0xFFCF3800, s14;
	s14 =	sadd.s32 @!p2 $0xFFCF6400, s14;
	[sflag:s17] =	ssyncset.done @p2 $0x0  }
0x73: {  	s15 =	sshrl.u32 @!p2 s15, $0x3;
	s14 =	sshrl.u32 @!p2 s14, $0x3;
	[sflag:s17] =	ssyncadd.s32 @p2 $0xFFFFFC00  }
0x74: {  	[tilespmem:s16], [sflag:$0x3] =	stream.strided.gather @p2 [hbm4b:s5+s18], $0x2000, s26, s18, $0x38;
	[tilespmem:$0x11380] =	vst v63  }
0x75: {  	s15 =	sadd.s32 @!p2 s6, s15;
	s17 =	simm.s32 @!p2 $0xC780;
	s16 =	simm.s32 @!p2 $0x0  }
0x76: {  	[tilespmem:s17], [sflag:$0x1] =	stream.linear.gather @!p2 [hbm4b:s15+s16], $0x400, $0x38;
	[tilespmem:$0x11380] =	vst v63  }
0x77: {  	s30 =	simm.s32 @!p2 $0x1;
	s14 =	sadd.s32 @!p2 s6, s14;
	s15 =	simm.s32 @!p2 $0xCF80  }
0x78: {  	[tilespmem:s15], [sflag:$0x1] =	stream.linear.gather @!p2 [hbm4b:s14+s16], $0x400, $0x38;
	[tilespmem:$0x11380] =	vst v63  }
0x79: {  	s18 =	sadd.s32 $0x10, s21;
	_ =	swait.ge @!p2 [sflag:s30], $0x400  }
0x7a: {  	s26 =	simm.s32 $0x1000;
	s28 =	sadd.s32 $0xFFFFFFF0, s18;
	[sflag:s30] =	ssyncset.done @!p2 $0x0  }
0x7b: {  	s17 =	sadd.s32 $0x100, s3;
	s15 =	simm.s32 $0x800;
	[sflag:s30] =	ssyncadd.s32 @!p2 $0xFFFFFC00  }
0x7c: {  	s14 =	sadd.s32 $0x1000, s5;
	s16 =	sadd.s32 $0x100, s4;
	_ =	swait.ge @!p2 [sflag:s30], $0x400  }
.LBB2_2:
0x7d: {  	p3 =	sgt.u32 s28, $0x61A7  }
0x7e: {  	[sflag:s30] =	ssyncset.done @!p2 $0x0;
	s28 =	smov.u32 s26;
	s26 =	sadd.s32 $0x800, s26  }
0x7f: {  	p1 =	sne.s32 s26, $0x30800;
	s3 =	simm.s32 @!p3 $0x3;
	[sflag:s30] =	ssyncadd.s32 @!p2 $0xFFFFFC00  }
0x80: {  	_ =	swait.ge @!p3 [sflag:s3], $0x2000  }
0x81: {  	[sflag:s3] =	ssyncset.done @!p3 $0x0  }
0x82: {  	[sflag:s3] =	ssyncadd.s32 @!p3 $0xFFFFE000  }
0x83: {  	[spmem:s1] =	stream.indirect.scatter.add.f32 [tilespmem:s7], [sflag:$0x5], $0x8, s0, s31, $0xb8;
	[tilespmem:$0x11380] =	vst v63  }
0x84: {  	_ = 	snop  }
0x85: {  	[spmem:s1] =	stream.indirect.scatter.add.f32 [tilespmem:s7], [sflag:$0x5], $0x8, s2, s31, $0xb8;
	[tilespmem:$0x11380] =	vst v63  }
0x86: {  	_ =	swait.ge [sflag:s9], $0x2000  }
0x87: {  	[sflag:s9] =	ssyncset.done $0x0  }
0x88: {  	s3 =	sadd.s32 $0xFFFFFFF8, s18;
	[sflag:s9] =	ssyncadd.s32 $0xFFFFE000  }
0x89: {  	p2 =	slt.u32 s3, $0x61A8;
	_ =	swait.ge [sflag:s9], $0x2000  }
0x8a: {  	s3 =	sadd.s32 @p2 s17, s8;
	s30 =	simm.s32 @p2 $0x0;
	[sflag:s9] =	ssyncset.done $0x0  }
0x8b: {  	s10 =	simm.s32 @p2 $0xC380;
	s3 =	sadd.s32 @p2 $0x100, s3;
	[sflag:s9] =	ssyncadd.s32 $0xFFFFE000  }
0x8c: {  	[tilespmem:s10], [sflag:$0x1] =	stream.linear.gather @p2 [hbm4b:s3+s30], $0x400, $0x38;
	[tilespmem:$0x11380] =	vst v63  }
0x8d: {  	s4 =	sadd.s32 @!p2 s15, s19;
	s3 =	sadd.s32 @p2 s16, s8;
	s10 =	simm.s32 @p2 $0xCB80  }
0x8e: {  	s5 =	simm.s32 @p2 $0x1;
	s22 =	sadd.s32 @!p2 $0xFFCF3400, s4;
	s3 =	sadd.s32 @p2 $0x100, s3  }
0x8f: {  	[tilespmem:s10], [sflag:$0x1] =	stream.linear.gather @p2 [hbm4b:s3+s30], $0x400, $0x38;
	[tilespmem:$0x11380] =	vst v63  }
0x90: {  	s4 =	sadd.s32 @!p2 $0xFFCF6000, s4;
	s3 =	sshrl.u32 @!p2 s22, $0x3;
	_ =	swait.ge @p2 [sflag:s5], $0x400  }
0x91: {  	s4 =	sshrl.u32 @!p2 s4, $0x3;
	s3 =	sadd.s32 @!p2 s6, s3;
	[sflag:s5] =	ssyncset.done @p2 $0x0  }
0x92: {  	s4 =	sadd.s32 @!p2 s6, s4;
	[sflag:s5] =	ssyncadd.s32 @p2 $0xFFFFFC00  }
0x93: {  	s10 =	simm.s32 @p2 $0x10;
	s22 =	simm.s32 @p2 $0xD380;
	_ =	swait.ge @p2 [sflag:s5], $0x400  }
0x94: {  	s20 =	simm.s32 @p2 $0x8;
	s30 =	sadd.s32 @p2 $0xFFFFF800, s14;
	[sflag:s5] =	ssyncset.done @p2 $0x0  }
0x95: {  	[sflag:s5] =	ssyncadd.s32 @p2 $0xFFFFFC00;
	s5 =	simm.s32 @p2 $0x2  }
0x96: {  	[tilespmem:s22], [sflag:$0x2] =	stream.strided.gather @p2 [hbm4b:s30+s20], $0x2000, s10, s20, $0x38;
	[tilespmem:$0x11380] =	vst v63  }
0x97: {  	_ =	swait.ge @p2 [sflag:s5], $0x2000  }
0x98: {  	s10 =	simm.s32 @!p2 $0x0;
	s20 =	simm.s32 @!p2 $0xC380;
	[sflag:s5] =	ssyncset.done @p2 $0x0  }
0x99: {  	[sflag:s5] =	ssyncadd.s32 @p2 $0xFFFFE000;
	s5 =	simm.s32 @!p2 $0xCB80  }
0x9a: {  	[tilespmem:s20], [sflag:$0x1] =	stream.linear.gather @!p2 [hbm4b:s3+s10], $0x400, $0x38;
	[tilespmem:$0x11380] =	vst v63  }
0x9b: {  	s3 =	simm.s32 @!p2 $0x1  }
0x9c: {  	[tilespmem:s5], [sflag:$0x1] =	stream.linear.gather @!p2 [hbm4b:s4+s10], $0x400, $0x38;
	[tilespmem:$0x11380] =	vst v63  }
0x9d: {  	_ =	swait.ge @!p2 [sflag:s3], $0x400  }
0x9e: {  	[sflag:s3] =	ssyncset.done @!p2 $0x0  }
0x9f: {  	[sflag:s3] =	ssyncadd.s32 @!p2 $0xFFFFFC00  }
0xa0: {  	_ =	swait.ge @!p2 [sflag:s3], $0x400  }
0xa1: {  	[sflag:s3] =	ssyncset.done @!p2 $0x0  }
0xa2: {  	[sflag:s3] =	ssyncadd.s32 @!p2 $0xFFFFFC00  }
0xa3: {  	[spmem:s1] =	stream.indirect.scatter.add.f32 [tilespmem:s29], [sflag:$0x4], $0x8, s23, s31, $0xb8;
	[tilespmem:$0x11380] =	vst v63  }
0xa4: {  	_ = 	snop  }
0xa5: {  	[spmem:s1] =	stream.indirect.scatter.add.f32 [tilespmem:s29], [sflag:$0x4], $0x8, s24, s31, $0xb8;
	[tilespmem:$0x11380] =	vst v63  }
0xa6: {  	_ =	swait.ge [sflag:s11], $0x2000  }
0xa7: {  	[sflag:s11] =	ssyncset.done $0x0  }
0xa8: {  	p2 =	slt.u32 s18, $0x61A8;
	[sflag:s11] =	ssyncadd.s32 $0xFFFFE000  }
0xa9: {  	s3 =	sadd.s32 @p2 s17, s8;
	s4 =	simm.s32 @p2 $0xC780;
	_ =	swait.ge [sflag:s11], $0x2000  }
0xaa: {  	s5 =	simm.s32 @p2 $0x0;
	s3 =	sadd.s32 @p2 $0x180, s3;
	[sflag:s11] =	ssyncset.done $0x0  }
0xab: {  	s10 =	sadd.s32 @p2 s16, s8;
	s20 =	simm.s32 @p2 $0xCF80;
	[sflag:s11] =	ssyncadd.s32 $0xFFFFE000  }
0xac: {  	[tilespmem:s4], [sflag:$0x1] =	stream.linear.gather @p2 [hbm4b:s3+s5], $0x400, $0x38;
	[tilespmem:$0x11380] =	vst v63  }
0xad: {  	s3 =	sadd.s32 @p2 $0x180, s10;
	s4 =	simm.s32 @p2 $0x1;
	s10 =	sadd.s32 @!p2 s15, s19  }
0xae: {  	[tilespmem:s20], [sflag:$0x1] =	stream.linear.gather @p2 [hbm4b:s3+s5], $0x400, $0x38;
	[tilespmem:$0x11380] =	vst v63  }
0xaf: {  	s15 =	smov.u32 s28;
	s3 =	sadd.s32 @!p2 $0xFFCF3800, s10;
	_ =	swait.ge @p2 [sflag:s4], $0x400  }
0xb0: {  	s5 =	sadd.s32 @!p2 $0xFFCF6400, s10;
	s3 =	sshrl.u32 @!p2 s3, $0x3;
	[sflag:s4] =	ssyncset.done @p2 $0x0  }
0xb1: {  	s5 =	sshrl.u32 @!p2 s5, $0x3;
	s3 =	sadd.s32 @!p2 s6, s3;
	[sflag:s4] =	ssyncadd.s32 @p2 $0xFFFFFC00  }
0xb2: {  	s10 =	simm.s32 @p2 $0xF380;
	s5 =	sadd.s32 @!p2 s6, s5;
	_ =	swait.ge @p2 [sflag:s4], $0x400  }
0xb3: {  	s22 =	simm.s32 @p2 $0x10;
	s20 =	simm.s32 @p2 $0x8;
	[sflag:s4] =	ssyncset.done @p2 $0x0  }
0xb4: {  	s28 =	simm.s32 @!p2 $0xC780;
	[sflag:s4] =	ssyncadd.s32 @p2 $0xFFFFFC00;
	s4 =	simm.s32 @!p2 $0x0  }
0xb5: {  	[tilespmem:s10], [sflag:$0x3] =	stream.strided.gather @p2 [hbm4b:s14+s20], $0x2000, s22, s20, $0x38;
	[tilespmem:$0x11380] =	vst v63  }
0xb6: {  	s10 =	simm.s32 @!p2 $0xCF80  }
0xb7: {  	[tilespmem:s28], [sflag:$0x1] =	stream.linear.gather @!p2 [hbm4b:s3+s4], $0x400, $0x38;
	[tilespmem:$0x11380] =	vst v63  }
0xb8: {  	s30 =	simm.s32 @!p2 $0x1  }
0xb9: {  	[tilespmem:s10], [sflag:$0x1] =	stream.linear.gather @!p2 [hbm4b:s5+s4], $0x400, $0x38;
	[tilespmem:$0x11380] =	vst v63  }
.Ltmp0:
0xba: {  	_ = 	snop;
	(pc) =	sbr.rel @p1 .LBB2_2-.Ltmp0, $4  }
0xbb: {  	_ =	swait.ge @!p2 [sflag:s30], $0x400  }
0xbc: {  	s14 =	sadd.s32 $0x1000, s14;
	[sflag:s30] =	ssyncset.done @!p2 $0x0  }
0xbd: {  	s18 =	sadd.s32 $0x10, s18;
	s17 =	sadd.s32 $0x100, s17;
	[sflag:s30] =	ssyncadd.s32 @!p2 $0xFFFFFC00  }
0xbe: {  	s16 =	sadd.s32 $0x100, s16;
	s28 =	sadd.s32 $0xFFFFFFF0, s18;
	_ =	swait.ge @!p2 [sflag:s30], $0x400  }
0xbf: {  	p1 =	sgt.u32 s28, $0x61A7;
	[sflag:s30] =	ssyncset.done @!p2 $0x0  }
0xc0: {  	s3 =	simm.s32 @!p1 $0x3;
	[sflag:s30] =	ssyncadd.s32 @!p2 $0xFFFFFC00  }
0xc1: {  	_ =	swait.ge @!p1 [sflag:s3], $0x2000  }
0xc2: {  	[sflag:s3] =	ssyncset.done @!p1 $0x0  }
0xc3: {  	[sflag:s3] =	ssyncadd.s32 @!p1 $0xFFFFE000  }
0xc4: {  	[spmem:s1] =	stream.indirect.scatter.add.f32 [tilespmem:s7], [sflag:$0x5], $0x8, s0, s31, $0xb8;
	[tilespmem:$0x11380] =	vst v63  }
0xc5: {  	_ = 	snop  }
0xc6: {  	[spmem:s1] =	stream.indirect.scatter.add.f32 [tilespmem:s7], [sflag:$0x5], $0x8, s2, s31, $0xb8;
	[tilespmem:$0x11380] =	vst v63  }
0xc7: {  	_ =	swait.ge [sflag:s9], $0x2000  }
0xc8: {  	[sflag:s9] =	ssyncset.done $0x0  }
0xc9: {  	s26 =	sadd.s32 $0xFFFFFFF8, s18;
	[sflag:s9] =	ssyncadd.s32 $0xFFFFE000  }
0xca: {  	p1 =	slt.u32 s26, $0x61A8;
	_ =	swait.ge [sflag:s9], $0x2000  }
0xcb: {  	s3 =	sadd.s32 @p1 s17, s8;
	s4 =	simm.s32 @p1 $0x0;
	[sflag:s9] =	ssyncset.done $0x0  }
0xcc: {  	s5 =	simm.s32 @p1 $0xC380;
	s3 =	sadd.s32 @p1 $0x100, s3;
	[sflag:s9] =	ssyncadd.s32 $0xFFFFE000  }
0xcd: {  	[tilespmem:s5], [sflag:$0x1] =	stream.linear.gather @p1 [hbm4b:s3+s4], $0x400, $0x38;
	[tilespmem:$0x11380] =	vst v63  }
0xce: {  	s3 =	sadd.s32 @p1 s16, s8  }
0xcf: {  	s10 =	simm.s32 @p1 $0x1;
	s5 =	simm.s32 @p1 $0xCB80;
	s3 =	sadd.s32 @p1 $0x100, s3  }
0xd0: {  	[tilespmem:s5], [sflag:$0x1] =	stream.linear.gather @p1 [hbm4b:s3+s4], $0x400, $0x38;
	[tilespmem:$0x11380] =	vst v63  }
0xd1: {  	_ =	swait.ge @p1 [sflag:s10], $0x400  }
0xd2: {  	[sflag:s10] =	ssyncset.done @p1 $0x0  }
0xd3: {  	[sflag:s10] =	ssyncadd.s32 @p1 $0xFFFFFC00  }
0xd4: {  	_ =	swait.ge @p1 [sflag:s10], $0x400  }
0xd5: {  	s3 =	simm.s32 @p1 $0x10;
	s4 =	simm.s32 @p1 $0xD380;
	[sflag:s10] =	ssyncset.done @p1 $0x0  }
0xd6: {  	s5 =	sadd.s32 @p1 $0xFFFFF800, s14;
	[sflag:s10] =	ssyncadd.s32 @p1 $0xFFFFFC00;
	s10 =	simm.s32 @p1 $0x8  }
0xd7: {  	[tilespmem:s4], [sflag:$0x2] =	stream.strided.gather @p1 [hbm4b:s5+s10], $0x2000, s3, s10, $0x38;
	[tilespmem:$0x11380] =	vst v63  }
0xd8: {  	s3 =	sadd.s32 @!p1 s15, s19;
	s5 =	simm.s32 @p1 $0x2;
	s10 =	simm.s32 @!p1 $0x0  }
0xd9: {  	s4 =	sadd.s32 @!p1 $0xFFCF3400, s3;
	_ =	swait.ge @p1 [sflag:s5], $0x2000;
	s3 =	sadd.s32 @!p1 $0xFFCF6000, s3  }
0xda: {  	s4 =	sshrl.u32 @!p1 s4, $0x3;
	[sflag:s5] =	ssyncset.done @p1 $0x0;
	s3 =	sshrl.u32 @!p1 s3, $0x3  }
0xdb: {  	s4 =	sadd.s32 @!p1 s6, s4;
	[sflag:s5] =	ssyncadd.s32 @p1 $0xFFFFE000;
	s5 =	simm.s32 @!p1 $0xC380  }
0xdc: {  	[tilespmem:s5], [sflag:$0x1] =	stream.linear.gather @!p1 [hbm4b:s4+s10], $0x400, $0x38;
	[tilespmem:$0x11380] =	vst v63  }
0xdd: {  	s3 =	sadd.s32 @!p1 s6, s3;
	s4 =	simm.s32 @!p1 $0xCB80  }
0xde: {  	[tilespmem:s4], [sflag:$0x1] =	stream.linear.gather @!p1 [hbm4b:s3+s10], $0x400, $0x38;
	[tilespmem:$0x11380] =	vst v63  }
0xdf: {  	s3 =	simm.s32 @!p1 $0x1  }
0xe0: {  	_ =	swait.ge @!p1 [sflag:s3], $0x400  }
0xe1: {  	[sflag:s3] =	ssyncset.done @!p1 $0x0  }
0xe2: {  	[sflag:s3] =	ssyncadd.s32 @!p1 $0xFFFFFC00  }
0xe3: {  	_ =	swait.ge @!p1 [sflag:s3], $0x400  }
0xe4: {  	[sflag:s3] =	ssyncset.done @!p1 $0x0  }
0xe5: {  	[sflag:s3] =	ssyncadd.s32 @!p1 $0xFFFFFC00  }
0xe6: {  	[spmem:s1] =	stream.indirect.scatter.add.f32 [tilespmem:s29], [sflag:$0x4], $0x8, s23, s31, $0xb8;
	[tilespmem:$0x11380] =	vst v63  }
0xe7: {  	_ = 	snop  }
0xe8: {  	[spmem:s1] =	stream.indirect.scatter.add.f32 [tilespmem:s29], [sflag:$0x4], $0x8, s24, s31, $0xb8;
	[tilespmem:$0x11380] =	vst v63  }
0xe9: {  	_ =	swait.ge [sflag:s11], $0x2000  }
0xea: {  	[sflag:s11] =	ssyncset.done $0x0  }
0xeb: {  	[sflag:s11] =	ssyncadd.s32 $0xFFFFE000  }
0xec: {  	p1 =	slt.u32 s18, $0x61A8;
	_ =	swait.ge [sflag:s11], $0x2000  }
0xed: {  	s3 =	sadd.s32 @p1 s17, s8;
	s4 =	simm.s32 @p1 $0xC780;
	[sflag:s11] =	ssyncset.done $0x0  }
0xee: {  	s5 =	simm.s32 @p1 $0x0;
	s3 =	sadd.s32 @p1 $0x180, s3;
	[sflag:s11] =	ssyncadd.s32 $0xFFFFE000  }
0xef: {  	[tilespmem:s4], [sflag:$0x1] =	stream.linear.gather @p1 [hbm4b:s3+s5], $0x400, $0x38;
	[tilespmem:$0x11380] =	vst v63  }
0xf0: {  	s3 =	sadd.s32 @p1 s16, s8  }
0xf1: {  	s4 =	simm.s32 @p1 $0xCF80;
	s3 =	sadd.s32 @p1 $0x180, s3  }
0xf2: {  	[tilespmem:s4], [sflag:$0x1] =	stream.linear.gather @p1 [hbm4b:s3+s5], $0x400, $0x38;
	[tilespmem:$0x11380] =	vst v63  }
0xf3: {  	s3 =	simm.s32 @p1 $0x1  }
0xf4: {  	_ =	swait.ge @p1 [sflag:s3], $0x400  }
0xf5: {  	[sflag:s3] =	ssyncset.done @p1 $0x0  }
0xf6: {  	[sflag:s3] =	ssyncadd.s32 @p1 $0xFFFFFC00  }
0xf7: {  	_ =	swait.ge @p1 [sflag:s3], $0x400  }
0xf8: {  	s4 =	simm.s32 @p1 $0xF380;
	[sflag:s3] =	ssyncset.done @p1 $0x0  }
0xf9: {  	s5 =	simm.s32 @p1 $0x8;
	[sflag:s3] =	ssyncadd.s32 @p1 $0xFFFFFC00;
	s3 =	simm.s32 @p1 $0x10  }
0xfa: {  	[tilespmem:s4], [sflag:$0x3] =	stream.strided.gather @p1 [hbm4b:s14+s5], $0x2000, s3, s5, $0x38;
	[tilespmem:$0x11380] =	vst v63  }
0xfb: {  	s3 =	sadd.s32 @!p1 s15, s19  }
0xfc: {  	s4 =	sadd.s32 @!p1 $0xFFCF3800, s3  }
0xfd: {  	s10 =	simm.s32 @!p1 $0xC780;
	s3 =	sadd.s32 @!p1 $0xFFCF6400, s3;
	s4 =	sshrl.u32 @!p1 s4, $0x3  }
0xfe: {  	s5 =	simm.s32 @!p1 $0x0;
	s3 =	sshrl.u32 @!p1 s3, $0x3;
	s4 =	sadd.s32 @!p1 s6, s4  }
0xff: {  	[tilespmem:s10], [sflag:$0x1] =	stream.linear.gather @!p1 [hbm4b:s4+s5], $0x400, $0x38;
	[tilespmem:$0x11380] =	vst v63  }
0x100: {  	s3 =	sadd.s32 @!p1 s6, s3;
	s4 =	simm.s32 @!p1 $0xCF80  }
0x101: {  	[tilespmem:s4], [sflag:$0x1] =	stream.linear.gather @!p1 [hbm4b:s3+s5], $0x400, $0x38;
	[tilespmem:$0x11380] =	vst v63  }
0x102: {  	s3 =	simm.s32 @!p1 $0x1  }
0x103: {  	_ =	swait.ge @!p1 [sflag:s3], $0x400  }
0x104: {  	[sflag:s3] =	ssyncset.done @!p1 $0x0  }
0x105: {  	[sflag:s3] =	ssyncadd.s32 @!p1 $0xFFFFFC00  }
0x106: {  	_ =	swait.ge @!p1 [sflag:s3], $0x400  }
0x107: {  	[sflag:s3] =	ssyncset.done @!p1 $0x0  }
0x108: {  	[sflag:s3] =	ssyncadd.s32 @!p1 $0xFFFFFC00;
	s3 =	simm.s32 @!p0 $0x3  }
0x109: {  	_ =	swait.ge @!p0 [sflag:s3], $0x2000  }
0x10a: {  	[sflag:s3] =	ssyncset.done @!p0 $0x0  }
0x10b: {  	[sflag:s3] =	ssyncadd.s32 @!p0 $0xFFFFE000  }
0x10c: {  	[spmem:s1] =	stream.indirect.scatter.add.f32 [tilespmem:s7], [sflag:$0x5], $0x8, s0, s31, $0xb8;
	[tilespmem:$0x11380] =	vst v63  }
0x10d: {  	_ = 	snop  }
0x10e: {  	[spmem:s1] =	stream.indirect.scatter.add.f32 [tilespmem:s7], [sflag:$0x5], $0x8, s2, s31, $0xb8;
	[tilespmem:$0x11380] =	vst v63  }
0x10f: {  	_ =	swait.ge [sflag:s9], $0x2000  }
0x110: {  	[sflag:s9] =	ssyncset.done $0x0  }
0x111: {  	[sflag:s9] =	ssyncadd.s32 $0xFFFFE000  }
0x112: {  	_ =	swait.ge [sflag:s9], $0x2000  }
0x113: {  	[sflag:s9] =	ssyncset.done $0x0  }
0x114: {  	[sflag:s9] =	ssyncadd.s32 $0xFFFFE000  }
0x115: {  	_ =	swait.ge [sflag:s11], $0x2000  }
0x116: {  	[sflag:s11] =	ssyncset.done $0x0  }
0x117: {  	[sflag:s11] =	ssyncadd.s32 $0xFFFFE000  }
0x118: {  	_ =	swait.ge [sflag:s11], $0x2000  }
0x119: {  	[sflag:s11] =	ssyncset.done $0x0  }
0x11a: {  	[sflag:s11] =	ssyncadd.s32 $0xFFFFE000  }
0x11b: {  	[bflag:$0x0] =	sbarrier.arrive $0xFFFF  }
0x11c: {  	s10 =	rddreg [dreg:$0x8]  }
0x11d: {  	s4 =	simm.s32 $0x6;
	s28 =	rddreg [dreg:$0xf]  }
0x11e: {  	[hbm:s28], [sflag:s10] =	dma.local [spmem:s13], $0x1870  }
0x11f: {  	_ =	swait.ge [sflag:s4], $0x1870  }
0x120: {  	s12 =	sadd.s32 $0x1, s12;
	s30 =	rddreg [dreg:$0x10]  }
0x121: {  	p1 =	sne.s32 s12, s30  }
.Ltmp1:
0x122: {  	_ = 	snop;
	(pc) =	sbr.rel @p1 .LBB2_1-.Ltmp1, $3  }
0x123: {  	_ =	sdelay $0x1  }
0x124: {  	[sflag:s4] =	ssyncset.done $0x0  }
0x125: {  	[sflag:s4] =	ssyncadd.s32 $0xFFFFE790  }
0x126: {  	_ =	sfence.sel $0x180000  }
0x127: {  	[bflag:$0x0] =	sbarrier.arrive $0xFFFF  }
0x128: {  	_ =	strace $0x9000004A  }
0x129: {  	s0 =	stileid.u32;
	[bflag:$0x2] =	sbarrier.arrive $0xFFFF  }
0x12a: {  	p0 =	sne.s32 s0, $0x0;
	s0 =	rddreg [dreg:$0x3]  }
0x12b: {  	s0 =	sadd.s32 @!p0 $0x100000, s0  }
0x12c: {  	[sflag:s0] =	ssyncadd.tile.s32 @!p0 $0x1;
	_ =	shalt  }
.Lfunc_end2:
_tile_overlayer_lowered:
.L_overlay_start_2:
0x12d: {  	(tag) =	ssettag $0x2  }
0x12e: {  	s0 =	rddreg [dreg:$0x0];
	s2 =	stileid.u32  }
0x12f: {  	s1 =	rddreg [dreg:$0x1];
	p0 =	sne.s32 s2, $0x0  }
0x130: {  	s3 =	rddreg [dreg:$0x2];
	[bflag:$0x3] =	sbarrier.arrive $0xFFFF;
	s2 =	simm.s32 @!p0 $0x1C06  }
0x131: {  	[timem:s3], [sflag:s2] =	dma.local @!p0 [hbm:s0], s1  }
0x132: {  	s0 =	simm.s32 @!p0 $0x6  }
0x133: {  	_ =	swait.ge @!p0 [sflag:s0], s1  }
0x134: {  	s1 =	ssub.s32 @!p0 $0x0, s1;
	[sflag:s0] =	ssyncset.done @!p0 $0x0  }
0x135: {  	[sflag:s0] =	ssyncadd.s32 @!p0 s1  }
0x136: {  	[bflag:$0x3] =	sbarrier.arrive $0xFFFF  }
0x137: {  	_ =	shalt  }

</sc_bundles>
